<compile_context>
chip_gen: v7x
topology: tpu7x:2x2x1
jax: 0.10.2.dev20260603
libtpu: 0.0.44.dev20260713+nightly
codegen_flags: <defaults>
</compile_context>

<pallas_src>
import functools

import jax
import jax.numpy as jnp
from jax import lax
from jax.experimental import pallas as pl
from jax.experimental.pallas import tpu as pltpu
from jax.experimental.pallas import tpu_sc as plsc

_NUM_INST = 1000000
_CHANNELS = 16
_BATCH = 16384
_G = 16
_NBUF = 2


def _make_gather(channels, batch):
    info = plsc.get_sparse_core_info()
    nc, ns = info.num_cores, info.num_subcores
    nw = nc * ns
    assert batch % (8 * nw) == 0
    b_per_w = batch // nw
    n_groups = b_per_w // _G
    mesh = plsc.VectorSubcoreMesh(core_axis_name="c", subcore_axis_name="s")

    @functools.partial(
        pl.kernel,
        mesh=mesh,
        out_type=jax.ShapeDtypeStruct((channels, batch), jnp.float32),
        scratch_types=[
            pltpu.VMEM((b_per_w,), jnp.int32),
            pltpu.VMEM((_NBUF, _G, 2, 8, 128), jnp.float32),
            pltpu.VMEM((channels, b_per_w), jnp.float32),
            [pltpu.SemaphoreType.DMA] * _NBUF,
        ],
        compiler_params=pltpu.CompilerParams(needs_layout_passes=False),
    )
    def gather_kernel(tab_hbm, idx_hbm, out_hbm, idx_v, blk_v, out_v, sems):
        wid = lax.axis_index("s") * nc + lax.axis_index("c")
        base = wid * b_per_w
        pltpu.sync_copy(idx_hbm.at[pl.ds(base, b_per_w)], idx_v)
        iota = lax.iota(jnp.int32, 16)
        ct = iota >> 3
        cs = iota & 7

        def load_group(g):
            return idx_v[pl.ds(pl.multiple_of(g * _G, _G), _G)]

        def issue(g, slot):
            cols = (load_group(g) >> 7) * 128
            for s in range(_G):
                col = pl.multiple_of(cols[s], 128)
                pltpu.async_copy(
                    tab_hbm.at[:, :, pl.ds(col, 128)],
                    blk_v.at[slot, s],
                    sems[slot],
                )

        def consume(g, slot):
            lanes = load_group(g) & 127
            for s in range(_G):
                pltpu.make_async_copy(
                    tab_hbm.at[:, :, pl.ds(0, 128)],
                    blk_v.at[slot, s],
                    sems[slot],
                ).wait()
            blk = blk_v.at[slot]
            obase = pl.multiple_of(g * _G, _G)
            for c in range(channels):
                vals = plsc.load_gather(
                    blk,
                    [iota, jnp.full((16,), c >> 3, jnp.int32),
                     jnp.full((16,), c & 7, jnp.int32), lanes],
                )
                out_v[c, pl.ds(obase, _G)] = vals

        for b in range(_NBUF):
            issue(jnp.int32(b), b)

        def group(g2, _):
            for b in range(_NBUF):
                g = g2 * _NBUF + b
                consume(g, b)
                issue(g + _NBUF, b)
            return _

        lax.fori_loop(0, n_groups // _NBUF - 1, group, None)
        for b in range(_NBUF):
            consume(jnp.int32(n_groups - _NBUF + b), b)
        pltpu.sync_copy(out_v, out_hbm.at[:, pl.ds(base, b_per_w)])

    return gather_kernel


def kernel(inst_id, mapping_weight):
    gather = _make_gather(_CHANNELS, _BATCH)
    table = mapping_weight.T.reshape(2, 8, _NUM_INST)
    out_t = gather(table, inst_id.astype(jnp.int32))
    return out_t.T

# --- scband reference (transcript-rebuilt; emitter-appended) ---
"""Pipeline reference for scband-inst-embedding-19945828122916 (READ-ONLY COPY).

The authoritative reference and input builder live on the scoring server;
editing this copy changes nothing except your own understanding.
"""

import jax, jax.numpy as jnp
import numpy as np

NUM_INST = 1000000
INST_CHANNELS = 16
BATCH = 16384

def setup_inputs(seed: int = 0) -> dict:
    key = jax.random.key(seed)
    k_idx, k_w = jax.random.split(key)
    inst_id = jax.random.randint(k_idx, (BATCH,), 0, NUM_INST, dtype=jnp.int64 if jax.config.jax_enable_x64 else jnp.int32)
    mapping_weight = jax.random.normal(k_w, (NUM_INST, INST_CHANNELS), dtype=jnp.float32)
    return {"inst_id": inst_id, "mapping_weight": mapping_weight}

def reference(inst_id, mapping_weight):
    # InstEmbedding.forward in eval mode (beta_prob=0, num_inst>1):
    # inst_code = self.mapping(inst_id)
    inst_code = jnp.take(mapping_weight, inst_id, axis=0)
    return inst_code

if __name__ == "__main__":
    import jax
    _d = setup_inputs()
    print(jax.jit(kernel)(*tuple(_d.values())))

</pallas_src>

<mosaic_0001>
#map = affine_map<(d0, d1) -> (0, 0, 0)>
#map1 = affine_map<(d0, d1) -> (0)>
#map2 = affine_map<(d0, d1) -> (0, 0)>
module attributes {stable_mosaic.version = 14 : i64} {
  func.func @gather_kernel(%arg0: i32, %arg1: i32, %arg2: memref<2x8x1000000xf32, #tpu.memory_space<hbm>>, %arg3: memref<16384xi32, #tpu.memory_space<hbm>>, %arg4: memref<16x16384xf32, #tpu.memory_space<hbm>>, %arg5: memref<512xi32, #tpu.memory_space<vmem>>, %arg6: memref<2x16x2x8x128xf32, #tpu.memory_space<vmem>>, %arg7: memref<16x512xf32, #tpu.memory_space<vmem>>, %arg8: memref<!tpu.dma_semaphore, #tpu.memory_space<semaphore_mem>>, %arg9: memref<!tpu.dma_semaphore, #tpu.memory_space<semaphore_mem>>) attributes {dimension_semantics = [#tpu.dimension_semantics<core_parallel>, #tpu.dimension_semantics<subcore_parallel>], iteration_bounds = array<i64: 2, 16>, scalar_prefetch = 0 : i64, scratch_operands = 5 : i64, tpu.core_type = #tpu.core_type<sc_vector_subcore>, window_params = [{transform_indices = #map}, {transform_indices = #map1}, {transform_indices = #map2}]} {
    %mul3A = arith.constant 2 : i32
    %mul3A_0 = arith.muli %arg1, %mul3A : i32
    %add3A = arith.addi %mul3A_0, %arg0 : i32
    %mul3A_1 = arith.constant 512 : i32
    %mul3A_2 = arith.muli %add3A, %mul3A_1 : i32
    "tpu.region"() ({
      %run_scoped3A = tpu.sem_alloc : memref<!tpu.dma_semaphore, #tpu.memory_space<semaphore_mem>>
      %dma_start3A_1876 = tpu.memref_slice %arg3[%mul3A_2] : memref<16384xi32, #tpu.memory_space<hbm>> -> memref<512xi32, #tpu.memory_space<hbm>>
      %dma_start3A_1877 = tpu.memref_slice %arg3[%mul3A_2] : memref<16384xi32, #tpu.memory_space<hbm>> -> memref<512xi32, #tpu.memory_space<hbm>>
      tpu.enqueue_dma source(%dma_start3A_1877 : memref<512xi32, #tpu.memory_space<hbm>>) target(%arg5 : memref<512xi32, #tpu.memory_space<vmem>>) target_semaphore(%run_scoped3A : memref<!tpu.dma_semaphore, #tpu.memory_space<semaphore_mem>>)
      %dma_wait3A_1878 = tpu.memref_slice %arg3[%mul3A_2] : memref<16384xi32, #tpu.memory_space<hbm>> -> memref<512xi32, #tpu.memory_space<hbm>>
      %dma_wait3A_1879 = tpu.memref_slice %arg3[%mul3A_2] : memref<16384xi32, #tpu.memory_space<hbm>> -> memref<512xi32, #tpu.memory_space<hbm>>
      tpu.wait_dma2 semaphore(%run_scoped3A : memref<!tpu.dma_semaphore, #tpu.memory_space<semaphore_mem>>) src(%dma_wait3A_1879 : memref<512xi32, #tpu.memory_space<hbm>>) dst(%arg5 : memref<512xi32, #tpu.memory_space<vmem>>)
      tpu.yield
    }) : () -> ()
    %iota3A = tpu.iota {dimensions = array<i32: 0>} : vector<16xi32>
    %shift_right_arithmetic3A = arith.constant 3 : i32
    %shift_right_arithmetic3A_3 = vector.broadcast %shift_right_arithmetic3A : i32 to vector<16xi32>
    %shift_right_arithmetic3A_4 = arith.shrsi %iota3A, %shift_right_arithmetic3A_3 : vector<16xi32>
    %and3A = arith.constant 7 : i32
    %and3A_5 = vector.broadcast %and3A : i32 to vector<16xi32>
    %and3A_6 = arith.andi %iota3A, %and3A_5 : vector<16xi32>
    %mul3A_7 = arith.constant 0 : i32
    %mul3A_8 = arith.constant 16 : i32
    %mul3A_9 = arith.muli %mul3A_7, %mul3A_8 : i32
    %multiple_of3A = tpu.assume_multiple %mul3A_9, 16 : i32
    %get3A = arith.index_cast %multiple_of3A : i32 to index
    %get3A_10 = tpu.vector_load %arg5[%get3A] {strides = array<i32>} : memref<512xi32, #tpu.memory_space<vmem>>, vector<16xi32>,
    %shift_right_arithmetic3A_11 = arith.constant 7 : i32
    %shift_right_arithmetic3A_12 = vector.broadcast %shift_right_arithmetic3A_11 : i32 to vector<16xi32>
    %shift_right_arithmetic3A_13 = arith.shrsi %get3A_10, %shift_right_arithmetic3A_12 : vector<16xi32>
    %mul3A_14 = arith.constant 128 : i32
    %mul3A_15 = vector.broadcast %mul3A_14 : i32 to vector<16xi32>
    %mul3A_16 = arith.muli %shift_right_arithmetic3A_13, %mul3A_15 : vector<16xi32>
    %slice3A = vector.extract_strided_slice %mul3A_16 {offsets = [0], sizes = [1], strides = [1]} : vector<16xi32> to vector<1xi32>
    %squeeze3A = vector.extract %slice3A[0] : i32 from vector<1xi32>
    %multiple_of3A_17 = tpu.assume_multiple %squeeze3A, 128 : i32
    %dma_start3A = arith.constant 0 : i32
    %dma_start3A_18 = arith.constant 0 : i32
    %dma_start3A_19 = arith.constant 0 : i32
    %dma_start3A_20 = arith.constant 0 : i32
    %dma_start3A_21 = arith.constant 0 : i32
    %dma_start3A_22 = tpu.memref_slice %arg6[%dma_start3A, %dma_start3A_18, %dma_start3A_19, %dma_start3A_20, %dma_start3A_21] : memref<2x16x2x8x128xf32, #tpu.memory_space<vmem>> -> memref<1x1x2x8x128xf32, #tpu.memory_space<vmem>>
    %dma_start3A_23 = tpu.memref_squeeze %dma_start3A_22 : memref<1x1x2x8x128xf32, #tpu.memory_space<vmem>> -> memref<2x8x128xf32, #tpu.memory_space<vmem>>
    %dma_start3A_24 = arith.constant 0 : i32
    %dma_start3A_25 = arith.constant 0 : i32
    %dma_start3A_26 = tpu.memref_slice %arg2[%dma_start3A_24, %dma_start3A_25, %multiple_of3A_17] : memref<2x8x1000000xf32, #tpu.memory_space<hbm>> -> memref<2x8x128xf32, #tpu.memory_space<hbm>>
    %dma_start3A_27 = arith.constant 0 : i32
    %dma_start3A_28 = arith.constant 0 : i32
    %dma_start3A_29 = arith.constant 0 : i32
    %dma_start3A_30 = tpu.memref_slice %arg6[%dma_start3A, %dma_start3A_18, %dma_start3A_27, %dma_start3A_28, %dma_start3A_29] : memref<2x16x2x8x128xf32, #tpu.memory_space<vmem>> -> memref<1x1x2x8x128xf32, #tpu.memory_space<vmem>>
    %dma_start3A_31 = tpu.memref_squeeze %dma_start3A_30 : memref<1x1x2x8x128xf32, #tpu.memory_space<vmem>> -> memref<2x8x128xf32, #tpu.memory_space<vmem>>
    %dma_start3A_32 = arith.constant 0 : i32
    %dma_start3A_33 = arith.constant 0 : i32
    %dma_start3A_34 = tpu.memref_slice %arg2[%dma_start3A_32, %dma_start3A_33, %multiple_of3A_17] : memref<2x8x1000000xf32, #tpu.memory_space<hbm>> -> memref<2x8x128xf32, #tpu.memory_space<hbm>>
    tpu.enqueue_dma source(%dma_start3A_34 : memref<2x8x128xf32, #tpu.memory_space<hbm>>) target(%dma_start3A_31 : memref<2x8x128xf32, #tpu.memory_space<vmem>>) target_semaphore(%arg8 : memref<!tpu.dma_semaphore, #tpu.memory_space<semaphore_mem>>)
    %slice3A_35 = vector.extract_strided_slice %mul3A_16 {offsets = [1], sizes = [1], strides = [1]} : vector<16xi32> to vector<1xi32>
    %squeeze3A_36 = vector.extract %slice3A_35[0] : i32 from vector<1xi32>
    %multiple_of3A_37 = tpu.assume_multiple %squeeze3A_36, 128 : i32
    %dma_start3A_38 = arith.constant 0 : i32
    %dma_start3A_39 = arith.constant 1 : i32
    %dma_start3A_40 = arith.constant 0 : i32
    %dma_start3A_41 = arith.constant 0 : i32
    %dma_start3A_42 = arith.constant 0 : i32
    %dma_start3A_43 = tpu.memref_slice %arg6[%dma_start3A_38, %dma_start3A_39, %dma_start3A_40, %dma_start3A_41, %dma_start3A_42] : memref<2x16x2x8x128xf32, #tpu.memory_space<vmem>> -> memref<1x1x2x8x128xf32, #tpu.memory_space<vmem>>
    %dma_start3A_44 = tpu.memref_squeeze %dma_start3A_43 : memref<1x1x2x8x128xf32, #tpu.memory_space<vmem>> -> memref<2x8x128xf32, #tpu.memory_space<vmem>>
    %dma_start3A_45 = arith.constant 0 : i32
    %dma_start3A_46 = arith.constant 0 : i32
    %dma_start3A_47 = tpu.memref_slice %arg2[%dma_start3A_45, %dma_start3A_46, %multiple_of3A_37] : memref<2x8x1000000xf32, #tpu.memory_space<hbm>> -> memref<2x8x128xf32, #tpu.memory_space<hbm>>
    %dma_start3A_48 = arith.constant 0 : i32
    %dma_start3A_49 = arith.constant 0 : i32
    %dma_start3A_50 = arith.constant 0 : i32
    %dma_start3A_51 = tpu.memref_slice %arg6[%dma_start3A_38, %dma_start3A_39, %dma_start3A_48, %dma_start3A_49, %dma_start3A_50] : memref<2x16x2x8x128xf32, #tpu.memory_space<vmem>> -> memref<1x1x2x8x128xf32, #tpu.memory_space<vmem>>
    %dma_start3A_52 = tpu.memref_squeeze %dma_start3A_51 : memref<1x1x2x8x128xf32, #tpu.memory_space<vmem>> -> memref<2x8x128xf32, #tpu.memory_space<vmem>>
    %dma_start3A_53 = arith.constant 0 : i32
    %dma_start3A_54 = arith.constant 0 : i32
    %dma_start3A_55 = tpu.memref_slice %arg2[%dma_start3A_53, %dma_start3A_54, %multiple_of3A_37] : memref<2x8x1000000xf32, #tpu.memory_space<hbm>> -> memref<2x8x128xf32, #tpu.memory_space<hbm>>
    tpu.enqueue_dma source(%dma_start3A_55 : memref<2x8x128xf32, #tpu.memory_space<hbm>>) target(%dma_start3A_52 : memref<2x8x128xf32, #tpu.memory_space<vmem>>) target_semaphore(%arg8 : memref<!tpu.dma_semaphore, #tpu.memory_space<semaphore_mem>>)
    %slice3A_56 = vector.extract_strided_slice %mul3A_16 {offsets = [2], sizes = [1], strides = [1]} : vector<16xi32> to vector<1xi32>
    %squeeze3A_57 = vector.extract %slice3A_56[0] : i32 from vector<1xi32>
    %multiple_of3A_58 = tpu.assume_multiple %squeeze3A_57, 128 : i32
    %dma_start3A_59 = arith.constant 0 : i32
    %dma_start3A_60 = arith.constant 2 : i32
    %dma_start3A_61 = arith.constant 0 : i32
    %dma_start3A_62 = arith.constant 0 : i32
    %dma_start3A_63 = arith.constant 0 : i32
    %dma_start3A_64 = tpu.memref_slice %arg6[%dma_start3A_59, %dma_start3A_60, %dma_start3A_61, %dma_start3A_62, %dma_start3A_63] : memref<2x16x2x8x128xf32, #tpu.memory_space<vmem>> -> memref<1x1x2x8x128xf32, #tpu.memory_space<vmem>>
    %dma_start3A_65 = tpu.memref_squeeze %dma_start3A_64 : memref<1x1x2x8x128xf32, #tpu.memory_space<vmem>> -> memref<2x8x128xf32, #tpu.memory_space<vmem>>
    %dma_start3A_66 = arith.constant 0 : i32
    %dma_start3A_67 = arith.constant 0 : i32
    %dma_start3A_68 = tpu.memref_slice %arg2[%dma_start3A_66, %dma_start3A_67, %multiple_of3A_58] : memref<2x8x1000000xf32, #tpu.memory_space<hbm>> -> memref<2x8x128xf32, #tpu.memory_space<hbm>>
    %dma_start3A_69 = arith.constant 0 : i32
    %dma_start3A_70 = arith.constant 0 : i32
    %dma_start3A_71 = arith.constant 0 : i32
    %dma_start3A_72 = tpu.memref_slice %arg6[%dma_start3A_59, %dma_start3A_60, %dma_start3A_69, %dma_start3A_70, %dma_start3A_71] : memref<2x16x2x8x128xf32, #tpu.memory_space<vmem>> -> memref<1x1x2x8x128xf32, #tpu.memory_space<vmem>>
    %dma_start3A_73 = tpu.memref_squeeze %dma_start3A_72 : memref<1x1x2x8x128xf32, #tpu.memory_space<vmem>> -> memref<2x8x128xf32, #tpu.memory_space<vmem>>
    %dma_start3A_74 = arith.constant 0 : i32
    %dma_start3A_75 = arith.constant 0 : i32
    %dma_start3A_76 = tpu.memref_slice %arg2[%dma_start3A_74, %dma_start3A_75, %multiple_of3A_58] : memref<2x8x1000000xf32, #tpu.memory_space<hbm>> -> memref<2x8x128xf32, #tpu.memory_space<hbm>>
    tpu.enqueue_dma source(%dma_start3A_76 : memref<2x8x128xf32, #tpu.memory_space<hbm>>) target(%dma_start3A_73 : memref<2x8x128xf32, #tpu.memory_space<vmem>>) target_semaphore(%arg8 : memref<!tpu.dma_semaphore, #tpu.memory_space<semaphore_mem>>)
    %slice3A_77 = vector.extract_strided_slice %mul3A_16 {offsets = [3], sizes = [1], strides = [1]} : vector<16xi32> to vector<1xi32>
    %squeeze3A_78 = vector.extract %slice3A_77[0] : i32 from vector<1xi32>
    %multiple_of3A_79 = tpu.assume_multiple %squeeze3A_78, 128 : i32
    %dma_start3A_80 = arith.constant 0 : i32
    %dma_start3A_81 = arith.constant 3 : i32
    %dma_start3A_82 = arith.constant 0 : i32
    %dma_start3A_83 = arith.constant 0 : i32
    %dma_start3A_84 = arith.constant 0 : i32
    %dma_start3A_85 = tpu.memref_slice %arg6[%dma_start3A_80, %dma_start3A_81, %dma_start3A_82, %dma_start3A_83, %dma_start3A_84] : memref<2x16x2x8x128xf32, #tpu.memory_space<vmem>> -> memref<1x1x2x8x128xf32, #tpu.memory_space<vmem>>
    %dma_start3A_86 = tpu.memref_squeeze %dma_start3A_85 : memref<1x1x2x8x128xf32, #tpu.memory_space<vmem>> -> memref<2x8x128xf32, #tpu.memory_space<vmem>>
    %dma_start3A_87 = arith.constant 0 : i32
    %dma_start3A_88 = arith.constant 0 : i32
    %dma_start3A_89 = tpu.memref_slice %arg2[%dma_start3A_87, %dma_start3A_88, %multiple_of3A_79] : memref<2x8x1000000xf32, #tpu.memory_space<hbm>> -> memref<2x8x128xf32, #tpu.memory_space<hbm>>
    %dma_start3A_90 = arith.constant 0 : i32
    %dma_start3A_91 = arith.constant 0 : i32
    %dma_start3A_92 = arith.constant 0 : i32
    %dma_start3A_93 = tpu.memref_slice %arg6[%dma_start3A_80, %dma_start3A_81, %dma_start3A_90, %dma_start3A_91, %dma_start3A_92] : memref<2x16x2x8x128xf32, #tpu.memory_space<vmem>> -> memref<1x1x2x8x128xf32, #tpu.memory_space<vmem>>
    %dma_start3A_94 = tpu.memref_squeeze %dma_start3A_93 : memref<1x1x2x8x128xf32, #tpu.memory_space<vmem>> -> memref<2x8x128xf32, #tpu.memory_space<vmem>>
    %dma_start3A_95 = arith.constant 0 : i32
    %dma_start3A_96 = arith.constant 0 : i32
    %dma_start3A_97 = tpu.memref_slice %arg2[%dma_start3A_95, %dma_start3A_96, %multiple_of3A_79] : memref<2x8x1000000xf32, #tpu.memory_space<hbm>> -> memref<2x8x128xf32, #tpu.memory_space<hbm>>
    tpu.enqueue_dma source(%dma_start3A_97 : memref<2x8x128xf32, #tpu.memory_space<hbm>>) target(%dma_start3A_94 : memref<2x8x128xf32, #tpu.memory_space<vmem>>) target_semaphore(%arg8 : memref<!tpu.dma_semaphore, #tpu.memory_space<semaphore_mem>>)
    %slice3A_98 = vector.extract_strided_slice %mul3A_16 {offsets = [4], sizes = [1], strides = [1]} : vector<16xi32> to vector<1xi32>
    %squeeze3A_99 = vector.extract %slice3A_98[0] : i32 from vector<1xi32>
    %multiple_of3A_100 = tpu.assume_multiple %squeeze3A_99, 128 : i32
    %dma_start3A_101 = arith.constant 0 : i32
    %dma_start3A_102 = arith.constant 4 : i32
    %dma_start3A_103 = arith.constant 0 : i32
    %dma_start3A_104 = arith.constant 0 : i32
    %dma_start3A_105 = arith.constant 0 : i32
    %dma_start3A_106 = tpu.memref_slice %arg6[%dma_start3A_101, %dma_start3A_102, %dma_start3A_103, %dma_start3A_104, %dma_start3A_105] : memref<2x16x2x8x128xf32, #tpu.memory_space<vmem>> -> memref<1x1x2x8x128xf32, #tpu.memory_space<vmem>>
    %dma_start3A_107 = tpu.memref_squeeze %dma_start3A_106 : memref<1x1x2x8x128xf32, #tpu.memory_space<vmem>> -> memref<2x8x128xf32, #tpu.memory_space<vmem>>
    %dma_start3A_108 = arith.constant 0 : i32
    %dma_start3A_109 = arith.constant 0 : i32
    %dma_start3A_110 = tpu.memref_slice %arg2[%dma_start3A_108, %dma_start3A_109, %multiple_of3A_100] : memref<2x8x1000000xf32, #tpu.memory_space<hbm>> -> memref<2x8x128xf32, #tpu.memory_space<hbm>>
    %dma_start3A_111 = arith.constant 0 : i32
    %dma_start3A_112 = arith.constant 0 : i32
    %dma_start3A_113 = arith.constant 0 : i32
    %dma_start3A_114 = tpu.memref_slice %arg6[%dma_start3A_101, %dma_start3A_102, %dma_start3A_111, %dma_start3A_112, %dma_start3A_113] : memref<2x16x2x8x128xf32, #tpu.memory_space<vmem>> -> memref<1x1x2x8x128xf32, #tpu.memory_space<vmem>>
    %dma_start3A_115 = tpu.memref_squeeze %dma_start3A_114 : memref<1x1x2x8x128xf32, #tpu.memory_space<vmem>> -> memref<2x8x128xf32, #tpu.memory_space<vmem>>
    %dma_start3A_116 = arith.constant 0 : i32
    %dma_start3A_117 = arith.constant 0 : i32
    %dma_start3A_118 = tpu.memref_slice %arg2[%dma_start3A_116, %dma_start3A_117, %multiple_of3A_100] : memref<2x8x1000000xf32, #tpu.memory_space<hbm>> -> memref<2x8x128xf32, #tpu.memory_space<hbm>>
    tpu.enqueue_dma source(%dma_start3A_118 : memref<2x8x128xf32, #tpu.memory_space<hbm>>) target(%dma_start3A_115 : memref<2x8x128xf32, #tpu.memory_space<vmem>>) target_semaphore(%arg8 : memref<!tpu.dma_semaphore, #tpu.memory_space<semaphore_mem>>)
    %slice3A_119 = vector.extract_strided_slice %mul3A_16 {offsets = [5], sizes = [1], strides = [1]} : vector<16xi32> to vector<1xi32>
    %squeeze3A_120 = vector.extract %slice3A_119[0] : i32 from vector<1xi32>
    %multiple_of3A_121 = tpu.assume_multiple %squeeze3A_120, 128 : i32
    %dma_start3A_122 = arith.constant 0 : i32
    %dma_start3A_123 = arith.constant 5 : i32
    %dma_start3A_124 = arith.constant 0 : i32
    %dma_start3A_125 = arith.constant 0 : i32
    %dma_start3A_126 = arith.constant 0 : i32
    %dma_start3A_127 = tpu.memref_slice %arg6[%dma_start3A_122, %dma_start3A_123, %dma_start3A_124, %dma_start3A_125, %dma_start3A_126] : memref<2x16x2x8x128xf32, #tpu.memory_space<vmem>> -> memref<1x1x2x8x128xf32, #tpu.memory_space<vmem>>
    %dma_start3A_128 = tpu.memref_squeeze %dma_start3A_127 : memref<1x1x2x8x128xf32, #tpu.memory_space<vmem>> -> memref<2x8x128xf32, #tpu.memory_space<vmem>>
    %dma_start3A_129 = arith.constant 0 : i32
    %dma_start3A_130 = arith.constant 0 : i32
    %dma_start3A_131 = tpu.memref_slice %arg2[%dma_start3A_129, %dma_start3A_130, %multiple_of3A_121] : memref<2x8x1000000xf32, #tpu.memory_space<hbm>> -> memref<2x8x128xf32, #tpu.memory_space<hbm>>
    %dma_start3A_132 = arith.constant 0 : i32
    %dma_start3A_133 = arith.constant 0 : i32
    %dma_start3A_134 = arith.constant 0 : i32
    %dma_start3A_135 = tpu.memref_slice %arg6[%dma_start3A_122, %dma_start3A_123, %dma_start3A_132, %dma_start3A_133, %dma_start3A_134] : memref<2x16x2x8x128xf32, #tpu.memory_space<vmem>> -> memref<1x1x2x8x128xf32, #tpu.memory_space<vmem>>
    %dma_start3A_136 = tpu.memref_squeeze %dma_start3A_135 : memref<1x1x2x8x128xf32, #tpu.memory_space<vmem>> -> memref<2x8x128xf32, #tpu.memory_space<vmem>>
    %dma_start3A_137 = arith.constant 0 : i32
    %dma_start3A_138 = arith.constant 0 : i32
    %dma_start3A_139 = tpu.memref_slice %arg2[%dma_start3A_137, %dma_start3A_138, %multiple_of3A_121] : memref<2x8x1000000xf32, #tpu.memory_space<hbm>> -> memref<2x8x128xf32, #tpu.memory_space<hbm>>
    tpu.enqueue_dma source(%dma_start3A_139 : memref<2x8x128xf32, #tpu.memory_space<hbm>>) target(%dma_start3A_136 : memref<2x8x128xf32, #tpu.memory_space<vmem>>) target_semaphore(%arg8 : memref<!tpu.dma_semaphore, #tpu.memory_space<semaphore_mem>>)
    %slice3A_140 = vector.extract_strided_slice %mul3A_16 {offsets = [6], sizes = [1], strides = [1]} : vector<16xi32> to vector<1xi32>
    %squeeze3A_141 = vector.extract %slice3A_140[0] : i32 from vector<1xi32>
    %multiple_of3A_142 = tpu.assume_multiple %squeeze3A_141, 128 : i32
    %dma_start3A_143 = arith.constant 0 : i32
    %dma_start3A_144 = arith.constant 6 : i32
    %dma_start3A_145 = arith.constant 0 : i32
    %dma_start3A_146 = arith.constant 0 : i32
    %dma_start3A_147 = arith.constant 0 : i32
    %dma_start3A_148 = tpu.memref_slice %arg6[%dma_start3A_143, %dma_start3A_144, %dma_start3A_145, %dma_start3A_146, %dma_start3A_147] : memref<2x16x2x8x128xf32, #tpu.memory_space<vmem>> -> memref<1x1x2x8x128xf32, #tpu.memory_space<vmem>>
    %dma_start3A_149 = tpu.memref_squeeze %dma_start3A_148 : memref<1x1x2x8x128xf32, #tpu.memory_space<vmem>> -> memref<2x8x128xf32, #tpu.memory_space<vmem>>
    %dma_start3A_150 = arith.constant 0 : i32
    %dma_start3A_151 = arith.constant 0 : i32
    %dma_start3A_152 = tpu.memref_slice %arg2[%dma_start3A_150, %dma_start3A_151, %multiple_of3A_142] : memref<2x8x1000000xf32, #tpu.memory_space<hbm>> -> memref<2x8x128xf32, #tpu.memory_space<hbm>>
    %dma_start3A_153 = arith.constant 0 : i32
    %dma_start3A_154 = arith.constant 0 : i32
    %dma_start3A_155 = arith.constant 0 : i32
    %dma_start3A_156 = tpu.memref_slice %arg6[%dma_start3A_143, %dma_start3A_144, %dma_start3A_153, %dma_start3A_154, %dma_start3A_155] : memref<2x16x2x8x128xf32, #tpu.memory_space<vmem>> -> memref<1x1x2x8x128xf32, #tpu.memory_space<vmem>>
    %dma_start3A_157 = tpu.memref_squeeze %dma_start3A_156 : memref<1x1x2x8x128xf32, #tpu.memory_space<vmem>> -> memref<2x8x128xf32, #tpu.memory_space<vmem>>
    %dma_start3A_158 = arith.constant 0 : i32
    %dma_start3A_159 = arith.constant 0 : i32
    %dma_start3A_160 = tpu.memref_slice %arg2[%dma_start3A_158, %dma_start3A_159, %multiple_of3A_142] : memref<2x8x1000000xf32, #tpu.memory_space<hbm>> -> memref<2x8x128xf32, #tpu.memory_space<hbm>>
    tpu.enqueue_dma source(%dma_start3A_160 : memref<2x8x128xf32, #tpu.memory_space<hbm>>) target(%dma_start3A_157 : memref<2x8x128xf32, #tpu.memory_space<vmem>>) target_semaphore(%arg8 : memref<!tpu.dma_semaphore, #tpu.memory_space<semaphore_mem>>)
    %slice3A_161 = vector.extract_strided_slice %mul3A_16 {offsets = [7], sizes = [1], strides = [1]} : vector<16xi32> to vector<1xi32>
    %squeeze3A_162 = vector.extract %slice3A_161[0] : i32 from vector<1xi32>
    %multiple_of3A_163 = tpu.assume_multiple %squeeze3A_162, 128 : i32
    %dma_start3A_164 = arith.constant 0 : i32
    %dma_start3A_165 = arith.constant 7 : i32
    %dma_start3A_166 = arith.constant 0 : i32
    %dma_start3A_167 = arith.constant 0 : i32
    %dma_start3A_168 = arith.constant 0 : i32
    %dma_start3A_169 = tpu.memref_slice %arg6[%dma_start3A_164, %dma_start3A_165, %dma_start3A_166, %dma_start3A_167, %dma_start3A_168] : memref<2x16x2x8x128xf32, #tpu.memory_space<vmem>> -> memref<1x1x2x8x128xf32, #tpu.memory_space<vmem>>
    %dma_start3A_170 = tpu.memref_squeeze %dma_start3A_169 : memref<1x1x2x8x128xf32, #tpu.memory_space<vmem>> -> memref<2x8x128xf32, #tpu.memory_space<vmem>>
    %dma_start3A_171 = arith.constant 0 : i32
    %dma_start3A_172 = arith.constant 0 : i32
    %dma_start3A_173 = tpu.memref_slice %arg2[%dma_start3A_171, %dma_start3A_172, %multiple_of3A_163] : memref<2x8x1000000xf32, #tpu.memory_space<hbm>> -> memref<2x8x128xf32, #tpu.memory_space<hbm>>
    %dma_start3A_174 = arith.constant 0 : i32
    %dma_start3A_175 = arith.constant 0 : i32
    %dma_start3A_176 = arith.constant 0 : i32
    %dma_start3A_177 = tpu.memref_slice %arg6[%dma_start3A_164, %dma_start3A_165, %dma_start3A_174, %dma_start3A_175, %dma_start3A_176] : memref<2x16x2x8x128xf32, #tpu.memory_space<vmem>> -> memref<1x1x2x8x128xf32, #tpu.memory_space<vmem>>
    %dma_start3A_178 = tpu.memref_squeeze %dma_start3A_177 : memref<1x1x2x8x128xf32, #tpu.memory_space<vmem>> -> memref<2x8x128xf32, #tpu.memory_space<vmem>>
    %dma_start3A_179 = arith.constant 0 : i32
    %dma_start3A_180 = arith.constant 0 : i32
    %dma_start3A_181 = tpu.memref_slice %arg2[%dma_start3A_179, %dma_start3A_180, %multiple_of3A_163] : memref<2x8x1000000xf32, #tpu.memory_space<hbm>> -> memref<2x8x128xf32, #tpu.memory_space<hbm>>
    tpu.enqueue_dma source(%dma_start3A_181 : memref<2x8x128xf32, #tpu.memory_space<hbm>>) target(%dma_start3A_178 : memref<2x8x128xf32, #tpu.memory_space<vmem>>) target_semaphore(%arg8 : memref<!tpu.dma_semaphore, #tpu.memory_space<semaphore_mem>>)
    %slice3A_182 = vector.extract_strided_slice %mul3A_16 {offsets = [8], sizes = [1], strides = [1]} : vector<16xi32> to vector<1xi32>
    %squeeze3A_183 = vector.extract %slice3A_182[0] : i32 from vector<1xi32>
    %multiple_of3A_184 = tpu.assume_multiple %squeeze3A_183, 128 : i32
    %dma_start3A_185 = arith.constant 0 : i32
    %dma_start3A_186 = arith.constant 8 : i32
    %dma_start3A_187 = arith.constant 0 : i32
    %dma_start3A_188 = arith.constant 0 : i32
    %dma_start3A_189 = arith.constant 0 : i32
    %dma_start3A_190 = tpu.memref_slice %arg6[%dma_start3A_185, %dma_start3A_186, %dma_start3A_187, %dma_start3A_188, %dma_start3A_189] : memref<2x16x2x8x128xf32, #tpu.memory_space<vmem>> -> memref<1x1x2x8x128xf32, #tpu.memory_space<vmem>>
    %dma_start3A_191 = tpu.memref_squeeze %dma_start3A_190 : memref<1x1x2x8x128xf32, #tpu.memory_space<vmem>> -> memref<2x8x128xf32, #tpu.memory_space<vmem>>
    %dma_start3A_192 = arith.constant 0 : i32
    %dma_start3A_193 = arith.constant 0 : i32
    %dma_start3A_194 = tpu.memref_slice %arg2[%dma_start3A_192, %dma_start3A_193, %multiple_of3A_184] : memref<2x8x1000000xf32, #tpu.memory_space<hbm>> -> memref<2x8x128xf32, #tpu.memory_space<hbm>>
    %dma_start3A_195 = arith.constant 0 : i32
    %dma_start3A_196 = arith.constant 0 : i32
    %dma_start3A_197 = arith.constant 0 : i32
    %dma_start3A_198 = tpu.memref_slice %arg6[%dma_start3A_185, %dma_start3A_186, %dma_start3A_195, %dma_start3A_196, %dma_start3A_197] : memref<2x16x2x8x128xf32, #tpu.memory_space<vmem>> -> memref<1x1x2x8x128xf32, #tpu.memory_space<vmem>>
    %dma_start3A_199 = tpu.memref_squeeze %dma_start3A_198 : memref<1x1x2x8x128xf32, #tpu.memory_space<vmem>> -> memref<2x8x128xf32, #tpu.memory_space<vmem>>
    %dma_start3A_200 = arith.constant 0 : i32
    %dma_start3A_201 = arith.constant 0 : i32
    %dma_start3A_202 = tpu.memref_slice %arg2[%dma_start3A_200, %dma_start3A_201, %multiple_of3A_184] : memref<2x8x1000000xf32, #tpu.memory_space<hbm>> -> memref<2x8x128xf32, #tpu.memory_space<hbm>>
    tpu.enqueue_dma source(%dma_start3A_202 : memref<2x8x128xf32, #tpu.memory_space<hbm>>) target(%dma_start3A_199 : memref<2x8x128xf32, #tpu.memory_space<vmem>>) target_semaphore(%arg8 : memref<!tpu.dma_semaphore, #tpu.memory_space<semaphore_mem>>)
    %slice3A_203 = vector.extract_strided_slice %mul3A_16 {offsets = [9], sizes = [1], strides = [1]} : vector<16xi32> to vector<1xi32>
    %squeeze3A_204 = vector.extract %slice3A_203[0] : i32 from vector<1xi32>
    %multiple_of3A_205 = tpu.assume_multiple %squeeze3A_204, 128 : i32
    %dma_start3A_206 = arith.constant 0 : i32
    %dma_start3A_207 = arith.constant 9 : i32
    %dma_start3A_208 = arith.constant 0 : i32
    %dma_start3A_209 = arith.constant 0 : i32
    %dma_start3A_210 = arith.constant 0 : i32
    %dma_start3A_211 = tpu.memref_slice %arg6[%dma_start3A_206, %dma_start3A_207, %dma_start3A_208, %dma_start3A_209, %dma_start3A_210] : memref<2x16x2x8x128xf32, #tpu.memory_space<vmem>> -> memref<1x1x2x8x128xf32, #tpu.memory_space<vmem>>
    %dma_start3A_212 = tpu.memref_squeeze %dma_start3A_211 : memref<1x1x2x8x128xf32, #tpu.memory_space<vmem>> -> memref<2x8x128xf32, #tpu.memory_space<vmem>>
    %dma_start3A_213 = arith.constant 0 : i32
    %dma_start3A_214 = arith.constant 0 : i32
    %dma_start3A_215 = tpu.memref_slice %arg2[%dma_start3A_213, %dma_start3A_214, %multiple_of3A_205] : memref<2x8x1000000xf32, #tpu.memory_space<hbm>> -> memref<2x8x128xf32, #tpu.memory_space<hbm>>
    %dma_start3A_216 = arith.constant 0 : i32
    %dma_start3A_217 = arith.constant 0 : i32
    %dma_start3A_218 = arith.constant 0 : i32
    %dma_start3A_219 = tpu.memref_slice %arg6[%dma_start3A_206, %dma_start3A_207, %dma_start3A_216, %dma_start3A_217, %dma_start3A_218] : memref<2x16x2x8x128xf32, #tpu.memory_space<vmem>> -> memref<1x1x2x8x128xf32, #tpu.memory_space<vmem>>
    %dma_start3A_220 = tpu.memref_squeeze %dma_start3A_219 : memref<1x1x2x8x128xf32, #tpu.memory_space<vmem>> -> memref<2x8x128xf32, #tpu.memory_space<vmem>>
    %dma_start3A_221 = arith.constant 0 : i32
    %dma_start3A_222 = arith.constant 0 : i32
    %dma_start3A_223 = tpu.memref_slice %arg2[%dma_start3A_221, %dma_start3A_222, %multiple_of3A_205] : memref<2x8x1000000xf32, #tpu.memory_space<hbm>> -> memref<2x8x128xf32, #tpu.memory_space<hbm>>
    tpu.enqueue_dma source(%dma_start3A_223 : memref<2x8x128xf32, #tpu.memory_space<hbm>>) target(%dma_start3A_220 : memref<2x8x128xf32, #tpu.memory_space<vmem>>) target_semaphore(%arg8 : memref<!tpu.dma_semaphore, #tpu.memory_space<semaphore_mem>>)
    %slice3A_224 = vector.extract_strided_slice %mul3A_16 {offsets = [10], sizes = [1], strides = [1]} : vector<16xi32> to vector<1xi32>
    %squeeze3A_225 = vector.extract %slice3A_224[0] : i32 from vector<1xi32>
    %multiple_of3A_226 = tpu.assume_multiple %squeeze3A_225, 128 : i32
    %dma_start3A_227 = arith.constant 0 : i32
    %dma_start3A_228 = arith.constant 10 : i32
    %dma_start3A_229 = arith.constant 0 : i32
    %dma_start3A_230 = arith.constant 0 : i32
    %dma_start3A_231 = arith.constant 0 : i32
    %dma_start3A_232 = tpu.memref_slice %arg6[%dma_start3A_227, %dma_start3A_228, %dma_start3A_229, %dma_start3A_230, %dma_start3A_231] : memref<2x16x2x8x128xf32, #tpu.memory_space<vmem>> -> memref<1x1x2x8x128xf32, #tpu.memory_space<vmem>>
    %dma_start3A_233 = tpu.memref_squeeze %dma_start3A_232 : memref<1x1x2x8x128xf32, #tpu.memory_space<vmem>> -> memref<2x8x128xf32, #tpu.memory_space<vmem>>
    %dma_start3A_234 = arith.constant 0 : i32
    %dma_start3A_235 = arith.constant 0 : i32
    %dma_start3A_236 = tpu.memref_slice %arg2[%dma_start3A_234, %dma_start3A_235, %multiple_of3A_226] : memref<2x8x1000000xf32, #tpu.memory_space<hbm>> -> memref<2x8x128xf32, #tpu.memory_space<hbm>>
    %dma_start3A_237 = arith.constant 0 : i32
    %dma_start3A_238 = arith.constant 0 : i32
    %dma_start3A_239 = arith.constant 0 : i32
    %dma_start3A_240 = tpu.memref_slice %arg6[%dma_start3A_227, %dma_start3A_228, %dma_start3A_237, %dma_start3A_238, %dma_start3A_239] : memref<2x16x2x8x128xf32, #tpu.memory_space<vmem>> -> memref<1x1x2x8x128xf32, #tpu.memory_space<vmem>>
    %dma_start3A_241 = tpu.memref_squeeze %dma_start3A_240 : memref<1x1x2x8x128xf32, #tpu.memory_space<vmem>> -> memref<2x8x128xf32, #tpu.memory_space<vmem>>
    %dma_start3A_242 = arith.constant 0 : i32
    %dma_start3A_243 = arith.constant 0 : i32
    %dma_start3A_244 = tpu.memref_slice %arg2[%dma_start3A_242, %dma_start3A_243, %multiple_of3A_226] : memref<2x8x1000000xf32, #tpu.memory_space<hbm>> -> memref<2x8x128xf32, #tpu.memory_space<hbm>>
    tpu.enqueue_dma source(%dma_start3A_244 : memref<2x8x128xf32, #tpu.memory_space<hbm>>) target(%dma_start3A_241 : memref<2x8x128xf32, #tpu.memory_space<vmem>>) target_semaphore(%arg8 : memref<!tpu.dma_semaphore, #tpu.memory_space<semaphore_mem>>)
    %slice3A_245 = vector.extract_strided_slice %mul3A_16 {offsets = [11], sizes = [1], strides = [1]} : vector<16xi32> to vector<1xi32>
    %squeeze3A_246 = vector.extract %slice3A_245[0] : i32 from vector<1xi32>
    %multiple_of3A_247 = tpu.assume_multiple %squeeze3A_246, 128 : i32
    %dma_start3A_248 = arith.constant 0 : i32
    %dma_start3A_249 = arith.constant 11 : i32
    %dma_start3A_250 = arith.constant 0 : i32
    %dma_start3A_251 = arith.constant 0 : i32
    %dma_start3A_252 = arith.constant 0 : i32
    %dma_start3A_253 = tpu.memref_slice %arg6[%dma_start3A_248, %dma_start3A_249, %dma_start3A_250, %dma_start3A_251, %dma_start3A_252] : memref<2x16x2x8x128xf32, #tpu.memory_space<vmem>> -> memref<1x1x2x8x128xf32, #tpu.memory_space<vmem>>
    %dma_start3A_254 = tpu.memref_squeeze %dma_start3A_253 : memref<1x1x2x8x128xf32, #tpu.memory_space<vmem>> -> memref<2x8x128xf32, #tpu.memory_space<vmem>>
    %dma_start3A_255 = arith.constant 0 : i32
    %dma_start3A_256 = arith.constant 0 : i32
    %dma_start3A_257 = tpu.memref_slice %arg2[%dma_start3A_255, %dma_start3A_256, %multiple_of3A_247] : memref<2x8x1000000xf32, #tpu.memory_space<hbm>> -> memref<2x8x128xf32, #tpu.memory_space<hbm>>
    %dma_start3A_258 = arith.constant 0 : i32
    %dma_start3A_259 = arith.constant 0 : i32
    %dma_start3A_260 = arith.constant 0 : i32
    %dma_start3A_261 = tpu.memref_slice %arg6[%dma_start3A_248, %dma_start3A_249, %dma_start3A_258, %dma_start3A_259, %dma_start3A_260] : memref<2x16x2x8x128xf32, #tpu.memory_space<vmem>> -> memref<1x1x2x8x128xf32, #tpu.memory_space<vmem>>
    %dma_start3A_262 = tpu.memref_squeeze %dma_start3A_261 : memref<1x1x2x8x128xf32, #tpu.memory_space<vmem>> -> memref<2x8x128xf32, #tpu.memory_space<vmem>>
    %dma_start3A_263 = arith.constant 0 : i32
    %dma_start3A_264 = arith.constant 0 : i32
    %dma_start3A_265 = tpu.memref_slice %arg2[%dma_start3A_263, %dma_start3A_264, %multiple_of3A_247] : memref<2x8x1000000xf32, #tpu.memory_space<hbm>> -> memref<2x8x128xf32, #tpu.memory_space<hbm>>
    tpu.enqueue_dma source(%dma_start3A_265 : memref<2x8x128xf32, #tpu.memory_space<hbm>>) target(%dma_start3A_262 : memref<2x8x128xf32, #tpu.memory_space<vmem>>) target_semaphore(%arg8 : memref<!tpu.dma_semaphore, #tpu.memory_space<semaphore_mem>>)
    %slice3A_266 = vector.extract_strided_slice %mul3A_16 {offsets = [12], sizes = [1], strides = [1]} : vector<16xi32> to vector<1xi32>
    %squeeze3A_267 = vector.extract %slice3A_266[0] : i32 from vector<1xi32>
    %multiple_of3A_268 = tpu.assume_multiple %squeeze3A_267, 128 : i32
    %dma_start3A_269 = arith.constant 0 : i32
    %dma_start3A_270 = arith.constant 12 : i32
    %dma_start3A_271 = arith.constant 0 : i32
    %dma_start3A_272 = arith.constant 0 : i32
    %dma_start3A_273 = arith.constant 0 : i32
    %dma_start3A_274 = tpu.memref_slice %arg6[%dma_start3A_269, %dma_start3A_270, %dma_start3A_271, %dma_start3A_272, %dma_start3A_273] : memref<2x16x2x8x128xf32, #tpu.memory_space<vmem>> -> memref<1x1x2x8x128xf32, #tpu.memory_space<vmem>>
    %dma_start3A_275 = tpu.memref_squeeze %dma_start3A_274 : memref<1x1x2x8x128xf32, #tpu.memory_space<vmem>> -> memref<2x8x128xf32, #tpu.memory_space<vmem>>
    %dma_start3A_276 = arith.constant 0 : i32
    %dma_start3A_277 = arith.constant 0 : i32
    %dma_start3A_278 = tpu.memref_slice %arg2[%dma_start3A_276, %dma_start3A_277, %multiple_of3A_268] : memref<2x8x1000000xf32, #tpu.memory_space<hbm>> -> memref<2x8x128xf32, #tpu.memory_space<hbm>>
    %dma_start3A_279 = arith.constant 0 : i32
    %dma_start3A_280 = arith.constant 0 : i32
    %dma_start3A_281 = arith.constant 0 : i32
    %dma_start3A_282 = tpu.memref_slice %arg6[%dma_start3A_269, %dma_start3A_270, %dma_start3A_279, %dma_start3A_280, %dma_start3A_281] : memref<2x16x2x8x128xf32, #tpu.memory_space<vmem>> -> memref<1x1x2x8x128xf32, #tpu.memory_space<vmem>>
    %dma_start3A_283 = tpu.memref_squeeze %dma_start3A_282 : memref<1x1x2x8x128xf32, #tpu.memory_space<vmem>> -> memref<2x8x128xf32, #tpu.memory_space<vmem>>
    %dma_start3A_284 = arith.constant 0 : i32
    %dma_start3A_285 = arith.constant 0 : i32
    %dma_start3A_286 = tpu.memref_slice %arg2[%dma_start3A_284, %dma_start3A_285, %multiple_of3A_268] : memref<2x8x1000000xf32, #tpu.memory_space<hbm>> -> memref<2x8x128xf32, #tpu.memory_space<hbm>>
    tpu.enqueue_dma source(%dma_start3A_286 : memref<2x8x128xf32, #tpu.memory_space<hbm>>) target(%dma_start3A_283 : memref<2x8x128xf32, #tpu.memory_space<vmem>>) target_semaphore(%arg8 : memref<!tpu.dma_semaphore, #tpu.memory_space<semaphore_mem>>)
    %slice3A_287 = vector.extract_strided_slice %mul3A_16 {offsets = [13], sizes = [1], strides = [1]} : vector<16xi32> to vector<1xi32>
    %squeeze3A_288 = vector.extract %slice3A_287[0] : i32 from vector<1xi32>
    %multiple_of3A_289 = tpu.assume_multiple %squeeze3A_288, 128 : i32
    %dma_start3A_290 = arith.constant 0 : i32
    %dma_start3A_291 = arith.constant 13 : i32
    %dma_start3A_292 = arith.constant 0 : i32
    %dma_start3A_293 = arith.constant 0 : i32
    %dma_start3A_294 = arith.constant 0 : i32
    %dma_start3A_295 = tpu.memref_slice %arg6[%dma_start3A_290, %dma_start3A_291, %dma_start3A_292, %dma_start3A_293, %dma_start3A_294] : memref<2x16x2x8x128xf32, #tpu.memory_space<vmem>> -> memref<1x1x2x8x128xf32, #tpu.memory_space<vmem>>
    %dma_start3A_296 = tpu.memref_squeeze %dma_start3A_295 : memref<1x1x2x8x128xf32, #tpu.memory_space<vmem>> -> memref<2x8x128xf32, #tpu.memory_space<vmem>>
    %dma_start3A_297 = arith.constant 0 : i32
    %dma_start3A_298 = arith.constant 0 : i32
    %dma_start3A_299 = tpu.memref_slice %arg2[%dma_start3A_297, %dma_start3A_298, %multiple_of3A_289] : memref<2x8x1000000xf32, #tpu.memory_space<hbm>> -> memref<2x8x128xf32, #tpu.memory_space<hbm>>
    %dma_start3A_300 = arith.constant 0 : i32
    %dma_start3A_301 = arith.constant 0 : i32
    %dma_start3A_302 = arith.constant 0 : i32
    %dma_start3A_303 = tpu.memref_slice %arg6[%dma_start3A_290, %dma_start3A_291, %dma_start3A_300, %dma_start3A_301, %dma_start3A_302] : memref<2x16x2x8x128xf32, #tpu.memory_space<vmem>> -> memref<1x1x2x8x128xf32, #tpu.memory_space<vmem>>
    %dma_start3A_304 = tpu.memref_squeeze %dma_start3A_303 : memref<1x1x2x8x128xf32, #tpu.memory_space<vmem>> -> memref<2x8x128xf32, #tpu.memory_space<vmem>>
    %dma_start3A_305 = arith.constant 0 : i32
    %dma_start3A_306 = arith.constant 0 : i32
    %dma_start3A_307 = tpu.memref_slice %arg2[%dma_start3A_305, %dma_start3A_306, %multiple_of3A_289] : memref<2x8x1000000xf32, #tpu.memory_space<hbm>> -> memref<2x8x128xf32, #tpu.memory_space<hbm>>
    tpu.enqueue_dma source(%dma_start3A_307 : memref<2x8x128xf32, #tpu.memory_space<hbm>>) target(%dma_start3A_304 : memref<2x8x128xf32, #tpu.memory_space<vmem>>) target_semaphore(%arg8 : memref<!tpu.dma_semaphore, #tpu.memory_space<semaphore_mem>>)
    %slice3A_308 = vector.extract_strided_slice %mul3A_16 {offsets = [14], sizes = [1], strides = [1]} : vector<16xi32> to vector<1xi32>
    %squeeze3A_309 = vector.extract %slice3A_308[0] : i32 from vector<1xi32>
    %multiple_of3A_310 = tpu.assume_multiple %squeeze3A_309, 128 : i32
    %dma_start3A_311 = arith.constant 0 : i32
    %dma_start3A_312 = arith.constant 14 : i32
    %dma_start3A_313 = arith.constant 0 : i32
    %dma_start3A_314 = arith.constant 0 : i32
    %dma_start3A_315 = arith.constant 0 : i32
    %dma_start3A_316 = tpu.memref_slice %arg6[%dma_start3A_311, %dma_start3A_312, %dma_start3A_313, %dma_start3A_314, %dma_start3A_315] : memref<2x16x2x8x128xf32, #tpu.memory_space<vmem>> -> memref<1x1x2x8x128xf32, #tpu.memory_space<vmem>>
    %dma_start3A_317 = tpu.memref_squeeze %dma_start3A_316 : memref<1x1x2x8x128xf32, #tpu.memory_space<vmem>> -> memref<2x8x128xf32, #tpu.memory_space<vmem>>
    %dma_start3A_318 = arith.constant 0 : i32
    %dma_start3A_319 = arith.constant 0 : i32
    %dma_start3A_320 = tpu.memref_slice %arg2[%dma_start3A_318, %dma_start3A_319, %multiple_of3A_310] : memref<2x8x1000000xf32, #tpu.memory_space<hbm>> -> memref<2x8x128xf32, #tpu.memory_space<hbm>>
    %dma_start3A_321 = arith.constant 0 : i32
    %dma_start3A_322 = arith.constant 0 : i32
    %dma_start3A_323 = arith.constant 0 : i32
    %dma_start3A_324 = tpu.memref_slice %arg6[%dma_start3A_311, %dma_start3A_312, %dma_start3A_321, %dma_start3A_322, %dma_start3A_323] : memref<2x16x2x8x128xf32, #tpu.memory_space<vmem>> -> memref<1x1x2x8x128xf32, #tpu.memory_space<vmem>>
    %dma_start3A_325 = tpu.memref_squeeze %dma_start3A_324 : memref<1x1x2x8x128xf32, #tpu.memory_space<vmem>> -> memref<2x8x128xf32, #tpu.memory_space<vmem>>
    %dma_start3A_326 = arith.constant 0 : i32
    %dma_start3A_327 = arith.constant 0 : i32
    %dma_start3A_328 = tpu.memref_slice %arg2[%dma_start3A_326, %dma_start3A_327, %multiple_of3A_310] : memref<2x8x1000000xf32, #tpu.memory_space<hbm>> -> memref<2x8x128xf32, #tpu.memory_space<hbm>>
    tpu.enqueue_dma source(%dma_start3A_328 : memref<2x8x128xf32, #tpu.memory_space<hbm>>) target(%dma_start3A_325 : memref<2x8x128xf32, #tpu.memory_space<vmem>>) target_semaphore(%arg8 : memref<!tpu.dma_semaphore, #tpu.memory_space<semaphore_mem>>)
    %slice3A_329 = vector.extract_strided_slice %mul3A_16 {offsets = [15], sizes = [1], strides = [1]} : vector<16xi32> to vector<1xi32>
    %squeeze3A_330 = vector.extract %slice3A_329[0] : i32 from vector<1xi32>
    %multiple_of3A_331 = tpu.assume_multiple %squeeze3A_330, 128 : i32
    %dma_start3A_332 = arith.constant 0 : i32
    %dma_start3A_333 = arith.constant 15 : i32
    %dma_start3A_334 = arith.constant 0 : i32
    %dma_start3A_335 = arith.constant 0 : i32
    %dma_start3A_336 = arith.constant 0 : i32
    %dma_start3A_337 = tpu.memref_slice %arg6[%dma_start3A_332, %dma_start3A_333, %dma_start3A_334, %dma_start3A_335, %dma_start3A_336] : memref<2x16x2x8x128xf32, #tpu.memory_space<vmem>> -> memref<1x1x2x8x128xf32, #tpu.memory_space<vmem>>
    %dma_start3A_338 = tpu.memref_squeeze %dma_start3A_337 : memref<1x1x2x8x128xf32, #tpu.memory_space<vmem>> -> memref<2x8x128xf32, #tpu.memory_space<vmem>>
    %dma_start3A_339 = arith.constant 0 : i32
    %dma_start3A_340 = arith.constant 0 : i32
    %dma_start3A_341 = tpu.memref_slice %arg2[%dma_start3A_339, %dma_start3A_340, %multiple_of3A_331] : memref<2x8x1000000xf32, #tpu.memory_space<hbm>> -> memref<2x8x128xf32, #tpu.memory_space<hbm>>
    %dma_start3A_342 = arith.constant 0 : i32
    %dma_start3A_343 = arith.constant 0 : i32
    %dma_start3A_344 = arith.constant 0 : i32
    %dma_start3A_345 = tpu.memref_slice %arg6[%dma_start3A_332, %dma_start3A_333, %dma_start3A_342, %dma_start3A_343, %dma_start3A_344] : memref<2x16x2x8x128xf32, #tpu.memory_space<vmem>> -> memref<1x1x2x8x128xf32, #tpu.memory_space<vmem>>
    %dma_start3A_346 = tpu.memref_squeeze %dma_start3A_345 : memref<1x1x2x8x128xf32, #tpu.memory_space<vmem>> -> memref<2x8x128xf32, #tpu.memory_space<vmem>>
    %dma_start3A_347 = arith.constant 0 : i32
    %dma_start3A_348 = arith.constant 0 : i32
    %dma_start3A_349 = tpu.memref_slice %arg2[%dma_start3A_347, %dma_start3A_348, %multiple_of3A_331] : memref<2x8x1000000xf32, #tpu.memory_space<hbm>> -> memref<2x8x128xf32, #tpu.memory_space<hbm>>
    tpu.enqueue_dma source(%dma_start3A_349 : memref<2x8x128xf32, #tpu.memory_space<hbm>>) target(%dma_start3A_346 : memref<2x8x128xf32, #tpu.memory_space<vmem>>) target_semaphore(%arg8 : memref<!tpu.dma_semaphore, #tpu.memory_space<semaphore_mem>>)
    %mul3A_350 = arith.constant 1 : i32
    %mul3A_351 = arith.constant 16 : i32
    %mul3A_352 = arith.muli %mul3A_350, %mul3A_351 : i32
    %multiple_of3A_353 = tpu.assume_multiple %mul3A_352, 16 : i32
    %get3A_354 = arith.index_cast %multiple_of3A_353 : i32 to index
    %get3A_355 = tpu.vector_load %arg5[%get3A_354] {strides = array<i32>} : memref<512xi32, #tpu.memory_space<vmem>>, vector<16xi32>,
    %shift_right_arithmetic3A_356 = arith.constant 7 : i32
    %shift_right_arithmetic3A_357 = vector.broadcast %shift_right_arithmetic3A_356 : i32 to vector<16xi32>
    %shift_right_arithmetic3A_358 = arith.shrsi %get3A_355, %shift_right_arithmetic3A_357 : vector<16xi32>
    %mul3A_359 = arith.constant 128 : i32
    %mul3A_360 = vector.broadcast %mul3A_359 : i32 to vector<16xi32>
    %mul3A_361 = arith.muli %shift_right_arithmetic3A_358, %mul3A_360 : vector<16xi32>
    %slice3A_362 = vector.extract_strided_slice %mul3A_361 {offsets = [0], sizes = [1], strides = [1]} : vector<16xi32> to vector<1xi32>
    %squeeze3A_363 = vector.extract %slice3A_362[0] : i32 from vector<1xi32>
    %multiple_of3A_364 = tpu.assume_multiple %squeeze3A_363, 128 : i32
    %dma_start3A_365 = arith.constant 1 : i32
    %dma_start3A_366 = arith.constant 0 : i32
    %dma_start3A_367 = arith.constant 0 : i32
    %dma_start3A_368 = arith.constant 0 : i32
    %dma_start3A_369 = arith.constant 0 : i32
    %dma_start3A_370 = tpu.memref_slice %arg6[%dma_start3A_365, %dma_start3A_366, %dma_start3A_367, %dma_start3A_368, %dma_start3A_369] : memref<2x16x2x8x128xf32, #tpu.memory_space<vmem>> -> memref<1x1x2x8x128xf32, #tpu.memory_space<vmem>>
    %dma_start3A_371 = tpu.memref_squeeze %dma_start3A_370 : memref<1x1x2x8x128xf32, #tpu.memory_space<vmem>> -> memref<2x8x128xf32, #tpu.memory_space<vmem>>
    %dma_start3A_372 = arith.constant 0 : i32
    %dma_start3A_373 = arith.constant 0 : i32
    %dma_start3A_374 = tpu.memref_slice %arg2[%dma_start3A_372, %dma_start3A_373, %multiple_of3A_364] : memref<2x8x1000000xf32, #tpu.memory_space<hbm>> -> memref<2x8x128xf32, #tpu.memory_space<hbm>>
    %dma_start3A_375 = arith.constant 0 : i32
    %dma_start3A_376 = arith.constant 0 : i32
    %dma_start3A_377 = arith.constant 0 : i32
    %dma_start3A_378 = tpu.memref_slice %arg6[%dma_start3A_365, %dma_start3A_366, %dma_start3A_375, %dma_start3A_376, %dma_start3A_377] : memref<2x16x2x8x128xf32, #tpu.memory_space<vmem>> -> memref<1x1x2x8x128xf32, #tpu.memory_space<vmem>>
    %dma_start3A_379 = tpu.memref_squeeze %dma_start3A_378 : memref<1x1x2x8x128xf32, #tpu.memory_space<vmem>> -> memref<2x8x128xf32, #tpu.memory_space<vmem>>
    %dma_start3A_380 = arith.constant 0 : i32
    %dma_start3A_381 = arith.constant 0 : i32
    %dma_start3A_382 = tpu.memref_slice %arg2[%dma_start3A_380, %dma_start3A_381, %multiple_of3A_364] : memref<2x8x1000000xf32, #tpu.memory_space<hbm>> -> memref<2x8x128xf32, #tpu.memory_space<hbm>>
    tpu.enqueue_dma source(%dma_start3A_382 : memref<2x8x128xf32, #tpu.memory_space<hbm>>) target(%dma_start3A_379 : memref<2x8x128xf32, #tpu.memory_space<vmem>>) target_semaphore(%arg9 : memref<!tpu.dma_semaphore, #tpu.memory_space<semaphore_mem>>)
    %slice3A_383 = vector.extract_strided_slice %mul3A_361 {offsets = [1], sizes = [1], strides = [1]} : vector<16xi32> to vector<1xi32>
    %squeeze3A_384 = vector.extract %slice3A_383[0] : i32 from vector<1xi32>
    %multiple_of3A_385 = tpu.assume_multiple %squeeze3A_384, 128 : i32
    %dma_start3A_386 = arith.constant 1 : i32
    %dma_start3A_387 = arith.constant 1 : i32
    %dma_start3A_388 = arith.constant 0 : i32
    %dma_start3A_389 = arith.constant 0 : i32
    %dma_start3A_390 = arith.constant 0 : i32
    %dma_start3A_391 = tpu.memref_slice %arg6[%dma_start3A_386, %dma_start3A_387, %dma_start3A_388, %dma_start3A_389, %dma_start3A_390] : memref<2x16x2x8x128xf32, #tpu.memory_space<vmem>> -> memref<1x1x2x8x128xf32, #tpu.memory_space<vmem>>
    %dma_start3A_392 = tpu.memref_squeeze %dma_start3A_391 : memref<1x1x2x8x128xf32, #tpu.memory_space<vmem>> -> memref<2x8x128xf32, #tpu.memory_space<vmem>>
    %dma_start3A_393 = arith.constant 0 : i32
    %dma_start3A_394 = arith.constant 0 : i32
    %dma_start3A_395 = tpu.memref_slice %arg2[%dma_start3A_393, %dma_start3A_394, %multiple_of3A_385] : memref<2x8x1000000xf32, #tpu.memory_space<hbm>> -> memref<2x8x128xf32, #tpu.memory_space<hbm>>
    %dma_start3A_396 = arith.constant 0 : i32
    %dma_start3A_397 = arith.constant 0 : i32
    %dma_start3A_398 = arith.constant 0 : i32
    %dma_start3A_399 = tpu.memref_slice %arg6[%dma_start3A_386, %dma_start3A_387, %dma_start3A_396, %dma_start3A_397, %dma_start3A_398] : memref<2x16x2x8x128xf32, #tpu.memory_space<vmem>> -> memref<1x1x2x8x128xf32, #tpu.memory_space<vmem>>
    %dma_start3A_400 = tpu.memref_squeeze %dma_start3A_399 : memref<1x1x2x8x128xf32, #tpu.memory_space<vmem>> -> memref<2x8x128xf32, #tpu.memory_space<vmem>>
    %dma_start3A_401 = arith.constant 0 : i32
    %dma_start3A_402 = arith.constant 0 : i32
    %dma_start3A_403 = tpu.memref_slice %arg2[%dma_start3A_401, %dma_start3A_402, %multiple_of3A_385] : memref<2x8x1000000xf32, #tpu.memory_space<hbm>> -> memref<2x8x128xf32, #tpu.memory_space<hbm>>
    tpu.enqueue_dma source(%dma_start3A_403 : memref<2x8x128xf32, #tpu.memory_space<hbm>>) target(%dma_start3A_400 : memref<2x8x128xf32, #tpu.memory_space<vmem>>) target_semaphore(%arg9 : memref<!tpu.dma_semaphore, #tpu.memory_space<semaphore_mem>>)
    %slice3A_404 = vector.extract_strided_slice %mul3A_361 {offsets = [2], sizes = [1], strides = [1]} : vector<16xi32> to vector<1xi32>
    %squeeze3A_405 = vector.extract %slice3A_404[0] : i32 from vector<1xi32>
    %multiple_of3A_406 = tpu.assume_multiple %squeeze3A_405, 128 : i32
    %dma_start3A_407 = arith.constant 1 : i32
    %dma_start3A_408 = arith.constant 2 : i32
    %dma_start3A_409 = arith.constant 0 : i32
    %dma_start3A_410 = arith.constant 0 : i32
    %dma_start3A_411 = arith.constant 0 : i32
    %dma_start3A_412 = tpu.memref_slice %arg6[%dma_start3A_407, %dma_start3A_408, %dma_start3A_409, %dma_start3A_410, %dma_start3A_411] : memref<2x16x2x8x128xf32, #tpu.memory_space<vmem>> -> memref<1x1x2x8x128xf32, #tpu.memory_space<vmem>>
    %dma_start3A_413 = tpu.memref_squeeze %dma_start3A_412 : memref<1x1x2x8x128xf32, #tpu.memory_space<vmem>> -> memref<2x8x128xf32, #tpu.memory_space<vmem>>
    %dma_start3A_414 = arith.constant 0 : i32
    %dma_start3A_415 = arith.constant 0 : i32
    %dma_start3A_416 = tpu.memref_slice %arg2[%dma_start3A_414, %dma_start3A_415, %multiple_of3A_406] : memref<2x8x1000000xf32, #tpu.memory_space<hbm>> -> memref<2x8x128xf32, #tpu.memory_space<hbm>>
    %dma_start3A_417 = arith.constant 0 : i32
    %dma_start3A_418 = arith.constant 0 : i32
    %dma_start3A_419 = arith.constant 0 : i32
    %dma_start3A_420 = tpu.memref_slice %arg6[%dma_start3A_407, %dma_start3A_408, %dma_start3A_417, %dma_start3A_418, %dma_start3A_419] : memref<2x16x2x8x128xf32, #tpu.memory_space<vmem>> -> memref<1x1x2x8x128xf32, #tpu.memory_space<vmem>>
    %dma_start3A_421 = tpu.memref_squeeze %dma_start3A_420 : memref<1x1x2x8x128xf32, #tpu.memory_space<vmem>> -> memref<2x8x128xf32, #tpu.memory_space<vmem>>
    %dma_start3A_422 = arith.constant 0 : i32
    %dma_start3A_423 = arith.constant 0 : i32
    %dma_start3A_424 = tpu.memref_slice %arg2[%dma_start3A_422, %dma_start3A_423, %multiple_of3A_406] : memref<2x8x1000000xf32, #tpu.memory_space<hbm>> -> memref<2x8x128xf32, #tpu.memory_space<hbm>>
    tpu.enqueue_dma source(%dma_start3A_424 : memref<2x8x128xf32, #tpu.memory_space<hbm>>) target(%dma_start3A_421 : memref<2x8x128xf32, #tpu.memory_space<vmem>>) target_semaphore(%arg9 : memref<!tpu.dma_semaphore, #tpu.memory_space<semaphore_mem>>)
    %slice3A_425 = vector.extract_strided_slice %mul3A_361 {offsets = [3], sizes = [1], strides = [1]} : vector<16xi32> to vector<1xi32>
    %squeeze3A_426 = vector.extract %slice3A_425[0] : i32 from vector<1xi32>
    %multiple_of3A_427 = tpu.assume_multiple %squeeze3A_426, 128 : i32
    %dma_start3A_428 = arith.constant 1 : i32
    %dma_start3A_429 = arith.constant 3 : i32
    %dma_start3A_430 = arith.constant 0 : i32
    %dma_start3A_431 = arith.constant 0 : i32
    %dma_start3A_432 = arith.constant 0 : i32
    %dma_start3A_433 = tpu.memref_slice %arg6[%dma_start3A_428, %dma_start3A_429, %dma_start3A_430, %dma_start3A_431, %dma_start3A_432] : memref<2x16x2x8x128xf32, #tpu.memory_space<vmem>> -> memref<1x1x2x8x128xf32, #tpu.memory_space<vmem>>
    %dma_start3A_434 = tpu.memref_squeeze %dma_start3A_433 : memref<1x1x2x8x128xf32, #tpu.memory_space<vmem>> -> memref<2x8x128xf32, #tpu.memory_space<vmem>>
    %dma_start3A_435 = arith.constant 0 : i32
    %dma_start3A_436 = arith.constant 0 : i32
    %dma_start3A_437 = tpu.memref_slice %arg2[%dma_start3A_435, %dma_start3A_436, %multiple_of3A_427] : memref<2x8x1000000xf32, #tpu.memory_space<hbm>> -> memref<2x8x128xf32, #tpu.memory_space<hbm>>
    %dma_start3A_438 = arith.constant 0 : i32
    %dma_start3A_439 = arith.constant 0 : i32
    %dma_start3A_440 = arith.constant 0 : i32
    %dma_start3A_441 = tpu.memref_slice %arg6[%dma_start3A_428, %dma_start3A_429, %dma_start3A_438, %dma_start3A_439, %dma_start3A_440] : memref<2x16x2x8x128xf32, #tpu.memory_space<vmem>> -> memref<1x1x2x8x128xf32, #tpu.memory_space<vmem>>
    %dma_start3A_442 = tpu.memref_squeeze %dma_start3A_441 : memref<1x1x2x8x128xf32, #tpu.memory_space<vmem>> -> memref<2x8x128xf32, #tpu.memory_space<vmem>>
    %dma_start3A_443 = arith.constant 0 : i32
    %dma_start3A_444 = arith.constant 0 : i32
    %dma_start3A_445 = tpu.memref_slice %arg2[%dma_start3A_443, %dma_start3A_444, %multiple_of3A_427] : memref<2x8x1000000xf32, #tpu.memory_space<hbm>> -> memref<2x8x128xf32, #tpu.memory_space<hbm>>
    tpu.enqueue_dma source(%dma_start3A_445 : memref<2x8x128xf32, #tpu.memory_space<hbm>>) target(%dma_start3A_442 : memref<2x8x128xf32, #tpu.memory_space<vmem>>) target_semaphore(%arg9 : memref<!tpu.dma_semaphore, #tpu.memory_space<semaphore_mem>>)
    %slice3A_446 = vector.extract_strided_slice %mul3A_361 {offsets = [4], sizes = [1], strides = [1]} : vector<16xi32> to vector<1xi32>
    %squeeze3A_447 = vector.extract %slice3A_446[0] : i32 from vector<1xi32>
    %multiple_of3A_448 = tpu.assume_multiple %squeeze3A_447, 128 : i32
    %dma_start3A_449 = arith.constant 1 : i32
    %dma_start3A_450 = arith.constant 4 : i32
    %dma_start3A_451 = arith.constant 0 : i32
    %dma_start3A_452 = arith.constant 0 : i32
    %dma_start3A_453 = arith.constant 0 : i32
    %dma_start3A_454 = tpu.memref_slice %arg6[%dma_start3A_449, %dma_start3A_450, %dma_start3A_451, %dma_start3A_452, %dma_start3A_453] : memref<2x16x2x8x128xf32, #tpu.memory_space<vmem>> -> memref<1x1x2x8x128xf32, #tpu.memory_space<vmem>>
    %dma_start3A_455 = tpu.memref_squeeze %dma_start3A_454 : memref<1x1x2x8x128xf32, #tpu.memory_space<vmem>> -> memref<2x8x128xf32, #tpu.memory_space<vmem>>
    %dma_start3A_456 = arith.constant 0 : i32
    %dma_start3A_457 = arith.constant 0 : i32
    %dma_start3A_458 = tpu.memref_slice %arg2[%dma_start3A_456, %dma_start3A_457, %multiple_of3A_448] : memref<2x8x1000000xf32, #tpu.memory_space<hbm>> -> memref<2x8x128xf32, #tpu.memory_space<hbm>>
    %dma_start3A_459 = arith.constant 0 : i32
    %dma_start3A_460 = arith.constant 0 : i32
    %dma_start3A_461 = arith.constant 0 : i32
    %dma_start3A_462 = tpu.memref_slice %arg6[%dma_start3A_449, %dma_start3A_450, %dma_start3A_459, %dma_start3A_460, %dma_start3A_461] : memref<2x16x2x8x128xf32, #tpu.memory_space<vmem>> -> memref<1x1x2x8x128xf32, #tpu.memory_space<vmem>>
    %dma_start3A_463 = tpu.memref_squeeze %dma_start3A_462 : memref<1x1x2x8x128xf32, #tpu.memory_space<vmem>> -> memref<2x8x128xf32, #tpu.memory_space<vmem>>
    %dma_start3A_464 = arith.constant 0 : i32
    %dma_start3A_465 = arith.constant 0 : i32
    %dma_start3A_466 = tpu.memref_slice %arg2[%dma_start3A_464, %dma_start3A_465, %multiple_of3A_448] : memref<2x8x1000000xf32, #tpu.memory_space<hbm>> -> memref<2x8x128xf32, #tpu.memory_space<hbm>>
    tpu.enqueue_dma source(%dma_start3A_466 : memref<2x8x128xf32, #tpu.memory_space<hbm>>) target(%dma_start3A_463 : memref<2x8x128xf32, #tpu.memory_space<vmem>>) target_semaphore(%arg9 : memref<!tpu.dma_semaphore, #tpu.memory_space<semaphore_mem>>)
    %slice3A_467 = vector.extract_strided_slice %mul3A_361 {offsets = [5], sizes = [1], strides = [1]} : vector<16xi32> to vector<1xi32>
    %squeeze3A_468 = vector.extract %slice3A_467[0] : i32 from vector<1xi32>
    %multiple_of3A_469 = tpu.assume_multiple %squeeze3A_468, 128 : i32
    %dma_start3A_470 = arith.constant 1 : i32
    %dma_start3A_471 = arith.constant 5 : i32
    %dma_start3A_472 = arith.constant 0 : i32
    %dma_start3A_473 = arith.constant 0 : i32
    %dma_start3A_474 = arith.constant 0 : i32
    %dma_start3A_475 = tpu.memref_slice %arg6[%dma_start3A_470, %dma_start3A_471, %dma_start3A_472, %dma_start3A_473, %dma_start3A_474] : memref<2x16x2x8x128xf32, #tpu.memory_space<vmem>> -> memref<1x1x2x8x128xf32, #tpu.memory_space<vmem>>
    %dma_start3A_476 = tpu.memref_squeeze %dma_start3A_475 : memref<1x1x2x8x128xf32, #tpu.memory_space<vmem>> -> memref<2x8x128xf32, #tpu.memory_space<vmem>>
    %dma_start3A_477 = arith.constant 0 : i32
    %dma_start3A_478 = arith.constant 0 : i32
    %dma_start3A_479 = tpu.memref_slice %arg2[%dma_start3A_477, %dma_start3A_478, %multiple_of3A_469] : memref<2x8x1000000xf32, #tpu.memory_space<hbm>> -> memref<2x8x128xf32, #tpu.memory_space<hbm>>
    %dma_start3A_480 = arith.constant 0 : i32
    %dma_start3A_481 = arith.constant 0 : i32
    %dma_start3A_482 = arith.constant 0 : i32
    %dma_start3A_483 = tpu.memref_slice %arg6[%dma_start3A_470, %dma_start3A_471, %dma_start3A_480, %dma_start3A_481, %dma_start3A_482] : memref<2x16x2x8x128xf32, #tpu.memory_space<vmem>> -> memref<1x1x2x8x128xf32, #tpu.memory_space<vmem>>
    %dma_start3A_484 = tpu.memref_squeeze %dma_start3A_483 : memref<1x1x2x8x128xf32, #tpu.memory_space<vmem>> -> memref<2x8x128xf32, #tpu.memory_space<vmem>>
    %dma_start3A_485 = arith.constant 0 : i32
    %dma_start3A_486 = arith.constant 0 : i32
    %dma_start3A_487 = tpu.memref_slice %arg2[%dma_start3A_485, %dma_start3A_486, %multiple_of3A_469] : memref<2x8x1000000xf32, #tpu.memory_space<hbm>> -> memref<2x8x128xf32, #tpu.memory_space<hbm>>
    tpu.enqueue_dma source(%dma_start3A_487 : memref<2x8x128xf32, #tpu.memory_space<hbm>>) target(%dma_start3A_484 : memref<2x8x128xf32, #tpu.memory_space<vmem>>) target_semaphore(%arg9 : memref<!tpu.dma_semaphore, #tpu.memory_space<semaphore_mem>>)
    %slice3A_488 = vector.extract_strided_slice %mul3A_361 {offsets = [6], sizes = [1], strides = [1]} : vector<16xi32> to vector<1xi32>
    %squeeze3A_489 = vector.extract %slice3A_488[0] : i32 from vector<1xi32>
    %multiple_of3A_490 = tpu.assume_multiple %squeeze3A_489, 128 : i32
    %dma_start3A_491 = arith.constant 1 : i32
    %dma_start3A_492 = arith.constant 6 : i32
    %dma_start3A_493 = arith.constant 0 : i32
    %dma_start3A_494 = arith.constant 0 : i32
    %dma_start3A_495 = arith.constant 0 : i32
    %dma_start3A_496 = tpu.memref_slice %arg6[%dma_start3A_491, %dma_start3A_492, %dma_start3A_493, %dma_start3A_494, %dma_start3A_495] : memref<2x16x2x8x128xf32, #tpu.memory_space<vmem>> -> memref<1x1x2x8x128xf32, #tpu.memory_space<vmem>>
    %dma_start3A_497 = tpu.memref_squeeze %dma_start3A_496 : memref<1x1x2x8x128xf32, #tpu.memory_space<vmem>> -> memref<2x8x128xf32, #tpu.memory_space<vmem>>
    %dma_start3A_498 = arith.constant 0 : i32
    %dma_start3A_499 = arith.constant 0 : i32
    %dma_start3A_500 = tpu.memref_slice %arg2[%dma_start3A_498, %dma_start3A_499, %multiple_of3A_490] : memref<2x8x1000000xf32, #tpu.memory_space<hbm>> -> memref<2x8x128xf32, #tpu.memory_space<hbm>>
    %dma_start3A_501 = arith.constant 0 : i32
    %dma_start3A_502 = arith.constant 0 : i32
    %dma_start3A_503 = arith.constant 0 : i32
    %dma_start3A_504 = tpu.memref_slice %arg6[%dma_start3A_491, %dma_start3A_492, %dma_start3A_501, %dma_start3A_502, %dma_start3A_503] : memref<2x16x2x8x128xf32, #tpu.memory_space<vmem>> -> memref<1x1x2x8x128xf32, #tpu.memory_space<vmem>>
    %dma_start3A_505 = tpu.memref_squeeze %dma_start3A_504 : memref<1x1x2x8x128xf32, #tpu.memory_space<vmem>> -> memref<2x8x128xf32, #tpu.memory_space<vmem>>
    %dma_start3A_506 = arith.constant 0 : i32
    %dma_start3A_507 = arith.constant 0 : i32
    %dma_start3A_508 = tpu.memref_slice %arg2[%dma_start3A_506, %dma_start3A_507, %multiple_of3A_490] : memref<2x8x1000000xf32, #tpu.memory_space<hbm>> -> memref<2x8x128xf32, #tpu.memory_space<hbm>>
    tpu.enqueue_dma source(%dma_start3A_508 : memref<2x8x128xf32, #tpu.memory_space<hbm>>) target(%dma_start3A_505 : memref<2x8x128xf32, #tpu.memory_space<vmem>>) target_semaphore(%arg9 : memref<!tpu.dma_semaphore, #tpu.memory_space<semaphore_mem>>)
    %slice3A_509 = vector.extract_strided_slice %mul3A_361 {offsets = [7], sizes = [1], strides = [1]} : vector<16xi32> to vector<1xi32>
    %squeeze3A_510 = vector.extract %slice3A_509[0] : i32 from vector<1xi32>
    %multiple_of3A_511 = tpu.assume_multiple %squeeze3A_510, 128 : i32
    %dma_start3A_512 = arith.constant 1 : i32
    %dma_start3A_513 = arith.constant 7 : i32
    %dma_start3A_514 = arith.constant 0 : i32
    %dma_start3A_515 = arith.constant 0 : i32
    %dma_start3A_516 = arith.constant 0 : i32
    %dma_start3A_517 = tpu.memref_slice %arg6[%dma_start3A_512, %dma_start3A_513, %dma_start3A_514, %dma_start3A_515, %dma_start3A_516] : memref<2x16x2x8x128xf32, #tpu.memory_space<vmem>> -> memref<1x1x2x8x128xf32, #tpu.memory_space<vmem>>
    %dma_start3A_518 = tpu.memref_squeeze %dma_start3A_517 : memref<1x1x2x8x128xf32, #tpu.memory_space<vmem>> -> memref<2x8x128xf32, #tpu.memory_space<vmem>>
    %dma_start3A_519 = arith.constant 0 : i32
    %dma_start3A_520 = arith.constant 0 : i32
    %dma_start3A_521 = tpu.memref_slice %arg2[%dma_start3A_519, %dma_start3A_520, %multiple_of3A_511] : memref<2x8x1000000xf32, #tpu.memory_space<hbm>> -> memref<2x8x128xf32, #tpu.memory_space<hbm>>
    %dma_start3A_522 = arith.constant 0 : i32
    %dma_start3A_523 = arith.constant 0 : i32
    %dma_start3A_524 = arith.constant 0 : i32
    %dma_start3A_525 = tpu.memref_slice %arg6[%dma_start3A_512, %dma_start3A_513, %dma_start3A_522, %dma_start3A_523, %dma_start3A_524] : memref<2x16x2x8x128xf32, #tpu.memory_space<vmem>> -> memref<1x1x2x8x128xf32, #tpu.memory_space<vmem>>
    %dma_start3A_526 = tpu.memref_squeeze %dma_start3A_525 : memref<1x1x2x8x128xf32, #tpu.memory_space<vmem>> -> memref<2x8x128xf32, #tpu.memory_space<vmem>>
    %dma_start3A_527 = arith.constant 0 : i32
    %dma_start3A_528 = arith.constant 0 : i32
    %dma_start3A_529 = tpu.memref_slice %arg2[%dma_start3A_527, %dma_start3A_528, %multiple_of3A_511] : memref<2x8x1000000xf32, #tpu.memory_space<hbm>> -> memref<2x8x128xf32, #tpu.memory_space<hbm>>
    tpu.enqueue_dma source(%dma_start3A_529 : memref<2x8x128xf32, #tpu.memory_space<hbm>>) target(%dma_start3A_526 : memref<2x8x128xf32, #tpu.memory_space<vmem>>) target_semaphore(%arg9 : memref<!tpu.dma_semaphore, #tpu.memory_space<semaphore_mem>>)
    %slice3A_530 = vector.extract_strided_slice %mul3A_361 {offsets = [8], sizes = [1], strides = [1]} : vector<16xi32> to vector<1xi32>
    %squeeze3A_531 = vector.extract %slice3A_530[0] : i32 from vector<1xi32>
    %multiple_of3A_532 = tpu.assume_multiple %squeeze3A_531, 128 : i32
    %dma_start3A_533 = arith.constant 1 : i32
    %dma_start3A_534 = arith.constant 8 : i32
    %dma_start3A_535 = arith.constant 0 : i32
    %dma_start3A_536 = arith.constant 0 : i32
    %dma_start3A_537 = arith.constant 0 : i32
    %dma_start3A_538 = tpu.memref_slice %arg6[%dma_start3A_533, %dma_start3A_534, %dma_start3A_535, %dma_start3A_536, %dma_start3A_537] : memref<2x16x2x8x128xf32, #tpu.memory_space<vmem>> -> memref<1x1x2x8x128xf32, #tpu.memory_space<vmem>>
    %dma_start3A_539 = tpu.memref_squeeze %dma_start3A_538 : memref<1x1x2x8x128xf32, #tpu.memory_space<vmem>> -> memref<2x8x128xf32, #tpu.memory_space<vmem>>
    %dma_start3A_540 = arith.constant 0 : i32
    %dma_start3A_541 = arith.constant 0 : i32
    %dma_start3A_542 = tpu.memref_slice %arg2[%dma_start3A_540, %dma_start3A_541, %multiple_of3A_532] : memref<2x8x1000000xf32, #tpu.memory_space<hbm>> -> memref<2x8x128xf32, #tpu.memory_space<hbm>>
    %dma_start3A_543 = arith.constant 0 : i32
    %dma_start3A_544 = arith.constant 0 : i32
    %dma_start3A_545 = arith.constant 0 : i32
    %dma_start3A_546 = tpu.memref_slice %arg6[%dma_start3A_533, %dma_start3A_534, %dma_start3A_543, %dma_start3A_544, %dma_start3A_545] : memref<2x16x2x8x128xf32, #tpu.memory_space<vmem>> -> memref<1x1x2x8x128xf32, #tpu.memory_space<vmem>>
    %dma_start3A_547 = tpu.memref_squeeze %dma_start3A_546 : memref<1x1x2x8x128xf32, #tpu.memory_space<vmem>> -> memref<2x8x128xf32, #tpu.memory_space<vmem>>
    %dma_start3A_548 = arith.constant 0 : i32
    %dma_start3A_549 = arith.constant 0 : i32
    %dma_start3A_550 = tpu.memref_slice %arg2[%dma_start3A_548, %dma_start3A_549, %multiple_of3A_532] : memref<2x8x1000000xf32, #tpu.memory_space<hbm>> -> memref<2x8x128xf32, #tpu.memory_space<hbm>>
    tpu.enqueue_dma source(%dma_start3A_550 : memref<2x8x128xf32, #tpu.memory_space<hbm>>) target(%dma_start3A_547 : memref<2x8x128xf32, #tpu.memory_space<vmem>>) target_semaphore(%arg9 : memref<!tpu.dma_semaphore, #tpu.memory_space<semaphore_mem>>)
    %slice3A_551 = vector.extract_strided_slice %mul3A_361 {offsets = [9], sizes = [1], strides = [1]} : vector<16xi32> to vector<1xi32>
    %squeeze3A_552 = vector.extract %slice3A_551[0] : i32 from vector<1xi32>
    %multiple_of3A_553 = tpu.assume_multiple %squeeze3A_552, 128 : i32
    %dma_start3A_554 = arith.constant 1 : i32
    %dma_start3A_555 = arith.constant 9 : i32
    %dma_start3A_556 = arith.constant 0 : i32
    %dma_start3A_557 = arith.constant 0 : i32
    %dma_start3A_558 = arith.constant 0 : i32
    %dma_start3A_559 = tpu.memref_slice %arg6[%dma_start3A_554, %dma_start3A_555, %dma_start3A_556, %dma_start3A_557, %dma_start3A_558] : memref<2x16x2x8x128xf32, #tpu.memory_space<vmem>> -> memref<1x1x2x8x128xf32, #tpu.memory_space<vmem>>
    %dma_start3A_560 = tpu.memref_squeeze %dma_start3A_559 : memref<1x1x2x8x128xf32, #tpu.memory_space<vmem>> -> memref<2x8x128xf32, #tpu.memory_space<vmem>>
    %dma_start3A_561 = arith.constant 0 : i32
    %dma_start3A_562 = arith.constant 0 : i32
    %dma_start3A_563 = tpu.memref_slice %arg2[%dma_start3A_561, %dma_start3A_562, %multiple_of3A_553] : memref<2x8x1000000xf32, #tpu.memory_space<hbm>> -> memref<2x8x128xf32, #tpu.memory_space<hbm>>
    %dma_start3A_564 = arith.constant 0 : i32
    %dma_start3A_565 = arith.constant 0 : i32
    %dma_start3A_566 = arith.constant 0 : i32
    %dma_start3A_567 = tpu.memref_slice %arg6[%dma_start3A_554, %dma_start3A_555, %dma_start3A_564, %dma_start3A_565, %dma_start3A_566] : memref<2x16x2x8x128xf32, #tpu.memory_space<vmem>> -> memref<1x1x2x8x128xf32, #tpu.memory_space<vmem>>
    %dma_start3A_568 = tpu.memref_squeeze %dma_start3A_567 : memref<1x1x2x8x128xf32, #tpu.memory_space<vmem>> -> memref<2x8x128xf32, #tpu.memory_space<vmem>>
    %dma_start3A_569 = arith.constant 0 : i32
    %dma_start3A_570 = arith.constant 0 : i32
    %dma_start3A_571 = tpu.memref_slice %arg2[%dma_start3A_569, %dma_start3A_570, %multiple_of3A_553] : memref<2x8x1000000xf32, #tpu.memory_space<hbm>> -> memref<2x8x128xf32, #tpu.memory_space<hbm>>
    tpu.enqueue_dma source(%dma_start3A_571 : memref<2x8x128xf32, #tpu.memory_space<hbm>>) target(%dma_start3A_568 : memref<2x8x128xf32, #tpu.memory_space<vmem>>) target_semaphore(%arg9 : memref<!tpu.dma_semaphore, #tpu.memory_space<semaphore_mem>>)
    %slice3A_572 = vector.extract_strided_slice %mul3A_361 {offsets = [10], sizes = [1], strides = [1]} : vector<16xi32> to vector<1xi32>
    %squeeze3A_573 = vector.extract %slice3A_572[0] : i32 from vector<1xi32>
    %multiple_of3A_574 = tpu.assume_multiple %squeeze3A_573, 128 : i32
    %dma_start3A_575 = arith.constant 1 : i32
    %dma_start3A_576 = arith.constant 10 : i32
    %dma_start3A_577 = arith.constant 0 : i32
    %dma_start3A_578 = arith.constant 0 : i32
    %dma_start3A_579 = arith.constant 0 : i32
    %dma_start3A_580 = tpu.memref_slice %arg6[%dma_start3A_575, %dma_start3A_576, %dma_start3A_577, %dma_start3A_578, %dma_start3A_579] : memref<2x16x2x8x128xf32, #tpu.memory_space<vmem>> -> memref<1x1x2x8x128xf32, #tpu.memory_space<vmem>>
    %dma_start3A_581 = tpu.memref_squeeze %dma_start3A_580 : memref<1x1x2x8x128xf32, #tpu.memory_space<vmem>> -> memref<2x8x128xf32, #tpu.memory_space<vmem>>
    %dma_start3A_582 = arith.constant 0 : i32
    %dma_start3A_583 = arith.constant 0 : i32
    %dma_start3A_584 = tpu.memref_slice %arg2[%dma_start3A_582, %dma_start3A_583, %multiple_of3A_574] : memref<2x8x1000000xf32, #tpu.memory_space<hbm>> -> memref<2x8x128xf32, #tpu.memory_space<hbm>>
    %dma_start3A_585 = arith.constant 0 : i32
    %dma_start3A_586 = arith.constant 0 : i32
    %dma_start3A_587 = arith.constant 0 : i32
    %dma_start3A_588 = tpu.memref_slice %arg6[%dma_start3A_575, %dma_start3A_576, %dma_start3A_585, %dma_start3A_586, %dma_start3A_587] : memref<2x16x2x8x128xf32, #tpu.memory_space<vmem>> -> memref<1x1x2x8x128xf32, #tpu.memory_space<vmem>>
    %dma_start3A_589 = tpu.memref_squeeze %dma_start3A_588 : memref<1x1x2x8x128xf32, #tpu.memory_space<vmem>> -> memref<2x8x128xf32, #tpu.memory_space<vmem>>
    %dma_start3A_590 = arith.constant 0 : i32
    %dma_start3A_591 = arith.constant 0 : i32
    %dma_start3A_592 = tpu.memref_slice %arg2[%dma_start3A_590, %dma_start3A_591, %multiple_of3A_574] : memref<2x8x1000000xf32, #tpu.memory_space<hbm>> -> memref<2x8x128xf32, #tpu.memory_space<hbm>>
    tpu.enqueue_dma source(%dma_start3A_592 : memref<2x8x128xf32, #tpu.memory_space<hbm>>) target(%dma_start3A_589 : memref<2x8x128xf32, #tpu.memory_space<vmem>>) target_semaphore(%arg9 : memref<!tpu.dma_semaphore, #tpu.memory_space<semaphore_mem>>)
    %slice3A_593 = vector.extract_strided_slice %mul3A_361 {offsets = [11], sizes = [1], strides = [1]} : vector<16xi32> to vector<1xi32>
    %squeeze3A_594 = vector.extract %slice3A_593[0] : i32 from vector<1xi32>
    %multiple_of3A_595 = tpu.assume_multiple %squeeze3A_594, 128 : i32
    %dma_start3A_596 = arith.constant 1 : i32
    %dma_start3A_597 = arith.constant 11 : i32
    %dma_start3A_598 = arith.constant 0 : i32
    %dma_start3A_599 = arith.constant 0 : i32
    %dma_start3A_600 = arith.constant 0 : i32
    %dma_start3A_601 = tpu.memref_slice %arg6[%dma_start3A_596, %dma_start3A_597, %dma_start3A_598, %dma_start3A_599, %dma_start3A_600] : memref<2x16x2x8x128xf32, #tpu.memory_space<vmem>> -> memref<1x1x2x8x128xf32, #tpu.memory_space<vmem>>
    %dma_start3A_602 = tpu.memref_squeeze %dma_start3A_601 : memref<1x1x2x8x128xf32, #tpu.memory_space<vmem>> -> memref<2x8x128xf32, #tpu.memory_space<vmem>>
    %dma_start3A_603 = arith.constant 0 : i32
    %dma_start3A_604 = arith.constant 0 : i32
    %dma_start3A_605 = tpu.memref_slice %arg2[%dma_start3A_603, %dma_start3A_604, %multiple_of3A_595] : memref<2x8x1000000xf32, #tpu.memory_space<hbm>> -> memref<2x8x128xf32, #tpu.memory_space<hbm>>
    %dma_start3A_606 = arith.constant 0 : i32
    %dma_start3A_607 = arith.constant 0 : i32
    %dma_start3A_608 = arith.constant 0 : i32
    %dma_start3A_609 = tpu.memref_slice %arg6[%dma_start3A_596, %dma_start3A_597, %dma_start3A_606, %dma_start3A_607, %dma_start3A_608] : memref<2x16x2x8x128xf32, #tpu.memory_space<vmem>> -> memref<1x1x2x8x128xf32, #tpu.memory_space<vmem>>
    %dma_start3A_610 = tpu.memref_squeeze %dma_start3A_609 : memref<1x1x2x8x128xf32, #tpu.memory_space<vmem>> -> memref<2x8x128xf32, #tpu.memory_space<vmem>>
    %dma_start3A_611 = arith.constant 0 : i32
    %dma_start3A_612 = arith.constant 0 : i32
    %dma_start3A_613 = tpu.memref_slice %arg2[%dma_start3A_611, %dma_start3A_612, %multiple_of3A_595] : memref<2x8x1000000xf32, #tpu.memory_space<hbm>> -> memref<2x8x128xf32, #tpu.memory_space<hbm>>
    tpu.enqueue_dma source(%dma_start3A_613 : memref<2x8x128xf32, #tpu.memory_space<hbm>>) target(%dma_start3A_610 : memref<2x8x128xf32, #tpu.memory_space<vmem>>) target_semaphore(%arg9 : memref<!tpu.dma_semaphore, #tpu.memory_space<semaphore_mem>>)
    %slice3A_614 = vector.extract_strided_slice %mul3A_361 {offsets = [12], sizes = [1], strides = [1]} : vector<16xi32> to vector<1xi32>
    %squeeze3A_615 = vector.extract %slice3A_614[0] : i32 from vector<1xi32>
    %multiple_of3A_616 = tpu.assume_multiple %squeeze3A_615, 128 : i32
    %dma_start3A_617 = arith.constant 1 : i32
    %dma_start3A_618 = arith.constant 12 : i32
    %dma_start3A_619 = arith.constant 0 : i32
    %dma_start3A_620 = arith.constant 0 : i32
    %dma_start3A_621 = arith.constant 0 : i32
    %dma_start3A_622 = tpu.memref_slice %arg6[%dma_start3A_617, %dma_start3A_618, %dma_start3A_619, %dma_start3A_620, %dma_start3A_621] : memref<2x16x2x8x128xf32, #tpu.memory_space<vmem>> -> memref<1x1x2x8x128xf32, #tpu.memory_space<vmem>>
    %dma_start3A_623 = tpu.memref_squeeze %dma_start3A_622 : memref<1x1x2x8x128xf32, #tpu.memory_space<vmem>> -> memref<2x8x128xf32, #tpu.memory_space<vmem>>
    %dma_start3A_624 = arith.constant 0 : i32
    %dma_start3A_625 = arith.constant 0 : i32
    %dma_start3A_626 = tpu.memref_slice %arg2[%dma_start3A_624, %dma_start3A_625, %multiple_of3A_616] : memref<2x8x1000000xf32, #tpu.memory_space<hbm>> -> memref<2x8x128xf32, #tpu.memory_space<hbm>>
    %dma_start3A_627 = arith.constant 0 : i32
    %dma_start3A_628 = arith.constant 0 : i32
    %dma_start3A_629 = arith.constant 0 : i32
    %dma_start3A_630 = tpu.memref_slice %arg6[%dma_start3A_617, %dma_start3A_618, %dma_start3A_627, %dma_start3A_628, %dma_start3A_629] : memref<2x16x2x8x128xf32, #tpu.memory_space<vmem>> -> memref<1x1x2x8x128xf32, #tpu.memory_space<vmem>>
    %dma_start3A_631 = tpu.memref_squeeze %dma_start3A_630 : memref<1x1x2x8x128xf32, #tpu.memory_space<vmem>> -> memref<2x8x128xf32, #tpu.memory_space<vmem>>
    %dma_start3A_632 = arith.constant 0 : i32
    %dma_start3A_633 = arith.constant 0 : i32
    %dma_start3A_634 = tpu.memref_slice %arg2[%dma_start3A_632, %dma_start3A_633, %multiple_of3A_616] : memref<2x8x1000000xf32, #tpu.memory_space<hbm>> -> memref<2x8x128xf32, #tpu.memory_space<hbm>>
    tpu.enqueue_dma source(%dma_start3A_634 : memref<2x8x128xf32, #tpu.memory_space<hbm>>) target(%dma_start3A_631 : memref<2x8x128xf32, #tpu.memory_space<vmem>>) target_semaphore(%arg9 : memref<!tpu.dma_semaphore, #tpu.memory_space<semaphore_mem>>)
    %slice3A_635 = vector.extract_strided_slice %mul3A_361 {offsets = [13], sizes = [1], strides = [1]} : vector<16xi32> to vector<1xi32>
    %squeeze3A_636 = vector.extract %slice3A_635[0] : i32 from vector<1xi32>
    %multiple_of3A_637 = tpu.assume_multiple %squeeze3A_636, 128 : i32
    %dma_start3A_638 = arith.constant 1 : i32
    %dma_start3A_639 = arith.constant 13 : i32
    %dma_start3A_640 = arith.constant 0 : i32
    %dma_start3A_641 = arith.constant 0 : i32
    %dma_start3A_642 = arith.constant 0 : i32
    %dma_start3A_643 = tpu.memref_slice %arg6[%dma_start3A_638, %dma_start3A_639, %dma_start3A_640, %dma_start3A_641, %dma_start3A_642] : memref<2x16x2x8x128xf32, #tpu.memory_space<vmem>> -> memref<1x1x2x8x128xf32, #tpu.memory_space<vmem>>
    %dma_start3A_644 = tpu.memref_squeeze %dma_start3A_643 : memref<1x1x2x8x128xf32, #tpu.memory_space<vmem>> -> memref<2x8x128xf32, #tpu.memory_space<vmem>>
    %dma_start3A_645 = arith.constant 0 : i32
    %dma_start3A_646 = arith.constant 0 : i32
    %dma_start3A_647 = tpu.memref_slice %arg2[%dma_start3A_645, %dma_start3A_646, %multiple_of3A_637] : memref<2x8x1000000xf32, #tpu.memory_space<hbm>> -> memref<2x8x128xf32, #tpu.memory_space<hbm>>
    %dma_start3A_648 = arith.constant 0 : i32
    %dma_start3A_649 = arith.constant 0 : i32
    %dma_start3A_650 = arith.constant 0 : i32
    %dma_start3A_651 = tpu.memref_slice %arg6[%dma_start3A_638, %dma_start3A_639, %dma_start3A_648, %dma_start3A_649, %dma_start3A_650] : memref<2x16x2x8x128xf32, #tpu.memory_space<vmem>> -> memref<1x1x2x8x128xf32, #tpu.memory_space<vmem>>
    %dma_start3A_652 = tpu.memref_squeeze %dma_start3A_651 : memref<1x1x2x8x128xf32, #tpu.memory_space<vmem>> -> memref<2x8x128xf32, #tpu.memory_space<vmem>>
    %dma_start3A_653 = arith.constant 0 : i32
    %dma_start3A_654 = arith.constant 0 : i32
    %dma_start3A_655 = tpu.memref_slice %arg2[%dma_start3A_653, %dma_start3A_654, %multiple_of3A_637] : memref<2x8x1000000xf32, #tpu.memory_space<hbm>> -> memref<2x8x128xf32, #tpu.memory_space<hbm>>
    tpu.enqueue_dma source(%dma_start3A_655 : memref<2x8x128xf32, #tpu.memory_space<hbm>>) target(%dma_start3A_652 : memref<2x8x128xf32, #tpu.memory_space<vmem>>) target_semaphore(%arg9 : memref<!tpu.dma_semaphore, #tpu.memory_space<semaphore_mem>>)
    %slice3A_656 = vector.extract_strided_slice %mul3A_361 {offsets = [14], sizes = [1], strides = [1]} : vector<16xi32> to vector<1xi32>
    %squeeze3A_657 = vector.extract %slice3A_656[0] : i32 from vector<1xi32>
    %multiple_of3A_658 = tpu.assume_multiple %squeeze3A_657, 128 : i32
    %dma_start3A_659 = arith.constant 1 : i32
    %dma_start3A_660 = arith.constant 14 : i32
    %dma_start3A_661 = arith.constant 0 : i32
    %dma_start3A_662 = arith.constant 0 : i32
    %dma_start3A_663 = arith.constant 0 : i32
    %dma_start3A_664 = tpu.memref_slice %arg6[%dma_start3A_659, %dma_start3A_660, %dma_start3A_661, %dma_start3A_662, %dma_start3A_663] : memref<2x16x2x8x128xf32, #tpu.memory_space<vmem>> -> memref<1x1x2x8x128xf32, #tpu.memory_space<vmem>>
    %dma_start3A_665 = tpu.memref_squeeze %dma_start3A_664 : memref<1x1x2x8x128xf32, #tpu.memory_space<vmem>> -> memref<2x8x128xf32, #tpu.memory_space<vmem>>
    %dma_start3A_666 = arith.constant 0 : i32
    %dma_start3A_667 = arith.constant 0 : i32
    %dma_start3A_668 = tpu.memref_slice %arg2[%dma_start3A_666, %dma_start3A_667, %multiple_of3A_658] : memref<2x8x1000000xf32, #tpu.memory_space<hbm>> -> memref<2x8x128xf32, #tpu.memory_space<hbm>>
    %dma_start3A_669 = arith.constant 0 : i32
    %dma_start3A_670 = arith.constant 0 : i32
    %dma_start3A_671 = arith.constant 0 : i32
    %dma_start3A_672 = tpu.memref_slice %arg6[%dma_start3A_659, %dma_start3A_660, %dma_start3A_669, %dma_start3A_670, %dma_start3A_671] : memref<2x16x2x8x128xf32, #tpu.memory_space<vmem>> -> memref<1x1x2x8x128xf32, #tpu.memory_space<vmem>>
    %dma_start3A_673 = tpu.memref_squeeze %dma_start3A_672 : memref<1x1x2x8x128xf32, #tpu.memory_space<vmem>> -> memref<2x8x128xf32, #tpu.memory_space<vmem>>
    %dma_start3A_674 = arith.constant 0 : i32
    %dma_start3A_675 = arith.constant 0 : i32
    %dma_start3A_676 = tpu.memref_slice %arg2[%dma_start3A_674, %dma_start3A_675, %multiple_of3A_658] : memref<2x8x1000000xf32, #tpu.memory_space<hbm>> -> memref<2x8x128xf32, #tpu.memory_space<hbm>>
    tpu.enqueue_dma source(%dma_start3A_676 : memref<2x8x128xf32, #tpu.memory_space<hbm>>) target(%dma_start3A_673 : memref<2x8x128xf32, #tpu.memory_space<vmem>>) target_semaphore(%arg9 : memref<!tpu.dma_semaphore, #tpu.memory_space<semaphore_mem>>)
    %slice3A_677 = vector.extract_strided_slice %mul3A_361 {offsets = [15], sizes = [1], strides = [1]} : vector<16xi32> to vector<1xi32>
    %squeeze3A_678 = vector.extract %slice3A_677[0] : i32 from vector<1xi32>
    %multiple_of3A_679 = tpu.assume_multiple %squeeze3A_678, 128 : i32
    %dma_start3A_680 = arith.constant 1 : i32
    %dma_start3A_681 = arith.constant 15 : i32
    %dma_start3A_682 = arith.constant 0 : i32
    %dma_start3A_683 = arith.constant 0 : i32
    %dma_start3A_684 = arith.constant 0 : i32
    %dma_start3A_685 = tpu.memref_slice %arg6[%dma_start3A_680, %dma_start3A_681, %dma_start3A_682, %dma_start3A_683, %dma_start3A_684] : memref<2x16x2x8x128xf32, #tpu.memory_space<vmem>> -> memref<1x1x2x8x128xf32, #tpu.memory_space<vmem>>
    %dma_start3A_686 = tpu.memref_squeeze %dma_start3A_685 : memref<1x1x2x8x128xf32, #tpu.memory_space<vmem>> -> memref<2x8x128xf32, #tpu.memory_space<vmem>>
    %dma_start3A_687 = arith.constant 0 : i32
    %dma_start3A_688 = arith.constant 0 : i32
    %dma_start3A_689 = tpu.memref_slice %arg2[%dma_start3A_687, %dma_start3A_688, %multiple_of3A_679] : memref<2x8x1000000xf32, #tpu.memory_space<hbm>> -> memref<2x8x128xf32, #tpu.memory_space<hbm>>
    %dma_start3A_690 = arith.constant 0 : i32
    %dma_start3A_691 = arith.constant 0 : i32
    %dma_start3A_692 = arith.constant 0 : i32
    %dma_start3A_693 = tpu.memref_slice %arg6[%dma_start3A_680, %dma_start3A_681, %dma_start3A_690, %dma_start3A_691, %dma_start3A_692] : memref<2x16x2x8x128xf32, #tpu.memory_space<vmem>> -> memref<1x1x2x8x128xf32, #tpu.memory_space<vmem>>
    %dma_start3A_694 = tpu.memref_squeeze %dma_start3A_693 : memref<1x1x2x8x128xf32, #tpu.memory_space<vmem>> -> memref<2x8x128xf32, #tpu.memory_space<vmem>>
    %dma_start3A_695 = arith.constant 0 : i32
    %dma_start3A_696 = arith.constant 0 : i32
    %dma_start3A_697 = tpu.memref_slice %arg2[%dma_start3A_695, %dma_start3A_696, %multiple_of3A_679] : memref<2x8x1000000xf32, #tpu.memory_space<hbm>> -> memref<2x8x128xf32, #tpu.memory_space<hbm>>
    tpu.enqueue_dma source(%dma_start3A_697 : memref<2x8x128xf32, #tpu.memory_space<hbm>>) target(%dma_start3A_694 : memref<2x8x128xf32, #tpu.memory_space<vmem>>) target_semaphore(%arg9 : memref<!tpu.dma_semaphore, #tpu.memory_space<semaphore_mem>>)
    %scan3A = arith.constant 0 : i32
    %scan3A_698 = arith.constant 15 : i32
    %scan3A_699 = arith.addi %scan3A, %scan3A_698 : i32
    %scan3A_700 = arith.constant 1 : i32
    scf.for %scan3A_1876 = %scan3A to %scan3A_699 step %scan3A_700  : i32 {
      %mul3A_1877 = arith.constant 2 : i32
      %mul3A_1878 = arith.muli %scan3A_1876, %mul3A_1877 : i32
      %add3A_1879 = arith.constant 0 : i32
      %add3A_1880 = arith.addi %mul3A_1878, %add3A_1879 : i32
      %mul3A_1881 = arith.constant 16 : i32
      %mul3A_1882 = arith.muli %add3A_1880, %mul3A_1881 : i32
      %multiple_of3A_1883 = tpu.assume_multiple %mul3A_1882, 16 : i32
      %get3A_1884 = arith.index_cast %multiple_of3A_1883 : i32 to index
      %get3A_1885 = tpu.vector_load %arg5[%get3A_1884] {strides = array<i32>} : memref<512xi32, #tpu.memory_space<vmem>>, vector<16xi32>,
      %and3A_1886 = arith.constant 127 : i32
      %and3A_1887 = vector.broadcast %and3A_1886 : i32 to vector<16xi32>
      %and3A_1888 = arith.andi %get3A_1885, %and3A_1887 : vector<16xi32>
      %dma_wait3A_1889 = arith.constant 0 : i32
      %dma_wait3A_1890 = arith.constant 0 : i32
      %dma_wait3A_1891 = arith.constant 0 : i32
      %dma_wait3A_1892 = arith.constant 0 : i32
      %dma_wait3A_1893 = arith.constant 0 : i32
      %dma_wait3A_1894 = tpu.memref_slice %arg6[%dma_wait3A_1889, %dma_wait3A_1890, %dma_wait3A_1891, %dma_wait3A_1892, %dma_wait3A_1893] : memref<2x16x2x8x128xf32, #tpu.memory_space<vmem>> -> memref<1x1x2x8x128xf32, #tpu.memory_space<vmem>>
      %dma_wait3A_1895 = tpu.memref_squeeze %dma_wait3A_1894 : memref<1x1x2x8x128xf32, #tpu.memory_space<vmem>> -> memref<2x8x128xf32, #tpu.memory_space<vmem>>
      %dma_wait3A_1896 = arith.constant 0 : i32
      %dma_wait3A_1897 = arith.constant 0 : i32
      %dma_wait3A_1898 = arith.constant 0 : i32
      %dma_wait3A_1899 = tpu.memref_slice %arg2[%dma_wait3A_1896, %dma_wait3A_1897, %dma_wait3A_1898] : memref<2x8x1000000xf32, #tpu.memory_space<hbm>> -> memref<2x8x128xf32, #tpu.memory_space<hbm>>
      %dma_wait3A_1900 = arith.constant 0 : i32
      %dma_wait3A_1901 = arith.constant 0 : i32
      %dma_wait3A_1902 = arith.constant 0 : i32
      %dma_wait3A_1903 = tpu.memref_slice %arg6[%dma_wait3A_1889, %dma_wait3A_1890, %dma_wait3A_1900, %dma_wait3A_1901, %dma_wait3A_1902] : memref<2x16x2x8x128xf32, #tpu.memory_space<vmem>> -> memref<1x1x2x8x128xf32, #tpu.memory_space<vmem>>
      %dma_wait3A_1904 = tpu.memref_squeeze %dma_wait3A_1903 : memref<1x1x2x8x128xf32, #tpu.memory_space<vmem>> -> memref<2x8x128xf32, #tpu.memory_space<vmem>>
      %dma_wait3A_1905 = arith.constant 0 : i32
      %dma_wait3A_1906 = arith.constant 0 : i32
      %dma_wait3A_1907 = arith.constant 0 : i32
      %dma_wait3A_1908 = tpu.memref_slice %arg2[%dma_wait3A_1905, %dma_wait3A_1906, %dma_wait3A_1907] : memref<2x8x1000000xf32, #tpu.memory_space<hbm>> -> memref<2x8x128xf32, #tpu.memory_space<hbm>>
      tpu.wait_dma2 semaphore(%arg8 : memref<!tpu.dma_semaphore, #tpu.memory_space<semaphore_mem>>) src(%dma_wait3A_1908 : memref<2x8x128xf32, #tpu.memory_space<hbm>>) dst(%dma_wait3A_1904 : memref<2x8x128xf32, #tpu.memory_space<vmem>>)
      %dma_wait3A_1909 = arith.constant 0 : i32
      %dma_wait3A_1910 = arith.constant 1 : i32
      %dma_wait3A_1911 = arith.constant 0 : i32
      %dma_wait3A_1912 = arith.constant 0 : i32
      %dma_wait3A_1913 = arith.constant 0 : i32
      %dma_wait3A_1914 = tpu.memref_slice %arg6[%dma_wait3A_1909, %dma_wait3A_1910, %dma_wait3A_1911, %dma_wait3A_1912, %dma_wait3A_1913] : memref<2x16x2x8x128xf32, #tpu.memory_space<vmem>> -> memref<1x1x2x8x128xf32, #tpu.memory_space<vmem>>
      %dma_wait3A_1915 = tpu.memref_squeeze %dma_wait3A_1914 : memref<1x1x2x8x128xf32, #tpu.memory_space<vmem>> -> memref<2x8x128xf32, #tpu.memory_space<vmem>>
      %dma_wait3A_1916 = arith.constant 0 : i32
      %dma_wait3A_1917 = arith.constant 0 : i32
      %dma_wait3A_1918 = arith.constant 0 : i32
      %dma_wait3A_1919 = tpu.memref_slice %arg2[%dma_wait3A_1916, %dma_wait3A_1917, %dma_wait3A_1918] : memref<2x8x1000000xf32, #tpu.memory_space<hbm>> -> memref<2x8x128xf32, #tpu.memory_space<hbm>>
      %dma_wait3A_1920 = arith.constant 0 : i32
      %dma_wait3A_1921 = arith.constant 0 : i32
      %dma_wait3A_1922 = arith.constant 0 : i32
      %dma_wait3A_1923 = tpu.memref_slice %arg6[%dma_wait3A_1909, %dma_wait3A_1910, %dma_wait3A_1920, %dma_wait3A_1921, %dma_wait3A_1922] : memref<2x16x2x8x128xf32, #tpu.memory_space<vmem>> -> memref<1x1x2x8x128xf32, #tpu.memory_space<vmem>>
      %dma_wait3A_1924 = tpu.memref_squeeze %dma_wait3A_1923 : memref<1x1x2x8x128xf32, #tpu.memory_space<vmem>> -> memref<2x8x128xf32, #tpu.memory_space<vmem>>
      %dma_wait3A_1925 = arith.constant 0 : i32
      %dma_wait3A_1926 = arith.constant 0 : i32
      %dma_wait3A_1927 = arith.constant 0 : i32
      %dma_wait3A_1928 = tpu.memref_slice %arg2[%dma_wait3A_1925, %dma_wait3A_1926, %dma_wait3A_1927] : memref<2x8x1000000xf32, #tpu.memory_space<hbm>> -> memref<2x8x128xf32, #tpu.memory_space<hbm>>
      tpu.wait_dma2 semaphore(%arg8 : memref<!tpu.dma_semaphore, #tpu.memory_space<semaphore_mem>>) src(%dma_wait3A_1928 : memref<2x8x128xf32, #tpu.memory_space<hbm>>) dst(%dma_wait3A_1924 : memref<2x8x128xf32, #tpu.memory_space<vmem>>)
      %dma_wait3A_1929 = arith.constant 0 : i32
      %dma_wait3A_1930 = arith.constant 2 : i32
      %dma_wait3A_1931 = arith.constant 0 : i32
      %dma_wait3A_1932 = arith.constant 0 : i32
      %dma_wait3A_1933 = arith.constant 0 : i32
      %dma_wait3A_1934 = tpu.memref_slice %arg6[%dma_wait3A_1929, %dma_wait3A_1930, %dma_wait3A_1931, %dma_wait3A_1932, %dma_wait3A_1933] : memref<2x16x2x8x128xf32, #tpu.memory_space<vmem>> -> memref<1x1x2x8x128xf32, #tpu.memory_space<vmem>>
      %dma_wait3A_1935 = tpu.memref_squeeze %dma_wait3A_1934 : memref<1x1x2x8x128xf32, #tpu.memory_space<vmem>> -> memref<2x8x128xf32, #tpu.memory_space<vmem>>
      %dma_wait3A_1936 = arith.constant 0 : i32
      %dma_wait3A_1937 = arith.constant 0 : i32
      %dma_wait3A_1938 = arith.constant 0 : i32
      %dma_wait3A_1939 = tpu.memref_slice %arg2[%dma_wait3A_1936, %dma_wait3A_1937, %dma_wait3A_1938] : memref<2x8x1000000xf32, #tpu.memory_space<hbm>> -> memref<2x8x128xf32, #tpu.memory_space<hbm>>
      %dma_wait3A_1940 = arith.constant 0 : i32
      %dma_wait3A_1941 = arith.constant 0 : i32
      %dma_wait3A_1942 = arith.constant 0 : i32
      %dma_wait3A_1943 = tpu.memref_slice %arg6[%dma_wait3A_1929, %dma_wait3A_1930, %dma_wait3A_1940, %dma_wait3A_1941, %dma_wait3A_1942] : memref<2x16x2x8x128xf32, #tpu.memory_space<vmem>> -> memref<1x1x2x8x128xf32, #tpu.memory_space<vmem>>
      %dma_wait3A_1944 = tpu.memref_squeeze %dma_wait3A_1943 : memref<1x1x2x8x128xf32, #tpu.memory_space<vmem>> -> memref<2x8x128xf32, #tpu.memory_space<vmem>>
      %dma_wait3A_1945 = arith.constant 0 : i32
      %dma_wait3A_1946 = arith.constant 0 : i32
      %dma_wait3A_1947 = arith.constant 0 : i32
      %dma_wait3A_1948 = tpu.memref_slice %arg2[%dma_wait3A_1945, %dma_wait3A_1946, %dma_wait3A_1947] : memref<2x8x1000000xf32, #tpu.memory_space<hbm>> -> memref<2x8x128xf32, #tpu.memory_space<hbm>>
      tpu.wait_dma2 semaphore(%arg8 : memref<!tpu.dma_semaphore, #tpu.memory_space<semaphore_mem>>) src(%dma_wait3A_1948 : memref<2x8x128xf32, #tpu.memory_space<hbm>>) dst(%dma_wait3A_1944 : memref<2x8x128xf32, #tpu.memory_space<vmem>>)
      %dma_wait3A_1949 = arith.constant 0 : i32
      %dma_wait3A_1950 = arith.constant 3 : i32
      %dma_wait3A_1951 = arith.constant 0 : i32
      %dma_wait3A_1952 = arith.constant 0 : i32
      %dma_wait3A_1953 = arith.constant 0 : i32
      %dma_wait3A_1954 = tpu.memref_slice %arg6[%dma_wait3A_1949, %dma_wait3A_1950, %dma_wait3A_1951, %dma_wait3A_1952, %dma_wait3A_1953] : memref<2x16x2x8x128xf32, #tpu.memory_space<vmem>> -> memref<1x1x2x8x128xf32, #tpu.memory_space<vmem>>
      %dma_wait3A_1955 = tpu.memref_squeeze %dma_wait3A_1954 : memref<1x1x2x8x128xf32, #tpu.memory_space<vmem>> -> memref<2x8x128xf32, #tpu.memory_space<vmem>>
      %dma_wait3A_1956 = arith.constant 0 : i32
      %dma_wait3A_1957 = arith.constant 0 : i32
      %dma_wait3A_1958 = arith.constant 0 : i32
      %dma_wait3A_1959 = tpu.memref_slice %arg2[%dma_wait3A_1956, %dma_wait3A_1957, %dma_wait3A_1958] : memref<2x8x1000000xf32, #tpu.memory_space<hbm>> -> memref<2x8x128xf32, #tpu.memory_space<hbm>>
      %dma_wait3A_1960 = arith.constant 0 : i32
      %dma_wait3A_1961 = arith.constant 0 : i32
      %dma_wait3A_1962 = arith.constant 0 : i32
      %dma_wait3A_1963 = tpu.memref_slice %arg6[%dma_wait3A_1949, %dma_wait3A_1950, %dma_wait3A_1960, %dma_wait3A_1961, %dma_wait3A_1962] : memref<2x16x2x8x128xf32, #tpu.memory_space<vmem>> -> memref<1x1x2x8x128xf32, #tpu.memory_space<vmem>>
      %dma_wait3A_1964 = tpu.memref_squeeze %dma_wait3A_1963 : memref<1x1x2x8x128xf32, #tpu.memory_space<vmem>> -> memref<2x8x128xf32, #tpu.memory_space<vmem>>
      %dma_wait3A_1965 = arith.constant 0 : i32
      %dma_wait3A_1966 = arith.constant 0 : i32
      %dma_wait3A_1967 = arith.constant 0 : i32
      %dma_wait3A_1968 = tpu.memref_slice %arg2[%dma_wait3A_1965, %dma_wait3A_1966, %dma_wait3A_1967] : memref<2x8x1000000xf32, #tpu.memory_space<hbm>> -> memref<2x8x128xf32, #tpu.memory_space<hbm>>
      tpu.wait_dma2 semaphore(%arg8 : memref<!tpu.dma_semaphore, #tpu.memory_space<semaphore_mem>>) src(%dma_wait3A_1968 : memref<2x8x128xf32, #tpu.memory_space<hbm>>) dst(%dma_wait3A_1964 : memref<2x8x128xf32, #tpu.memory_space<vmem>>)
      %dma_wait3A_1969 = arith.constant 0 : i32
      %dma_wait3A_1970 = arith.constant 4 : i32
      %dma_wait3A_1971 = arith.constant 0 : i32
      %dma_wait3A_1972 = arith.constant 0 : i32
      %dma_wait3A_1973 = arith.constant 0 : i32
      %dma_wait3A_1974 = tpu.memref_slice %arg6[%dma_wait3A_1969, %dma_wait3A_1970, %dma_wait3A_1971, %dma_wait3A_1972, %dma_wait3A_1973] : memref<2x16x2x8x128xf32, #tpu.memory_space<vmem>> -> memref<1x1x2x8x128xf32, #tpu.memory_space<vmem>>
      %dma_wait3A_1975 = tpu.memref_squeeze %dma_wait3A_1974 : memref<1x1x2x8x128xf32, #tpu.memory_space<vmem>> -> memref<2x8x128xf32, #tpu.memory_space<vmem>>
      %dma_wait3A_1976 = arith.constant 0 : i32
      %dma_wait3A_1977 = arith.constant 0 : i32
      %dma_wait3A_1978 = arith.constant 0 : i32
      %dma_wait3A_1979 = tpu.memref_slice %arg2[%dma_wait3A_1976, %dma_wait3A_1977, %dma_wait3A_1978] : memref<2x8x1000000xf32, #tpu.memory_space<hbm>> -> memref<2x8x128xf32, #tpu.memory_space<hbm>>
      %dma_wait3A_1980 = arith.constant 0 : i32
      %dma_wait3A_1981 = arith.constant 0 : i32
      %dma_wait3A_1982 = arith.constant 0 : i32
      %dma_wait3A_1983 = tpu.memref_slice %arg6[%dma_wait3A_1969, %dma_wait3A_1970, %dma_wait3A_1980, %dma_wait3A_1981, %dma_wait3A_1982] : memref<2x16x2x8x128xf32, #tpu.memory_space<vmem>> -> memref<1x1x2x8x128xf32, #tpu.memory_space<vmem>>
      %dma_wait3A_1984 = tpu.memref_squeeze %dma_wait3A_1983 : memref<1x1x2x8x128xf32, #tpu.memory_space<vmem>> -> memref<2x8x128xf32, #tpu.memory_space<vmem>>
      %dma_wait3A_1985 = arith.constant 0 : i32
      %dma_wait3A_1986 = arith.constant 0 : i32
      %dma_wait3A_1987 = arith.constant 0 : i32
      %dma_wait3A_1988 = tpu.memref_slice %arg2[%dma_wait3A_1985, %dma_wait3A_1986, %dma_wait3A_1987] : memref<2x8x1000000xf32, #tpu.memory_space<hbm>> -> memref<2x8x128xf32, #tpu.memory_space<hbm>>
      tpu.wait_dma2 semaphore(%arg8 : memref<!tpu.dma_semaphore, #tpu.memory_space<semaphore_mem>>) src(%dma_wait3A_1988 : memref<2x8x128xf32, #tpu.memory_space<hbm>>) dst(%dma_wait3A_1984 : memref<2x8x128xf32, #tpu.memory_space<vmem>>)
      %dma_wait3A_1989 = arith.constant 0 : i32
      %dma_wait3A_1990 = arith.constant 5 : i32
      %dma_wait3A_1991 = arith.constant 0 : i32
      %dma_wait3A_1992 = arith.constant 0 : i32
      %dma_wait3A_1993 = arith.constant 0 : i32
      %dma_wait3A_1994 = tpu.memref_slice %arg6[%dma_wait3A_1989, %dma_wait3A_1990, %dma_wait3A_1991, %dma_wait3A_1992, %dma_wait3A_1993] : memref<2x16x2x8x128xf32, #tpu.memory_space<vmem>> -> memref<1x1x2x8x128xf32, #tpu.memory_space<vmem>>
      %dma_wait3A_1995 = tpu.memref_squeeze %dma_wait3A_1994 : memref<1x1x2x8x128xf32, #tpu.memory_space<vmem>> -> memref<2x8x128xf32, #tpu.memory_space<vmem>>
      %dma_wait3A_1996 = arith.constant 0 : i32
      %dma_wait3A_1997 = arith.constant 0 : i32
      %dma_wait3A_1998 = arith.constant 0 : i32
      %dma_wait3A_1999 = tpu.memref_slice %arg2[%dma_wait3A_1996, %dma_wait3A_1997, %dma_wait3A_1998] : memref<2x8x1000000xf32, #tpu.memory_space<hbm>> -> memref<2x8x128xf32, #tpu.memory_space<hbm>>
      %dma_wait3A_2000 = arith.constant 0 : i32
      %dma_wait3A_2001 = arith.constant 0 : i32
      %dma_wait3A_2002 = arith.constant 0 : i32
      %dma_wait3A_2003 = tpu.memref_slice %arg6[%dma_wait3A_1989, %dma_wait3A_1990, %dma_wait3A_2000, %dma_wait3A_2001, %dma_wait3A_2002] : memref<2x16x2x8x128xf32, #tpu.memory_space<vmem>> -> memref<1x1x2x8x128xf32, #tpu.memory_space<vmem>>
      %dma_wait3A_2004 = tpu.memref_squeeze %dma_wait3A_2003 : memref<1x1x2x8x128xf32, #tpu.memory_space<vmem>> -> memref<2x8x128xf32, #tpu.memory_space<vmem>>
      %dma_wait3A_2005 = arith.constant 0 : i32
      %dma_wait3A_2006 = arith.constant 0 : i32
      %dma_wait3A_2007 = arith.constant 0 : i32
      %dma_wait3A_2008 = tpu.memref_slice %arg2[%dma_wait3A_2005, %dma_wait3A_2006, %dma_wait3A_2007] : memref<2x8x1000000xf32, #tpu.memory_space<hbm>> -> memref<2x8x128xf32, #tpu.memory_space<hbm>>
      tpu.wait_dma2 semaphore(%arg8 : memref<!tpu.dma_semaphore, #tpu.memory_space<semaphore_mem>>) src(%dma_wait3A_2008 : memref<2x8x128xf32, #tpu.memory_space<hbm>>) dst(%dma_wait3A_2004 : memref<2x8x128xf32, #tpu.memory_space<vmem>>)
      %dma_wait3A_2009 = arith.constant 0 : i32
      %dma_wait3A_2010 = arith.constant 6 : i32
      %dma_wait3A_2011 = arith.constant 0 : i32
      %dma_wait3A_2012 = arith.constant 0 : i32
      %dma_wait3A_2013 = arith.constant 0 : i32
      %dma_wait3A_2014 = tpu.memref_slice %arg6[%dma_wait3A_2009, %dma_wait3A_2010, %dma_wait3A_2011, %dma_wait3A_2012, %dma_wait3A_2013] : memref<2x16x2x8x128xf32, #tpu.memory_space<vmem>> -> memref<1x1x2x8x128xf32, #tpu.memory_space<vmem>>
      %dma_wait3A_2015 = tpu.memref_squeeze %dma_wait3A_2014 : memref<1x1x2x8x128xf32, #tpu.memory_space<vmem>> -> memref<2x8x128xf32, #tpu.memory_space<vmem>>
      %dma_wait3A_2016 = arith.constant 0 : i32
      %dma_wait3A_2017 = arith.constant 0 : i32
      %dma_wait3A_2018 = arith.constant 0 : i32
      %dma_wait3A_2019 = tpu.memref_slice %arg2[%dma_wait3A_2016, %dma_wait3A_2017, %dma_wait3A_2018] : memref<2x8x1000000xf32, #tpu.memory_space<hbm>> -> memref<2x8x128xf32, #tpu.memory_space<hbm>>
      %dma_wait3A_2020 = arith.constant 0 : i32
      %dma_wait3A_2021 = arith.constant 0 : i32
      %dma_wait3A_2022 = arith.constant 0 : i32
      %dma_wait3A_2023 = tpu.memref_slice %arg6[%dma_wait3A_2009, %dma_wait3A_2010, %dma_wait3A_2020, %dma_wait3A_2021, %dma_wait3A_2022] : memref<2x16x2x8x128xf32, #tpu.memory_space<vmem>> -> memref<1x1x2x8x128xf32, #tpu.memory_space<vmem>>
      %dma_wait3A_2024 = tpu.memref_squeeze %dma_wait3A_2023 : memref<1x1x2x8x128xf32, #tpu.memory_space<vmem>> -> memref<2x8x128xf32, #tpu.memory_space<vmem>>
      %dma_wait3A_2025 = arith.constant 0 : i32
      %dma_wait3A_2026 = arith.constant 0 : i32
      %dma_wait3A_2027 = arith.constant 0 : i32
      %dma_wait3A_2028 = tpu.memref_slice %arg2[%dma_wait3A_2025, %dma_wait3A_2026, %dma_wait3A_2027] : memref<2x8x1000000xf32, #tpu.memory_space<hbm>> -> memref<2x8x128xf32, #tpu.memory_space<hbm>>
      tpu.wait_dma2 semaphore(%arg8 : memref<!tpu.dma_semaphore, #tpu.memory_space<semaphore_mem>>) src(%dma_wait3A_2028 : memref<2x8x128xf32, #tpu.memory_space<hbm>>) dst(%dma_wait3A_2024 : memref<2x8x128xf32, #tpu.memory_space<vmem>>)
      %dma_wait3A_2029 = arith.constant 0 : i32
      %dma_wait3A_2030 = arith.constant 7 : i32
      %dma_wait3A_2031 = arith.constant 0 : i32
      %dma_wait3A_2032 = arith.constant 0 : i32
      %dma_wait3A_2033 = arith.constant 0 : i32
      %dma_wait3A_2034 = tpu.memref_slice %arg6[%dma_wait3A_2029, %dma_wait3A_2030, %dma_wait3A_2031, %dma_wait3A_2032, %dma_wait3A_2033] : memref<2x16x2x8x128xf32, #tpu.memory_space<vmem>> -> memref<1x1x2x8x128xf32, #tpu.memory_space<vmem>>
      %dma_wait3A_2035 = tpu.memref_squeeze %dma_wait3A_2034 : memref<1x1x2x8x128xf32, #tpu.memory_space<vmem>> -> memref<2x8x128xf32, #tpu.memory_space<vmem>>
      %dma_wait3A_2036 = arith.constant 0 : i32
      %dma_wait3A_2037 = arith.constant 0 : i32
      %dma_wait3A_2038 = arith.constant 0 : i32
      %dma_wait3A_2039 = tpu.memref_slice %arg2[%dma_wait3A_2036, %dma_wait3A_2037, %dma_wait3A_2038] : memref<2x8x1000000xf32, #tpu.memory_space<hbm>> -> memref<2x8x128xf32, #tpu.memory_space<hbm>>
      %dma_wait3A_2040 = arith.constant 0 : i32
      %dma_wait3A_2041 = arith.constant 0 : i32
      %dma_wait3A_2042 = arith.constant 0 : i32
      %dma_wait3A_2043 = tpu.memref_slice %arg6[%dma_wait3A_2029, %dma_wait3A_2030, %dma_wait3A_2040, %dma_wait3A_2041, %dma_wait3A_2042] : memref<2x16x2x8x128xf32, #tpu.memory_space<vmem>> -> memref<1x1x2x8x128xf32, #tpu.memory_space<vmem>>
      %dma_wait3A_2044 = tpu.memref_squeeze %dma_wait3A_2043 : memref<1x1x2x8x128xf32, #tpu.memory_space<vmem>> -> memref<2x8x128xf32, #tpu.memory_space<vmem>>
      %dma_wait3A_2045 = arith.constant 0 : i32
      %dma_wait3A_2046 = arith.constant 0 : i32
      %dma_wait3A_2047 = arith.constant 0 : i32
      %dma_wait3A_2048 = tpu.memref_slice %arg2[%dma_wait3A_2045, %dma_wait3A_2046, %dma_wait3A_2047] : memref<2x8x1000000xf32, #tpu.memory_space<hbm>> -> memref<2x8x128xf32, #tpu.memory_space<hbm>>
      tpu.wait_dma2 semaphore(%arg8 : memref<!tpu.dma_semaphore, #tpu.memory_space<semaphore_mem>>) src(%dma_wait3A_2048 : memref<2x8x128xf32, #tpu.memory_space<hbm>>) dst(%dma_wait3A_2044 : memref<2x8x128xf32, #tpu.memory_space<vmem>>)
      %dma_wait3A_2049 = arith.constant 0 : i32
      %dma_wait3A_2050 = arith.constant 8 : i32
      %dma_wait3A_2051 = arith.constant 0 : i32
      %dma_wait3A_2052 = arith.constant 0 : i32
      %dma_wait3A_2053 = arith.constant 0 : i32
      %dma_wait3A_2054 = tpu.memref_slice %arg6[%dma_wait3A_2049, %dma_wait3A_2050, %dma_wait3A_2051, %dma_wait3A_2052, %dma_wait3A_2053] : memref<2x16x2x8x128xf32, #tpu.memory_space<vmem>> -> memref<1x1x2x8x128xf32, #tpu.memory_space<vmem>>
      %dma_wait3A_2055 = tpu.memref_squeeze %dma_wait3A_2054 : memref<1x1x2x8x128xf32, #tpu.memory_space<vmem>> -> memref<2x8x128xf32, #tpu.memory_space<vmem>>
      %dma_wait3A_2056 = arith.constant 0 : i32
      %dma_wait3A_2057 = arith.constant 0 : i32
      %dma_wait3A_2058 = arith.constant 0 : i32
      %dma_wait3A_2059 = tpu.memref_slice %arg2[%dma_wait3A_2056, %dma_wait3A_2057, %dma_wait3A_2058] : memref<2x8x1000000xf32, #tpu.memory_space<hbm>> -> memref<2x8x128xf32, #tpu.memory_space<hbm>>
      %dma_wait3A_2060 = arith.constant 0 : i32
      %dma_wait3A_2061 = arith.constant 0 : i32
      %dma_wait3A_2062 = arith.constant 0 : i32
      %dma_wait3A_2063 = tpu.memref_slice %arg6[%dma_wait3A_2049, %dma_wait3A_2050, %dma_wait3A_2060, %dma_wait3A_2061, %dma_wait3A_2062] : memref<2x16x2x8x128xf32, #tpu.memory_space<vmem>> -> memref<1x1x2x8x128xf32, #tpu.memory_space<vmem>>
      %dma_wait3A_2064 = tpu.memref_squeeze %dma_wait3A_2063 : memref<1x1x2x8x128xf32, #tpu.memory_space<vmem>> -> memref<2x8x128xf32, #tpu.memory_space<vmem>>
      %dma_wait3A_2065 = arith.constant 0 : i32
      %dma_wait3A_2066 = arith.constant 0 : i32
      %dma_wait3A_2067 = arith.constant 0 : i32
      %dma_wait3A_2068 = tpu.memref_slice %arg2[%dma_wait3A_2065, %dma_wait3A_2066, %dma_wait3A_2067] : memref<2x8x1000000xf32, #tpu.memory_space<hbm>> -> memref<2x8x128xf32, #tpu.memory_space<hbm>>
      tpu.wait_dma2 semaphore(%arg8 : memref<!tpu.dma_semaphore, #tpu.memory_space<semaphore_mem>>) src(%dma_wait3A_2068 : memref<2x8x128xf32, #tpu.memory_space<hbm>>) dst(%dma_wait3A_2064 : memref<2x8x128xf32, #tpu.memory_space<vmem>>)
      %dma_wait3A_2069 = arith.constant 0 : i32
      %dma_wait3A_2070 = arith.constant 9 : i32
      %dma_wait3A_2071 = arith.constant 0 : i32
      %dma_wait3A_2072 = arith.constant 0 : i32
      %dma_wait3A_2073 = arith.constant 0 : i32
      %dma_wait3A_2074 = tpu.memref_slice %arg6[%dma_wait3A_2069, %dma_wait3A_2070, %dma_wait3A_2071, %dma_wait3A_2072, %dma_wait3A_2073] : memref<2x16x2x8x128xf32, #tpu.memory_space<vmem>> -> memref<1x1x2x8x128xf32, #tpu.memory_space<vmem>>
      %dma_wait3A_2075 = tpu.memref_squeeze %dma_wait3A_2074 : memref<1x1x2x8x128xf32, #tpu.memory_space<vmem>> -> memref<2x8x128xf32, #tpu.memory_space<vmem>>
      %dma_wait3A_2076 = arith.constant 0 : i32
      %dma_wait3A_2077 = arith.constant 0 : i32
      %dma_wait3A_2078 = arith.constant 0 : i32
      %dma_wait3A_2079 = tpu.memref_slice %arg2[%dma_wait3A_2076, %dma_wait3A_2077, %dma_wait3A_2078] : memref<2x8x1000000xf32, #tpu.memory_space<hbm>> -> memref<2x8x128xf32, #tpu.memory_space<hbm>>
      %dma_wait3A_2080 = arith.constant 0 : i32
      %dma_wait3A_2081 = arith.constant 0 : i32
      %dma_wait3A_2082 = arith.constant 0 : i32
      %dma_wait3A_2083 = tpu.memref_slice %arg6[%dma_wait3A_2069, %dma_wait3A_2070, %dma_wait3A_2080, %dma_wait3A_2081, %dma_wait3A_2082] : memref<2x16x2x8x128xf32, #tpu.memory_space<vmem>> -> memref<1x1x2x8x128xf32, #tpu.memory_space<vmem>>
      %dma_wait3A_2084 = tpu.memref_squeeze %dma_wait3A_2083 : memref<1x1x2x8x128xf32, #tpu.memory_space<vmem>> -> memref<2x8x128xf32, #tpu.memory_space<vmem>>
      %dma_wait3A_2085 = arith.constant 0 : i32
      %dma_wait3A_2086 = arith.constant 0 : i32
      %dma_wait3A_2087 = arith.constant 0 : i32
      %dma_wait3A_2088 = tpu.memref_slice %arg2[%dma_wait3A_2085, %dma_wait3A_2086, %dma_wait3A_2087] : memref<2x8x1000000xf32, #tpu.memory_space<hbm>> -> memref<2x8x128xf32, #tpu.memory_space<hbm>>
      tpu.wait_dma2 semaphore(%arg8 : memref<!tpu.dma_semaphore, #tpu.memory_space<semaphore_mem>>) src(%dma_wait3A_2088 : memref<2x8x128xf32, #tpu.memory_space<hbm>>) dst(%dma_wait3A_2084 : memref<2x8x128xf32, #tpu.memory_space<vmem>>)
      %dma_wait3A_2089 = arith.constant 0 : i32
      %dma_wait3A_2090 = arith.constant 10 : i32
      %dma_wait3A_2091 = arith.constant 0 : i32
      %dma_wait3A_2092 = arith.constant 0 : i32
      %dma_wait3A_2093 = arith.constant 0 : i32
      %dma_wait3A_2094 = tpu.memref_slice %arg6[%dma_wait3A_2089, %dma_wait3A_2090, %dma_wait3A_2091, %dma_wait3A_2092, %dma_wait3A_2093] : memref<2x16x2x8x128xf32, #tpu.memory_space<vmem>> -> memref<1x1x2x8x128xf32, #tpu.memory_space<vmem>>
      %dma_wait3A_2095 = tpu.memref_squeeze %dma_wait3A_2094 : memref<1x1x2x8x128xf32, #tpu.memory_space<vmem>> -> memref<2x8x128xf32, #tpu.memory_space<vmem>>
      %dma_wait3A_2096 = arith.constant 0 : i32
      %dma_wait3A_2097 = arith.constant 0 : i32
      %dma_wait3A_2098 = arith.constant 0 : i32
      %dma_wait3A_2099 = tpu.memref_slice %arg2[%dma_wait3A_2096, %dma_wait3A_2097, %dma_wait3A_2098] : memref<2x8x1000000xf32, #tpu.memory_space<hbm>> -> memref<2x8x128xf32, #tpu.memory_space<hbm>>
      %dma_wait3A_2100 = arith.constant 0 : i32
      %dma_wait3A_2101 = arith.constant 0 : i32
      %dma_wait3A_2102 = arith.constant 0 : i32
      %dma_wait3A_2103 = tpu.memref_slice %arg6[%dma_wait3A_2089, %dma_wait3A_2090, %dma_wait3A_2100, %dma_wait3A_2101, %dma_wait3A_2102] : memref<2x16x2x8x128xf32, #tpu.memory_space<vmem>> -> memref<1x1x2x8x128xf32, #tpu.memory_space<vmem>>
      %dma_wait3A_2104 = tpu.memref_squeeze %dma_wait3A_2103 : memref<1x1x2x8x128xf32, #tpu.memory_space<vmem>> -> memref<2x8x128xf32, #tpu.memory_space<vmem>>
      %dma_wait3A_2105 = arith.constant 0 : i32
      %dma_wait3A_2106 = arith.constant 0 : i32
      %dma_wait3A_2107 = arith.constant 0 : i32
      %dma_wait3A_2108 = tpu.memref_slice %arg2[%dma_wait3A_2105, %dma_wait3A_2106, %dma_wait3A_2107] : memref<2x8x1000000xf32, #tpu.memory_space<hbm>> -> memref<2x8x128xf32, #tpu.memory_space<hbm>>
      tpu.wait_dma2 semaphore(%arg8 : memref<!tpu.dma_semaphore, #tpu.memory_space<semaphore_mem>>) src(%dma_wait3A_2108 : memref<2x8x128xf32, #tpu.memory_space<hbm>>) dst(%dma_wait3A_2104 : memref<2x8x128xf32, #tpu.memory_space<vmem>>)
      %dma_wait3A_2109 = arith.constant 0 : i32
      %dma_wait3A_2110 = arith.constant 11 : i32
      %dma_wait3A_2111 = arith.constant 0 : i32
      %dma_wait3A_2112 = arith.constant 0 : i32
      %dma_wait3A_2113 = arith.constant 0 : i32
      %dma_wait3A_2114 = tpu.memref_slice %arg6[%dma_wait3A_2109, %dma_wait3A_2110, %dma_wait3A_2111, %dma_wait3A_2112, %dma_wait3A_2113] : memref<2x16x2x8x128xf32, #tpu.memory_space<vmem>> -> memref<1x1x2x8x128xf32, #tpu.memory_space<vmem>>
      %dma_wait3A_2115 = tpu.memref_squeeze %dma_wait3A_2114 : memref<1x1x2x8x128xf32, #tpu.memory_space<vmem>> -> memref<2x8x128xf32, #tpu.memory_space<vmem>>
      %dma_wait3A_2116 = arith.constant 0 : i32
      %dma_wait3A_2117 = arith.constant 0 : i32
      %dma_wait3A_2118 = arith.constant 0 : i32
      %dma_wait3A_2119 = tpu.memref_slice %arg2[%dma_wait3A_2116, %dma_wait3A_2117, %dma_wait3A_2118] : memref<2x8x1000000xf32, #tpu.memory_space<hbm>> -> memref<2x8x128xf32, #tpu.memory_space<hbm>>
      %dma_wait3A_2120 = arith.constant 0 : i32
      %dma_wait3A_2121 = arith.constant 0 : i32
      %dma_wait3A_2122 = arith.constant 0 : i32
      %dma_wait3A_2123 = tpu.memref_slice %arg6[%dma_wait3A_2109, %dma_wait3A_2110, %dma_wait3A_2120, %dma_wait3A_2121, %dma_wait3A_2122] : memref<2x16x2x8x128xf32, #tpu.memory_space<vmem>> -> memref<1x1x2x8x128xf32, #tpu.memory_space<vmem>>
      %dma_wait3A_2124 = tpu.memref_squeeze %dma_wait3A_2123 : memref<1x1x2x8x128xf32, #tpu.memory_space<vmem>> -> memref<2x8x128xf32, #tpu.memory_space<vmem>>
      %dma_wait3A_2125 = arith.constant 0 : i32
      %dma_wait3A_2126 = arith.constant 0 : i32
      %dma_wait3A_2127 = arith.constant 0 : i32
      %dma_wait3A_2128 = tpu.memref_slice %arg2[%dma_wait3A_2125, %dma_wait3A_2126, %dma_wait3A_2127] : memref<2x8x1000000xf32, #tpu.memory_space<hbm>> -> memref<2x8x128xf32, #tpu.memory_space<hbm>>
      tpu.wait_dma2 semaphore(%arg8 : memref<!tpu.dma_semaphore, #tpu.memory_space<semaphore_mem>>) src(%dma_wait3A_2128 : memref<2x8x128xf32, #tpu.memory_space<hbm>>) dst(%dma_wait3A_2124 : memref<2x8x128xf32, #tpu.memory_space<vmem>>)
      %dma_wait3A_2129 = arith.constant 0 : i32
      %dma_wait3A_2130 = arith.constant 12 : i32
      %dma_wait3A_2131 = arith.constant 0 : i32
      %dma_wait3A_2132 = arith.constant 0 : i32
      %dma_wait3A_2133 = arith.constant 0 : i32
      %dma_wait3A_2134 = tpu.memref_slice %arg6[%dma_wait3A_2129, %dma_wait3A_2130, %dma_wait3A_2131, %dma_wait3A_2132, %dma_wait3A_2133] : memref<2x16x2x8x128xf32, #tpu.memory_space<vmem>> -> memref<1x1x2x8x128xf32, #tpu.memory_space<vmem>>
      %dma_wait3A_2135 = tpu.memref_squeeze %dma_wait3A_2134 : memref<1x1x2x8x128xf32, #tpu.memory_space<vmem>> -> memref<2x8x128xf32, #tpu.memory_space<vmem>>
      %dma_wait3A_2136 = arith.constant 0 : i32
      %dma_wait3A_2137 = arith.constant 0 : i32
      %dma_wait3A_2138 = arith.constant 0 : i32
      %dma_wait3A_2139 = tpu.memref_slice %arg2[%dma_wait3A_2136, %dma_wait3A_2137, %dma_wait3A_2138] : memref<2x8x1000000xf32, #tpu.memory_space<hbm>> -> memref<2x8x128xf32, #tpu.memory_space<hbm>>
      %dma_wait3A_2140 = arith.constant 0 : i32
      %dma_wait3A_2141 = arith.constant 0 : i32
      %dma_wait3A_2142 = arith.constant 0 : i32
      %dma_wait3A_2143 = tpu.memref_slice %arg6[%dma_wait3A_2129, %dma_wait3A_2130, %dma_wait3A_2140, %dma_wait3A_2141, %dma_wait3A_2142] : memref<2x16x2x8x128xf32, #tpu.memory_space<vmem>> -> memref<1x1x2x8x128xf32, #tpu.memory_space<vmem>>
      %dma_wait3A_2144 = tpu.memref_squeeze %dma_wait3A_2143 : memref<1x1x2x8x128xf32, #tpu.memory_space<vmem>> -> memref<2x8x128xf32, #tpu.memory_space<vmem>>
      %dma_wait3A_2145 = arith.constant 0 : i32
      %dma_wait3A_2146 = arith.constant 0 : i32
      %dma_wait3A_2147 = arith.constant 0 : i32
      %dma_wait3A_2148 = tpu.memref_slice %arg2[%dma_wait3A_2145, %dma_wait3A_2146, %dma_wait3A_2147] : memref<2x8x1000000xf32, #tpu.memory_space<hbm>> -> memref<2x8x128xf32, #tpu.memory_space<hbm>>
      tpu.wait_dma2 semaphore(%arg8 : memref<!tpu.dma_semaphore, #tpu.memory_space<semaphore_mem>>) src(%dma_wait3A_2148 : memref<2x8x128xf32, #tpu.memory_space<hbm>>) dst(%dma_wait3A_2144 : memref<2x8x128xf32, #tpu.memory_space<vmem>>)
      %dma_wait3A_2149 = arith.constant 0 : i32
      %dma_wait3A_2150 = arith.constant 13 : i32
      %dma_wait3A_2151 = arith.constant 0 : i32
      %dma_wait3A_2152 = arith.constant 0 : i32
      %dma_wait3A_2153 = arith.constant 0 : i32
      %dma_wait3A_2154 = tpu.memref_slice %arg6[%dma_wait3A_2149, %dma_wait3A_2150, %dma_wait3A_2151, %dma_wait3A_2152, %dma_wait3A_2153] : memref<2x16x2x8x128xf32, #tpu.memory_space<vmem>> -> memref<1x1x2x8x128xf32, #tpu.memory_space<vmem>>
      %dma_wait3A_2155 = tpu.memref_squeeze %dma_wait3A_2154 : memref<1x1x2x8x128xf32, #tpu.memory_space<vmem>> -> memref<2x8x128xf32, #tpu.memory_space<vmem>>
      %dma_wait3A_2156 = arith.constant 0 : i32
      %dma_wait3A_2157 = arith.constant 0 : i32
      %dma_wait3A_2158 = arith.constant 0 : i32
      %dma_wait3A_2159 = tpu.memref_slice %arg2[%dma_wait3A_2156, %dma_wait3A_2157, %dma_wait3A_2158] : memref<2x8x1000000xf32, #tpu.memory_space<hbm>> -> memref<2x8x128xf32, #tpu.memory_space<hbm>>
      %dma_wait3A_2160 = arith.constant 0 : i32
      %dma_wait3A_2161 = arith.constant 0 : i32
      %dma_wait3A_2162 = arith.constant 0 : i32
      %dma_wait3A_2163 = tpu.memref_slice %arg6[%dma_wait3A_2149, %dma_wait3A_2150, %dma_wait3A_2160, %dma_wait3A_2161, %dma_wait3A_2162] : memref<2x16x2x8x128xf32, #tpu.memory_space<vmem>> -> memref<1x1x2x8x128xf32, #tpu.memory_space<vmem>>
      %dma_wait3A_2164 = tpu.memref_squeeze %dma_wait3A_2163 : memref<1x1x2x8x128xf32, #tpu.memory_space<vmem>> -> memref<2x8x128xf32, #tpu.memory_space<vmem>>
      %dma_wait3A_2165 = arith.constant 0 : i32
      %dma_wait3A_2166 = arith.constant 0 : i32
      %dma_wait3A_2167 = arith.constant 0 : i32
      %dma_wait3A_2168 = tpu.memref_slice %arg2[%dma_wait3A_2165, %dma_wait3A_2166, %dma_wait3A_2167] : memref<2x8x1000000xf32, #tpu.memory_space<hbm>> -> memref<2x8x128xf32, #tpu.memory_space<hbm>>
      tpu.wait_dma2 semaphore(%arg8 : memref<!tpu.dma_semaphore, #tpu.memory_space<semaphore_mem>>) src(%dma_wait3A_2168 : memref<2x8x128xf32, #tpu.memory_space<hbm>>) dst(%dma_wait3A_2164 : memref<2x8x128xf32, #tpu.memory_space<vmem>>)
      %dma_wait3A_2169 = arith.constant 0 : i32
      %dma_wait3A_2170 = arith.constant 14 : i32
      %dma_wait3A_2171 = arith.constant 0 : i32
      %dma_wait3A_2172 = arith.constant 0 : i32
      %dma_wait3A_2173 = arith.constant 0 : i32
      %dma_wait3A_2174 = tpu.memref_slice %arg6[%dma_wait3A_2169, %dma_wait3A_2170, %dma_wait3A_2171, %dma_wait3A_2172, %dma_wait3A_2173] : memref<2x16x2x8x128xf32, #tpu.memory_space<vmem>> -> memref<1x1x2x8x128xf32, #tpu.memory_space<vmem>>
      %dma_wait3A_2175 = tpu.memref_squeeze %dma_wait3A_2174 : memref<1x1x2x8x128xf32, #tpu.memory_space<vmem>> -> memref<2x8x128xf32, #tpu.memory_space<vmem>>
      %dma_wait3A_2176 = arith.constant 0 : i32
      %dma_wait3A_2177 = arith.constant 0 : i32
      %dma_wait3A_2178 = arith.constant 0 : i32
      %dma_wait3A_2179 = tpu.memref_slice %arg2[%dma_wait3A_2176, %dma_wait3A_2177, %dma_wait3A_2178] : memref<2x8x1000000xf32, #tpu.memory_space<hbm>> -> memref<2x8x128xf32, #tpu.memory_space<hbm>>
      %dma_wait3A_2180 = arith.constant 0 : i32
      %dma_wait3A_2181 = arith.constant 0 : i32
      %dma_wait3A_2182 = arith.constant 0 : i32
      %dma_wait3A_2183 = tpu.memref_slice %arg6[%dma_wait3A_2169, %dma_wait3A_2170, %dma_wait3A_2180, %dma_wait3A_2181, %dma_wait3A_2182] : memref<2x16x2x8x128xf32, #tpu.memory_space<vmem>> -> memref<1x1x2x8x128xf32, #tpu.memory_space<vmem>>
      %dma_wait3A_2184 = tpu.memref_squeeze %dma_wait3A_2183 : memref<1x1x2x8x128xf32, #tpu.memory_space<vmem>> -> memref<2x8x128xf32, #tpu.memory_space<vmem>>
      %dma_wait3A_2185 = arith.constant 0 : i32
      %dma_wait3A_2186 = arith.constant 0 : i32
      %dma_wait3A_2187 = arith.constant 0 : i32
      %dma_wait3A_2188 = tpu.memref_slice %arg2[%dma_wait3A_2185, %dma_wait3A_2186, %dma_wait3A_2187] : memref<2x8x1000000xf32, #tpu.memory_space<hbm>> -> memref<2x8x128xf32, #tpu.memory_space<hbm>>
      tpu.wait_dma2 semaphore(%arg8 : memref<!tpu.dma_semaphore, #tpu.memory_space<semaphore_mem>>) src(%dma_wait3A_2188 : memref<2x8x128xf32, #tpu.memory_space<hbm>>) dst(%dma_wait3A_2184 : memref<2x8x128xf32, #tpu.memory_space<vmem>>)
      %dma_wait3A_2189 = arith.constant 0 : i32
      %dma_wait3A_2190 = arith.constant 15 : i32
      %dma_wait3A_2191 = arith.constant 0 : i32
      %dma_wait3A_2192 = arith.constant 0 : i32
      %dma_wait3A_2193 = arith.constant 0 : i32
      %dma_wait3A_2194 = tpu.memref_slice %arg6[%dma_wait3A_2189, %dma_wait3A_2190, %dma_wait3A_2191, %dma_wait3A_2192, %dma_wait3A_2193] : memref<2x16x2x8x128xf32, #tpu.memory_space<vmem>> -> memref<1x1x2x8x128xf32, #tpu.memory_space<vmem>>
      %dma_wait3A_2195 = tpu.memref_squeeze %dma_wait3A_2194 : memref<1x1x2x8x128xf32, #tpu.memory_space<vmem>> -> memref<2x8x128xf32, #tpu.memory_space<vmem>>
      %dma_wait3A_2196 = arith.constant 0 : i32
      %dma_wait3A_2197 = arith.constant 0 : i32
      %dma_wait3A_2198 = arith.constant 0 : i32
      %dma_wait3A_2199 = tpu.memref_slice %arg2[%dma_wait3A_2196, %dma_wait3A_2197, %dma_wait3A_2198] : memref<2x8x1000000xf32, #tpu.memory_space<hbm>> -> memref<2x8x128xf32, #tpu.memory_space<hbm>>
      %dma_wait3A_2200 = arith.constant 0 : i32
      %dma_wait3A_2201 = arith.constant 0 : i32
      %dma_wait3A_2202 = arith.constant 0 : i32
      %dma_wait3A_2203 = tpu.memref_slice %arg6[%dma_wait3A_2189, %dma_wait3A_2190, %dma_wait3A_2200, %dma_wait3A_2201, %dma_wait3A_2202] : memref<2x16x2x8x128xf32, #tpu.memory_space<vmem>> -> memref<1x1x2x8x128xf32, #tpu.memory_space<vmem>>
      %dma_wait3A_2204 = tpu.memref_squeeze %dma_wait3A_2203 : memref<1x1x2x8x128xf32, #tpu.memory_space<vmem>> -> memref<2x8x128xf32, #tpu.memory_space<vmem>>
      %dma_wait3A_2205 = arith.constant 0 : i32
      %dma_wait3A_2206 = arith.constant 0 : i32
      %dma_wait3A_2207 = arith.constant 0 : i32
      %dma_wait3A_2208 = tpu.memref_slice %arg2[%dma_wait3A_2205, %dma_wait3A_2206, %dma_wait3A_2207] : memref<2x8x1000000xf32, #tpu.memory_space<hbm>> -> memref<2x8x128xf32, #tpu.memory_space<hbm>>
      tpu.wait_dma2 semaphore(%arg8 : memref<!tpu.dma_semaphore, #tpu.memory_space<semaphore_mem>>) src(%dma_wait3A_2208 : memref<2x8x128xf32, #tpu.memory_space<hbm>>) dst(%dma_wait3A_2204 : memref<2x8x128xf32, #tpu.memory_space<vmem>>)
      %mul3A_2209 = arith.constant 16 : i32
      %mul3A_2210 = arith.muli %add3A_1880, %mul3A_2209 : i32
      %multiple_of3A_2211 = tpu.assume_multiple %mul3A_2210, 16 : i32
      %broadcast_in_dim3A_2212 = arith.constant 0 : i32
      %broadcast_in_dim3A_2213 = vector.broadcast %broadcast_in_dim3A_2212 : i32 to vector<16xi32>
      %broadcast_in_dim3A_2214 = arith.constant 0 : i32
      %broadcast_in_dim3A_2215 = vector.broadcast %broadcast_in_dim3A_2214 : i32 to vector<16xi32>
      %gather3A_2216 = arith.constant 0 : i32
      %gather3A_2217 = arith.constant 0 : i32
      %gather3A_2218 = arith.constant 0 : i32
      %gather3A_2219 = arith.constant 0 : i32
      %gather3A_2220 = arith.constant 0 : i32
      %gather3A_2221 = tpu.memref_slice %arg6[%gather3A_2216, %gather3A_2217, %gather3A_2218, %gather3A_2219, %gather3A_2220] : memref<2x16x2x8x128xf32, #tpu.memory_space<vmem>> -> memref<1x16x2x8x128xf32, #tpu.memory_space<vmem>>
      %gather3A_2222 = tpu.memref_squeeze %gather3A_2221 : memref<1x16x2x8x128xf32, #tpu.memory_space<vmem>> -> memref<16x2x8x128xf32, #tpu.memory_space<vmem>>
      %gather3A_2223 = tpu.vector_load_idx %gather3A_2222[%iota3A, %broadcast_in_dim3A_2213, %broadcast_in_dim3A_2215, %and3A_1888] : memref<16x2x8x128xf32, #tpu.memory_space<vmem>>[vector<16xi32>, vector<16xi32>, vector<16xi32>, vector<16xi32>], vector<16xf32>,
      %swap3A_2224 = arith.constant 0 : i32
      %swap3A_2225 = arith.index_cast %swap3A_2224 : i32 to index
      %swap3A_2226 = arith.index_cast %multiple_of3A_2211 : i32 to index
      %swap3A_2227 = tpu.vector_load %arg7[%swap3A_2225, %swap3A_2226] {strides = array<i32>} : memref<16x512xf32, #tpu.memory_space<vmem>>, vector<16xf32>,
      tpu.vector_store %arg7[%swap3A_2225, %swap3A_2226], %gather3A_2223 {strides = array<i32>} : memref<16x512xf32, #tpu.memory_space<vmem>>, vector<16xf32>,
      %broadcast_in_dim3A_2228 = arith.constant 0 : i32
      %broadcast_in_dim3A_2229 = vector.broadcast %broadcast_in_dim3A_2228 : i32 to vector<16xi32>
      %broadcast_in_dim3A_2230 = arith.constant 1 : i32
      %broadcast_in_dim3A_2231 = vector.broadcast %broadcast_in_dim3A_2230 : i32 to vector<16xi32>
      %gather3A_2232 = arith.constant 0 : i32
      %gather3A_2233 = arith.constant 0 : i32
      %gather3A_2234 = arith.constant 0 : i32
      %gather3A_2235 = arith.constant 0 : i32
      %gather3A_2236 = arith.constant 0 : i32
      %gather3A_2237 = tpu.memref_slice %arg6[%gather3A_2232, %gather3A_2233, %gather3A_2234, %gather3A_2235, %gather3A_2236] : memref<2x16x2x8x128xf32, #tpu.memory_space<vmem>> -> memref<1x16x2x8x128xf32, #tpu.memory_space<vmem>>
      %gather3A_2238 = tpu.memref_squeeze %gather3A_2237 : memref<1x16x2x8x128xf32, #tpu.memory_space<vmem>> -> memref<16x2x8x128xf32, #tpu.memory_space<vmem>>
      %gather3A_2239 = tpu.vector_load_idx %gather3A_2238[%iota3A, %broadcast_in_dim3A_2229, %broadcast_in_dim3A_2231, %and3A_1888] : memref<16x2x8x128xf32, #tpu.memory_space<vmem>>[vector<16xi32>, vector<16xi32>, vector<16xi32>, vector<16xi32>], vector<16xf32>,
      %swap3A_2240 = arith.constant 1 : i32
      %swap3A_2241 = arith.index_cast %swap3A_2240 : i32 to index
      %swap3A_2242 = arith.index_cast %multiple_of3A_2211 : i32 to index
      %swap3A_2243 = tpu.vector_load %arg7[%swap3A_2241, %swap3A_2242] {strides = array<i32>} : memref<16x512xf32, #tpu.memory_space<vmem>>, vector<16xf32>,
      tpu.vector_store %arg7[%swap3A_2241, %swap3A_2242], %gather3A_2239 {strides = array<i32>} : memref<16x512xf32, #tpu.memory_space<vmem>>, vector<16xf32>,
      %broadcast_in_dim3A_2244 = arith.constant 0 : i32
      %broadcast_in_dim3A_2245 = vector.broadcast %broadcast_in_dim3A_2244 : i32 to vector<16xi32>
      %broadcast_in_dim3A_2246 = arith.constant 2 : i32
      %broadcast_in_dim3A_2247 = vector.broadcast %broadcast_in_dim3A_2246 : i32 to vector<16xi32>
      %gather3A_2248 = arith.constant 0 : i32
      %gather3A_2249 = arith.constant 0 : i32
      %gather3A_2250 = arith.constant 0 : i32
      %gather3A_2251 = arith.constant 0 : i32
      %gather3A_2252 = arith.constant 0 : i32
      %gather3A_2253 = tpu.memref_slice %arg6[%gather3A_2248, %gather3A_2249, %gather3A_2250, %gather3A_2251, %gather3A_2252] : memref<2x16x2x8x128xf32, #tpu.memory_space<vmem>> -> memref<1x16x2x8x128xf32, #tpu.memory_space<vmem>>
      %gather3A_2254 = tpu.memref_squeeze %gather3A_2253 : memref<1x16x2x8x128xf32, #tpu.memory_space<vmem>> -> memref<16x2x8x128xf32, #tpu.memory_space<vmem>>
      %gather3A_2255 = tpu.vector_load_idx %gather3A_2254[%iota3A, %broadcast_in_dim3A_2245, %broadcast_in_dim3A_2247, %and3A_1888] : memref<16x2x8x128xf32, #tpu.memory_space<vmem>>[vector<16xi32>, vector<16xi32>, vector<16xi32>, vector<16xi32>], vector<16xf32>,
      %swap3A_2256 = arith.constant 2 : i32
      %swap3A_2257 = arith.index_cast %swap3A_2256 : i32 to index
      %swap3A_2258 = arith.index_cast %multiple_of3A_2211 : i32 to index
      %swap3A_2259 = tpu.vector_load %arg7[%swap3A_2257, %swap3A_2258] {strides = array<i32>} : memref<16x512xf32, #tpu.memory_space<vmem>>, vector<16xf32>,
      tpu.vector_store %arg7[%swap3A_2257, %swap3A_2258], %gather3A_2255 {strides = array<i32>} : memref<16x512xf32, #tpu.memory_space<vmem>>, vector<16xf32>,
      %broadcast_in_dim3A_2260 = arith.constant 0 : i32
      %broadcast_in_dim3A_2261 = vector.broadcast %broadcast_in_dim3A_2260 : i32 to vector<16xi32>
      %broadcast_in_dim3A_2262 = arith.constant 3 : i32
      %broadcast_in_dim3A_2263 = vector.broadcast %broadcast_in_dim3A_2262 : i32 to vector<16xi32>
      %gather3A_2264 = arith.constant 0 : i32
      %gather3A_2265 = arith.constant 0 : i32
      %gather3A_2266 = arith.constant 0 : i32
      %gather3A_2267 = arith.constant 0 : i32
      %gather3A_2268 = arith.constant 0 : i32
      %gather3A_2269 = tpu.memref_slice %arg6[%gather3A_2264, %gather3A_2265, %gather3A_2266, %gather3A_2267, %gather3A_2268] : memref<2x16x2x8x128xf32, #tpu.memory_space<vmem>> -> memref<1x16x2x8x128xf32, #tpu.memory_space<vmem>>
      %gather3A_2270 = tpu.memref_squeeze %gather3A_2269 : memref<1x16x2x8x128xf32, #tpu.memory_space<vmem>> -> memref<16x2x8x128xf32, #tpu.memory_space<vmem>>
      %gather3A_2271 = tpu.vector_load_idx %gather3A_2270[%iota3A, %broadcast_in_dim3A_2261, %broadcast_in_dim3A_2263, %and3A_1888] : memref<16x2x8x128xf32, #tpu.memory_space<vmem>>[vector<16xi32>, vector<16xi32>, vector<16xi32>, vector<16xi32>], vector<16xf32>,
      %swap3A_2272 = arith.constant 3 : i32
      %swap3A_2273 = arith.index_cast %swap3A_2272 : i32 to index
      %swap3A_2274 = arith.index_cast %multiple_of3A_2211 : i32 to index
      %swap3A_2275 = tpu.vector_load %arg7[%swap3A_2273, %swap3A_2274] {strides = array<i32>} : memref<16x512xf32, #tpu.memory_space<vmem>>, vector<16xf32>,
      tpu.vector_store %arg7[%swap3A_2273, %swap3A_2274], %gather3A_2271 {strides = array<i32>} : memref<16x512xf32, #tpu.memory_space<vmem>>, vector<16xf32>,
      %broadcast_in_dim3A_2276 = arith.constant 0 : i32
      %broadcast_in_dim3A_2277 = vector.broadcast %broadcast_in_dim3A_2276 : i32 to vector<16xi32>
      %broadcast_in_dim3A_2278 = arith.constant 4 : i32
      %broadcast_in_dim3A_2279 = vector.broadcast %broadcast_in_dim3A_2278 : i32 to vector<16xi32>
      %gather3A_2280 = arith.constant 0 : i32
      %gather3A_2281 = arith.constant 0 : i32
      %gather3A_2282 = arith.constant 0 : i32
      %gather3A_2283 = arith.constant 0 : i32
      %gather3A_2284 = arith.constant 0 : i32
      %gather3A_2285 = tpu.memref_slice %arg6[%gather3A_2280, %gather3A_2281, %gather3A_2282, %gather3A_2283, %gather3A_2284] : memref<2x16x2x8x128xf32, #tpu.memory_space<vmem>> -> memref<1x16x2x8x128xf32, #tpu.memory_space<vmem>>
      %gather3A_2286 = tpu.memref_squeeze %gather3A_2285 : memref<1x16x2x8x128xf32, #tpu.memory_space<vmem>> -> memref<16x2x8x128xf32, #tpu.memory_space<vmem>>
      %gather3A_2287 = tpu.vector_load_idx %gather3A_2286[%iota3A, %broadcast_in_dim3A_2277, %broadcast_in_dim3A_2279, %and3A_1888] : memref<16x2x8x128xf32, #tpu.memory_space<vmem>>[vector<16xi32>, vector<16xi32>, vector<16xi32>, vector<16xi32>], vector<16xf32>,
      %swap3A_2288 = arith.constant 4 : i32
      %swap3A_2289 = arith.index_cast %swap3A_2288 : i32 to index
      %swap3A_2290 = arith.index_cast %multiple_of3A_2211 : i32 to index
      %swap3A_2291 = tpu.vector_load %arg7[%swap3A_2289, %swap3A_2290] {strides = array<i32>} : memref<16x512xf32, #tpu.memory_space<vmem>>, vector<16xf32>,
      tpu.vector_store %arg7[%swap3A_2289, %swap3A_2290], %gather3A_2287 {strides = array<i32>} : memref<16x512xf32, #tpu.memory_space<vmem>>, vector<16xf32>,
      %broadcast_in_dim3A_2292 = arith.constant 0 : i32
      %broadcast_in_dim3A_2293 = vector.broadcast %broadcast_in_dim3A_2292 : i32 to vector<16xi32>
      %broadcast_in_dim3A_2294 = arith.constant 5 : i32
      %broadcast_in_dim3A_2295 = vector.broadcast %broadcast_in_dim3A_2294 : i32 to vector<16xi32>
      %gather3A_2296 = arith.constant 0 : i32
      %gather3A_2297 = arith.constant 0 : i32
      %gather3A_2298 = arith.constant 0 : i32
      %gather3A_2299 = arith.constant 0 : i32
      %gather3A_2300 = arith.constant 0 : i32
      %gather3A_2301 = tpu.memref_slice %arg6[%gather3A_2296, %gather3A_2297, %gather3A_2298, %gather3A_2299, %gather3A_2300] : memref<2x16x2x8x128xf32, #tpu.memory_space<vmem>> -> memref<1x16x2x8x128xf32, #tpu.memory_space<vmem>>
      %gather3A_2302 = tpu.memref_squeeze %gather3A_2301 : memref<1x16x2x8x128xf32, #tpu.memory_space<vmem>> -> memref<16x2x8x128xf32, #tpu.memory_space<vmem>>
      %gather3A_2303 = tpu.vector_load_idx %gather3A_2302[%iota3A, %broadcast_in_dim3A_2293, %broadcast_in_dim3A_2295, %and3A_1888] : memref<16x2x8x128xf32, #tpu.memory_space<vmem>>[vector<16xi32>, vector<16xi32>, vector<16xi32>, vector<16xi32>], vector<16xf32>,
      %swap3A_2304 = arith.constant 5 : i32
      %swap3A_2305 = arith.index_cast %swap3A_2304 : i32 to index
      %swap3A_2306 = arith.index_cast %multiple_of3A_2211 : i32 to index
      %swap3A_2307 = tpu.vector_load %arg7[%swap3A_2305, %swap3A_2306] {strides = array<i32>} : memref<16x512xf32, #tpu.memory_space<vmem>>, vector<16xf32>,
      tpu.vector_store %arg7[%swap3A_2305, %swap3A_2306], %gather3A_2303 {strides = array<i32>} : memref<16x512xf32, #tpu.memory_space<vmem>>, vector<16xf32>,
      %broadcast_in_dim3A_2308 = arith.constant 0 : i32
      %broadcast_in_dim3A_2309 = vector.broadcast %broadcast_in_dim3A_2308 : i32 to vector<16xi32>
      %broadcast_in_dim3A_2310 = arith.constant 6 : i32
      %broadcast_in_dim3A_2311 = vector.broadcast %broadcast_in_dim3A_2310 : i32 to vector<16xi32>
      %gather3A_2312 = arith.constant 0 : i32
      %gather3A_2313 = arith.constant 0 : i32
      %gather3A_2314 = arith.constant 0 : i32
      %gather3A_2315 = arith.constant 0 : i32
      %gather3A_2316 = arith.constant 0 : i32
      %gather3A_2317 = tpu.memref_slice %arg6[%gather3A_2312, %gather3A_2313, %gather3A_2314, %gather3A_2315, %gather3A_2316] : memref<2x16x2x8x128xf32, #tpu.memory_space<vmem>> -> memref<1x16x2x8x128xf32, #tpu.memory_space<vmem>>
      %gather3A_2318 = tpu.memref_squeeze %gather3A_2317 : memref<1x16x2x8x128xf32, #tpu.memory_space<vmem>> -> memref<16x2x8x128xf32, #tpu.memory_space<vmem>>
      %gather3A_2319 = tpu.vector_load_idx %gather3A_2318[%iota3A, %broadcast_in_dim3A_2309, %broadcast_in_dim3A_2311, %and3A_1888] : memref<16x2x8x128xf32, #tpu.memory_space<vmem>>[vector<16xi32>, vector<16xi32>, vector<16xi32>, vector<16xi32>], vector<16xf32>,
      %swap3A_2320 = arith.constant 6 : i32
      %swap3A_2321 = arith.index_cast %swap3A_2320 : i32 to index
      %swap3A_2322 = arith.index_cast %multiple_of3A_2211 : i32 to index
      %swap3A_2323 = tpu.vector_load %arg7[%swap3A_2321, %swap3A_2322] {strides = array<i32>} : memref<16x512xf32, #tpu.memory_space<vmem>>, vector<16xf32>,
      tpu.vector_store %arg7[%swap3A_2321, %swap3A_2322], %gather3A_2319 {strides = array<i32>} : memref<16x512xf32, #tpu.memory_space<vmem>>, vector<16xf32>,
      %broadcast_in_dim3A_2324 = arith.constant 0 : i32
      %broadcast_in_dim3A_2325 = vector.broadcast %broadcast_in_dim3A_2324 : i32 to vector<16xi32>
      %broadcast_in_dim3A_2326 = arith.constant 7 : i32
      %broadcast_in_dim3A_2327 = vector.broadcast %broadcast_in_dim3A_2326 : i32 to vector<16xi32>
      %gather3A_2328 = arith.constant 0 : i32
      %gather3A_2329 = arith.constant 0 : i32
      %gather3A_2330 = arith.constant 0 : i32
      %gather3A_2331 = arith.constant 0 : i32
      %gather3A_2332 = arith.constant 0 : i32
      %gather3A_2333 = tpu.memref_slice %arg6[%gather3A_2328, %gather3A_2329, %gather3A_2330, %gather3A_2331, %gather3A_2332] : memref<2x16x2x8x128xf32, #tpu.memory_space<vmem>> -> memref<1x16x2x8x128xf32, #tpu.memory_space<vmem>>
      %gather3A_2334 = tpu.memref_squeeze %gather3A_2333 : memref<1x16x2x8x128xf32, #tpu.memory_space<vmem>> -> memref<16x2x8x128xf32, #tpu.memory_space<vmem>>
      %gather3A_2335 = tpu.vector_load_idx %gather3A_2334[%iota3A, %broadcast_in_dim3A_2325, %broadcast_in_dim3A_2327, %and3A_1888] : memref<16x2x8x128xf32, #tpu.memory_space<vmem>>[vector<16xi32>, vector<16xi32>, vector<16xi32>, vector<16xi32>], vector<16xf32>,
      %swap3A_2336 = arith.constant 7 : i32
      %swap3A_2337 = arith.index_cast %swap3A_2336 : i32 to index
      %swap3A_2338 = arith.index_cast %multiple_of3A_2211 : i32 to index
      %swap3A_2339 = tpu.vector_load %arg7[%swap3A_2337, %swap3A_2338] {strides = array<i32>} : memref<16x512xf32, #tpu.memory_space<vmem>>, vector<16xf32>,
      tpu.vector_store %arg7[%swap3A_2337, %swap3A_2338], %gather3A_2335 {strides = array<i32>} : memref<16x512xf32, #tpu.memory_space<vmem>>, vector<16xf32>,
      %broadcast_in_dim3A_2340 = arith.constant 1 : i32
      %broadcast_in_dim3A_2341 = vector.broadcast %broadcast_in_dim3A_2340 : i32 to vector<16xi32>
      %broadcast_in_dim3A_2342 = arith.constant 0 : i32
      %broadcast_in_dim3A_2343 = vector.broadcast %broadcast_in_dim3A_2342 : i32 to vector<16xi32>
      %gather3A_2344 = arith.constant 0 : i32
      %gather3A_2345 = arith.constant 0 : i32
      %gather3A_2346 = arith.constant 0 : i32
      %gather3A_2347 = arith.constant 0 : i32
      %gather3A_2348 = arith.constant 0 : i32
      %gather3A_2349 = tpu.memref_slice %arg6[%gather3A_2344, %gather3A_2345, %gather3A_2346, %gather3A_2347, %gather3A_2348] : memref<2x16x2x8x128xf32, #tpu.memory_space<vmem>> -> memref<1x16x2x8x128xf32, #tpu.memory_space<vmem>>
      %gather3A_2350 = tpu.memref_squeeze %gather3A_2349 : memref<1x16x2x8x128xf32, #tpu.memory_space<vmem>> -> memref<16x2x8x128xf32, #tpu.memory_space<vmem>>
      %gather3A_2351 = tpu.vector_load_idx %gather3A_2350[%iota3A, %broadcast_in_dim3A_2341, %broadcast_in_dim3A_2343, %and3A_1888] : memref<16x2x8x128xf32, #tpu.memory_space<vmem>>[vector<16xi32>, vector<16xi32>, vector<16xi32>, vector<16xi32>], vector<16xf32>,
      %swap3A_2352 = arith.constant 8 : i32
      %swap3A_2353 = arith.index_cast %swap3A_2352 : i32 to index
      %swap3A_2354 = arith.index_cast %multiple_of3A_2211 : i32 to index
      %swap3A_2355 = tpu.vector_load %arg7[%swap3A_2353, %swap3A_2354] {strides = array<i32>} : memref<16x512xf32, #tpu.memory_space<vmem>>, vector<16xf32>,
      tpu.vector_store %arg7[%swap3A_2353, %swap3A_2354], %gather3A_2351 {strides = array<i32>} : memref<16x512xf32, #tpu.memory_space<vmem>>, vector<16xf32>,
      %broadcast_in_dim3A_2356 = arith.constant 1 : i32
      %broadcast_in_dim3A_2357 = vector.broadcast %broadcast_in_dim3A_2356 : i32 to vector<16xi32>
      %broadcast_in_dim3A_2358 = arith.constant 1 : i32
      %broadcast_in_dim3A_2359 = vector.broadcast %broadcast_in_dim3A_2358 : i32 to vector<16xi32>
      %gather3A_2360 = arith.constant 0 : i32
      %gather3A_2361 = arith.constant 0 : i32
      %gather3A_2362 = arith.constant 0 : i32
      %gather3A_2363 = arith.constant 0 : i32
      %gather3A_2364 = arith.constant 0 : i32
      %gather3A_2365 = tpu.memref_slice %arg6[%gather3A_2360, %gather3A_2361, %gather3A_2362, %gather3A_2363, %gather3A_2364] : memref<2x16x2x8x128xf32, #tpu.memory_space<vmem>> -> memref<1x16x2x8x128xf32, #tpu.memory_space<vmem>>
      %gather3A_2366 = tpu.memref_squeeze %gather3A_2365 : memref<1x16x2x8x128xf32, #tpu.memory_space<vmem>> -> memref<16x2x8x128xf32, #tpu.memory_space<vmem>>
      %gather3A_2367 = tpu.vector_load_idx %gather3A_2366[%iota3A, %broadcast_in_dim3A_2357, %broadcast_in_dim3A_2359, %and3A_1888] : memref<16x2x8x128xf32, #tpu.memory_space<vmem>>[vector<16xi32>, vector<16xi32>, vector<16xi32>, vector<16xi32>], vector<16xf32>,
      %swap3A_2368 = arith.constant 9 : i32
      %swap3A_2369 = arith.index_cast %swap3A_2368 : i32 to index
      %swap3A_2370 = arith.index_cast %multiple_of3A_2211 : i32 to index
      %swap3A_2371 = tpu.vector_load %arg7[%swap3A_2369, %swap3A_2370] {strides = array<i32>} : memref<16x512xf32, #tpu.memory_space<vmem>>, vector<16xf32>,
      tpu.vector_store %arg7[%swap3A_2369, %swap3A_2370], %gather3A_2367 {strides = array<i32>} : memref<16x512xf32, #tpu.memory_space<vmem>>, vector<16xf32>,
      %broadcast_in_dim3A_2372 = arith.constant 1 : i32
      %broadcast_in_dim3A_2373 = vector.broadcast %broadcast_in_dim3A_2372 : i32 to vector<16xi32>
      %broadcast_in_dim3A_2374 = arith.constant 2 : i32
      %broadcast_in_dim3A_2375 = vector.broadcast %broadcast_in_dim3A_2374 : i32 to vector<16xi32>
      %gather3A_2376 = arith.constant 0 : i32
      %gather3A_2377 = arith.constant 0 : i32
      %gather3A_2378 = arith.constant 0 : i32
      %gather3A_2379 = arith.constant 0 : i32
      %gather3A_2380 = arith.constant 0 : i32
      %gather3A_2381 = tpu.memref_slice %arg6[%gather3A_2376, %gather3A_2377, %gather3A_2378, %gather3A_2379, %gather3A_2380] : memref<2x16x2x8x128xf32, #tpu.memory_space<vmem>> -> memref<1x16x2x8x128xf32, #tpu.memory_space<vmem>>
      %gather3A_2382 = tpu.memref_squeeze %gather3A_2381 : memref<1x16x2x8x128xf32, #tpu.memory_space<vmem>> -> memref<16x2x8x128xf32, #tpu.memory_space<vmem>>
      %gather3A_2383 = tpu.vector_load_idx %gather3A_2382[%iota3A, %broadcast_in_dim3A_2373, %broadcast_in_dim3A_2375, %and3A_1888] : memref<16x2x8x128xf32, #tpu.memory_space<vmem>>[vector<16xi32>, vector<16xi32>, vector<16xi32>, vector<16xi32>], vector<16xf32>,
      %swap3A_2384 = arith.constant 10 : i32
      %swap3A_2385 = arith.index_cast %swap3A_2384 : i32 to index
      %swap3A_2386 = arith.index_cast %multiple_of3A_2211 : i32 to index
      %swap3A_2387 = tpu.vector_load %arg7[%swap3A_2385, %swap3A_2386] {strides = array<i32>} : memref<16x512xf32, #tpu.memory_space<vmem>>, vector<16xf32>,
      tpu.vector_store %arg7[%swap3A_2385, %swap3A_2386], %gather3A_2383 {strides = array<i32>} : memref<16x512xf32, #tpu.memory_space<vmem>>, vector<16xf32>,
      %broadcast_in_dim3A_2388 = arith.constant 1 : i32
      %broadcast_in_dim3A_2389 = vector.broadcast %broadcast_in_dim3A_2388 : i32 to vector<16xi32>
      %broadcast_in_dim3A_2390 = arith.constant 3 : i32
      %broadcast_in_dim3A_2391 = vector.broadcast %broadcast_in_dim3A_2390 : i32 to vector<16xi32>
      %gather3A_2392 = arith.constant 0 : i32
      %gather3A_2393 = arith.constant 0 : i32
      %gather3A_2394 = arith.constant 0 : i32
      %gather3A_2395 = arith.constant 0 : i32
      %gather3A_2396 = arith.constant 0 : i32
      %gather3A_2397 = tpu.memref_slice %arg6[%gather3A_2392, %gather3A_2393, %gather3A_2394, %gather3A_2395, %gather3A_2396] : memref<2x16x2x8x128xf32, #tpu.memory_space<vmem>> -> memref<1x16x2x8x128xf32, #tpu.memory_space<vmem>>
      %gather3A_2398 = tpu.memref_squeeze %gather3A_2397 : memref<1x16x2x8x128xf32, #tpu.memory_space<vmem>> -> memref<16x2x8x128xf32, #tpu.memory_space<vmem>>
      %gather3A_2399 = tpu.vector_load_idx %gather3A_2398[%iota3A, %broadcast_in_dim3A_2389, %broadcast_in_dim3A_2391, %and3A_1888] : memref<16x2x8x128xf32, #tpu.memory_space<vmem>>[vector<16xi32>, vector<16xi32>, vector<16xi32>, vector<16xi32>], vector<16xf32>,
      %swap3A_2400 = arith.constant 11 : i32
      %swap3A_2401 = arith.index_cast %swap3A_2400 : i32 to index
      %swap3A_2402 = arith.index_cast %multiple_of3A_2211 : i32 to index
      %swap3A_2403 = tpu.vector_load %arg7[%swap3A_2401, %swap3A_2402] {strides = array<i32>} : memref<16x512xf32, #tpu.memory_space<vmem>>, vector<16xf32>,
      tpu.vector_store %arg7[%swap3A_2401, %swap3A_2402], %gather3A_2399 {strides = array<i32>} : memref<16x512xf32, #tpu.memory_space<vmem>>, vector<16xf32>,
      %broadcast_in_dim3A_2404 = arith.constant 1 : i32
      %broadcast_in_dim3A_2405 = vector.broadcast %broadcast_in_dim3A_2404 : i32 to vector<16xi32>
      %broadcast_in_dim3A_2406 = arith.constant 4 : i32
      %broadcast_in_dim3A_2407 = vector.broadcast %broadcast_in_dim3A_2406 : i32 to vector<16xi32>
      %gather3A_2408 = arith.constant 0 : i32
      %gather3A_2409 = arith.constant 0 : i32
      %gather3A_2410 = arith.constant 0 : i32
      %gather3A_2411 = arith.constant 0 : i32
      %gather3A_2412 = arith.constant 0 : i32
      %gather3A_2413 = tpu.memref_slice %arg6[%gather3A_2408, %gather3A_2409, %gather3A_2410, %gather3A_2411, %gather3A_2412] : memref<2x16x2x8x128xf32, #tpu.memory_space<vmem>> -> memref<1x16x2x8x128xf32, #tpu.memory_space<vmem>>
      %gather3A_2414 = tpu.memref_squeeze %gather3A_2413 : memref<1x16x2x8x128xf32, #tpu.memory_space<vmem>> -> memref<16x2x8x128xf32, #tpu.memory_space<vmem>>
      %gather3A_2415 = tpu.vector_load_idx %gather3A_2414[%iota3A, %broadcast_in_dim3A_2405, %broadcast_in_dim3A_2407, %and3A_1888] : memref<16x2x8x128xf32, #tpu.memory_space<vmem>>[vector<16xi32>, vector<16xi32>, vector<16xi32>, vector<16xi32>], vector<16xf32>,
      %swap3A_2416 = arith.constant 12 : i32
      %swap3A_2417 = arith.index_cast %swap3A_2416 : i32 to index
      %swap3A_2418 = arith.index_cast %multiple_of3A_2211 : i32 to index
      %swap3A_2419 = tpu.vector_load %arg7[%swap3A_2417, %swap3A_2418] {strides = array<i32>} : memref<16x512xf32, #tpu.memory_space<vmem>>, vector<16xf32>,
      tpu.vector_store %arg7[%swap3A_2417, %swap3A_2418], %gather3A_2415 {strides = array<i32>} : memref<16x512xf32, #tpu.memory_space<vmem>>, vector<16xf32>,
      %broadcast_in_dim3A_2420 = arith.constant 1 : i32
      %broadcast_in_dim3A_2421 = vector.broadcast %broadcast_in_dim3A_2420 : i32 to vector<16xi32>
      %broadcast_in_dim3A_2422 = arith.constant 5 : i32
      %broadcast_in_dim3A_2423 = vector.broadcast %broadcast_in_dim3A_2422 : i32 to vector<16xi32>
      %gather3A_2424 = arith.constant 0 : i32
      %gather3A_2425 = arith.constant 0 : i32
      %gather3A_2426 = arith.constant 0 : i32
      %gather3A_2427 = arith.constant 0 : i32
      %gather3A_2428 = arith.constant 0 : i32
      %gather3A_2429 = tpu.memref_slice %arg6[%gather3A_2424, %gather3A_2425, %gather3A_2426, %gather3A_2427, %gather3A_2428] : memref<2x16x2x8x128xf32, #tpu.memory_space<vmem>> -> memref<1x16x2x8x128xf32, #tpu.memory_space<vmem>>
      %gather3A_2430 = tpu.memref_squeeze %gather3A_2429 : memref<1x16x2x8x128xf32, #tpu.memory_space<vmem>> -> memref<16x2x8x128xf32, #tpu.memory_space<vmem>>
      %gather3A_2431 = tpu.vector_load_idx %gather3A_2430[%iota3A, %broadcast_in_dim3A_2421, %broadcast_in_dim3A_2423, %and3A_1888] : memref<16x2x8x128xf32, #tpu.memory_space<vmem>>[vector<16xi32>, vector<16xi32>, vector<16xi32>, vector<16xi32>], vector<16xf32>,
      %swap3A_2432 = arith.constant 13 : i32
      %swap3A_2433 = arith.index_cast %swap3A_2432 : i32 to index
      %swap3A_2434 = arith.index_cast %multiple_of3A_2211 : i32 to index
      %swap3A_2435 = tpu.vector_load %arg7[%swap3A_2433, %swap3A_2434] {strides = array<i32>} : memref<16x512xf32, #tpu.memory_space<vmem>>, vector<16xf32>,
      tpu.vector_store %arg7[%swap3A_2433, %swap3A_2434], %gather3A_2431 {strides = array<i32>} : memref<16x512xf32, #tpu.memory_space<vmem>>, vector<16xf32>,
      %broadcast_in_dim3A_2436 = arith.constant 1 : i32
      %broadcast_in_dim3A_2437 = vector.broadcast %broadcast_in_dim3A_2436 : i32 to vector<16xi32>
      %broadcast_in_dim3A_2438 = arith.constant 6 : i32
      %broadcast_in_dim3A_2439 = vector.broadcast %broadcast_in_dim3A_2438 : i32 to vector<16xi32>
      %gather3A_2440 = arith.constant 0 : i32
      %gather3A_2441 = arith.constant 0 : i32
      %gather3A_2442 = arith.constant 0 : i32
      %gather3A_2443 = arith.constant 0 : i32
      %gather3A_2444 = arith.constant 0 : i32
      %gather3A_2445 = tpu.memref_slice %arg6[%gather3A_2440, %gather3A_2441, %gather3A_2442, %gather3A_2443, %gather3A_2444] : memref<2x16x2x8x128xf32, #tpu.memory_space<vmem>> -> memref<1x16x2x8x128xf32, #tpu.memory_space<vmem>>
      %gather3A_2446 = tpu.memref_squeeze %gather3A_2445 : memref<1x16x2x8x128xf32, #tpu.memory_space<vmem>> -> memref<16x2x8x128xf32, #tpu.memory_space<vmem>>
      %gather3A_2447 = tpu.vector_load_idx %gather3A_2446[%iota3A, %broadcast_in_dim3A_2437, %broadcast_in_dim3A_2439, %and3A_1888] : memref<16x2x8x128xf32, #tpu.memory_space<vmem>>[vector<16xi32>, vector<16xi32>, vector<16xi32>, vector<16xi32>], vector<16xf32>,
      %swap3A_2448 = arith.constant 14 : i32
      %swap3A_2449 = arith.index_cast %swap3A_2448 : i32 to index
      %swap3A_2450 = arith.index_cast %multiple_of3A_2211 : i32 to index
      %swap3A_2451 = tpu.vector_load %arg7[%swap3A_2449, %swap3A_2450] {strides = array<i32>} : memref<16x512xf32, #tpu.memory_space<vmem>>, vector<16xf32>,
      tpu.vector_store %arg7[%swap3A_2449, %swap3A_2450], %gather3A_2447 {strides = array<i32>} : memref<16x512xf32, #tpu.memory_space<vmem>>, vector<16xf32>,
      %broadcast_in_dim3A_2452 = arith.constant 1 : i32
      %broadcast_in_dim3A_2453 = vector.broadcast %broadcast_in_dim3A_2452 : i32 to vector<16xi32>
      %broadcast_in_dim3A_2454 = arith.constant 7 : i32
      %broadcast_in_dim3A_2455 = vector.broadcast %broadcast_in_dim3A_2454 : i32 to vector<16xi32>
      %gather3A_2456 = arith.constant 0 : i32
      %gather3A_2457 = arith.constant 0 : i32
      %gather3A_2458 = arith.constant 0 : i32
      %gather3A_2459 = arith.constant 0 : i32
      %gather3A_2460 = arith.constant 0 : i32
      %gather3A_2461 = tpu.memref_slice %arg6[%gather3A_2456, %gather3A_2457, %gather3A_2458, %gather3A_2459, %gather3A_2460] : memref<2x16x2x8x128xf32, #tpu.memory_space<vmem>> -> memref<1x16x2x8x128xf32, #tpu.memory_space<vmem>>
      %gather3A_2462 = tpu.memref_squeeze %gather3A_2461 : memref<1x16x2x8x128xf32, #tpu.memory_space<vmem>> -> memref<16x2x8x128xf32, #tpu.memory_space<vmem>>
      %gather3A_2463 = tpu.vector_load_idx %gather3A_2462[%iota3A, %broadcast_in_dim3A_2453, %broadcast_in_dim3A_2455, %and3A_1888] : memref<16x2x8x128xf32, #tpu.memory_space<vmem>>[vector<16xi32>, vector<16xi32>, vector<16xi32>, vector<16xi32>], vector<16xf32>,
      %swap3A_2464 = arith.constant 15 : i32
      %swap3A_2465 = arith.index_cast %swap3A_2464 : i32 to index
      %swap3A_2466 = arith.index_cast %multiple_of3A_2211 : i32 to index
      %swap3A_2467 = tpu.vector_load %arg7[%swap3A_2465, %swap3A_2466] {strides = array<i32>} : memref<16x512xf32, #tpu.memory_space<vmem>>, vector<16xf32>,
      tpu.vector_store %arg7[%swap3A_2465, %swap3A_2466], %gather3A_2463 {strides = array<i32>} : memref<16x512xf32, #tpu.memory_space<vmem>>, vector<16xf32>,
      %add3A_2468 = arith.constant 2 : i32
      %add3A_2469 = arith.addi %add3A_1880, %add3A_2468 : i32
      %mul3A_2470 = arith.constant 16 : i32
      %mul3A_2471 = arith.muli %add3A_2469, %mul3A_2470 : i32
      %multiple_of3A_2472 = tpu.assume_multiple %mul3A_2471, 16 : i32
      %get3A_2473 = arith.index_cast %multiple_of3A_2472 : i32 to index
      %get3A_2474 = tpu.vector_load %arg5[%get3A_2473] {strides = array<i32>} : memref<512xi32, #tpu.memory_space<vmem>>, vector<16xi32>,
      %shift_right_arithmetic3A_2475 = arith.constant 7 : i32
      %shift_right_arithmetic3A_2476 = vector.broadcast %shift_right_arithmetic3A_2475 : i32 to vector<16xi32>
      %shift_right_arithmetic3A_2477 = arith.shrsi %get3A_2474, %shift_right_arithmetic3A_2476 : vector<16xi32>
      %mul3A_2478 = arith.constant 128 : i32
      %mul3A_2479 = vector.broadcast %mul3A_2478 : i32 to vector<16xi32>
      %mul3A_2480 = arith.muli %shift_right_arithmetic3A_2477, %mul3A_2479 : vector<16xi32>
      %slice3A_2481 = vector.extract_strided_slice %mul3A_2480 {offsets = [0], sizes = [1], strides = [1]} : vector<16xi32> to vector<1xi32>
      %squeeze3A_2482 = vector.extract %slice3A_2481[0] : i32 from vector<1xi32>
      %multiple_of3A_2483 = tpu.assume_multiple %squeeze3A_2482, 128 : i32
      %dma_start3A_2484 = arith.constant 0 : i32
      %dma_start3A_2485 = arith.constant 0 : i32
      %dma_start3A_2486 = arith.constant 0 : i32
      %dma_start3A_2487 = arith.constant 0 : i32
      %dma_start3A_2488 = arith.constant 0 : i32
      %dma_start3A_2489 = tpu.memref_slice %arg6[%dma_start3A_2484, %dma_start3A_2485, %dma_start3A_2486, %dma_start3A_2487, %dma_start3A_2488] : memref<2x16x2x8x128xf32, #tpu.memory_space<vmem>> -> memref<1x1x2x8x128xf32, #tpu.memory_space<vmem>>
      %dma_start3A_2490 = tpu.memref_squeeze %dma_start3A_2489 : memref<1x1x2x8x128xf32, #tpu.memory_space<vmem>> -> memref<2x8x128xf32, #tpu.memory_space<vmem>>
      %dma_start3A_2491 = arith.constant 0 : i32
      %dma_start3A_2492 = arith.constant 0 : i32
      %dma_start3A_2493 = tpu.memref_slice %arg2[%dma_start3A_2491, %dma_start3A_2492, %multiple_of3A_2483] : memref<2x8x1000000xf32, #tpu.memory_space<hbm>> -> memref<2x8x128xf32, #tpu.memory_space<hbm>>
      %dma_start3A_2494 = arith.constant 0 : i32
      %dma_start3A_2495 = arith.constant 0 : i32
      %dma_start3A_2496 = arith.constant 0 : i32
      %dma_start3A_2497 = tpu.memref_slice %arg6[%dma_start3A_2484, %dma_start3A_2485, %dma_start3A_2494, %dma_start3A_2495, %dma_start3A_2496] : memref<2x16x2x8x128xf32, #tpu.memory_space<vmem>> -> memref<1x1x2x8x128xf32, #tpu.memory_space<vmem>>
      %dma_start3A_2498 = tpu.memref_squeeze %dma_start3A_2497 : memref<1x1x2x8x128xf32, #tpu.memory_space<vmem>> -> memref<2x8x128xf32, #tpu.memory_space<vmem>>
      %dma_start3A_2499 = arith.constant 0 : i32
      %dma_start3A_2500 = arith.constant 0 : i32
      %dma_start3A_2501 = tpu.memref_slice %arg2[%dma_start3A_2499, %dma_start3A_2500, %multiple_of3A_2483] : memref<2x8x1000000xf32, #tpu.memory_space<hbm>> -> memref<2x8x128xf32, #tpu.memory_space<hbm>>
      tpu.enqueue_dma source(%dma_start3A_2501 : memref<2x8x128xf32, #tpu.memory_space<hbm>>) target(%dma_start3A_2498 : memref<2x8x128xf32, #tpu.memory_space<vmem>>) target_semaphore(%arg8 : memref<!tpu.dma_semaphore, #tpu.memory_space<semaphore_mem>>)
      %slice3A_2502 = vector.extract_strided_slice %mul3A_2480 {offsets = [1], sizes = [1], strides = [1]} : vector<16xi32> to vector<1xi32>
      %squeeze3A_2503 = vector.extract %slice3A_2502[0] : i32 from vector<1xi32>
      %multiple_of3A_2504 = tpu.assume_multiple %squeeze3A_2503, 128 : i32
      %dma_start3A_2505 = arith.constant 0 : i32
      %dma_start3A_2506 = arith.constant 1 : i32
      %dma_start3A_2507 = arith.constant 0 : i32
      %dma_start3A_2508 = arith.constant 0 : i32
      %dma_start3A_2509 = arith.constant 0 : i32
      %dma_start3A_2510 = tpu.memref_slice %arg6[%dma_start3A_2505, %dma_start3A_2506, %dma_start3A_2507, %dma_start3A_2508, %dma_start3A_2509] : memref<2x16x2x8x128xf32, #tpu.memory_space<vmem>> -> memref<1x1x2x8x128xf32, #tpu.memory_space<vmem>>
      %dma_start3A_2511 = tpu.memref_squeeze %dma_start3A_2510 : memref<1x1x2x8x128xf32, #tpu.memory_space<vmem>> -> memref<2x8x128xf32, #tpu.memory_space<vmem>>
      %dma_start3A_2512 = arith.constant 0 : i32
      %dma_start3A_2513 = arith.constant 0 : i32
      %dma_start3A_2514 = tpu.memref_slice %arg2[%dma_start3A_2512, %dma_start3A_2513, %multiple_of3A_2504] : memref<2x8x1000000xf32, #tpu.memory_space<hbm>> -> memref<2x8x128xf32, #tpu.memory_space<hbm>>
      %dma_start3A_2515 = arith.constant 0 : i32
      %dma_start3A_2516 = arith.constant 0 : i32
      %dma_start3A_2517 = arith.constant 0 : i32
      %dma_start3A_2518 = tpu.memref_slice %arg6[%dma_start3A_2505, %dma_start3A_2506, %dma_start3A_2515, %dma_start3A_2516, %dma_start3A_2517] : memref<2x16x2x8x128xf32, #tpu.memory_space<vmem>> -> memref<1x1x2x8x128xf32, #tpu.memory_space<vmem>>
      %dma_start3A_2519 = tpu.memref_squeeze %dma_start3A_2518 : memref<1x1x2x8x128xf32, #tpu.memory_space<vmem>> -> memref<2x8x128xf32, #tpu.memory_space<vmem>>
      %dma_start3A_2520 = arith.constant 0 : i32
      %dma_start3A_2521 = arith.constant 0 : i32
      %dma_start3A_2522 = tpu.memref_slice %arg2[%dma_start3A_2520, %dma_start3A_2521, %multiple_of3A_2504] : memref<2x8x1000000xf32, #tpu.memory_space<hbm>> -> memref<2x8x128xf32, #tpu.memory_space<hbm>>
      tpu.enqueue_dma source(%dma_start3A_2522 : memref<2x8x128xf32, #tpu.memory_space<hbm>>) target(%dma_start3A_2519 : memref<2x8x128xf32, #tpu.memory_space<vmem>>) target_semaphore(%arg8 : memref<!tpu.dma_semaphore, #tpu.memory_space<semaphore_mem>>)
      %slice3A_2523 = vector.extract_strided_slice %mul3A_2480 {offsets = [2], sizes = [1], strides = [1]} : vector<16xi32> to vector<1xi32>
      %squeeze3A_2524 = vector.extract %slice3A_2523[0] : i32 from vector<1xi32>
      %multiple_of3A_2525 = tpu.assume_multiple %squeeze3A_2524, 128 : i32
      %dma_start3A_2526 = arith.constant 0 : i32
      %dma_start3A_2527 = arith.constant 2 : i32
      %dma_start3A_2528 = arith.constant 0 : i32
      %dma_start3A_2529 = arith.constant 0 : i32
      %dma_start3A_2530 = arith.constant 0 : i32
      %dma_start3A_2531 = tpu.memref_slice %arg6[%dma_start3A_2526, %dma_start3A_2527, %dma_start3A_2528, %dma_start3A_2529, %dma_start3A_2530] : memref<2x16x2x8x128xf32, #tpu.memory_space<vmem>> -> memref<1x1x2x8x128xf32, #tpu.memory_space<vmem>>
      %dma_start3A_2532 = tpu.memref_squeeze %dma_start3A_2531 : memref<1x1x2x8x128xf32, #tpu.memory_space<vmem>> -> memref<2x8x128xf32, #tpu.memory_space<vmem>>
      %dma_start3A_2533 = arith.constant 0 : i32
      %dma_start3A_2534 = arith.constant 0 : i32
      %dma_start3A_2535 = tpu.memref_slice %arg2[%dma_start3A_2533, %dma_start3A_2534, %multiple_of3A_2525] : memref<2x8x1000000xf32, #tpu.memory_space<hbm>> -> memref<2x8x128xf32, #tpu.memory_space<hbm>>
      %dma_start3A_2536 = arith.constant 0 : i32
      %dma_start3A_2537 = arith.constant 0 : i32
      %dma_start3A_2538 = arith.constant 0 : i32
      %dma_start3A_2539 = tpu.memref_slice %arg6[%dma_start3A_2526, %dma_start3A_2527, %dma_start3A_2536, %dma_start3A_2537, %dma_start3A_2538] : memref<2x16x2x8x128xf32, #tpu.memory_space<vmem>> -> memref<1x1x2x8x128xf32, #tpu.memory_space<vmem>>
      %dma_start3A_2540 = tpu.memref_squeeze %dma_start3A_2539 : memref<1x1x2x8x128xf32, #tpu.memory_space<vmem>> -> memref<2x8x128xf32, #tpu.memory_space<vmem>>
      %dma_start3A_2541 = arith.constant 0 : i32
      %dma_start3A_2542 = arith.constant 0 : i32
      %dma_start3A_2543 = tpu.memref_slice %arg2[%dma_start3A_2541, %dma_start3A_2542, %multiple_of3A_2525] : memref<2x8x1000000xf32, #tpu.memory_space<hbm>> -> memref<2x8x128xf32, #tpu.memory_space<hbm>>
      tpu.enqueue_dma source(%dma_start3A_2543 : memref<2x8x128xf32, #tpu.memory_space<hbm>>) target(%dma_start3A_2540 : memref<2x8x128xf32, #tpu.memory_space<vmem>>) target_semaphore(%arg8 : memref<!tpu.dma_semaphore, #tpu.memory_space<semaphore_mem>>)
      %slice3A_2544 = vector.extract_strided_slice %mul3A_2480 {offsets = [3], sizes = [1], strides = [1]} : vector<16xi32> to vector<1xi32>
      %squeeze3A_2545 = vector.extract %slice3A_2544[0] : i32 from vector<1xi32>
      %multiple_of3A_2546 = tpu.assume_multiple %squeeze3A_2545, 128 : i32
      %dma_start3A_2547 = arith.constant 0 : i32
      %dma_start3A_2548 = arith.constant 3 : i32
      %dma_start3A_2549 = arith.constant 0 : i32
      %dma_start3A_2550 = arith.constant 0 : i32
      %dma_start3A_2551 = arith.constant 0 : i32
      %dma_start3A_2552 = tpu.memref_slice %arg6[%dma_start3A_2547, %dma_start3A_2548, %dma_start3A_2549, %dma_start3A_2550, %dma_start3A_2551] : memref<2x16x2x8x128xf32, #tpu.memory_space<vmem>> -> memref<1x1x2x8x128xf32, #tpu.memory_space<vmem>>
      %dma_start3A_2553 = tpu.memref_squeeze %dma_start3A_2552 : memref<1x1x2x8x128xf32, #tpu.memory_space<vmem>> -> memref<2x8x128xf32, #tpu.memory_space<vmem>>
      %dma_start3A_2554 = arith.constant 0 : i32
      %dma_start3A_2555 = arith.constant 0 : i32
      %dma_start3A_2556 = tpu.memref_slice %arg2[%dma_start3A_2554, %dma_start3A_2555, %multiple_of3A_2546] : memref<2x8x1000000xf32, #tpu.memory_space<hbm>> -> memref<2x8x128xf32, #tpu.memory_space<hbm>>
      %dma_start3A_2557 = arith.constant 0 : i32
      %dma_start3A_2558 = arith.constant 0 : i32
      %dma_start3A_2559 = arith.constant 0 : i32
      %dma_start3A_2560 = tpu.memref_slice %arg6[%dma_start3A_2547, %dma_start3A_2548, %dma_start3A_2557, %dma_start3A_2558, %dma_start3A_2559] : memref<2x16x2x8x128xf32, #tpu.memory_space<vmem>> -> memref<1x1x2x8x128xf32, #tpu.memory_space<vmem>>
      %dma_start3A_2561 = tpu.memref_squeeze %dma_start3A_2560 : memref<1x1x2x8x128xf32, #tpu.memory_space<vmem>> -> memref<2x8x128xf32, #tpu.memory_space<vmem>>
      %dma_start3A_2562 = arith.constant 0 : i32
      %dma_start3A_2563 = arith.constant 0 : i32
      %dma_start3A_2564 = tpu.memref_slice %arg2[%dma_start3A_2562, %dma_start3A_2563, %multiple_of3A_2546] : memref<2x8x1000000xf32, #tpu.memory_space<hbm>> -> memref<2x8x128xf32, #tpu.memory_space<hbm>>
      tpu.enqueue_dma source(%dma_start3A_2564 : memref<2x8x128xf32, #tpu.memory_space<hbm>>) target(%dma_start3A_2561 : memref<2x8x128xf32, #tpu.memory_space<vmem>>) target_semaphore(%arg8 : memref<!tpu.dma_semaphore, #tpu.memory_space<semaphore_mem>>)
      %slice3A_2565 = vector.extract_strided_slice %mul3A_2480 {offsets = [4], sizes = [1], strides = [1]} : vector<16xi32> to vector<1xi32>
      %squeeze3A_2566 = vector.extract %slice3A_2565[0] : i32 from vector<1xi32>
      %multiple_of3A_2567 = tpu.assume_multiple %squeeze3A_2566, 128 : i32
      %dma_start3A_2568 = arith.constant 0 : i32
      %dma_start3A_2569 = arith.constant 4 : i32
      %dma_start3A_2570 = arith.constant 0 : i32
      %dma_start3A_2571 = arith.constant 0 : i32
      %dma_start3A_2572 = arith.constant 0 : i32
      %dma_start3A_2573 = tpu.memref_slice %arg6[%dma_start3A_2568, %dma_start3A_2569, %dma_start3A_2570, %dma_start3A_2571, %dma_start3A_2572] : memref<2x16x2x8x128xf32, #tpu.memory_space<vmem>> -> memref<1x1x2x8x128xf32, #tpu.memory_space<vmem>>
      %dma_start3A_2574 = tpu.memref_squeeze %dma_start3A_2573 : memref<1x1x2x8x128xf32, #tpu.memory_space<vmem>> -> memref<2x8x128xf32, #tpu.memory_space<vmem>>
      %dma_start3A_2575 = arith.constant 0 : i32
      %dma_start3A_2576 = arith.constant 0 : i32
      %dma_start3A_2577 = tpu.memref_slice %arg2[%dma_start3A_2575, %dma_start3A_2576, %multiple_of3A_2567] : memref<2x8x1000000xf32, #tpu.memory_space<hbm>> -> memref<2x8x128xf32, #tpu.memory_space<hbm>>
      %dma_start3A_2578 = arith.constant 0 : i32
      %dma_start3A_2579 = arith.constant 0 : i32
      %dma_start3A_2580 = arith.constant 0 : i32
      %dma_start3A_2581 = tpu.memref_slice %arg6[%dma_start3A_2568, %dma_start3A_2569, %dma_start3A_2578, %dma_start3A_2579, %dma_start3A_2580] : memref<2x16x2x8x128xf32, #tpu.memory_space<vmem>> -> memref<1x1x2x8x128xf32, #tpu.memory_space<vmem>>
      %dma_start3A_2582 = tpu.memref_squeeze %dma_start3A_2581 : memref<1x1x2x8x128xf32, #tpu.memory_space<vmem>> -> memref<2x8x128xf32, #tpu.memory_space<vmem>>
      %dma_start3A_2583 = arith.constant 0 : i32
      %dma_start3A_2584 = arith.constant 0 : i32
      %dma_start3A_2585 = tpu.memref_slice %arg2[%dma_start3A_2583, %dma_start3A_2584, %multiple_of3A_2567] : memref<2x8x1000000xf32, #tpu.memory_space<hbm>> -> memref<2x8x128xf32, #tpu.memory_space<hbm>>
      tpu.enqueue_dma source(%dma_start3A_2585 : memref<2x8x128xf32, #tpu.memory_space<hbm>>) target(%dma_start3A_2582 : memref<2x8x128xf32, #tpu.memory_space<vmem>>) target_semaphore(%arg8 : memref<!tpu.dma_semaphore, #tpu.memory_space<semaphore_mem>>)
      %slice3A_2586 = vector.extract_strided_slice %mul3A_2480 {offsets = [5], sizes = [1], strides = [1]} : vector<16xi32> to vector<1xi32>
      %squeeze3A_2587 = vector.extract %slice3A_2586[0] : i32 from vector<1xi32>
      %multiple_of3A_2588 = tpu.assume_multiple %squeeze3A_2587, 128 : i32
      %dma_start3A_2589 = arith.constant 0 : i32
      %dma_start3A_2590 = arith.constant 5 : i32
      %dma_start3A_2591 = arith.constant 0 : i32
      %dma_start3A_2592 = arith.constant 0 : i32
      %dma_start3A_2593 = arith.constant 0 : i32
      %dma_start3A_2594 = tpu.memref_slice %arg6[%dma_start3A_2589, %dma_start3A_2590, %dma_start3A_2591, %dma_start3A_2592, %dma_start3A_2593] : memref<2x16x2x8x128xf32, #tpu.memory_space<vmem>> -> memref<1x1x2x8x128xf32, #tpu.memory_space<vmem>>
      %dma_start3A_2595 = tpu.memref_squeeze %dma_start3A_2594 : memref<1x1x2x8x128xf32, #tpu.memory_space<vmem>> -> memref<2x8x128xf32, #tpu.memory_space<vmem>>
      %dma_start3A_2596 = arith.constant 0 : i32
      %dma_start3A_2597 = arith.constant 0 : i32
      %dma_start3A_2598 = tpu.memref_slice %arg2[%dma_start3A_2596, %dma_start3A_2597, %multiple_of3A_2588] : memref<2x8x1000000xf32, #tpu.memory_space<hbm>> -> memref<2x8x128xf32, #tpu.memory_space<hbm>>
      %dma_start3A_2599 = arith.constant 0 : i32
      %dma_start3A_2600 = arith.constant 0 : i32
      %dma_start3A_2601 = arith.constant 0 : i32
      %dma_start3A_2602 = tpu.memref_slice %arg6[%dma_start3A_2589, %dma_start3A_2590, %dma_start3A_2599, %dma_start3A_2600, %dma_start3A_2601] : memref<2x16x2x8x128xf32, #tpu.memory_space<vmem>> -> memref<1x1x2x8x128xf32, #tpu.memory_space<vmem>>
      %dma_start3A_2603 = tpu.memref_squeeze %dma_start3A_2602 : memref<1x1x2x8x128xf32, #tpu.memory_space<vmem>> -> memref<2x8x128xf32, #tpu.memory_space<vmem>>
      %dma_start3A_2604 = arith.constant 0 : i32
      %dma_start3A_2605 = arith.constant 0 : i32
      %dma_start3A_2606 = tpu.memref_slice %arg2[%dma_start3A_2604, %dma_start3A_2605, %multiple_of3A_2588] : memref<2x8x1000000xf32, #tpu.memory_space<hbm>> -> memref<2x8x128xf32, #tpu.memory_space<hbm>>
      tpu.enqueue_dma source(%dma_start3A_2606 : memref<2x8x128xf32, #tpu.memory_space<hbm>>) target(%dma_start3A_2603 : memref<2x8x128xf32, #tpu.memory_space<vmem>>) target_semaphore(%arg8 : memref<!tpu.dma_semaphore, #tpu.memory_space<semaphore_mem>>)
      %slice3A_2607 = vector.extract_strided_slice %mul3A_2480 {offsets = [6], sizes = [1], strides = [1]} : vector<16xi32> to vector<1xi32>
      %squeeze3A_2608 = vector.extract %slice3A_2607[0] : i32 from vector<1xi32>
      %multiple_of3A_2609 = tpu.assume_multiple %squeeze3A_2608, 128 : i32
      %dma_start3A_2610 = arith.constant 0 : i32
      %dma_start3A_2611 = arith.constant 6 : i32
      %dma_start3A_2612 = arith.constant 0 : i32
      %dma_start3A_2613 = arith.constant 0 : i32
      %dma_start3A_2614 = arith.constant 0 : i32
      %dma_start3A_2615 = tpu.memref_slice %arg6[%dma_start3A_2610, %dma_start3A_2611, %dma_start3A_2612, %dma_start3A_2613, %dma_start3A_2614] : memref<2x16x2x8x128xf32, #tpu.memory_space<vmem>> -> memref<1x1x2x8x128xf32, #tpu.memory_space<vmem>>
      %dma_start3A_2616 = tpu.memref_squeeze %dma_start3A_2615 : memref<1x1x2x8x128xf32, #tpu.memory_space<vmem>> -> memref<2x8x128xf32, #tpu.memory_space<vmem>>
      %dma_start3A_2617 = arith.constant 0 : i32
      %dma_start3A_2618 = arith.constant 0 : i32
      %dma_start3A_2619 = tpu.memref_slice %arg2[%dma_start3A_2617, %dma_start3A_2618, %multiple_of3A_2609] : memref<2x8x1000000xf32, #tpu.memory_space<hbm>> -> memref<2x8x128xf32, #tpu.memory_space<hbm>>
      %dma_start3A_2620 = arith.constant 0 : i32
      %dma_start3A_2621 = arith.constant 0 : i32
      %dma_start3A_2622 = arith.constant 0 : i32
      %dma_start3A_2623 = tpu.memref_slice %arg6[%dma_start3A_2610, %dma_start3A_2611, %dma_start3A_2620, %dma_start3A_2621, %dma_start3A_2622] : memref<2x16x2x8x128xf32, #tpu.memory_space<vmem>> -> memref<1x1x2x8x128xf32, #tpu.memory_space<vmem>>
      %dma_start3A_2624 = tpu.memref_squeeze %dma_start3A_2623 : memref<1x1x2x8x128xf32, #tpu.memory_space<vmem>> -> memref<2x8x128xf32, #tpu.memory_space<vmem>>
      %dma_start3A_2625 = arith.constant 0 : i32
      %dma_start3A_2626 = arith.constant 0 : i32
      %dma_start3A_2627 = tpu.memref_slice %arg2[%dma_start3A_2625, %dma_start3A_2626, %multiple_of3A_2609] : memref<2x8x1000000xf32, #tpu.memory_space<hbm>> -> memref<2x8x128xf32, #tpu.memory_space<hbm>>
      tpu.enqueue_dma source(%dma_start3A_2627 : memref<2x8x128xf32, #tpu.memory_space<hbm>>) target(%dma_start3A_2624 : memref<2x8x128xf32, #tpu.memory_space<vmem>>) target_semaphore(%arg8 : memref<!tpu.dma_semaphore, #tpu.memory_space<semaphore_mem>>)
      %slice3A_2628 = vector.extract_strided_slice %mul3A_2480 {offsets = [7], sizes = [1], strides = [1]} : vector<16xi32> to vector<1xi32>
      %squeeze3A_2629 = vector.extract %slice3A_2628[0] : i32 from vector<1xi32>
      %multiple_of3A_2630 = tpu.assume_multiple %squeeze3A_2629, 128 : i32
      %dma_start3A_2631 = arith.constant 0 : i32
      %dma_start3A_2632 = arith.constant 7 : i32
      %dma_start3A_2633 = arith.constant 0 : i32
      %dma_start3A_2634 = arith.constant 0 : i32
      %dma_start3A_2635 = arith.constant 0 : i32
      %dma_start3A_2636 = tpu.memref_slice %arg6[%dma_start3A_2631, %dma_start3A_2632, %dma_start3A_2633, %dma_start3A_2634, %dma_start3A_2635] : memref<2x16x2x8x128xf32, #tpu.memory_space<vmem>> -> memref<1x1x2x8x128xf32, #tpu.memory_space<vmem>>
      %dma_start3A_2637 = tpu.memref_squeeze %dma_start3A_2636 : memref<1x1x2x8x128xf32, #tpu.memory_space<vmem>> -> memref<2x8x128xf32, #tpu.memory_space<vmem>>
      %dma_start3A_2638 = arith.constant 0 : i32
      %dma_start3A_2639 = arith.constant 0 : i32
      %dma_start3A_2640 = tpu.memref_slice %arg2[%dma_start3A_2638, %dma_start3A_2639, %multiple_of3A_2630] : memref<2x8x1000000xf32, #tpu.memory_space<hbm>> -> memref<2x8x128xf32, #tpu.memory_space<hbm>>
      %dma_start3A_2641 = arith.constant 0 : i32
      %dma_start3A_2642 = arith.constant 0 : i32
      %dma_start3A_2643 = arith.constant 0 : i32
      %dma_start3A_2644 = tpu.memref_slice %arg6[%dma_start3A_2631, %dma_start3A_2632, %dma_start3A_2641, %dma_start3A_2642, %dma_start3A_2643] : memref<2x16x2x8x128xf32, #tpu.memory_space<vmem>> -> memref<1x1x2x8x128xf32, #tpu.memory_space<vmem>>
      %dma_start3A_2645 = tpu.memref_squeeze %dma_start3A_2644 : memref<1x1x2x8x128xf32, #tpu.memory_space<vmem>> -> memref<2x8x128xf32, #tpu.memory_space<vmem>>
      %dma_start3A_2646 = arith.constant 0 : i32
      %dma_start3A_2647 = arith.constant 0 : i32
      %dma_start3A_2648 = tpu.memref_slice %arg2[%dma_start3A_2646, %dma_start3A_2647, %multiple_of3A_2630] : memref<2x8x1000000xf32, #tpu.memory_space<hbm>> -> memref<2x8x128xf32, #tpu.memory_space<hbm>>
      tpu.enqueue_dma source(%dma_start3A_2648 : memref<2x8x128xf32, #tpu.memory_space<hbm>>) target(%dma_start3A_2645 : memref<2x8x128xf32, #tpu.memory_space<vmem>>) target_semaphore(%arg8 : memref<!tpu.dma_semaphore, #tpu.memory_space<semaphore_mem>>)
      %slice3A_2649 = vector.extract_strided_slice %mul3A_2480 {offsets = [8], sizes = [1], strides = [1]} : vector<16xi32> to vector<1xi32>
      %squeeze3A_2650 = vector.extract %slice3A_2649[0] : i32 from vector<1xi32>
      %multiple_of3A_2651 = tpu.assume_multiple %squeeze3A_2650, 128 : i32
      %dma_start3A_2652 = arith.constant 0 : i32
      %dma_start3A_2653 = arith.constant 8 : i32
      %dma_start3A_2654 = arith.constant 0 : i32
      %dma_start3A_2655 = arith.constant 0 : i32
      %dma_start3A_2656 = arith.constant 0 : i32
      %dma_start3A_2657 = tpu.memref_slice %arg6[%dma_start3A_2652, %dma_start3A_2653, %dma_start3A_2654, %dma_start3A_2655, %dma_start3A_2656] : memref<2x16x2x8x128xf32, #tpu.memory_space<vmem>> -> memref<1x1x2x8x128xf32, #tpu.memory_space<vmem>>
      %dma_start3A_2658 = tpu.memref_squeeze %dma_start3A_2657 : memref<1x1x2x8x128xf32, #tpu.memory_space<vmem>> -> memref<2x8x128xf32, #tpu.memory_space<vmem>>
      %dma_start3A_2659 = arith.constant 0 : i32
      %dma_start3A_2660 = arith.constant 0 : i32
      %dma_start3A_2661 = tpu.memref_slice %arg2[%dma_start3A_2659, %dma_start3A_2660, %multiple_of3A_2651] : memref<2x8x1000000xf32, #tpu.memory_space<hbm>> -> memref<2x8x128xf32, #tpu.memory_space<hbm>>
      %dma_start3A_2662 = arith.constant 0 : i32
      %dma_start3A_2663 = arith.constant 0 : i32
      %dma_start3A_2664 = arith.constant 0 : i32
      %dma_start3A_2665 = tpu.memref_slice %arg6[%dma_start3A_2652, %dma_start3A_2653, %dma_start3A_2662, %dma_start3A_2663, %dma_start3A_2664] : memref<2x16x2x8x128xf32, #tpu.memory_space<vmem>> -> memref<1x1x2x8x128xf32, #tpu.memory_space<vmem>>
      %dma_start3A_2666 = tpu.memref_squeeze %dma_start3A_2665 : memref<1x1x2x8x128xf32, #tpu.memory_space<vmem>> -> memref<2x8x128xf32, #tpu.memory_space<vmem>>
      %dma_start3A_2667 = arith.constant 0 : i32
      %dma_start3A_2668 = arith.constant 0 : i32
      %dma_start3A_2669 = tpu.memref_slice %arg2[%dma_start3A_2667, %dma_start3A_2668, %multiple_of3A_2651] : memref<2x8x1000000xf32, #tpu.memory_space<hbm>> -> memref<2x8x128xf32, #tpu.memory_space<hbm>>
      tpu.enqueue_dma source(%dma_start3A_2669 : memref<2x8x128xf32, #tpu.memory_space<hbm>>) target(%dma_start3A_2666 : memref<2x8x128xf32, #tpu.memory_space<vmem>>) target_semaphore(%arg8 : memref<!tpu.dma_semaphore, #tpu.memory_space<semaphore_mem>>)
      %slice3A_2670 = vector.extract_strided_slice %mul3A_2480 {offsets = [9], sizes = [1], strides = [1]} : vector<16xi32> to vector<1xi32>
      %squeeze3A_2671 = vector.extract %slice3A_2670[0] : i32 from vector<1xi32>
      %multiple_of3A_2672 = tpu.assume_multiple %squeeze3A_2671, 128 : i32
      %dma_start3A_2673 = arith.constant 0 : i32
      %dma_start3A_2674 = arith.constant 9 : i32
      %dma_start3A_2675 = arith.constant 0 : i32
      %dma_start3A_2676 = arith.constant 0 : i32
      %dma_start3A_2677 = arith.constant 0 : i32
      %dma_start3A_2678 = tpu.memref_slice %arg6[%dma_start3A_2673, %dma_start3A_2674, %dma_start3A_2675, %dma_start3A_2676, %dma_start3A_2677] : memref<2x16x2x8x128xf32, #tpu.memory_space<vmem>> -> memref<1x1x2x8x128xf32, #tpu.memory_space<vmem>>
      %dma_start3A_2679 = tpu.memref_squeeze %dma_start3A_2678 : memref<1x1x2x8x128xf32, #tpu.memory_space<vmem>> -> memref<2x8x128xf32, #tpu.memory_space<vmem>>
      %dma_start3A_2680 = arith.constant 0 : i32
      %dma_start3A_2681 = arith.constant 0 : i32
      %dma_start3A_2682 = tpu.memref_slice %arg2[%dma_start3A_2680, %dma_start3A_2681, %multiple_of3A_2672] : memref<2x8x1000000xf32, #tpu.memory_space<hbm>> -> memref<2x8x128xf32, #tpu.memory_space<hbm>>
      %dma_start3A_2683 = arith.constant 0 : i32
      %dma_start3A_2684 = arith.constant 0 : i32
      %dma_start3A_2685 = arith.constant 0 : i32
      %dma_start3A_2686 = tpu.memref_slice %arg6[%dma_start3A_2673, %dma_start3A_2674, %dma_start3A_2683, %dma_start3A_2684, %dma_start3A_2685] : memref<2x16x2x8x128xf32, #tpu.memory_space<vmem>> -> memref<1x1x2x8x128xf32, #tpu.memory_space<vmem>>
      %dma_start3A_2687 = tpu.memref_squeeze %dma_start3A_2686 : memref<1x1x2x8x128xf32, #tpu.memory_space<vmem>> -> memref<2x8x128xf32, #tpu.memory_space<vmem>>
      %dma_start3A_2688 = arith.constant 0 : i32
      %dma_start3A_2689 = arith.constant 0 : i32
      %dma_start3A_2690 = tpu.memref_slice %arg2[%dma_start3A_2688, %dma_start3A_2689, %multiple_of3A_2672] : memref<2x8x1000000xf32, #tpu.memory_space<hbm>> -> memref<2x8x128xf32, #tpu.memory_space<hbm>>
      tpu.enqueue_dma source(%dma_start3A_2690 : memref<2x8x128xf32, #tpu.memory_space<hbm>>) target(%dma_start3A_2687 : memref<2x8x128xf32, #tpu.memory_space<vmem>>) target_semaphore(%arg8 : memref<!tpu.dma_semaphore, #tpu.memory_space<semaphore_mem>>)
      %slice3A_2691 = vector.extract_strided_slice %mul3A_2480 {offsets = [10], sizes = [1], strides = [1]} : vector<16xi32> to vector<1xi32>
      %squeeze3A_2692 = vector.extract %slice3A_2691[0] : i32 from vector<1xi32>
      %multiple_of3A_2693 = tpu.assume_multiple %squeeze3A_2692, 128 : i32
      %dma_start3A_2694 = arith.constant 0 : i32
      %dma_start3A_2695 = arith.constant 10 : i32
      %dma_start3A_2696 = arith.constant 0 : i32
      %dma_start3A_2697 = arith.constant 0 : i32
      %dma_start3A_2698 = arith.constant 0 : i32
      %dma_start3A_2699 = tpu.memref_slice %arg6[%dma_start3A_2694, %dma_start3A_2695, %dma_start3A_2696, %dma_start3A_2697, %dma_start3A_2698] : memref<2x16x2x8x128xf32, #tpu.memory_space<vmem>> -> memref<1x1x2x8x128xf32, #tpu.memory_space<vmem>>
      %dma_start3A_2700 = tpu.memref_squeeze %dma_start3A_2699 : memref<1x1x2x8x128xf32, #tpu.memory_space<vmem>> -> memref<2x8x128xf32, #tpu.memory_space<vmem>>
      %dma_start3A_2701 = arith.constant 0 : i32
      %dma_start3A_2702 = arith.constant 0 : i32
      %dma_start3A_2703 = tpu.memref_slice %arg2[%dma_start3A_2701, %dma_start3A_2702, %multiple_of3A_2693] : memref<2x8x1000000xf32, #tpu.memory_space<hbm>> -> memref<2x8x128xf32, #tpu.memory_space<hbm>>
      %dma_start3A_2704 = arith.constant 0 : i32
      %dma_start3A_2705 = arith.constant 0 : i32
      %dma_start3A_2706 = arith.constant 0 : i32
      %dma_start3A_2707 = tpu.memref_slice %arg6[%dma_start3A_2694, %dma_start3A_2695, %dma_start3A_2704, %dma_start3A_2705, %dma_start3A_2706] : memref<2x16x2x8x128xf32, #tpu.memory_space<vmem>> -> memref<1x1x2x8x128xf32, #tpu.memory_space<vmem>>
      %dma_start3A_2708 = tpu.memref_squeeze %dma_start3A_2707 : memref<1x1x2x8x128xf32, #tpu.memory_space<vmem>> -> memref<2x8x128xf32, #tpu.memory_space<vmem>>
      %dma_start3A_2709 = arith.constant 0 : i32
      %dma_start3A_2710 = arith.constant 0 : i32
      %dma_start3A_2711 = tpu.memref_slice %arg2[%dma_start3A_2709, %dma_start3A_2710, %multiple_of3A_2693] : memref<2x8x1000000xf32, #tpu.memory_space<hbm>> -> memref<2x8x128xf32, #tpu.memory_space<hbm>>
      tpu.enqueue_dma source(%dma_start3A_2711 : memref<2x8x128xf32, #tpu.memory_space<hbm>>) target(%dma_start3A_2708 : memref<2x8x128xf32, #tpu.memory_space<vmem>>) target_semaphore(%arg8 : memref<!tpu.dma_semaphore, #tpu.memory_space<semaphore_mem>>)
      %slice3A_2712 = vector.extract_strided_slice %mul3A_2480 {offsets = [11], sizes = [1], strides = [1]} : vector<16xi32> to vector<1xi32>
      %squeeze3A_2713 = vector.extract %slice3A_2712[0] : i32 from vector<1xi32>
      %multiple_of3A_2714 = tpu.assume_multiple %squeeze3A_2713, 128 : i32
      %dma_start3A_2715 = arith.constant 0 : i32
      %dma_start3A_2716 = arith.constant 11 : i32
      %dma_start3A_2717 = arith.constant 0 : i32
      %dma_start3A_2718 = arith.constant 0 : i32
      %dma_start3A_2719 = arith.constant 0 : i32
      %dma_start3A_2720 = tpu.memref_slice %arg6[%dma_start3A_2715, %dma_start3A_2716, %dma_start3A_2717, %dma_start3A_2718, %dma_start3A_2719] : memref<2x16x2x8x128xf32, #tpu.memory_space<vmem>> -> memref<1x1x2x8x128xf32, #tpu.memory_space<vmem>>
      %dma_start3A_2721 = tpu.memref_squeeze %dma_start3A_2720 : memref<1x1x2x8x128xf32, #tpu.memory_space<vmem>> -> memref<2x8x128xf32, #tpu.memory_space<vmem>>
      %dma_start3A_2722 = arith.constant 0 : i32
      %dma_start3A_2723 = arith.constant 0 : i32
      %dma_start3A_2724 = tpu.memref_slice %arg2[%dma_start3A_2722, %dma_start3A_2723, %multiple_of3A_2714] : memref<2x8x1000000xf32, #tpu.memory_space<hbm>> -> memref<2x8x128xf32, #tpu.memory_space<hbm>>
      %dma_start3A_2725 = arith.constant 0 : i32
      %dma_start3A_2726 = arith.constant 0 : i32
      %dma_start3A_2727 = arith.constant 0 : i32
      %dma_start3A_2728 = tpu.memref_slice %arg6[%dma_start3A_2715, %dma_start3A_2716, %dma_start3A_2725, %dma_start3A_2726, %dma_start3A_2727] : memref<2x16x2x8x128xf32, #tpu.memory_space<vmem>> -> memref<1x1x2x8x128xf32, #tpu.memory_space<vmem>>
      %dma_start3A_2729 = tpu.memref_squeeze %dma_start3A_2728 : memref<1x1x2x8x128xf32, #tpu.memory_space<vmem>> -> memref<2x8x128xf32, #tpu.memory_space<vmem>>
      %dma_start3A_2730 = arith.constant 0 : i32
      %dma_start3A_2731 = arith.constant 0 : i32
      %dma_start3A_2732 = tpu.memref_slice %arg2[%dma_start3A_2730, %dma_start3A_2731, %multiple_of3A_2714] : memref<2x8x1000000xf32, #tpu.memory_space<hbm>> -> memref<2x8x128xf32, #tpu.memory_space<hbm>>
      tpu.enqueue_dma source(%dma_start3A_2732 : memref<2x8x128xf32, #tpu.memory_space<hbm>>) target(%dma_start3A_2729 : memref<2x8x128xf32, #tpu.memory_space<vmem>>) target_semaphore(%arg8 : memref<!tpu.dma_semaphore, #tpu.memory_space<semaphore_mem>>)
      %slice3A_2733 = vector.extract_strided_slice %mul3A_2480 {offsets = [12], sizes = [1], strides = [1]} : vector<16xi32> to vector<1xi32>
      %squeeze3A_2734 = vector.extract %slice3A_2733[0] : i32 from vector<1xi32>
      %multiple_of3A_2735 = tpu.assume_multiple %squeeze3A_2734, 128 : i32
      %dma_start3A_2736 = arith.constant 0 : i32
      %dma_start3A_2737 = arith.constant 12 : i32
      %dma_start3A_2738 = arith.constant 0 : i32
      %dma_start3A_2739 = arith.constant 0 : i32
      %dma_start3A_2740 = arith.constant 0 : i32
      %dma_start3A_2741 = tpu.memref_slice %arg6[%dma_start3A_2736, %dma_start3A_2737, %dma_start3A_2738, %dma_start3A_2739, %dma_start3A_2740] : memref<2x16x2x8x128xf32, #tpu.memory_space<vmem>> -> memref<1x1x2x8x128xf32, #tpu.memory_space<vmem>>
      %dma_start3A_2742 = tpu.memref_squeeze %dma_start3A_2741 : memref<1x1x2x8x128xf32, #tpu.memory_space<vmem>> -> memref<2x8x128xf32, #tpu.memory_space<vmem>>
      %dma_start3A_2743 = arith.constant 0 : i32
      %dma_start3A_2744 = arith.constant 0 : i32
      %dma_start3A_2745 = tpu.memref_slice %arg2[%dma_start3A_2743, %dma_start3A_2744, %multiple_of3A_2735] : memref<2x8x1000000xf32, #tpu.memory_space<hbm>> -> memref<2x8x128xf32, #tpu.memory_space<hbm>>
      %dma_start3A_2746 = arith.constant 0 : i32
      %dma_start3A_2747 = arith.constant 0 : i32
      %dma_start3A_2748 = arith.constant 0 : i32
      %dma_start3A_2749 = tpu.memref_slice %arg6[%dma_start3A_2736, %dma_start3A_2737, %dma_start3A_2746, %dma_start3A_2747, %dma_start3A_2748] : memref<2x16x2x8x128xf32, #tpu.memory_space<vmem>> -> memref<1x1x2x8x128xf32, #tpu.memory_space<vmem>>
      %dma_start3A_2750 = tpu.memref_squeeze %dma_start3A_2749 : memref<1x1x2x8x128xf32, #tpu.memory_space<vmem>> -> memref<2x8x128xf32, #tpu.memory_space<vmem>>
      %dma_start3A_2751 = arith.constant 0 : i32
      %dma_start3A_2752 = arith.constant 0 : i32
      %dma_start3A_2753 = tpu.memref_slice %arg2[%dma_start3A_2751, %dma_start3A_2752, %multiple_of3A_2735] : memref<2x8x1000000xf32, #tpu.memory_space<hbm>> -> memref<2x8x128xf32, #tpu.memory_space<hbm>>
      tpu.enqueue_dma source(%dma_start3A_2753 : memref<2x8x128xf32, #tpu.memory_space<hbm>>) target(%dma_start3A_2750 : memref<2x8x128xf32, #tpu.memory_space<vmem>>) target_semaphore(%arg8 : memref<!tpu.dma_semaphore, #tpu.memory_space<semaphore_mem>>)
      %slice3A_2754 = vector.extract_strided_slice %mul3A_2480 {offsets = [13], sizes = [1], strides = [1]} : vector<16xi32> to vector<1xi32>
      %squeeze3A_2755 = vector.extract %slice3A_2754[0] : i32 from vector<1xi32>
      %multiple_of3A_2756 = tpu.assume_multiple %squeeze3A_2755, 128 : i32
      %dma_start3A_2757 = arith.constant 0 : i32
      %dma_start3A_2758 = arith.constant 13 : i32
      %dma_start3A_2759 = arith.constant 0 : i32
      %dma_start3A_2760 = arith.constant 0 : i32
      %dma_start3A_2761 = arith.constant 0 : i32
      %dma_start3A_2762 = tpu.memref_slice %arg6[%dma_start3A_2757, %dma_start3A_2758, %dma_start3A_2759, %dma_start3A_2760, %dma_start3A_2761] : memref<2x16x2x8x128xf32, #tpu.memory_space<vmem>> -> memref<1x1x2x8x128xf32, #tpu.memory_space<vmem>>
      %dma_start3A_2763 = tpu.memref_squeeze %dma_start3A_2762 : memref<1x1x2x8x128xf32, #tpu.memory_space<vmem>> -> memref<2x8x128xf32, #tpu.memory_space<vmem>>
      %dma_start3A_2764 = arith.constant 0 : i32
      %dma_start3A_2765 = arith.constant 0 : i32
      %dma_start3A_2766 = tpu.memref_slice %arg2[%dma_start3A_2764, %dma_start3A_2765, %multiple_of3A_2756] : memref<2x8x1000000xf32, #tpu.memory_space<hbm>> -> memref<2x8x128xf32, #tpu.memory_space<hbm>>
      %dma_start3A_2767 = arith.constant 0 : i32
      %dma_start3A_2768 = arith.constant 0 : i32
      %dma_start3A_2769 = arith.constant 0 : i32
      %dma_start3A_2770 = tpu.memref_slice %arg6[%dma_start3A_2757, %dma_start3A_2758, %dma_start3A_2767, %dma_start3A_2768, %dma_start3A_2769] : memref<2x16x2x8x128xf32, #tpu.memory_space<vmem>> -> memref<1x1x2x8x128xf32, #tpu.memory_space<vmem>>
      %dma_start3A_2771 = tpu.memref_squeeze %dma_start3A_2770 : memref<1x1x2x8x128xf32, #tpu.memory_space<vmem>> -> memref<2x8x128xf32, #tpu.memory_space<vmem>>
      %dma_start3A_2772 = arith.constant 0 : i32
      %dma_start3A_2773 = arith.constant 0 : i32
      %dma_start3A_2774 = tpu.memref_slice %arg2[%dma_start3A_2772, %dma_start3A_2773, %multiple_of3A_2756] : memref<2x8x1000000xf32, #tpu.memory_space<hbm>> -> memref<2x8x128xf32, #tpu.memory_space<hbm>>
      tpu.enqueue_dma source(%dma_start3A_2774 : memref<2x8x128xf32, #tpu.memory_space<hbm>>) target(%dma_start3A_2771 : memref<2x8x128xf32, #tpu.memory_space<vmem>>) target_semaphore(%arg8 : memref<!tpu.dma_semaphore, #tpu.memory_space<semaphore_mem>>)
      %slice3A_2775 = vector.extract_strided_slice %mul3A_2480 {offsets = [14], sizes = [1], strides = [1]} : vector<16xi32> to vector<1xi32>
      %squeeze3A_2776 = vector.extract %slice3A_2775[0] : i32 from vector<1xi32>
      %multiple_of3A_2777 = tpu.assume_multiple %squeeze3A_2776, 128 : i32
      %dma_start3A_2778 = arith.constant 0 : i32
      %dma_start3A_2779 = arith.constant 14 : i32
      %dma_start3A_2780 = arith.constant 0 : i32
      %dma_start3A_2781 = arith.constant 0 : i32
      %dma_start3A_2782 = arith.constant 0 : i32
      %dma_start3A_2783 = tpu.memref_slice %arg6[%dma_start3A_2778, %dma_start3A_2779, %dma_start3A_2780, %dma_start3A_2781, %dma_start3A_2782] : memref<2x16x2x8x128xf32, #tpu.memory_space<vmem>> -> memref<1x1x2x8x128xf32, #tpu.memory_space<vmem>>
      %dma_start3A_2784 = tpu.memref_squeeze %dma_start3A_2783 : memref<1x1x2x8x128xf32, #tpu.memory_space<vmem>> -> memref<2x8x128xf32, #tpu.memory_space<vmem>>
      %dma_start3A_2785 = arith.constant 0 : i32
      %dma_start3A_2786 = arith.constant 0 : i32
      %dma_start3A_2787 = tpu.memref_slice %arg2[%dma_start3A_2785, %dma_start3A_2786, %multiple_of3A_2777] : memref<2x8x1000000xf32, #tpu.memory_space<hbm>> -> memref<2x8x128xf32, #tpu.memory_space<hbm>>
      %dma_start3A_2788 = arith.constant 0 : i32
      %dma_start3A_2789 = arith.constant 0 : i32
      %dma_start3A_2790 = arith.constant 0 : i32
      %dma_start3A_2791 = tpu.memref_slice %arg6[%dma_start3A_2778, %dma_start3A_2779, %dma_start3A_2788, %dma_start3A_2789, %dma_start3A_2790] : memref<2x16x2x8x128xf32, #tpu.memory_space<vmem>> -> memref<1x1x2x8x128xf32, #tpu.memory_space<vmem>>
      %dma_start3A_2792 = tpu.memref_squeeze %dma_start3A_2791 : memref<1x1x2x8x128xf32, #tpu.memory_space<vmem>> -> memref<2x8x128xf32, #tpu.memory_space<vmem>>
      %dma_start3A_2793 = arith.constant 0 : i32
      %dma_start3A_2794 = arith.constant 0 : i32
      %dma_start3A_2795 = tpu.memref_slice %arg2[%dma_start3A_2793, %dma_start3A_2794, %multiple_of3A_2777] : memref<2x8x1000000xf32, #tpu.memory_space<hbm>> -> memref<2x8x128xf32, #tpu.memory_space<hbm>>
      tpu.enqueue_dma source(%dma_start3A_2795 : memref<2x8x128xf32, #tpu.memory_space<hbm>>) target(%dma_start3A_2792 : memref<2x8x128xf32, #tpu.memory_space<vmem>>) target_semaphore(%arg8 : memref<!tpu.dma_semaphore, #tpu.memory_space<semaphore_mem>>)
      %slice3A_2796 = vector.extract_strided_slice %mul3A_2480 {offsets = [15], sizes = [1], strides = [1]} : vector<16xi32> to vector<1xi32>
      %squeeze3A_2797 = vector.extract %slice3A_2796[0] : i32 from vector<1xi32>
      %multiple_of3A_2798 = tpu.assume_multiple %squeeze3A_2797, 128 : i32
      %dma_start3A_2799 = arith.constant 0 : i32
      %dma_start3A_2800 = arith.constant 15 : i32
      %dma_start3A_2801 = arith.constant 0 : i32
      %dma_start3A_2802 = arith.constant 0 : i32
      %dma_start3A_2803 = arith.constant 0 : i32
      %dma_start3A_2804 = tpu.memref_slice %arg6[%dma_start3A_2799, %dma_start3A_2800, %dma_start3A_2801, %dma_start3A_2802, %dma_start3A_2803] : memref<2x16x2x8x128xf32, #tpu.memory_space<vmem>> -> memref<1x1x2x8x128xf32, #tpu.memory_space<vmem>>
      %dma_start3A_2805 = tpu.memref_squeeze %dma_start3A_2804 : memref<1x1x2x8x128xf32, #tpu.memory_space<vmem>> -> memref<2x8x128xf32, #tpu.memory_space<vmem>>
      %dma_start3A_2806 = arith.constant 0 : i32
      %dma_start3A_2807 = arith.constant 0 : i32
      %dma_start3A_2808 = tpu.memref_slice %arg2[%dma_start3A_2806, %dma_start3A_2807, %multiple_of3A_2798] : memref<2x8x1000000xf32, #tpu.memory_space<hbm>> -> memref<2x8x128xf32, #tpu.memory_space<hbm>>
      %dma_start3A_2809 = arith.constant 0 : i32
      %dma_start3A_2810 = arith.constant 0 : i32
      %dma_start3A_2811 = arith.constant 0 : i32
      %dma_start3A_2812 = tpu.memref_slice %arg6[%dma_start3A_2799, %dma_start3A_2800, %dma_start3A_2809, %dma_start3A_2810, %dma_start3A_2811] : memref<2x16x2x8x128xf32, #tpu.memory_space<vmem>> -> memref<1x1x2x8x128xf32, #tpu.memory_space<vmem>>
      %dma_start3A_2813 = tpu.memref_squeeze %dma_start3A_2812 : memref<1x1x2x8x128xf32, #tpu.memory_space<vmem>> -> memref<2x8x128xf32, #tpu.memory_space<vmem>>
      %dma_start3A_2814 = arith.constant 0 : i32
      %dma_start3A_2815 = arith.constant 0 : i32
      %dma_start3A_2816 = tpu.memref_slice %arg2[%dma_start3A_2814, %dma_start3A_2815, %multiple_of3A_2798] : memref<2x8x1000000xf32, #tpu.memory_space<hbm>> -> memref<2x8x128xf32, #tpu.memory_space<hbm>>
      tpu.enqueue_dma source(%dma_start3A_2816 : memref<2x8x128xf32, #tpu.memory_space<hbm>>) target(%dma_start3A_2813 : memref<2x8x128xf32, #tpu.memory_space<vmem>>) target_semaphore(%arg8 : memref<!tpu.dma_semaphore, #tpu.memory_space<semaphore_mem>>)
      %mul3A_2817 = arith.constant 2 : i32
      %mul3A_2818 = arith.muli %scan3A_1876, %mul3A_2817 : i32
      %add3A_2819 = arith.constant 1 : i32
      %add3A_2820 = arith.addi %mul3A_2818, %add3A_2819 : i32
      %mul3A_2821 = arith.constant 16 : i32
      %mul3A_2822 = arith.muli %add3A_2820, %mul3A_2821 : i32
      %multiple_of3A_2823 = tpu.assume_multiple %mul3A_2822, 16 : i32
      %get3A_2824 = arith.index_cast %multiple_of3A_2823 : i32 to index
      %get3A_2825 = tpu.vector_load %arg5[%get3A_2824] {strides = array<i32>} : memref<512xi32, #tpu.memory_space<vmem>>, vector<16xi32>,
      %and3A_2826 = arith.constant 127 : i32
      %and3A_2827 = vector.broadcast %and3A_2826 : i32 to vector<16xi32>
      %and3A_2828 = arith.andi %get3A_2825, %and3A_2827 : vector<16xi32>
      %dma_wait3A_2829 = arith.constant 1 : i32
      %dma_wait3A_2830 = arith.constant 0 : i32
      %dma_wait3A_2831 = arith.constant 0 : i32
      %dma_wait3A_2832 = arith.constant 0 : i32
      %dma_wait3A_2833 = arith.constant 0 : i32
      %dma_wait3A_2834 = tpu.memref_slice %arg6[%dma_wait3A_2829, %dma_wait3A_2830, %dma_wait3A_2831, %dma_wait3A_2832, %dma_wait3A_2833] : memref<2x16x2x8x128xf32, #tpu.memory_space<vmem>> -> memref<1x1x2x8x128xf32, #tpu.memory_space<vmem>>
      %dma_wait3A_2835 = tpu.memref_squeeze %dma_wait3A_2834 : memref<1x1x2x8x128xf32, #tpu.memory_space<vmem>> -> memref<2x8x128xf32, #tpu.memory_space<vmem>>
      %dma_wait3A_2836 = arith.constant 0 : i32
      %dma_wait3A_2837 = arith.constant 0 : i32
      %dma_wait3A_2838 = arith.constant 0 : i32
      %dma_wait3A_2839 = tpu.memref_slice %arg2[%dma_wait3A_2836, %dma_wait3A_2837, %dma_wait3A_2838] : memref<2x8x1000000xf32, #tpu.memory_space<hbm>> -> memref<2x8x128xf32, #tpu.memory_space<hbm>>
      %dma_wait3A_2840 = arith.constant 0 : i32
      %dma_wait3A_2841 = arith.constant 0 : i32
      %dma_wait3A_2842 = arith.constant 0 : i32
      %dma_wait3A_2843 = tpu.memref_slice %arg6[%dma_wait3A_2829, %dma_wait3A_2830, %dma_wait3A_2840, %dma_wait3A_2841, %dma_wait3A_2842] : memref<2x16x2x8x128xf32, #tpu.memory_space<vmem>> -> memref<1x1x2x8x128xf32, #tpu.memory_space<vmem>>
      %dma_wait3A_2844 = tpu.memref_squeeze %dma_wait3A_2843 : memref<1x1x2x8x128xf32, #tpu.memory_space<vmem>> -> memref<2x8x128xf32, #tpu.memory_space<vmem>>
      %dma_wait3A_2845 = arith.constant 0 : i32
      %dma_wait3A_2846 = arith.constant 0 : i32
      %dma_wait3A_2847 = arith.constant 0 : i32
      %dma_wait3A_2848 = tpu.memref_slice %arg2[%dma_wait3A_2845, %dma_wait3A_2846, %dma_wait3A_2847] : memref<2x8x1000000xf32, #tpu.memory_space<hbm>> -> memref<2x8x128xf32, #tpu.memory_space<hbm>>
      tpu.wait_dma2 semaphore(%arg9 : memref<!tpu.dma_semaphore, #tpu.memory_space<semaphore_mem>>) src(%dma_wait3A_2848 : memref<2x8x128xf32, #tpu.memory_space<hbm>>) dst(%dma_wait3A_2844 : memref<2x8x128xf32, #tpu.memory_space<vmem>>)
      %dma_wait3A_2849 = arith.constant 1 : i32
      %dma_wait3A_2850 = arith.constant 1 : i32
      %dma_wait3A_2851 = arith.constant 0 : i32
      %dma_wait3A_2852 = arith.constant 0 : i32
      %dma_wait3A_2853 = arith.constant 0 : i32
      %dma_wait3A_2854 = tpu.memref_slice %arg6[%dma_wait3A_2849, %dma_wait3A_2850, %dma_wait3A_2851, %dma_wait3A_2852, %dma_wait3A_2853] : memref<2x16x2x8x128xf32, #tpu.memory_space<vmem>> -> memref<1x1x2x8x128xf32, #tpu.memory_space<vmem>>
      %dma_wait3A_2855 = tpu.memref_squeeze %dma_wait3A_2854 : memref<1x1x2x8x128xf32, #tpu.memory_space<vmem>> -> memref<2x8x128xf32, #tpu.memory_space<vmem>>
      %dma_wait3A_2856 = arith.constant 0 : i32
      %dma_wait3A_2857 = arith.constant 0 : i32
      %dma_wait3A_2858 = arith.constant 0 : i32
      %dma_wait3A_2859 = tpu.memref_slice %arg2[%dma_wait3A_2856, %dma_wait3A_2857, %dma_wait3A_2858] : memref<2x8x1000000xf32, #tpu.memory_space<hbm>> -> memref<2x8x128xf32, #tpu.memory_space<hbm>>
      %dma_wait3A_2860 = arith.constant 0 : i32
      %dma_wait3A_2861 = arith.constant 0 : i32
      %dma_wait3A_2862 = arith.constant 0 : i32
      %dma_wait3A_2863 = tpu.memref_slice %arg6[%dma_wait3A_2849, %dma_wait3A_2850, %dma_wait3A_2860, %dma_wait3A_2861, %dma_wait3A_2862] : memref<2x16x2x8x128xf32, #tpu.memory_space<vmem>> -> memref<1x1x2x8x128xf32, #tpu.memory_space<vmem>>
      %dma_wait3A_2864 = tpu.memref_squeeze %dma_wait3A_2863 : memref<1x1x2x8x128xf32, #tpu.memory_space<vmem>> -> memref<2x8x128xf32, #tpu.memory_space<vmem>>
      %dma_wait3A_2865 = arith.constant 0 : i32
      %dma_wait3A_2866 = arith.constant 0 : i32
      %dma_wait3A_2867 = arith.constant 0 : i32
      %dma_wait3A_2868 = tpu.memref_slice %arg2[%dma_wait3A_2865, %dma_wait3A_2866, %dma_wait3A_2867] : memref<2x8x1000000xf32, #tpu.memory_space<hbm>> -> memref<2x8x128xf32, #tpu.memory_space<hbm>>
      tpu.wait_dma2 semaphore(%arg9 : memref<!tpu.dma_semaphore, #tpu.memory_space<semaphore_mem>>) src(%dma_wait3A_2868 : memref<2x8x128xf32, #tpu.memory_space<hbm>>) dst(%dma_wait3A_2864 : memref<2x8x128xf32, #tpu.memory_space<vmem>>)
      %dma_wait3A_2869 = arith.constant 1 : i32
      %dma_wait3A_2870 = arith.constant 2 : i32
      %dma_wait3A_2871 = arith.constant 0 : i32
      %dma_wait3A_2872 = arith.constant 0 : i32
      %dma_wait3A_2873 = arith.constant 0 : i32
      %dma_wait3A_2874 = tpu.memref_slice %arg6[%dma_wait3A_2869, %dma_wait3A_2870, %dma_wait3A_2871, %dma_wait3A_2872, %dma_wait3A_2873] : memref<2x16x2x8x128xf32, #tpu.memory_space<vmem>> -> memref<1x1x2x8x128xf32, #tpu.memory_space<vmem>>
      %dma_wait3A_2875 = tpu.memref_squeeze %dma_wait3A_2874 : memref<1x1x2x8x128xf32, #tpu.memory_space<vmem>> -> memref<2x8x128xf32, #tpu.memory_space<vmem>>
      %dma_wait3A_2876 = arith.constant 0 : i32
      %dma_wait3A_2877 = arith.constant 0 : i32
      %dma_wait3A_2878 = arith.constant 0 : i32
      %dma_wait3A_2879 = tpu.memref_slice %arg2[%dma_wait3A_2876, %dma_wait3A_2877, %dma_wait3A_2878] : memref<2x8x1000000xf32, #tpu.memory_space<hbm>> -> memref<2x8x128xf32, #tpu.memory_space<hbm>>
      %dma_wait3A_2880 = arith.constant 0 : i32
      %dma_wait3A_2881 = arith.constant 0 : i32
      %dma_wait3A_2882 = arith.constant 0 : i32
      %dma_wait3A_2883 = tpu.memref_slice %arg6[%dma_wait3A_2869, %dma_wait3A_2870, %dma_wait3A_2880, %dma_wait3A_2881, %dma_wait3A_2882] : memref<2x16x2x8x128xf32, #tpu.memory_space<vmem>> -> memref<1x1x2x8x128xf32, #tpu.memory_space<vmem>>
      %dma_wait3A_2884 = tpu.memref_squeeze %dma_wait3A_2883 : memref<1x1x2x8x128xf32, #tpu.memory_space<vmem>> -> memref<2x8x128xf32, #tpu.memory_space<vmem>>
      %dma_wait3A_2885 = arith.constant 0 : i32
      %dma_wait3A_2886 = arith.constant 0 : i32
      %dma_wait3A_2887 = arith.constant 0 : i32
      %dma_wait3A_2888 = tpu.memref_slice %arg2[%dma_wait3A_2885, %dma_wait3A_2886, %dma_wait3A_2887] : memref<2x8x1000000xf32, #tpu.memory_space<hbm>> -> memref<2x8x128xf32, #tpu.memory_space<hbm>>
      tpu.wait_dma2 semaphore(%arg9 : memref<!tpu.dma_semaphore, #tpu.memory_space<semaphore_mem>>) src(%dma_wait3A_2888 : memref<2x8x128xf32, #tpu.memory_space<hbm>>) dst(%dma_wait3A_2884 : memref<2x8x128xf32, #tpu.memory_space<vmem>>)
      %dma_wait3A_2889 = arith.constant 1 : i32
      %dma_wait3A_2890 = arith.constant 3 : i32
      %dma_wait3A_2891 = arith.constant 0 : i32
      %dma_wait3A_2892 = arith.constant 0 : i32
      %dma_wait3A_2893 = arith.constant 0 : i32
      %dma_wait3A_2894 = tpu.memref_slice %arg6[%dma_wait3A_2889, %dma_wait3A_2890, %dma_wait3A_2891, %dma_wait3A_2892, %dma_wait3A_2893] : memref<2x16x2x8x128xf32, #tpu.memory_space<vmem>> -> memref<1x1x2x8x128xf32, #tpu.memory_space<vmem>>
      %dma_wait3A_2895 = tpu.memref_squeeze %dma_wait3A_2894 : memref<1x1x2x8x128xf32, #tpu.memory_space<vmem>> -> memref<2x8x128xf32, #tpu.memory_space<vmem>>
      %dma_wait3A_2896 = arith.constant 0 : i32
      %dma_wait3A_2897 = arith.constant 0 : i32
      %dma_wait3A_2898 = arith.constant 0 : i32
      %dma_wait3A_2899 = tpu.memref_slice %arg2[%dma_wait3A_2896, %dma_wait3A_2897, %dma_wait3A_2898] : memref<2x8x1000000xf32, #tpu.memory_space<hbm>> -> memref<2x8x128xf32, #tpu.memory_space<hbm>>
      %dma_wait3A_2900 = arith.constant 0 : i32
      %dma_wait3A_2901 = arith.constant 0 : i32
      %dma_wait3A_2902 = arith.constant 0 : i32
      %dma_wait3A_2903 = tpu.memref_slice %arg6[%dma_wait3A_2889, %dma_wait3A_2890, %dma_wait3A_2900, %dma_wait3A_2901, %dma_wait3A_2902] : memref<2x16x2x8x128xf32, #tpu.memory_space<vmem>> -> memref<1x1x2x8x128xf32, #tpu.memory_space<vmem>>
      %dma_wait3A_2904 = tpu.memref_squeeze %dma_wait3A_2903 : memref<1x1x2x8x128xf32, #tpu.memory_space<vmem>> -> memref<2x8x128xf32, #tpu.memory_space<vmem>>
      %dma_wait3A_2905 = arith.constant 0 : i32
      %dma_wait3A_2906 = arith.constant 0 : i32
      %dma_wait3A_2907 = arith.constant 0 : i32
      %dma_wait3A_2908 = tpu.memref_slice %arg2[%dma_wait3A_2905, %dma_wait3A_2906, %dma_wait3A_2907] : memref<2x8x1000000xf32, #tpu.memory_space<hbm>> -> memref<2x8x128xf32, #tpu.memory_space<hbm>>
      tpu.wait_dma2 semaphore(%arg9 : memref<!tpu.dma_semaphore, #tpu.memory_space<semaphore_mem>>) src(%dma_wait3A_2908 : memref<2x8x128xf32, #tpu.memory_space<hbm>>) dst(%dma_wait3A_2904 : memref<2x8x128xf32, #tpu.memory_space<vmem>>)
      %dma_wait3A_2909 = arith.constant 1 : i32
      %dma_wait3A_2910 = arith.constant 4 : i32
      %dma_wait3A_2911 = arith.constant 0 : i32
      %dma_wait3A_2912 = arith.constant 0 : i32
      %dma_wait3A_2913 = arith.constant 0 : i32
      %dma_wait3A_2914 = tpu.memref_slice %arg6[%dma_wait3A_2909, %dma_wait3A_2910, %dma_wait3A_2911, %dma_wait3A_2912, %dma_wait3A_2913] : memref<2x16x2x8x128xf32, #tpu.memory_space<vmem>> -> memref<1x1x2x8x128xf32, #tpu.memory_space<vmem>>
      %dma_wait3A_2915 = tpu.memref_squeeze %dma_wait3A_2914 : memref<1x1x2x8x128xf32, #tpu.memory_space<vmem>> -> memref<2x8x128xf32, #tpu.memory_space<vmem>>
      %dma_wait3A_2916 = arith.constant 0 : i32
      %dma_wait3A_2917 = arith.constant 0 : i32
      %dma_wait3A_2918 = arith.constant 0 : i32
      %dma_wait3A_2919 = tpu.memref_slice %arg2[%dma_wait3A_2916, %dma_wait3A_2917, %dma_wait3A_2918] : memref<2x8x1000000xf32, #tpu.memory_space<hbm>> -> memref<2x8x128xf32, #tpu.memory_space<hbm>>
      %dma_wait3A_2920 = arith.constant 0 : i32
      %dma_wait3A_2921 = arith.constant 0 : i32
      %dma_wait3A_2922 = arith.constant 0 : i32
      %dma_wait3A_2923 = tpu.memref_slice %arg6[%dma_wait3A_2909, %dma_wait3A_2910, %dma_wait3A_2920, %dma_wait3A_2921, %dma_wait3A_2922] : memref<2x16x2x8x128xf32, #tpu.memory_space<vmem>> -> memref<1x1x2x8x128xf32, #tpu.memory_space<vmem>>
      %dma_wait3A_2924 = tpu.memref_squeeze %dma_wait3A_2923 : memref<1x1x2x8x128xf32, #tpu.memory_space<vmem>> -> memref<2x8x128xf32, #tpu.memory_space<vmem>>
      %dma_wait3A_2925 = arith.constant 0 : i32
      %dma_wait3A_2926 = arith.constant 0 : i32
      %dma_wait3A_2927 = arith.constant 0 : i32
      %dma_wait3A_2928 = tpu.memref_slice %arg2[%dma_wait3A_2925, %dma_wait3A_2926, %dma_wait3A_2927] : memref<2x8x1000000xf32, #tpu.memory_space<hbm>> -> memref<2x8x128xf32, #tpu.memory_space<hbm>>
      tpu.wait_dma2 semaphore(%arg9 : memref<!tpu.dma_semaphore, #tpu.memory_space<semaphore_mem>>) src(%dma_wait3A_2928 : memref<2x8x128xf32, #tpu.memory_space<hbm>>) dst(%dma_wait3A_2924 : memref<2x8x128xf32, #tpu.memory_space<vmem>>)
      %dma_wait3A_2929 = arith.constant 1 : i32
      %dma_wait3A_2930 = arith.constant 5 : i32
      %dma_wait3A_2931 = arith.constant 0 : i32
      %dma_wait3A_2932 = arith.constant 0 : i32
      %dma_wait3A_2933 = arith.constant 0 : i32
      %dma_wait3A_2934 = tpu.memref_slice %arg6[%dma_wait3A_2929, %dma_wait3A_2930, %dma_wait3A_2931, %dma_wait3A_2932, %dma_wait3A_2933] : memref<2x16x2x8x128xf32, #tpu.memory_space<vmem>> -> memref<1x1x2x8x128xf32, #tpu.memory_space<vmem>>
      %dma_wait3A_2935 = tpu.memref_squeeze %dma_wait3A_2934 : memref<1x1x2x8x128xf32, #tpu.memory_space<vmem>> -> memref<2x8x128xf32, #tpu.memory_space<vmem>>
      %dma_wait3A_2936 = arith.constant 0 : i32
      %dma_wait3A_2937 = arith.constant 0 : i32
      %dma_wait3A_2938 = arith.constant 0 : i32
      %dma_wait3A_2939 = tpu.memref_slice %arg2[%dma_wait3A_2936, %dma_wait3A_2937, %dma_wait3A_2938] : memref<2x8x1000000xf32, #tpu.memory_space<hbm>> -> memref<2x8x128xf32, #tpu.memory_space<hbm>>
      %dma_wait3A_2940 = arith.constant 0 : i32
      %dma_wait3A_2941 = arith.constant 0 : i32
      %dma_wait3A_2942 = arith.constant 0 : i32
      %dma_wait3A_2943 = tpu.memref_slice %arg6[%dma_wait3A_2929, %dma_wait3A_2930, %dma_wait3A_2940, %dma_wait3A_2941, %dma_wait3A_2942] : memref<2x16x2x8x128xf32, #tpu.memory_space<vmem>> -> memref<1x1x2x8x128xf32, #tpu.memory_space<vmem>>
      %dma_wait3A_2944 = tpu.memref_squeeze %dma_wait3A_2943 : memref<1x1x2x8x128xf32, #tpu.memory_space<vmem>> -> memref<2x8x128xf32, #tpu.memory_space<vmem>>
      %dma_wait3A_2945 = arith.constant 0 : i32
      %dma_wait3A_2946 = arith.constant 0 : i32
      %dma_wait3A_2947 = arith.constant 0 : i32
      %dma_wait3A_2948 = tpu.memref_slice %arg2[%dma_wait3A_2945, %dma_wait3A_2946, %dma_wait3A_2947] : memref<2x8x1000000xf32, #tpu.memory_space<hbm>> -> memref<2x8x128xf32, #tpu.memory_space<hbm>>
      tpu.wait_dma2 semaphore(%arg9 : memref<!tpu.dma_semaphore, #tpu.memory_space<semaphore_mem>>) src(%dma_wait3A_2948 : memref<2x8x128xf32, #tpu.memory_space<hbm>>) dst(%dma_wait3A_2944 : memref<2x8x128xf32, #tpu.memory_space<vmem>>)
      %dma_wait3A_2949 = arith.constant 1 : i32
      %dma_wait3A_2950 = arith.constant 6 : i32
      %dma_wait3A_2951 = arith.constant 0 : i32
      %dma_wait3A_2952 = arith.constant 0 : i32
      %dma_wait3A_2953 = arith.constant 0 : i32
      %dma_wait3A_2954 = tpu.memref_slice %arg6[%dma_wait3A_2949, %dma_wait3A_2950, %dma_wait3A_2951, %dma_wait3A_2952, %dma_wait3A_2953] : memref<2x16x2x8x128xf32, #tpu.memory_space<vmem>> -> memref<1x1x2x8x128xf32, #tpu.memory_space<vmem>>
      %dma_wait3A_2955 = tpu.memref_squeeze %dma_wait3A_2954 : memref<1x1x2x8x128xf32, #tpu.memory_space<vmem>> -> memref<2x8x128xf32, #tpu.memory_space<vmem>>
      %dma_wait3A_2956 = arith.constant 0 : i32
      %dma_wait3A_2957 = arith.constant 0 : i32
      %dma_wait3A_2958 = arith.constant 0 : i32
      %dma_wait3A_2959 = tpu.memref_slice %arg2[%dma_wait3A_2956, %dma_wait3A_2957, %dma_wait3A_2958] : memref<2x8x1000000xf32, #tpu.memory_space<hbm>> -> memref<2x8x128xf32, #tpu.memory_space<hbm>>
      %dma_wait3A_2960 = arith.constant 0 : i32
      %dma_wait3A_2961 = arith.constant 0 : i32
      %dma_wait3A_2962 = arith.constant 0 : i32
      %dma_wait3A_2963 = tpu.memref_slice %arg6[%dma_wait3A_2949, %dma_wait3A_2950, %dma_wait3A_2960, %dma_wait3A_2961, %dma_wait3A_2962] : memref<2x16x2x8x128xf32, #tpu.memory_space<vmem>> -> memref<1x1x2x8x128xf32, #tpu.memory_space<vmem>>
      %dma_wait3A_2964 = tpu.memref_squeeze %dma_wait3A_2963 : memref<1x1x2x8x128xf32, #tpu.memory_space<vmem>> -> memref<2x8x128xf32, #tpu.memory_space<vmem>>
      %dma_wait3A_2965 = arith.constant 0 : i32
      %dma_wait3A_2966 = arith.constant 0 : i32
      %dma_wait3A_2967 = arith.constant 0 : i32
      %dma_wait3A_2968 = tpu.memref_slice %arg2[%dma_wait3A_2965, %dma_wait3A_2966, %dma_wait3A_2967] : memref<2x8x1000000xf32, #tpu.memory_space<hbm>> -> memref<2x8x128xf32, #tpu.memory_space<hbm>>
      tpu.wait_dma2 semaphore(%arg9 : memref<!tpu.dma_semaphore, #tpu.memory_space<semaphore_mem>>) src(%dma_wait3A_2968 : memref<2x8x128xf32, #tpu.memory_space<hbm>>) dst(%dma_wait3A_2964 : memref<2x8x128xf32, #tpu.memory_space<vmem>>)
      %dma_wait3A_2969 = arith.constant 1 : i32
      %dma_wait3A_2970 = arith.constant 7 : i32
      %dma_wait3A_2971 = arith.constant 0 : i32
      %dma_wait3A_2972 = arith.constant 0 : i32
      %dma_wait3A_2973 = arith.constant 0 : i32
      %dma_wait3A_2974 = tpu.memref_slice %arg6[%dma_wait3A_2969, %dma_wait3A_2970, %dma_wait3A_2971, %dma_wait3A_2972, %dma_wait3A_2973] : memref<2x16x2x8x128xf32, #tpu.memory_space<vmem>> -> memref<1x1x2x8x128xf32, #tpu.memory_space<vmem>>
      %dma_wait3A_2975 = tpu.memref_squeeze %dma_wait3A_2974 : memref<1x1x2x8x128xf32, #tpu.memory_space<vmem>> -> memref<2x8x128xf32, #tpu.memory_space<vmem>>
      %dma_wait3A_2976 = arith.constant 0 : i32
      %dma_wait3A_2977 = arith.constant 0 : i32
      %dma_wait3A_2978 = arith.constant 0 : i32
      %dma_wait3A_2979 = tpu.memref_slice %arg2[%dma_wait3A_2976, %dma_wait3A_2977, %dma_wait3A_2978] : memref<2x8x1000000xf32, #tpu.memory_space<hbm>> -> memref<2x8x128xf32, #tpu.memory_space<hbm>>
      %dma_wait3A_2980 = arith.constant 0 : i32
      %dma_wait3A_2981 = arith.constant 0 : i32
      %dma_wait3A_2982 = arith.constant 0 : i32
      %dma_wait3A_2983 = tpu.memref_slice %arg6[%dma_wait3A_2969, %dma_wait3A_2970, %dma_wait3A_2980, %dma_wait3A_2981, %dma_wait3A_2982] : memref<2x16x2x8x128xf32, #tpu.memory_space<vmem>> -> memref<1x1x2x8x128xf32, #tpu.memory_space<vmem>>
      %dma_wait3A_2984 = tpu.memref_squeeze %dma_wait3A_2983 : memref<1x1x2x8x128xf32, #tpu.memory_space<vmem>> -> memref<2x8x128xf32, #tpu.memory_space<vmem>>
      %dma_wait3A_2985 = arith.constant 0 : i32
      %dma_wait3A_2986 = arith.constant 0 : i32
      %dma_wait3A_2987 = arith.constant 0 : i32
      %dma_wait3A_2988 = tpu.memref_slice %arg2[%dma_wait3A_2985, %dma_wait3A_2986, %dma_wait3A_2987] : memref<2x8x1000000xf32, #tpu.memory_space<hbm>> -> memref<2x8x128xf32, #tpu.memory_space<hbm>>
      tpu.wait_dma2 semaphore(%arg9 : memref<!tpu.dma_semaphore, #tpu.memory_space<semaphore_mem>>) src(%dma_wait3A_2988 : memref<2x8x128xf32, #tpu.memory_space<hbm>>) dst(%dma_wait3A_2984 : memref<2x8x128xf32, #tpu.memory_space<vmem>>)
      %dma_wait3A_2989 = arith.constant 1 : i32
      %dma_wait3A_2990 = arith.constant 8 : i32
      %dma_wait3A_2991 = arith.constant 0 : i32
      %dma_wait3A_2992 = arith.constant 0 : i32
      %dma_wait3A_2993 = arith.constant 0 : i32
      %dma_wait3A_2994 = tpu.memref_slice %arg6[%dma_wait3A_2989, %dma_wait3A_2990, %dma_wait3A_2991, %dma_wait3A_2992, %dma_wait3A_2993] : memref<2x16x2x8x128xf32, #tpu.memory_space<vmem>> -> memref<1x1x2x8x128xf32, #tpu.memory_space<vmem>>
      %dma_wait3A_2995 = tpu.memref_squeeze %dma_wait3A_2994 : memref<1x1x2x8x128xf32, #tpu.memory_space<vmem>> -> memref<2x8x128xf32, #tpu.memory_space<vmem>>
      %dma_wait3A_2996 = arith.constant 0 : i32
      %dma_wait3A_2997 = arith.constant 0 : i32
      %dma_wait3A_2998 = arith.constant 0 : i32
      %dma_wait3A_2999 = tpu.memref_slice %arg2[%dma_wait3A_2996, %dma_wait3A_2997, %dma_wait3A_2998] : memref<2x8x1000000xf32, #tpu.memory_space<hbm>> -> memref<2x8x128xf32, #tpu.memory_space<hbm>>
      %dma_wait3A_3000 = arith.constant 0 : i32
      %dma_wait3A_3001 = arith.constant 0 : i32
      %dma_wait3A_3002 = arith.constant 0 : i32
      %dma_wait3A_3003 = tpu.memref_slice %arg6[%dma_wait3A_2989, %dma_wait3A_2990, %dma_wait3A_3000, %dma_wait3A_3001, %dma_wait3A_3002] : memref<2x16x2x8x128xf32, #tpu.memory_space<vmem>> -> memref<1x1x2x8x128xf32, #tpu.memory_space<vmem>>
      %dma_wait3A_3004 = tpu.memref_squeeze %dma_wait3A_3003 : memref<1x1x2x8x128xf32, #tpu.memory_space<vmem>> -> memref<2x8x128xf32, #tpu.memory_space<vmem>>
      %dma_wait3A_3005 = arith.constant 0 : i32
      %dma_wait3A_3006 = arith.constant 0 : i32
      %dma_wait3A_3007 = arith.constant 0 : i32
      %dma_wait3A_3008 = tpu.memref_slice %arg2[%dma_wait3A_3005, %dma_wait3A_3006, %dma_wait3A_3007] : memref<2x8x1000000xf32, #tpu.memory_space<hbm>> -> memref<2x8x128xf32, #tpu.memory_space<hbm>>
      tpu.wait_dma2 semaphore(%arg9 : memref<!tpu.dma_semaphore, #tpu.memory_space<semaphore_mem>>) src(%dma_wait3A_3008 : memref<2x8x128xf32, #tpu.memory_space<hbm>>) dst(%dma_wait3A_3004 : memref<2x8x128xf32, #tpu.memory_space<vmem>>)
      %dma_wait3A_3009 = arith.constant 1 : i32
      %dma_wait3A_3010 = arith.constant 9 : i32
      %dma_wait3A_3011 = arith.constant 0 : i32
      %dma_wait3A_3012 = arith.constant 0 : i32
      %dma_wait3A_3013 = arith.constant 0 : i32
      %dma_wait3A_3014 = tpu.memref_slice %arg6[%dma_wait3A_3009, %dma_wait3A_3010, %dma_wait3A_3011, %dma_wait3A_3012, %dma_wait3A_3013] : memref<2x16x2x8x128xf32, #tpu.memory_space<vmem>> -> memref<1x1x2x8x128xf32, #tpu.memory_space<vmem>>
      %dma_wait3A_3015 = tpu.memref_squeeze %dma_wait3A_3014 : memref<1x1x2x8x128xf32, #tpu.memory_space<vmem>> -> memref<2x8x128xf32, #tpu.memory_space<vmem>>
      %dma_wait3A_3016 = arith.constant 0 : i32
      %dma_wait3A_3017 = arith.constant 0 : i32
      %dma_wait3A_3018 = arith.constant 0 : i32
      %dma_wait3A_3019 = tpu.memref_slice %arg2[%dma_wait3A_3016, %dma_wait3A_3017, %dma_wait3A_3018] : memref<2x8x1000000xf32, #tpu.memory_space<hbm>> -> memref<2x8x128xf32, #tpu.memory_space<hbm>>
      %dma_wait3A_3020 = arith.constant 0 : i32
      %dma_wait3A_3021 = arith.constant 0 : i32
      %dma_wait3A_3022 = arith.constant 0 : i32
      %dma_wait3A_3023 = tpu.memref_slice %arg6[%dma_wait3A_3009, %dma_wait3A_3010, %dma_wait3A_3020, %dma_wait3A_3021, %dma_wait3A_3022] : memref<2x16x2x8x128xf32, #tpu.memory_space<vmem>> -> memref<1x1x2x8x128xf32, #tpu.memory_space<vmem>>
      %dma_wait3A_3024 = tpu.memref_squeeze %dma_wait3A_3023 : memref<1x1x2x8x128xf32, #tpu.memory_space<vmem>> -> memref<2x8x128xf32, #tpu.memory_space<vmem>>
      %dma_wait3A_3025 = arith.constant 0 : i32
      %dma_wait3A_3026 = arith.constant 0 : i32
      %dma_wait3A_3027 = arith.constant 0 : i32
      %dma_wait3A_3028 = tpu.memref_slice %arg2[%dma_wait3A_3025, %dma_wait3A_3026, %dma_wait3A_3027] : memref<2x8x1000000xf32, #tpu.memory_space<hbm>> -> memref<2x8x128xf32, #tpu.memory_space<hbm>>
      tpu.wait_dma2 semaphore(%arg9 : memref<!tpu.dma_semaphore, #tpu.memory_space<semaphore_mem>>) src(%dma_wait3A_3028 : memref<2x8x128xf32, #tpu.memory_space<hbm>>) dst(%dma_wait3A_3024 : memref<2x8x128xf32, #tpu.memory_space<vmem>>)
      %dma_wait3A_3029 = arith.constant 1 : i32
      %dma_wait3A_3030 = arith.constant 10 : i32
      %dma_wait3A_3031 = arith.constant 0 : i32
      %dma_wait3A_3032 = arith.constant 0 : i32
      %dma_wait3A_3033 = arith.constant 0 : i32
      %dma_wait3A_3034 = tpu.memref_slice %arg6[%dma_wait3A_3029, %dma_wait3A_3030, %dma_wait3A_3031, %dma_wait3A_3032, %dma_wait3A_3033] : memref<2x16x2x8x128xf32, #tpu.memory_space<vmem>> -> memref<1x1x2x8x128xf32, #tpu.memory_space<vmem>>
      %dma_wait3A_3035 = tpu.memref_squeeze %dma_wait3A_3034 : memref<1x1x2x8x128xf32, #tpu.memory_space<vmem>> -> memref<2x8x128xf32, #tpu.memory_space<vmem>>
      %dma_wait3A_3036 = arith.constant 0 : i32
      %dma_wait3A_3037 = arith.constant 0 : i32
      %dma_wait3A_3038 = arith.constant 0 : i32
      %dma_wait3A_3039 = tpu.memref_slice %arg2[%dma_wait3A_3036, %dma_wait3A_3037, %dma_wait3A_3038] : memref<2x8x1000000xf32, #tpu.memory_space<hbm>> -> memref<2x8x128xf32, #tpu.memory_space<hbm>>
      %dma_wait3A_3040 = arith.constant 0 : i32
      %dma_wait3A_3041 = arith.constant 0 : i32
      %dma_wait3A_3042 = arith.constant 0 : i32
      %dma_wait3A_3043 = tpu.memref_slice %arg6[%dma_wait3A_3029, %dma_wait3A_3030, %dma_wait3A_3040, %dma_wait3A_3041, %dma_wait3A_3042] : memref<2x16x2x8x128xf32, #tpu.memory_space<vmem>> -> memref<1x1x2x8x128xf32, #tpu.memory_space<vmem>>
      %dma_wait3A_3044 = tpu.memref_squeeze %dma_wait3A_3043 : memref<1x1x2x8x128xf32, #tpu.memory_space<vmem>> -> memref<2x8x128xf32, #tpu.memory_space<vmem>>
      %dma_wait3A_3045 = arith.constant 0 : i32
      %dma_wait3A_3046 = arith.constant 0 : i32
      %dma_wait3A_3047 = arith.constant 0 : i32
      %dma_wait3A_3048 = tpu.memref_slice %arg2[%dma_wait3A_3045, %dma_wait3A_3046, %dma_wait3A_3047] : memref<2x8x1000000xf32, #tpu.memory_space<hbm>> -> memref<2x8x128xf32, #tpu.memory_space<hbm>>
      tpu.wait_dma2 semaphore(%arg9 : memref<!tpu.dma_semaphore, #tpu.memory_space<semaphore_mem>>) src(%dma_wait3A_3048 : memref<2x8x128xf32, #tpu.memory_space<hbm>>) dst(%dma_wait3A_3044 : memref<2x8x128xf32, #tpu.memory_space<vmem>>)
      %dma_wait3A_3049 = arith.constant 1 : i32
      %dma_wait3A_3050 = arith.constant 11 : i32
      %dma_wait3A_3051 = arith.constant 0 : i32
      %dma_wait3A_3052 = arith.constant 0 : i32
      %dma_wait3A_3053 = arith.constant 0 : i32
      %dma_wait3A_3054 = tpu.memref_slice %arg6[%dma_wait3A_3049, %dma_wait3A_3050, %dma_wait3A_3051, %dma_wait3A_3052, %dma_wait3A_3053] : memref<2x16x2x8x128xf32, #tpu.memory_space<vmem>> -> memref<1x1x2x8x128xf32, #tpu.memory_space<vmem>>
      %dma_wait3A_3055 = tpu.memref_squeeze %dma_wait3A_3054 : memref<1x1x2x8x128xf32, #tpu.memory_space<vmem>> -> memref<2x8x128xf32, #tpu.memory_space<vmem>>
      %dma_wait3A_3056 = arith.constant 0 : i32
      %dma_wait3A_3057 = arith.constant 0 : i32
      %dma_wait3A_3058 = arith.constant 0 : i32
      %dma_wait3A_3059 = tpu.memref_slice %arg2[%dma_wait3A_3056, %dma_wait3A_3057, %dma_wait3A_3058] : memref<2x8x1000000xf32, #tpu.memory_space<hbm>> -> memref<2x8x128xf32, #tpu.memory_space<hbm>>
      %dma_wait3A_3060 = arith.constant 0 : i32
      %dma_wait3A_3061 = arith.constant 0 : i32
      %dma_wait3A_3062 = arith.constant 0 : i32
      %dma_wait3A_3063 = tpu.memref_slice %arg6[%dma_wait3A_3049, %dma_wait3A_3050, %dma_wait3A_3060, %dma_wait3A_3061, %dma_wait3A_3062] : memref<2x16x2x8x128xf32, #tpu.memory_space<vmem>> -> memref<1x1x2x8x128xf32, #tpu.memory_space<vmem>>
      %dma_wait3A_3064 = tpu.memref_squeeze %dma_wait3A_3063 : memref<1x1x2x8x128xf32, #tpu.memory_space<vmem>> -> memref<2x8x128xf32, #tpu.memory_space<vmem>>
      %dma_wait3A_3065 = arith.constant 0 : i32
      %dma_wait3A_3066 = arith.constant 0 : i32
      %dma_wait3A_3067 = arith.constant 0 : i32
      %dma_wait3A_3068 = tpu.memref_slice %arg2[%dma_wait3A_3065, %dma_wait3A_3066, %dma_wait3A_3067] : memref<2x8x1000000xf32, #tpu.memory_space<hbm>> -> memref<2x8x128xf32, #tpu.memory_space<hbm>>
      tpu.wait_dma2 semaphore(%arg9 : memref<!tpu.dma_semaphore, #tpu.memory_space<semaphore_mem>>) src(%dma_wait3A_3068 : memref<2x8x128xf32, #tpu.memory_space<hbm>>) dst(%dma_wait3A_3064 : memref<2x8x128xf32, #tpu.memory_space<vmem>>)
      %dma_wait3A_3069 = arith.constant 1 : i32
      %dma_wait3A_3070 = arith.constant 12 : i32
      %dma_wait3A_3071 = arith.constant 0 : i32
      %dma_wait3A_3072 = arith.constant 0 : i32
      %dma_wait3A_3073 = arith.constant 0 : i32
      %dma_wait3A_3074 = tpu.memref_slice %arg6[%dma_wait3A_3069, %dma_wait3A_3070, %dma_wait3A_3071, %dma_wait3A_3072, %dma_wait3A_3073] : memref<2x16x2x8x128xf32, #tpu.memory_space<vmem>> -> memref<1x1x2x8x128xf32, #tpu.memory_space<vmem>>
      %dma_wait3A_3075 = tpu.memref_squeeze %dma_wait3A_3074 : memref<1x1x2x8x128xf32, #tpu.memory_space<vmem>> -> memref<2x8x128xf32, #tpu.memory_space<vmem>>
      %dma_wait3A_3076 = arith.constant 0 : i32
      %dma_wait3A_3077 = arith.constant 0 : i32
      %dma_wait3A_3078 = arith.constant 0 : i32
      %dma_wait3A_3079 = tpu.memref_slice %arg2[%dma_wait3A_3076, %dma_wait3A_3077, %dma_wait3A_3078] : memref<2x8x1000000xf32, #tpu.memory_space<hbm>> -> memref<2x8x128xf32, #tpu.memory_space<hbm>>
      %dma_wait3A_3080 = arith.constant 0 : i32
      %dma_wait3A_3081 = arith.constant 0 : i32
      %dma_wait3A_3082 = arith.constant 0 : i32
      %dma_wait3A_3083 = tpu.memref_slice %arg6[%dma_wait3A_3069, %dma_wait3A_3070, %dma_wait3A_3080, %dma_wait3A_3081, %dma_wait3A_3082] : memref<2x16x2x8x128xf32, #tpu.memory_space<vmem>> -> memref<1x1x2x8x128xf32, #tpu.memory_space<vmem>>
      %dma_wait3A_3084 = tpu.memref_squeeze %dma_wait3A_3083 : memref<1x1x2x8x128xf32, #tpu.memory_space<vmem>> -> memref<2x8x128xf32, #tpu.memory_space<vmem>>
      %dma_wait3A_3085 = arith.constant 0 : i32
      %dma_wait3A_3086 = arith.constant 0 : i32
      %dma_wait3A_3087 = arith.constant 0 : i32
      %dma_wait3A_3088 = tpu.memref_slice %arg2[%dma_wait3A_3085, %dma_wait3A_3086, %dma_wait3A_3087] : memref<2x8x1000000xf32, #tpu.memory_space<hbm>> -> memref<2x8x128xf32, #tpu.memory_space<hbm>>
      tpu.wait_dma2 semaphore(%arg9 : memref<!tpu.dma_semaphore, #tpu.memory_space<semaphore_mem>>) src(%dma_wait3A_3088 : memref<2x8x128xf32, #tpu.memory_space<hbm>>) dst(%dma_wait3A_3084 : memref<2x8x128xf32, #tpu.memory_space<vmem>>)
      %dma_wait3A_3089 = arith.constant 1 : i32
      %dma_wait3A_3090 = arith.constant 13 : i32
      %dma_wait3A_3091 = arith.constant 0 : i32
      %dma_wait3A_3092 = arith.constant 0 : i32
      %dma_wait3A_3093 = arith.constant 0 : i32
      %dma_wait3A_3094 = tpu.memref_slice %arg6[%dma_wait3A_3089, %dma_wait3A_3090, %dma_wait3A_3091, %dma_wait3A_3092, %dma_wait3A_3093] : memref<2x16x2x8x128xf32, #tpu.memory_space<vmem>> -> memref<1x1x2x8x128xf32, #tpu.memory_space<vmem>>
      %dma_wait3A_3095 = tpu.memref_squeeze %dma_wait3A_3094 : memref<1x1x2x8x128xf32, #tpu.memory_space<vmem>> -> memref<2x8x128xf32, #tpu.memory_space<vmem>>
      %dma_wait3A_3096 = arith.constant 0 : i32
      %dma_wait3A_3097 = arith.constant 0 : i32
      %dma_wait3A_3098 = arith.constant 0 : i32
      %dma_wait3A_3099 = tpu.memref_slice %arg2[%dma_wait3A_3096, %dma_wait3A_3097, %dma_wait3A_3098] : memref<2x8x1000000xf32, #tpu.memory_space<hbm>> -> memref<2x8x128xf32, #tpu.memory_space<hbm>>
      %dma_wait3A_3100 = arith.constant 0 : i32
      %dma_wait3A_3101 = arith.constant 0 : i32
      %dma_wait3A_3102 = arith.constant 0 : i32
      %dma_wait3A_3103 = tpu.memref_slice %arg6[%dma_wait3A_3089, %dma_wait3A_3090, %dma_wait3A_3100, %dma_wait3A_3101, %dma_wait3A_3102] : memref<2x16x2x8x128xf32, #tpu.memory_space<vmem>> -> memref<1x1x2x8x128xf32, #tpu.memory_space<vmem>>
      %dma_wait3A_3104 = tpu.memref_squeeze %dma_wait3A_3103 : memref<1x1x2x8x128xf32, #tpu.memory_space<vmem>> -> memref<2x8x128xf32, #tpu.memory_space<vmem>>
      %dma_wait3A_3105 = arith.constant 0 : i32
      %dma_wait3A_3106 = arith.constant 0 : i32
      %dma_wait3A_3107 = arith.constant 0 : i32
      %dma_wait3A_3108 = tpu.memref_slice %arg2[%dma_wait3A_3105, %dma_wait3A_3106, %dma_wait3A_3107] : memref<2x8x1000000xf32, #tpu.memory_space<hbm>> -> memref<2x8x128xf32, #tpu.memory_space<hbm>>
      tpu.wait_dma2 semaphore(%arg9 : memref<!tpu.dma_semaphore, #tpu.memory_space<semaphore_mem>>) src(%dma_wait3A_3108 : memref<2x8x128xf32, #tpu.memory_space<hbm>>) dst(%dma_wait3A_3104 : memref<2x8x128xf32, #tpu.memory_space<vmem>>)
      %dma_wait3A_3109 = arith.constant 1 : i32
      %dma_wait3A_3110 = arith.constant 14 : i32
      %dma_wait3A_3111 = arith.constant 0 : i32
      %dma_wait3A_3112 = arith.constant 0 : i32
      %dma_wait3A_3113 = arith.constant 0 : i32
      %dma_wait3A_3114 = tpu.memref_slice %arg6[%dma_wait3A_3109, %dma_wait3A_3110, %dma_wait3A_3111, %dma_wait3A_3112, %dma_wait3A_3113] : memref<2x16x2x8x128xf32, #tpu.memory_space<vmem>> -> memref<1x1x2x8x128xf32, #tpu.memory_space<vmem>>
      %dma_wait3A_3115 = tpu.memref_squeeze %dma_wait3A_3114 : memref<1x1x2x8x128xf32, #tpu.memory_space<vmem>> -> memref<2x8x128xf32, #tpu.memory_space<vmem>>
      %dma_wait3A_3116 = arith.constant 0 : i32
      %dma_wait3A_3117 = arith.constant 0 : i32
      %dma_wait3A_3118 = arith.constant 0 : i32
      %dma_wait3A_3119 = tpu.memref_slice %arg2[%dma_wait3A_3116, %dma_wait3A_3117, %dma_wait3A_3118] : memref<2x8x1000000xf32, #tpu.memory_space<hbm>> -> memref<2x8x128xf32, #tpu.memory_space<hbm>>
      %dma_wait3A_3120 = arith.constant 0 : i32
      %dma_wait3A_3121 = arith.constant 0 : i32
      %dma_wait3A_3122 = arith.constant 0 : i32
      %dma_wait3A_3123 = tpu.memref_slice %arg6[%dma_wait3A_3109, %dma_wait3A_3110, %dma_wait3A_3120, %dma_wait3A_3121, %dma_wait3A_3122] : memref<2x16x2x8x128xf32, #tpu.memory_space<vmem>> -> memref<1x1x2x8x128xf32, #tpu.memory_space<vmem>>
      %dma_wait3A_3124 = tpu.memref_squeeze %dma_wait3A_3123 : memref<1x1x2x8x128xf32, #tpu.memory_space<vmem>> -> memref<2x8x128xf32, #tpu.memory_space<vmem>>
      %dma_wait3A_3125 = arith.constant 0 : i32
      %dma_wait3A_3126 = arith.constant 0 : i32
      %dma_wait3A_3127 = arith.constant 0 : i32
      %dma_wait3A_3128 = tpu.memref_slice %arg2[%dma_wait3A_3125, %dma_wait3A_3126, %dma_wait3A_3127] : memref<2x8x1000000xf32, #tpu.memory_space<hbm>> -> memref<2x8x128xf32, #tpu.memory_space<hbm>>
      tpu.wait_dma2 semaphore(%arg9 : memref<!tpu.dma_semaphore, #tpu.memory_space<semaphore_mem>>) src(%dma_wait3A_3128 : memref<2x8x128xf32, #tpu.memory_space<hbm>>) dst(%dma_wait3A_3124 : memref<2x8x128xf32, #tpu.memory_space<vmem>>)
      %dma_wait3A_3129 = arith.constant 1 : i32
      %dma_wait3A_3130 = arith.constant 15 : i32
      %dma_wait3A_3131 = arith.constant 0 : i32
      %dma_wait3A_3132 = arith.constant 0 : i32
      %dma_wait3A_3133 = arith.constant 0 : i32
      %dma_wait3A_3134 = tpu.memref_slice %arg6[%dma_wait3A_3129, %dma_wait3A_3130, %dma_wait3A_3131, %dma_wait3A_3132, %dma_wait3A_3133] : memref<2x16x2x8x128xf32, #tpu.memory_space<vmem>> -> memref<1x1x2x8x128xf32, #tpu.memory_space<vmem>>
      %dma_wait3A_3135 = tpu.memref_squeeze %dma_wait3A_3134 : memref<1x1x2x8x128xf32, #tpu.memory_space<vmem>> -> memref<2x8x128xf32, #tpu.memory_space<vmem>>
      %dma_wait3A_3136 = arith.constant 0 : i32
      %dma_wait3A_3137 = arith.constant 0 : i32
      %dma_wait3A_3138 = arith.constant 0 : i32
      %dma_wait3A_3139 = tpu.memref_slice %arg2[%dma_wait3A_3136, %dma_wait3A_3137, %dma_wait3A_3138] : memref<2x8x1000000xf32, #tpu.memory_space<hbm>> -> memref<2x8x128xf32, #tpu.memory_space<hbm>>
      %dma_wait3A_3140 = arith.constant 0 : i32
      %dma_wait3A_3141 = arith.constant 0 : i32
      %dma_wait3A_3142 = arith.constant 0 : i32
      %dma_wait3A_3143 = tpu.memref_slice %arg6[%dma_wait3A_3129, %dma_wait3A_3130, %dma_wait3A_3140, %dma_wait3A_3141, %dma_wait3A_3142] : memref<2x16x2x8x128xf32, #tpu.memory_space<vmem>> -> memref<1x1x2x8x128xf32, #tpu.memory_space<vmem>>
      %dma_wait3A_3144 = tpu.memref_squeeze %dma_wait3A_3143 : memref<1x1x2x8x128xf32, #tpu.memory_space<vmem>> -> memref<2x8x128xf32, #tpu.memory_space<vmem>>
      %dma_wait3A_3145 = arith.constant 0 : i32
      %dma_wait3A_3146 = arith.constant 0 : i32
      %dma_wait3A_3147 = arith.constant 0 : i32
      %dma_wait3A_3148 = tpu.memref_slice %arg2[%dma_wait3A_3145, %dma_wait3A_3146, %dma_wait3A_3147] : memref<2x8x1000000xf32, #tpu.memory_space<hbm>> -> memref<2x8x128xf32, #tpu.memory_space<hbm>>
      tpu.wait_dma2 semaphore(%arg9 : memref<!tpu.dma_semaphore, #tpu.memory_space<semaphore_mem>>) src(%dma_wait3A_3148 : memref<2x8x128xf32, #tpu.memory_space<hbm>>) dst(%dma_wait3A_3144 : memref<2x8x128xf32, #tpu.memory_space<vmem>>)
      %mul3A_3149 = arith.constant 16 : i32
      %mul3A_3150 = arith.muli %add3A_2820, %mul3A_3149 : i32
      %multiple_of3A_3151 = tpu.assume_multiple %mul3A_3150, 16 : i32
      %broadcast_in_dim3A_3152 = arith.constant 0 : i32
      %broadcast_in_dim3A_3153 = vector.broadcast %broadcast_in_dim3A_3152 : i32 to vector<16xi32>
      %broadcast_in_dim3A_3154 = arith.constant 0 : i32
      %broadcast_in_dim3A_3155 = vector.broadcast %broadcast_in_dim3A_3154 : i32 to vector<16xi32>
      %gather3A_3156 = arith.constant 1 : i32
      %gather3A_3157 = arith.constant 0 : i32
      %gather3A_3158 = arith.constant 0 : i32
      %gather3A_3159 = arith.constant 0 : i32
      %gather3A_3160 = arith.constant 0 : i32
      %gather3A_3161 = tpu.memref_slice %arg6[%gather3A_3156, %gather3A_3157, %gather3A_3158, %gather3A_3159, %gather3A_3160] : memref<2x16x2x8x128xf32, #tpu.memory_space<vmem>> -> memref<1x16x2x8x128xf32, #tpu.memory_space<vmem>>
      %gather3A_3162 = tpu.memref_squeeze %gather3A_3161 : memref<1x16x2x8x128xf32, #tpu.memory_space<vmem>> -> memref<16x2x8x128xf32, #tpu.memory_space<vmem>>
      %gather3A_3163 = tpu.vector_load_idx %gather3A_3162[%iota3A, %broadcast_in_dim3A_3153, %broadcast_in_dim3A_3155, %and3A_2828] : memref<16x2x8x128xf32, #tpu.memory_space<vmem>>[vector<16xi32>, vector<16xi32>, vector<16xi32>, vector<16xi32>], vector<16xf32>,
      %swap3A_3164 = arith.constant 0 : i32
      %swap3A_3165 = arith.index_cast %swap3A_3164 : i32 to index
      %swap3A_3166 = arith.index_cast %multiple_of3A_3151 : i32 to index
      %swap3A_3167 = tpu.vector_load %arg7[%swap3A_3165, %swap3A_3166] {strides = array<i32>} : memref<16x512xf32, #tpu.memory_space<vmem>>, vector<16xf32>,
      tpu.vector_store %arg7[%swap3A_3165, %swap3A_3166], %gather3A_3163 {strides = array<i32>} : memref<16x512xf32, #tpu.memory_space<vmem>>, vector<16xf32>,
      %broadcast_in_dim3A_3168 = arith.constant 0 : i32
      %broadcast_in_dim3A_3169 = vector.broadcast %broadcast_in_dim3A_3168 : i32 to vector<16xi32>
      %broadcast_in_dim3A_3170 = arith.constant 1 : i32
      %broadcast_in_dim3A_3171 = vector.broadcast %broadcast_in_dim3A_3170 : i32 to vector<16xi32>
      %gather3A_3172 = arith.constant 1 : i32
      %gather3A_3173 = arith.constant 0 : i32
      %gather3A_3174 = arith.constant 0 : i32
      %gather3A_3175 = arith.constant 0 : i32
      %gather3A_3176 = arith.constant 0 : i32
      %gather3A_3177 = tpu.memref_slice %arg6[%gather3A_3172, %gather3A_3173, %gather3A_3174, %gather3A_3175, %gather3A_3176] : memref<2x16x2x8x128xf32, #tpu.memory_space<vmem>> -> memref<1x16x2x8x128xf32, #tpu.memory_space<vmem>>
      %gather3A_3178 = tpu.memref_squeeze %gather3A_3177 : memref<1x16x2x8x128xf32, #tpu.memory_space<vmem>> -> memref<16x2x8x128xf32, #tpu.memory_space<vmem>>
      %gather3A_3179 = tpu.vector_load_idx %gather3A_3178[%iota3A, %broadcast_in_dim3A_3169, %broadcast_in_dim3A_3171, %and3A_2828] : memref<16x2x8x128xf32, #tpu.memory_space<vmem>>[vector<16xi32>, vector<16xi32>, vector<16xi32>, vector<16xi32>], vector<16xf32>,
      %swap3A_3180 = arith.constant 1 : i32
      %swap3A_3181 = arith.index_cast %swap3A_3180 : i32 to index
      %swap3A_3182 = arith.index_cast %multiple_of3A_3151 : i32 to index
      %swap3A_3183 = tpu.vector_load %arg7[%swap3A_3181, %swap3A_3182] {strides = array<i32>} : memref<16x512xf32, #tpu.memory_space<vmem>>, vector<16xf32>,
      tpu.vector_store %arg7[%swap3A_3181, %swap3A_3182], %gather3A_3179 {strides = array<i32>} : memref<16x512xf32, #tpu.memory_space<vmem>>, vector<16xf32>,
      %broadcast_in_dim3A_3184 = arith.constant 0 : i32
      %broadcast_in_dim3A_3185 = vector.broadcast %broadcast_in_dim3A_3184 : i32 to vector<16xi32>
      %broadcast_in_dim3A_3186 = arith.constant 2 : i32
      %broadcast_in_dim3A_3187 = vector.broadcast %broadcast_in_dim3A_3186 : i32 to vector<16xi32>
      %gather3A_3188 = arith.constant 1 : i32
      %gather3A_3189 = arith.constant 0 : i32
      %gather3A_3190 = arith.constant 0 : i32
      %gather3A_3191 = arith.constant 0 : i32
      %gather3A_3192 = arith.constant 0 : i32
      %gather3A_3193 = tpu.memref_slice %arg6[%gather3A_3188, %gather3A_3189, %gather3A_3190, %gather3A_3191, %gather3A_3192] : memref<2x16x2x8x128xf32, #tpu.memory_space<vmem>> -> memref<1x16x2x8x128xf32, #tpu.memory_space<vmem>>
      %gather3A_3194 = tpu.memref_squeeze %gather3A_3193 : memref<1x16x2x8x128xf32, #tpu.memory_space<vmem>> -> memref<16x2x8x128xf32, #tpu.memory_space<vmem>>
      %gather3A_3195 = tpu.vector_load_idx %gather3A_3194[%iota3A, %broadcast_in_dim3A_3185, %broadcast_in_dim3A_3187, %and3A_2828] : memref<16x2x8x128xf32, #tpu.memory_space<vmem>>[vector<16xi32>, vector<16xi32>, vector<16xi32>, vector<16xi32>], vector<16xf32>,
      %swap3A_3196 = arith.constant 2 : i32
      %swap3A_3197 = arith.index_cast %swap3A_3196 : i32 to index
      %swap3A_3198 = arith.index_cast %multiple_of3A_3151 : i32 to index
      %swap3A_3199 = tpu.vector_load %arg7[%swap3A_3197, %swap3A_3198] {strides = array<i32>} : memref<16x512xf32, #tpu.memory_space<vmem>>, vector<16xf32>,
      tpu.vector_store %arg7[%swap3A_3197, %swap3A_3198], %gather3A_3195 {strides = array<i32>} : memref<16x512xf32, #tpu.memory_space<vmem>>, vector<16xf32>,
      %broadcast_in_dim3A_3200 = arith.constant 0 : i32
      %broadcast_in_dim3A_3201 = vector.broadcast %broadcast_in_dim3A_3200 : i32 to vector<16xi32>
      %broadcast_in_dim3A_3202 = arith.constant 3 : i32
      %broadcast_in_dim3A_3203 = vector.broadcast %broadcast_in_dim3A_3202 : i32 to vector<16xi32>
      %gather3A_3204 = arith.constant 1 : i32
      %gather3A_3205 = arith.constant 0 : i32
      %gather3A_3206 = arith.constant 0 : i32
      %gather3A_3207 = arith.constant 0 : i32
      %gather3A_3208 = arith.constant 0 : i32
      %gather3A_3209 = tpu.memref_slice %arg6[%gather3A_3204, %gather3A_3205, %gather3A_3206, %gather3A_3207, %gather3A_3208] : memref<2x16x2x8x128xf32, #tpu.memory_space<vmem>> -> memref<1x16x2x8x128xf32, #tpu.memory_space<vmem>>
      %gather3A_3210 = tpu.memref_squeeze %gather3A_3209 : memref<1x16x2x8x128xf32, #tpu.memory_space<vmem>> -> memref<16x2x8x128xf32, #tpu.memory_space<vmem>>
      %gather3A_3211 = tpu.vector_load_idx %gather3A_3210[%iota3A, %broadcast_in_dim3A_3201, %broadcast_in_dim3A_3203, %and3A_2828] : memref<16x2x8x128xf32, #tpu.memory_space<vmem>>[vector<16xi32>, vector<16xi32>, vector<16xi32>, vector<16xi32>], vector<16xf32>,
      %swap3A_3212 = arith.constant 3 : i32
      %swap3A_3213 = arith.index_cast %swap3A_3212 : i32 to index
      %swap3A_3214 = arith.index_cast %multiple_of3A_3151 : i32 to index
      %swap3A_3215 = tpu.vector_load %arg7[%swap3A_3213, %swap3A_3214] {strides = array<i32>} : memref<16x512xf32, #tpu.memory_space<vmem>>, vector<16xf32>,
      tpu.vector_store %arg7[%swap3A_3213, %swap3A_3214], %gather3A_3211 {strides = array<i32>} : memref<16x512xf32, #tpu.memory_space<vmem>>, vector<16xf32>,
      %broadcast_in_dim3A_3216 = arith.constant 0 : i32
      %broadcast_in_dim3A_3217 = vector.broadcast %broadcast_in_dim3A_3216 : i32 to vector<16xi32>
      %broadcast_in_dim3A_3218 = arith.constant 4 : i32
      %broadcast_in_dim3A_3219 = vector.broadcast %broadcast_in_dim3A_3218 : i32 to vector<16xi32>
      %gather3A_3220 = arith.constant 1 : i32
      %gather3A_3221 = arith.constant 0 : i32
      %gather3A_3222 = arith.constant 0 : i32
      %gather3A_3223 = arith.constant 0 : i32
      %gather3A_3224 = arith.constant 0 : i32
      %gather3A_3225 = tpu.memref_slice %arg6[%gather3A_3220, %gather3A_3221, %gather3A_3222, %gather3A_3223, %gather3A_3224] : memref<2x16x2x8x128xf32, #tpu.memory_space<vmem>> -> memref<1x16x2x8x128xf32, #tpu.memory_space<vmem>>
      %gather3A_3226 = tpu.memref_squeeze %gather3A_3225 : memref<1x16x2x8x128xf32, #tpu.memory_space<vmem>> -> memref<16x2x8x128xf32, #tpu.memory_space<vmem>>
      %gather3A_3227 = tpu.vector_load_idx %gather3A_3226[%iota3A, %broadcast_in_dim3A_3217, %broadcast_in_dim3A_3219, %and3A_2828] : memref<16x2x8x128xf32, #tpu.memory_space<vmem>>[vector<16xi32>, vector<16xi32>, vector<16xi32>, vector<16xi32>], vector<16xf32>,
      %swap3A_3228 = arith.constant 4 : i32
      %swap3A_3229 = arith.index_cast %swap3A_3228 : i32 to index
      %swap3A_3230 = arith.index_cast %multiple_of3A_3151 : i32 to index
      %swap3A_3231 = tpu.vector_load %arg7[%swap3A_3229, %swap3A_3230] {strides = array<i32>} : memref<16x512xf32, #tpu.memory_space<vmem>>, vector<16xf32>,
      tpu.vector_store %arg7[%swap3A_3229, %swap3A_3230], %gather3A_3227 {strides = array<i32>} : memref<16x512xf32, #tpu.memory_space<vmem>>, vector<16xf32>,
      %broadcast_in_dim3A_3232 = arith.constant 0 : i32
      %broadcast_in_dim3A_3233 = vector.broadcast %broadcast_in_dim3A_3232 : i32 to vector<16xi32>
      %broadcast_in_dim3A_3234 = arith.constant 5 : i32
      %broadcast_in_dim3A_3235 = vector.broadcast %broadcast_in_dim3A_3234 : i32 to vector<16xi32>
      %gather3A_3236 = arith.constant 1 : i32
      %gather3A_3237 = arith.constant 0 : i32
      %gather3A_3238 = arith.constant 0 : i32
      %gather3A_3239 = arith.constant 0 : i32
      %gather3A_3240 = arith.constant 0 : i32
      %gather3A_3241 = tpu.memref_slice %arg6[%gather3A_3236, %gather3A_3237, %gather3A_3238, %gather3A_3239, %gather3A_3240] : memref<2x16x2x8x128xf32, #tpu.memory_space<vmem>> -> memref<1x16x2x8x128xf32, #tpu.memory_space<vmem>>
      %gather3A_3242 = tpu.memref_squeeze %gather3A_3241 : memref<1x16x2x8x128xf32, #tpu.memory_space<vmem>> -> memref<16x2x8x128xf32, #tpu.memory_space<vmem>>
      %gather3A_3243 = tpu.vector_load_idx %gather3A_3242[%iota3A, %broadcast_in_dim3A_3233, %broadcast_in_dim3A_3235, %and3A_2828] : memref<16x2x8x128xf32, #tpu.memory_space<vmem>>[vector<16xi32>, vector<16xi32>, vector<16xi32>, vector<16xi32>], vector<16xf32>,
      %swap3A_3244 = arith.constant 5 : i32
      %swap3A_3245 = arith.index_cast %swap3A_3244 : i32 to index
      %swap3A_3246 = arith.index_cast %multiple_of3A_3151 : i32 to index
      %swap3A_3247 = tpu.vector_load %arg7[%swap3A_3245, %swap3A_3246] {strides = array<i32>} : memref<16x512xf32, #tpu.memory_space<vmem>>, vector<16xf32>,
      tpu.vector_store %arg7[%swap3A_3245, %swap3A_3246], %gather3A_3243 {strides = array<i32>} : memref<16x512xf32, #tpu.memory_space<vmem>>, vector<16xf32>,
      %broadcast_in_dim3A_3248 = arith.constant 0 : i32
      %broadcast_in_dim3A_3249 = vector.broadcast %broadcast_in_dim3A_3248 : i32 to vector<16xi32>
      %broadcast_in_dim3A_3250 = arith.constant 6 : i32
      %broadcast_in_dim3A_3251 = vector.broadcast %broadcast_in_dim3A_3250 : i32 to vector<16xi32>
      %gather3A_3252 = arith.constant 1 : i32
      %gather3A_3253 = arith.constant 0 : i32
      %gather3A_3254 = arith.constant 0 : i32
      %gather3A_3255 = arith.constant 0 : i32
      %gather3A_3256 = arith.constant 0 : i32
      %gather3A_3257 = tpu.memref_slice %arg6[%gather3A_3252, %gather3A_3253, %gather3A_3254, %gather3A_3255, %gather3A_3256] : memref<2x16x2x8x128xf32, #tpu.memory_space<vmem>> -> memref<1x16x2x8x128xf32, #tpu.memory_space<vmem>>
      %gather3A_3258 = tpu.memref_squeeze %gather3A_3257 : memref<1x16x2x8x128xf32, #tpu.memory_space<vmem>> -> memref<16x2x8x128xf32, #tpu.memory_space<vmem>>
      %gather3A_3259 = tpu.vector_load_idx %gather3A_3258[%iota3A, %broadcast_in_dim3A_3249, %broadcast_in_dim3A_3251, %and3A_2828] : memref<16x2x8x128xf32, #tpu.memory_space<vmem>>[vector<16xi32>, vector<16xi32>, vector<16xi32>, vector<16xi32>], vector<16xf32>,
      %swap3A_3260 = arith.constant 6 : i32
      %swap3A_3261 = arith.index_cast %swap3A_3260 : i32 to index
      %swap3A_3262 = arith.index_cast %multiple_of3A_3151 : i32 to index
      %swap3A_3263 = tpu.vector_load %arg7[%swap3A_3261, %swap3A_3262] {strides = array<i32>} : memref<16x512xf32, #tpu.memory_space<vmem>>, vector<16xf32>,
      tpu.vector_store %arg7[%swap3A_3261, %swap3A_3262], %gather3A_3259 {strides = array<i32>} : memref<16x512xf32, #tpu.memory_space<vmem>>, vector<16xf32>,
      %broadcast_in_dim3A_3264 = arith.constant 0 : i32
      %broadcast_in_dim3A_3265 = vector.broadcast %broadcast_in_dim3A_3264 : i32 to vector<16xi32>
      %broadcast_in_dim3A_3266 = arith.constant 7 : i32
      %broadcast_in_dim3A_3267 = vector.broadcast %broadcast_in_dim3A_3266 : i32 to vector<16xi32>
      %gather3A_3268 = arith.constant 1 : i32
      %gather3A_3269 = arith.constant 0 : i32
      %gather3A_3270 = arith.constant 0 : i32
      %gather3A_3271 = arith.constant 0 : i32
      %gather3A_3272 = arith.constant 0 : i32
      %gather3A_3273 = tpu.memref_slice %arg6[%gather3A_3268, %gather3A_3269, %gather3A_3270, %gather3A_3271, %gather3A_3272] : memref<2x16x2x8x128xf32, #tpu.memory_space<vmem>> -> memref<1x16x2x8x128xf32, #tpu.memory_space<vmem>>
      %gather3A_3274 = tpu.memref_squeeze %gather3A_3273 : memref<1x16x2x8x128xf32, #tpu.memory_space<vmem>> -> memref<16x2x8x128xf32, #tpu.memory_space<vmem>>
      %gather3A_3275 = tpu.vector_load_idx %gather3A_3274[%iota3A, %broadcast_in_dim3A_3265, %broadcast_in_dim3A_3267, %and3A_2828] : memref<16x2x8x128xf32, #tpu.memory_space<vmem>>[vector<16xi32>, vector<16xi32>, vector<16xi32>, vector<16xi32>], vector<16xf32>,
      %swap3A_3276 = arith.constant 7 : i32
      %swap3A_3277 = arith.index_cast %swap3A_3276 : i32 to index
      %swap3A_3278 = arith.index_cast %multiple_of3A_3151 : i32 to index
      %swap3A_3279 = tpu.vector_load %arg7[%swap3A_3277, %swap3A_3278] {strides = array<i32>} : memref<16x512xf32, #tpu.memory_space<vmem>>, vector<16xf32>,
      tpu.vector_store %arg7[%swap3A_3277, %swap3A_3278], %gather3A_3275 {strides = array<i32>} : memref<16x512xf32, #tpu.memory_space<vmem>>, vector<16xf32>,
      %broadcast_in_dim3A_3280 = arith.constant 1 : i32
      %broadcast_in_dim3A_3281 = vector.broadcast %broadcast_in_dim3A_3280 : i32 to vector<16xi32>
      %broadcast_in_dim3A_3282 = arith.constant 0 : i32
      %broadcast_in_dim3A_3283 = vector.broadcast %broadcast_in_dim3A_3282 : i32 to vector<16xi32>
      %gather3A_3284 = arith.constant 1 : i32
      %gather3A_3285 = arith.constant 0 : i32
      %gather3A_3286 = arith.constant 0 : i32
      %gather3A_3287 = arith.constant 0 : i32
      %gather3A_3288 = arith.constant 0 : i32
      %gather3A_3289 = tpu.memref_slice %arg6[%gather3A_3284, %gather3A_3285, %gather3A_3286, %gather3A_3287, %gather3A_3288] : memref<2x16x2x8x128xf32, #tpu.memory_space<vmem>> -> memref<1x16x2x8x128xf32, #tpu.memory_space<vmem>>
      %gather3A_3290 = tpu.memref_squeeze %gather3A_3289 : memref<1x16x2x8x128xf32, #tpu.memory_space<vmem>> -> memref<16x2x8x128xf32, #tpu.memory_space<vmem>>
      %gather3A_3291 = tpu.vector_load_idx %gather3A_3290[%iota3A, %broadcast_in_dim3A_3281, %broadcast_in_dim3A_3283, %and3A_2828] : memref<16x2x8x128xf32, #tpu.memory_space<vmem>>[vector<16xi32>, vector<16xi32>, vector<16xi32>, vector<16xi32>], vector<16xf32>,
      %swap3A_3292 = arith.constant 8 : i32
      %swap3A_3293 = arith.index_cast %swap3A_3292 : i32 to index
      %swap3A_3294 = arith.index_cast %multiple_of3A_3151 : i32 to index
      %swap3A_3295 = tpu.vector_load %arg7[%swap3A_3293, %swap3A_3294] {strides = array<i32>} : memref<16x512xf32, #tpu.memory_space<vmem>>, vector<16xf32>,
      tpu.vector_store %arg7[%swap3A_3293, %swap3A_3294], %gather3A_3291 {strides = array<i32>} : memref<16x512xf32, #tpu.memory_space<vmem>>, vector<16xf32>,
      %broadcast_in_dim3A_3296 = arith.constant 1 : i32
      %broadcast_in_dim3A_3297 = vector.broadcast %broadcast_in_dim3A_3296 : i32 to vector<16xi32>
      %broadcast_in_dim3A_3298 = arith.constant 1 : i32
      %broadcast_in_dim3A_3299 = vector.broadcast %broadcast_in_dim3A_3298 : i32 to vector<16xi32>
      %gather3A_3300 = arith.constant 1 : i32
      %gather3A_3301 = arith.constant 0 : i32
      %gather3A_3302 = arith.constant 0 : i32
      %gather3A_3303 = arith.constant 0 : i32
      %gather3A_3304 = arith.constant 0 : i32
      %gather3A_3305 = tpu.memref_slice %arg6[%gather3A_3300, %gather3A_3301, %gather3A_3302, %gather3A_3303, %gather3A_3304] : memref<2x16x2x8x128xf32, #tpu.memory_space<vmem>> -> memref<1x16x2x8x128xf32, #tpu.memory_space<vmem>>
      %gather3A_3306 = tpu.memref_squeeze %gather3A_3305 : memref<1x16x2x8x128xf32, #tpu.memory_space<vmem>> -> memref<16x2x8x128xf32, #tpu.memory_space<vmem>>
      %gather3A_3307 = tpu.vector_load_idx %gather3A_3306[%iota3A, %broadcast_in_dim3A_3297, %broadcast_in_dim3A_3299, %and3A_2828] : memref<16x2x8x128xf32, #tpu.memory_space<vmem>>[vector<16xi32>, vector<16xi32>, vector<16xi32>, vector<16xi32>], vector<16xf32>,
      %swap3A_3308 = arith.constant 9 : i32
      %swap3A_3309 = arith.index_cast %swap3A_3308 : i32 to index
      %swap3A_3310 = arith.index_cast %multiple_of3A_3151 : i32 to index
      %swap3A_3311 = tpu.vector_load %arg7[%swap3A_3309, %swap3A_3310] {strides = array<i32>} : memref<16x512xf32, #tpu.memory_space<vmem>>, vector<16xf32>,
      tpu.vector_store %arg7[%swap3A_3309, %swap3A_3310], %gather3A_3307 {strides = array<i32>} : memref<16x512xf32, #tpu.memory_space<vmem>>, vector<16xf32>,
      %broadcast_in_dim3A_3312 = arith.constant 1 : i32
      %broadcast_in_dim3A_3313 = vector.broadcast %broadcast_in_dim3A_3312 : i32 to vector<16xi32>
      %broadcast_in_dim3A_3314 = arith.constant 2 : i32
      %broadcast_in_dim3A_3315 = vector.broadcast %broadcast_in_dim3A_3314 : i32 to vector<16xi32>
      %gather3A_3316 = arith.constant 1 : i32
      %gather3A_3317 = arith.constant 0 : i32
      %gather3A_3318 = arith.constant 0 : i32
      %gather3A_3319 = arith.constant 0 : i32
      %gather3A_3320 = arith.constant 0 : i32
      %gather3A_3321 = tpu.memref_slice %arg6[%gather3A_3316, %gather3A_3317, %gather3A_3318, %gather3A_3319, %gather3A_3320] : memref<2x16x2x8x128xf32, #tpu.memory_space<vmem>> -> memref<1x16x2x8x128xf32, #tpu.memory_space<vmem>>
      %gather3A_3322 = tpu.memref_squeeze %gather3A_3321 : memref<1x16x2x8x128xf32, #tpu.memory_space<vmem>> -> memref<16x2x8x128xf32, #tpu.memory_space<vmem>>
      %gather3A_3323 = tpu.vector_load_idx %gather3A_3322[%iota3A, %broadcast_in_dim3A_3313, %broadcast_in_dim3A_3315, %and3A_2828] : memref<16x2x8x128xf32, #tpu.memory_space<vmem>>[vector<16xi32>, vector<16xi32>, vector<16xi32>, vector<16xi32>], vector<16xf32>,
      %swap3A_3324 = arith.constant 10 : i32
      %swap3A_3325 = arith.index_cast %swap3A_3324 : i32 to index
      %swap3A_3326 = arith.index_cast %multiple_of3A_3151 : i32 to index
      %swap3A_3327 = tpu.vector_load %arg7[%swap3A_3325, %swap3A_3326] {strides = array<i32>} : memref<16x512xf32, #tpu.memory_space<vmem>>, vector<16xf32>,
      tpu.vector_store %arg7[%swap3A_3325, %swap3A_3326], %gather3A_3323 {strides = array<i32>} : memref<16x512xf32, #tpu.memory_space<vmem>>, vector<16xf32>,
      %broadcast_in_dim3A_3328 = arith.constant 1 : i32
      %broadcast_in_dim3A_3329 = vector.broadcast %broadcast_in_dim3A_3328 : i32 to vector<16xi32>
      %broadcast_in_dim3A_3330 = arith.constant 3 : i32
      %broadcast_in_dim3A_3331 = vector.broadcast %broadcast_in_dim3A_3330 : i32 to vector<16xi32>
      %gather3A_3332 = arith.constant 1 : i32
      %gather3A_3333 = arith.constant 0 : i32
      %gather3A_3334 = arith.constant 0 : i32
      %gather3A_3335 = arith.constant 0 : i32
      %gather3A_3336 = arith.constant 0 : i32
      %gather3A_3337 = tpu.memref_slice %arg6[%gather3A_3332, %gather3A_3333, %gather3A_3334, %gather3A_3335, %gather3A_3336] : memref<2x16x2x8x128xf32, #tpu.memory_space<vmem>> -> memref<1x16x2x8x128xf32, #tpu.memory_space<vmem>>
      %gather3A_3338 = tpu.memref_squeeze %gather3A_3337 : memref<1x16x2x8x128xf32, #tpu.memory_space<vmem>> -> memref<16x2x8x128xf32, #tpu.memory_space<vmem>>
      %gather3A_3339 = tpu.vector_load_idx %gather3A_3338[%iota3A, %broadcast_in_dim3A_3329, %broadcast_in_dim3A_3331, %and3A_2828] : memref<16x2x8x128xf32, #tpu.memory_space<vmem>>[vector<16xi32>, vector<16xi32>, vector<16xi32>, vector<16xi32>], vector<16xf32>,
      %swap3A_3340 = arith.constant 11 : i32
      %swap3A_3341 = arith.index_cast %swap3A_3340 : i32 to index
      %swap3A_3342 = arith.index_cast %multiple_of3A_3151 : i32 to index
      %swap3A_3343 = tpu.vector_load %arg7[%swap3A_3341, %swap3A_3342] {strides = array<i32>} : memref<16x512xf32, #tpu.memory_space<vmem>>, vector<16xf32>,
      tpu.vector_store %arg7[%swap3A_3341, %swap3A_3342], %gather3A_3339 {strides = array<i32>} : memref<16x512xf32, #tpu.memory_space<vmem>>, vector<16xf32>,
      %broadcast_in_dim3A_3344 = arith.constant 1 : i32
      %broadcast_in_dim3A_3345 = vector.broadcast %broadcast_in_dim3A_3344 : i32 to vector<16xi32>
      %broadcast_in_dim3A_3346 = arith.constant 4 : i32
      %broadcast_in_dim3A_3347 = vector.broadcast %broadcast_in_dim3A_3346 : i32 to vector<16xi32>
      %gather3A_3348 = arith.constant 1 : i32
      %gather3A_3349 = arith.constant 0 : i32
      %gather3A_3350 = arith.constant 0 : i32
      %gather3A_3351 = arith.constant 0 : i32
      %gather3A_3352 = arith.constant 0 : i32
      %gather3A_3353 = tpu.memref_slice %arg6[%gather3A_3348, %gather3A_3349, %gather3A_3350, %gather3A_3351, %gather3A_3352] : memref<2x16x2x8x128xf32, #tpu.memory_space<vmem>> -> memref<1x16x2x8x128xf32, #tpu.memory_space<vmem>>
      %gather3A_3354 = tpu.memref_squeeze %gather3A_3353 : memref<1x16x2x8x128xf32, #tpu.memory_space<vmem>> -> memref<16x2x8x128xf32, #tpu.memory_space<vmem>>
      %gather3A_3355 = tpu.vector_load_idx %gather3A_3354[%iota3A, %broadcast_in_dim3A_3345, %broadcast_in_dim3A_3347, %and3A_2828] : memref<16x2x8x128xf32, #tpu.memory_space<vmem>>[vector<16xi32>, vector<16xi32>, vector<16xi32>, vector<16xi32>], vector<16xf32>,
      %swap3A_3356 = arith.constant 12 : i32
      %swap3A_3357 = arith.index_cast %swap3A_3356 : i32 to index
      %swap3A_3358 = arith.index_cast %multiple_of3A_3151 : i32 to index
      %swap3A_3359 = tpu.vector_load %arg7[%swap3A_3357, %swap3A_3358] {strides = array<i32>} : memref<16x512xf32, #tpu.memory_space<vmem>>, vector<16xf32>,
      tpu.vector_store %arg7[%swap3A_3357, %swap3A_3358], %gather3A_3355 {strides = array<i32>} : memref<16x512xf32, #tpu.memory_space<vmem>>, vector<16xf32>,
      %broadcast_in_dim3A_3360 = arith.constant 1 : i32
      %broadcast_in_dim3A_3361 = vector.broadcast %broadcast_in_dim3A_3360 : i32 to vector<16xi32>
      %broadcast_in_dim3A_3362 = arith.constant 5 : i32
      %broadcast_in_dim3A_3363 = vector.broadcast %broadcast_in_dim3A_3362 : i32 to vector<16xi32>
      %gather3A_3364 = arith.constant 1 : i32
      %gather3A_3365 = arith.constant 0 : i32
      %gather3A_3366 = arith.constant 0 : i32
      %gather3A_3367 = arith.constant 0 : i32
      %gather3A_3368 = arith.constant 0 : i32
      %gather3A_3369 = tpu.memref_slice %arg6[%gather3A_3364, %gather3A_3365, %gather3A_3366, %gather3A_3367, %gather3A_3368] : memref<2x16x2x8x128xf32, #tpu.memory_space<vmem>> -> memref<1x16x2x8x128xf32, #tpu.memory_space<vmem>>
      %gather3A_3370 = tpu.memref_squeeze %gather3A_3369 : memref<1x16x2x8x128xf32, #tpu.memory_space<vmem>> -> memref<16x2x8x128xf32, #tpu.memory_space<vmem>>
      %gather3A_3371 = tpu.vector_load_idx %gather3A_3370[%iota3A, %broadcast_in_dim3A_3361, %broadcast_in_dim3A_3363, %and3A_2828] : memref<16x2x8x128xf32, #tpu.memory_space<vmem>>[vector<16xi32>, vector<16xi32>, vector<16xi32>, vector<16xi32>], vector<16xf32>,
      %swap3A_3372 = arith.constant 13 : i32
      %swap3A_3373 = arith.index_cast %swap3A_3372 : i32 to index
      %swap3A_3374 = arith.index_cast %multiple_of3A_3151 : i32 to index
      %swap3A_3375 = tpu.vector_load %arg7[%swap3A_3373, %swap3A_3374] {strides = array<i32>} : memref<16x512xf32, #tpu.memory_space<vmem>>, vector<16xf32>,
      tpu.vector_store %arg7[%swap3A_3373, %swap3A_3374], %gather3A_3371 {strides = array<i32>} : memref<16x512xf32, #tpu.memory_space<vmem>>, vector<16xf32>,
      %broadcast_in_dim3A_3376 = arith.constant 1 : i32
      %broadcast_in_dim3A_3377 = vector.broadcast %broadcast_in_dim3A_3376 : i32 to vector<16xi32>
      %broadcast_in_dim3A_3378 = arith.constant 6 : i32
      %broadcast_in_dim3A_3379 = vector.broadcast %broadcast_in_dim3A_3378 : i32 to vector<16xi32>
      %gather3A_3380 = arith.constant 1 : i32
      %gather3A_3381 = arith.constant 0 : i32
      %gather3A_3382 = arith.constant 0 : i32
      %gather3A_3383 = arith.constant 0 : i32
      %gather3A_3384 = arith.constant 0 : i32
      %gather3A_3385 = tpu.memref_slice %arg6[%gather3A_3380, %gather3A_3381, %gather3A_3382, %gather3A_3383, %gather3A_3384] : memref<2x16x2x8x128xf32, #tpu.memory_space<vmem>> -> memref<1x16x2x8x128xf32, #tpu.memory_space<vmem>>
      %gather3A_3386 = tpu.memref_squeeze %gather3A_3385 : memref<1x16x2x8x128xf32, #tpu.memory_space<vmem>> -> memref<16x2x8x128xf32, #tpu.memory_space<vmem>>
      %gather3A_3387 = tpu.vector_load_idx %gather3A_3386[%iota3A, %broadcast_in_dim3A_3377, %broadcast_in_dim3A_3379, %and3A_2828] : memref<16x2x8x128xf32, #tpu.memory_space<vmem>>[vector<16xi32>, vector<16xi32>, vector<16xi32>, vector<16xi32>], vector<16xf32>,
      %swap3A_3388 = arith.constant 14 : i32
      %swap3A_3389 = arith.index_cast %swap3A_3388 : i32 to index
      %swap3A_3390 = arith.index_cast %multiple_of3A_3151 : i32 to index
      %swap3A_3391 = tpu.vector_load %arg7[%swap3A_3389, %swap3A_3390] {strides = array<i32>} : memref<16x512xf32, #tpu.memory_space<vmem>>, vector<16xf32>,
      tpu.vector_store %arg7[%swap3A_3389, %swap3A_3390], %gather3A_3387 {strides = array<i32>} : memref<16x512xf32, #tpu.memory_space<vmem>>, vector<16xf32>,
      %broadcast_in_dim3A_3392 = arith.constant 1 : i32
      %broadcast_in_dim3A_3393 = vector.broadcast %broadcast_in_dim3A_3392 : i32 to vector<16xi32>
      %broadcast_in_dim3A_3394 = arith.constant 7 : i32
      %broadcast_in_dim3A_3395 = vector.broadcast %broadcast_in_dim3A_3394 : i32 to vector<16xi32>
      %gather3A_3396 = arith.constant 1 : i32
      %gather3A_3397 = arith.constant 0 : i32
      %gather3A_3398 = arith.constant 0 : i32
      %gather3A_3399 = arith.constant 0 : i32
      %gather3A_3400 = arith.constant 0 : i32
      %gather3A_3401 = tpu.memref_slice %arg6[%gather3A_3396, %gather3A_3397, %gather3A_3398, %gather3A_3399, %gather3A_3400] : memref<2x16x2x8x128xf32, #tpu.memory_space<vmem>> -> memref<1x16x2x8x128xf32, #tpu.memory_space<vmem>>
      %gather3A_3402 = tpu.memref_squeeze %gather3A_3401 : memref<1x16x2x8x128xf32, #tpu.memory_space<vmem>> -> memref<16x2x8x128xf32, #tpu.memory_space<vmem>>
      %gather3A_3403 = tpu.vector_load_idx %gather3A_3402[%iota3A, %broadcast_in_dim3A_3393, %broadcast_in_dim3A_3395, %and3A_2828] : memref<16x2x8x128xf32, #tpu.memory_space<vmem>>[vector<16xi32>, vector<16xi32>, vector<16xi32>, vector<16xi32>], vector<16xf32>,
      %swap3A_3404 = arith.constant 15 : i32
      %swap3A_3405 = arith.index_cast %swap3A_3404 : i32 to index
      %swap3A_3406 = arith.index_cast %multiple_of3A_3151 : i32 to index
      %swap3A_3407 = tpu.vector_load %arg7[%swap3A_3405, %swap3A_3406] {strides = array<i32>} : memref<16x512xf32, #tpu.memory_space<vmem>>, vector<16xf32>,
      tpu.vector_store %arg7[%swap3A_3405, %swap3A_3406], %gather3A_3403 {strides = array<i32>} : memref<16x512xf32, #tpu.memory_space<vmem>>, vector<16xf32>,
      %add3A_3408 = arith.constant 2 : i32
      %add3A_3409 = arith.addi %add3A_2820, %add3A_3408 : i32
      %mul3A_3410 = arith.constant 16 : i32
      %mul3A_3411 = arith.muli %add3A_3409, %mul3A_3410 : i32
      %multiple_of3A_3412 = tpu.assume_multiple %mul3A_3411, 16 : i32
      %get3A_3413 = arith.index_cast %multiple_of3A_3412 : i32 to index
      %get3A_3414 = tpu.vector_load %arg5[%get3A_3413] {strides = array<i32>} : memref<512xi32, #tpu.memory_space<vmem>>, vector<16xi32>,
      %shift_right_arithmetic3A_3415 = arith.constant 7 : i32
      %shift_right_arithmetic3A_3416 = vector.broadcast %shift_right_arithmetic3A_3415 : i32 to vector<16xi32>
      %shift_right_arithmetic3A_3417 = arith.shrsi %get3A_3414, %shift_right_arithmetic3A_3416 : vector<16xi32>
      %mul3A_3418 = arith.constant 128 : i32
      %mul3A_3419 = vector.broadcast %mul3A_3418 : i32 to vector<16xi32>
      %mul3A_3420 = arith.muli %shift_right_arithmetic3A_3417, %mul3A_3419 : vector<16xi32>
      %slice3A_3421 = vector.extract_strided_slice %mul3A_3420 {offsets = [0], sizes = [1], strides = [1]} : vector<16xi32> to vector<1xi32>
      %squeeze3A_3422 = vector.extract %slice3A_3421[0] : i32 from vector<1xi32>
      %multiple_of3A_3423 = tpu.assume_multiple %squeeze3A_3422, 128 : i32
      %dma_start3A_3424 = arith.constant 1 : i32
      %dma_start3A_3425 = arith.constant 0 : i32
      %dma_start3A_3426 = arith.constant 0 : i32
      %dma_start3A_3427 = arith.constant 0 : i32
      %dma_start3A_3428 = arith.constant 0 : i32
      %dma_start3A_3429 = tpu.memref_slice %arg6[%dma_start3A_3424, %dma_start3A_3425, %dma_start3A_3426, %dma_start3A_3427, %dma_start3A_3428] : memref<2x16x2x8x128xf32, #tpu.memory_space<vmem>> -> memref<1x1x2x8x128xf32, #tpu.memory_space<vmem>>
      %dma_start3A_3430 = tpu.memref_squeeze %dma_start3A_3429 : memref<1x1x2x8x128xf32, #tpu.memory_space<vmem>> -> memref<2x8x128xf32, #tpu.memory_space<vmem>>
      %dma_start3A_3431 = arith.constant 0 : i32
      %dma_start3A_3432 = arith.constant 0 : i32
      %dma_start3A_3433 = tpu.memref_slice %arg2[%dma_start3A_3431, %dma_start3A_3432, %multiple_of3A_3423] : memref<2x8x1000000xf32, #tpu.memory_space<hbm>> -> memref<2x8x128xf32, #tpu.memory_space<hbm>>
      %dma_start3A_3434 = arith.constant 0 : i32
      %dma_start3A_3435 = arith.constant 0 : i32
      %dma_start3A_3436 = arith.constant 0 : i32
      %dma_start3A_3437 = tpu.memref_slice %arg6[%dma_start3A_3424, %dma_start3A_3425, %dma_start3A_3434, %dma_start3A_3435, %dma_start3A_3436] : memref<2x16x2x8x128xf32, #tpu.memory_space<vmem>> -> memref<1x1x2x8x128xf32, #tpu.memory_space<vmem>>
      %dma_start3A_3438 = tpu.memref_squeeze %dma_start3A_3437 : memref<1x1x2x8x128xf32, #tpu.memory_space<vmem>> -> memref<2x8x128xf32, #tpu.memory_space<vmem>>
      %dma_start3A_3439 = arith.constant 0 : i32
      %dma_start3A_3440 = arith.constant 0 : i32
      %dma_start3A_3441 = tpu.memref_slice %arg2[%dma_start3A_3439, %dma_start3A_3440, %multiple_of3A_3423] : memref<2x8x1000000xf32, #tpu.memory_space<hbm>> -> memref<2x8x128xf32, #tpu.memory_space<hbm>>
      tpu.enqueue_dma source(%dma_start3A_3441 : memref<2x8x128xf32, #tpu.memory_space<hbm>>) target(%dma_start3A_3438 : memref<2x8x128xf32, #tpu.memory_space<vmem>>) target_semaphore(%arg9 : memref<!tpu.dma_semaphore, #tpu.memory_space<semaphore_mem>>)
      %slice3A_3442 = vector.extract_strided_slice %mul3A_3420 {offsets = [1], sizes = [1], strides = [1]} : vector<16xi32> to vector<1xi32>
      %squeeze3A_3443 = vector.extract %slice3A_3442[0] : i32 from vector<1xi32>
      %multiple_of3A_3444 = tpu.assume_multiple %squeeze3A_3443, 128 : i32
      %dma_start3A_3445 = arith.constant 1 : i32
      %dma_start3A_3446 = arith.constant 1 : i32
      %dma_start3A_3447 = arith.constant 0 : i32
      %dma_start3A_3448 = arith.constant 0 : i32
      %dma_start3A_3449 = arith.constant 0 : i32
      %dma_start3A_3450 = tpu.memref_slice %arg6[%dma_start3A_3445, %dma_start3A_3446, %dma_start3A_3447, %dma_start3A_3448, %dma_start3A_3449] : memref<2x16x2x8x128xf32, #tpu.memory_space<vmem>> -> memref<1x1x2x8x128xf32, #tpu.memory_space<vmem>>
      %dma_start3A_3451 = tpu.memref_squeeze %dma_start3A_3450 : memref<1x1x2x8x128xf32, #tpu.memory_space<vmem>> -> memref<2x8x128xf32, #tpu.memory_space<vmem>>
      %dma_start3A_3452 = arith.constant 0 : i32
      %dma_start3A_3453 = arith.constant 0 : i32
      %dma_start3A_3454 = tpu.memref_slice %arg2[%dma_start3A_3452, %dma_start3A_3453, %multiple_of3A_3444] : memref<2x8x1000000xf32, #tpu.memory_space<hbm>> -> memref<2x8x128xf32, #tpu.memory_space<hbm>>
      %dma_start3A_3455 = arith.constant 0 : i32
      %dma_start3A_3456 = arith.constant 0 : i32
      %dma_start3A_3457 = arith.constant 0 : i32
      %dma_start3A_3458 = tpu.memref_slice %arg6[%dma_start3A_3445, %dma_start3A_3446, %dma_start3A_3455, %dma_start3A_3456, %dma_start3A_3457] : memref<2x16x2x8x128xf32, #tpu.memory_space<vmem>> -> memref<1x1x2x8x128xf32, #tpu.memory_space<vmem>>
      %dma_start3A_3459 = tpu.memref_squeeze %dma_start3A_3458 : memref<1x1x2x8x128xf32, #tpu.memory_space<vmem>> -> memref<2x8x128xf32, #tpu.memory_space<vmem>>
      %dma_start3A_3460 = arith.constant 0 : i32
      %dma_start3A_3461 = arith.constant 0 : i32
      %dma_start3A_3462 = tpu.memref_slice %arg2[%dma_start3A_3460, %dma_start3A_3461, %multiple_of3A_3444] : memref<2x8x1000000xf32, #tpu.memory_space<hbm>> -> memref<2x8x128xf32, #tpu.memory_space<hbm>>
      tpu.enqueue_dma source(%dma_start3A_3462 : memref<2x8x128xf32, #tpu.memory_space<hbm>>) target(%dma_start3A_3459 : memref<2x8x128xf32, #tpu.memory_space<vmem>>) target_semaphore(%arg9 : memref<!tpu.dma_semaphore, #tpu.memory_space<semaphore_mem>>)
      %slice3A_3463 = vector.extract_strided_slice %mul3A_3420 {offsets = [2], sizes = [1], strides = [1]} : vector<16xi32> to vector<1xi32>
      %squeeze3A_3464 = vector.extract %slice3A_3463[0] : i32 from vector<1xi32>
      %multiple_of3A_3465 = tpu.assume_multiple %squeeze3A_3464, 128 : i32
      %dma_start3A_3466 = arith.constant 1 : i32
      %dma_start3A_3467 = arith.constant 2 : i32
      %dma_start3A_3468 = arith.constant 0 : i32
      %dma_start3A_3469 = arith.constant 0 : i32
      %dma_start3A_3470 = arith.constant 0 : i32
      %dma_start3A_3471 = tpu.memref_slice %arg6[%dma_start3A_3466, %dma_start3A_3467, %dma_start3A_3468, %dma_start3A_3469, %dma_start3A_3470] : memref<2x16x2x8x128xf32, #tpu.memory_space<vmem>> -> memref<1x1x2x8x128xf32, #tpu.memory_space<vmem>>
      %dma_start3A_3472 = tpu.memref_squeeze %dma_start3A_3471 : memref<1x1x2x8x128xf32, #tpu.memory_space<vmem>> -> memref<2x8x128xf32, #tpu.memory_space<vmem>>
      %dma_start3A_3473 = arith.constant 0 : i32
      %dma_start3A_3474 = arith.constant 0 : i32
      %dma_start3A_3475 = tpu.memref_slice %arg2[%dma_start3A_3473, %dma_start3A_3474, %multiple_of3A_3465] : memref<2x8x1000000xf32, #tpu.memory_space<hbm>> -> memref<2x8x128xf32, #tpu.memory_space<hbm>>
      %dma_start3A_3476 = arith.constant 0 : i32
      %dma_start3A_3477 = arith.constant 0 : i32
      %dma_start3A_3478 = arith.constant 0 : i32
      %dma_start3A_3479 = tpu.memref_slice %arg6[%dma_start3A_3466, %dma_start3A_3467, %dma_start3A_3476, %dma_start3A_3477, %dma_start3A_3478] : memref<2x16x2x8x128xf32, #tpu.memory_space<vmem>> -> memref<1x1x2x8x128xf32, #tpu.memory_space<vmem>>
      %dma_start3A_3480 = tpu.memref_squeeze %dma_start3A_3479 : memref<1x1x2x8x128xf32, #tpu.memory_space<vmem>> -> memref<2x8x128xf32, #tpu.memory_space<vmem>>
      %dma_start3A_3481 = arith.constant 0 : i32
      %dma_start3A_3482 = arith.constant 0 : i32
      %dma_start3A_3483 = tpu.memref_slice %arg2[%dma_start3A_3481, %dma_start3A_3482, %multiple_of3A_3465] : memref<2x8x1000000xf32, #tpu.memory_space<hbm>> -> memref<2x8x128xf32, #tpu.memory_space<hbm>>
      tpu.enqueue_dma source(%dma_start3A_3483 : memref<2x8x128xf32, #tpu.memory_space<hbm>>) target(%dma_start3A_3480 : memref<2x8x128xf32, #tpu.memory_space<vmem>>) target_semaphore(%arg9 : memref<!tpu.dma_semaphore, #tpu.memory_space<semaphore_mem>>)
      %slice3A_3484 = vector.extract_strided_slice %mul3A_3420 {offsets = [3], sizes = [1], strides = [1]} : vector<16xi32> to vector<1xi32>
      %squeeze3A_3485 = vector.extract %slice3A_3484[0] : i32 from vector<1xi32>
      %multiple_of3A_3486 = tpu.assume_multiple %squeeze3A_3485, 128 : i32
      %dma_start3A_3487 = arith.constant 1 : i32
      %dma_start3A_3488 = arith.constant 3 : i32
      %dma_start3A_3489 = arith.constant 0 : i32
      %dma_start3A_3490 = arith.constant 0 : i32
      %dma_start3A_3491 = arith.constant 0 : i32
      %dma_start3A_3492 = tpu.memref_slice %arg6[%dma_start3A_3487, %dma_start3A_3488, %dma_start3A_3489, %dma_start3A_3490, %dma_start3A_3491] : memref<2x16x2x8x128xf32, #tpu.memory_space<vmem>> -> memref<1x1x2x8x128xf32, #tpu.memory_space<vmem>>
      %dma_start3A_3493 = tpu.memref_squeeze %dma_start3A_3492 : memref<1x1x2x8x128xf32, #tpu.memory_space<vmem>> -> memref<2x8x128xf32, #tpu.memory_space<vmem>>
      %dma_start3A_3494 = arith.constant 0 : i32
      %dma_start3A_3495 = arith.constant 0 : i32
      %dma_start3A_3496 = tpu.memref_slice %arg2[%dma_start3A_3494, %dma_start3A_3495, %multiple_of3A_3486] : memref<2x8x1000000xf32, #tpu.memory_space<hbm>> -> memref<2x8x128xf32, #tpu.memory_space<hbm>>
      %dma_start3A_3497 = arith.constant 0 : i32
      %dma_start3A_3498 = arith.constant 0 : i32
      %dma_start3A_3499 = arith.constant 0 : i32
      %dma_start3A_3500 = tpu.memref_slice %arg6[%dma_start3A_3487, %dma_start3A_3488, %dma_start3A_3497, %dma_start3A_3498, %dma_start3A_3499] : memref<2x16x2x8x128xf32, #tpu.memory_space<vmem>> -> memref<1x1x2x8x128xf32, #tpu.memory_space<vmem>>
      %dma_start3A_3501 = tpu.memref_squeeze %dma_start3A_3500 : memref<1x1x2x8x128xf32, #tpu.memory_space<vmem>> -> memref<2x8x128xf32, #tpu.memory_space<vmem>>
      %dma_start3A_3502 = arith.constant 0 : i32
      %dma_start3A_3503 = arith.constant 0 : i32
      %dma_start3A_3504 = tpu.memref_slice %arg2[%dma_start3A_3502, %dma_start3A_3503, %multiple_of3A_3486] : memref<2x8x1000000xf32, #tpu.memory_space<hbm>> -> memref<2x8x128xf32, #tpu.memory_space<hbm>>
      tpu.enqueue_dma source(%dma_start3A_3504 : memref<2x8x128xf32, #tpu.memory_space<hbm>>) target(%dma_start3A_3501 : memref<2x8x128xf32, #tpu.memory_space<vmem>>) target_semaphore(%arg9 : memref<!tpu.dma_semaphore, #tpu.memory_space<semaphore_mem>>)
      %slice3A_3505 = vector.extract_strided_slice %mul3A_3420 {offsets = [4], sizes = [1], strides = [1]} : vector<16xi32> to vector<1xi32>
      %squeeze3A_3506 = vector.extract %slice3A_3505[0] : i32 from vector<1xi32>
      %multiple_of3A_3507 = tpu.assume_multiple %squeeze3A_3506, 128 : i32
      %dma_start3A_3508 = arith.constant 1 : i32
      %dma_start3A_3509 = arith.constant 4 : i32
      %dma_start3A_3510 = arith.constant 0 : i32
      %dma_start3A_3511 = arith.constant 0 : i32
      %dma_start3A_3512 = arith.constant 0 : i32
      %dma_start3A_3513 = tpu.memref_slice %arg6[%dma_start3A_3508, %dma_start3A_3509, %dma_start3A_3510, %dma_start3A_3511, %dma_start3A_3512] : memref<2x16x2x8x128xf32, #tpu.memory_space<vmem>> -> memref<1x1x2x8x128xf32, #tpu.memory_space<vmem>>
      %dma_start3A_3514 = tpu.memref_squeeze %dma_start3A_3513 : memref<1x1x2x8x128xf32, #tpu.memory_space<vmem>> -> memref<2x8x128xf32, #tpu.memory_space<vmem>>
      %dma_start3A_3515 = arith.constant 0 : i32
      %dma_start3A_3516 = arith.constant 0 : i32
      %dma_start3A_3517 = tpu.memref_slice %arg2[%dma_start3A_3515, %dma_start3A_3516, %multiple_of3A_3507] : memref<2x8x1000000xf32, #tpu.memory_space<hbm>> -> memref<2x8x128xf32, #tpu.memory_space<hbm>>
      %dma_start3A_3518 = arith.constant 0 : i32
      %dma_start3A_3519 = arith.constant 0 : i32
      %dma_start3A_3520 = arith.constant 0 : i32
      %dma_start3A_3521 = tpu.memref_slice %arg6[%dma_start3A_3508, %dma_start3A_3509, %dma_start3A_3518, %dma_start3A_3519, %dma_start3A_3520] : memref<2x16x2x8x128xf32, #tpu.memory_space<vmem>> -> memref<1x1x2x8x128xf32, #tpu.memory_space<vmem>>
      %dma_start3A_3522 = tpu.memref_squeeze %dma_start3A_3521 : memref<1x1x2x8x128xf32, #tpu.memory_space<vmem>> -> memref<2x8x128xf32, #tpu.memory_space<vmem>>
      %dma_start3A_3523 = arith.constant 0 : i32
      %dma_start3A_3524 = arith.constant 0 : i32
      %dma_start3A_3525 = tpu.memref_slice %arg2[%dma_start3A_3523, %dma_start3A_3524, %multiple_of3A_3507] : memref<2x8x1000000xf32, #tpu.memory_space<hbm>> -> memref<2x8x128xf32, #tpu.memory_space<hbm>>
      tpu.enqueue_dma source(%dma_start3A_3525 : memref<2x8x128xf32, #tpu.memory_space<hbm>>) target(%dma_start3A_3522 : memref<2x8x128xf32, #tpu.memory_space<vmem>>) target_semaphore(%arg9 : memref<!tpu.dma_semaphore, #tpu.memory_space<semaphore_mem>>)
      %slice3A_3526 = vector.extract_strided_slice %mul3A_3420 {offsets = [5], sizes = [1], strides = [1]} : vector<16xi32> to vector<1xi32>
      %squeeze3A_3527 = vector.extract %slice3A_3526[0] : i32 from vector<1xi32>
      %multiple_of3A_3528 = tpu.assume_multiple %squeeze3A_3527, 128 : i32
      %dma_start3A_3529 = arith.constant 1 : i32
      %dma_start3A_3530 = arith.constant 5 : i32
      %dma_start3A_3531 = arith.constant 0 : i32
      %dma_start3A_3532 = arith.constant 0 : i32
      %dma_start3A_3533 = arith.constant 0 : i32
      %dma_start3A_3534 = tpu.memref_slice %arg6[%dma_start3A_3529, %dma_start3A_3530, %dma_start3A_3531, %dma_start3A_3532, %dma_start3A_3533] : memref<2x16x2x8x128xf32, #tpu.memory_space<vmem>> -> memref<1x1x2x8x128xf32, #tpu.memory_space<vmem>>
      %dma_start3A_3535 = tpu.memref_squeeze %dma_start3A_3534 : memref<1x1x2x8x128xf32, #tpu.memory_space<vmem>> -> memref<2x8x128xf32, #tpu.memory_space<vmem>>
      %dma_start3A_3536 = arith.constant 0 : i32
      %dma_start3A_3537 = arith.constant 0 : i32
      %dma_start3A_3538 = tpu.memref_slice %arg2[%dma_start3A_3536, %dma_start3A_3537, %multiple_of3A_3528] : memref<2x8x1000000xf32, #tpu.memory_space<hbm>> -> memref<2x8x128xf32, #tpu.memory_space<hbm>>
      %dma_start3A_3539 = arith.constant 0 : i32
      %dma_start3A_3540 = arith.constant 0 : i32
      %dma_start3A_3541 = arith.constant 0 : i32
      %dma_start3A_3542 = tpu.memref_slice %arg6[%dma_start3A_3529, %dma_start3A_3530, %dma_start3A_3539, %dma_start3A_3540, %dma_start3A_3541] : memref<2x16x2x8x128xf32, #tpu.memory_space<vmem>> -> memref<1x1x2x8x128xf32, #tpu.memory_space<vmem>>
      %dma_start3A_3543 = tpu.memref_squeeze %dma_start3A_3542 : memref<1x1x2x8x128xf32, #tpu.memory_space<vmem>> -> memref<2x8x128xf32, #tpu.memory_space<vmem>>
      %dma_start3A_3544 = arith.constant 0 : i32
      %dma_start3A_3545 = arith.constant 0 : i32
      %dma_start3A_3546 = tpu.memref_slice %arg2[%dma_start3A_3544, %dma_start3A_3545, %multiple_of3A_3528] : memref<2x8x1000000xf32, #tpu.memory_space<hbm>> -> memref<2x8x128xf32, #tpu.memory_space<hbm>>
      tpu.enqueue_dma source(%dma_start3A_3546 : memref<2x8x128xf32, #tpu.memory_space<hbm>>) target(%dma_start3A_3543 : memref<2x8x128xf32, #tpu.memory_space<vmem>>) target_semaphore(%arg9 : memref<!tpu.dma_semaphore, #tpu.memory_space<semaphore_mem>>)
      %slice3A_3547 = vector.extract_strided_slice %mul3A_3420 {offsets = [6], sizes = [1], strides = [1]} : vector<16xi32> to vector<1xi32>
      %squeeze3A_3548 = vector.extract %slice3A_3547[0] : i32 from vector<1xi32>
      %multiple_of3A_3549 = tpu.assume_multiple %squeeze3A_3548, 128 : i32
      %dma_start3A_3550 = arith.constant 1 : i32
      %dma_start3A_3551 = arith.constant 6 : i32
      %dma_start3A_3552 = arith.constant 0 : i32
      %dma_start3A_3553 = arith.constant 0 : i32
      %dma_start3A_3554 = arith.constant 0 : i32
      %dma_start3A_3555 = tpu.memref_slice %arg6[%dma_start3A_3550, %dma_start3A_3551, %dma_start3A_3552, %dma_start3A_3553, %dma_start3A_3554] : memref<2x16x2x8x128xf32, #tpu.memory_space<vmem>> -> memref<1x1x2x8x128xf32, #tpu.memory_space<vmem>>
      %dma_start3A_3556 = tpu.memref_squeeze %dma_start3A_3555 : memref<1x1x2x8x128xf32, #tpu.memory_space<vmem>> -> memref<2x8x128xf32, #tpu.memory_space<vmem>>
      %dma_start3A_3557 = arith.constant 0 : i32
      %dma_start3A_3558 = arith.constant 0 : i32
      %dma_start3A_3559 = tpu.memref_slice %arg2[%dma_start3A_3557, %dma_start3A_3558, %multiple_of3A_3549] : memref<2x8x1000000xf32, #tpu.memory_space<hbm>> -> memref<2x8x128xf32, #tpu.memory_space<hbm>>
      %dma_start3A_3560 = arith.constant 0 : i32
      %dma_start3A_3561 = arith.constant 0 : i32
      %dma_start3A_3562 = arith.constant 0 : i32
      %dma_start3A_3563 = tpu.memref_slice %arg6[%dma_start3A_3550, %dma_start3A_3551, %dma_start3A_3560, %dma_start3A_3561, %dma_start3A_3562] : memref<2x16x2x8x128xf32, #tpu.memory_space<vmem>> -> memref<1x1x2x8x128xf32, #tpu.memory_space<vmem>>
      %dma_start3A_3564 = tpu.memref_squeeze %dma_start3A_3563 : memref<1x1x2x8x128xf32, #tpu.memory_space<vmem>> -> memref<2x8x128xf32, #tpu.memory_space<vmem>>
      %dma_start3A_3565 = arith.constant 0 : i32
      %dma_start3A_3566 = arith.constant 0 : i32
      %dma_start3A_3567 = tpu.memref_slice %arg2[%dma_start3A_3565, %dma_start3A_3566, %multiple_of3A_3549] : memref<2x8x1000000xf32, #tpu.memory_space<hbm>> -> memref<2x8x128xf32, #tpu.memory_space<hbm>>
      tpu.enqueue_dma source(%dma_start3A_3567 : memref<2x8x128xf32, #tpu.memory_space<hbm>>) target(%dma_start3A_3564 : memref<2x8x128xf32, #tpu.memory_space<vmem>>) target_semaphore(%arg9 : memref<!tpu.dma_semaphore, #tpu.memory_space<semaphore_mem>>)
      %slice3A_3568 = vector.extract_strided_slice %mul3A_3420 {offsets = [7], sizes = [1], strides = [1]} : vector<16xi32> to vector<1xi32>
      %squeeze3A_3569 = vector.extract %slice3A_3568[0] : i32 from vector<1xi32>
      %multiple_of3A_3570 = tpu.assume_multiple %squeeze3A_3569, 128 : i32
      %dma_start3A_3571 = arith.constant 1 : i32
      %dma_start3A_3572 = arith.constant 7 : i32
      %dma_start3A_3573 = arith.constant 0 : i32
      %dma_start3A_3574 = arith.constant 0 : i32
      %dma_start3A_3575 = arith.constant 0 : i32
      %dma_start3A_3576 = tpu.memref_slice %arg6[%dma_start3A_3571, %dma_start3A_3572, %dma_start3A_3573, %dma_start3A_3574, %dma_start3A_3575] : memref<2x16x2x8x128xf32, #tpu.memory_space<vmem>> -> memref<1x1x2x8x128xf32, #tpu.memory_space<vmem>>
      %dma_start3A_3577 = tpu.memref_squeeze %dma_start3A_3576 : memref<1x1x2x8x128xf32, #tpu.memory_space<vmem>> -> memref<2x8x128xf32, #tpu.memory_space<vmem>>
      %dma_start3A_3578 = arith.constant 0 : i32
      %dma_start3A_3579 = arith.constant 0 : i32
      %dma_start3A_3580 = tpu.memref_slice %arg2[%dma_start3A_3578, %dma_start3A_3579, %multiple_of3A_3570] : memref<2x8x1000000xf32, #tpu.memory_space<hbm>> -> memref<2x8x128xf32, #tpu.memory_space<hbm>>
      %dma_start3A_3581 = arith.constant 0 : i32
      %dma_start3A_3582 = arith.constant 0 : i32
      %dma_start3A_3583 = arith.constant 0 : i32
      %dma_start3A_3584 = tpu.memref_slice %arg6[%dma_start3A_3571, %dma_start3A_3572, %dma_start3A_3581, %dma_start3A_3582, %dma_start3A_3583] : memref<2x16x2x8x128xf32, #tpu.memory_space<vmem>> -> memref<1x1x2x8x128xf32, #tpu.memory_space<vmem>>
      %dma_start3A_3585 = tpu.memref_squeeze %dma_start3A_3584 : memref<1x1x2x8x128xf32, #tpu.memory_space<vmem>> -> memref<2x8x128xf32, #tpu.memory_space<vmem>>
      %dma_start3A_3586 = arith.constant 0 : i32
      %dma_start3A_3587 = arith.constant 0 : i32
      %dma_start3A_3588 = tpu.memref_slice %arg2[%dma_start3A_3586, %dma_start3A_3587, %multiple_of3A_3570] : memref<2x8x1000000xf32, #tpu.memory_space<hbm>> -> memref<2x8x128xf32, #tpu.memory_space<hbm>>
      tpu.enqueue_dma source(%dma_start3A_3588 : memref<2x8x128xf32, #tpu.memory_space<hbm>>) target(%dma_start3A_3585 : memref<2x8x128xf32, #tpu.memory_space<vmem>>) target_semaphore(%arg9 : memref<!tpu.dma_semaphore, #tpu.memory_space<semaphore_mem>>)
      %slice3A_3589 = vector.extract_strided_slice %mul3A_3420 {offsets = [8], sizes = [1], strides = [1]} : vector<16xi32> to vector<1xi32>
      %squeeze3A_3590 = vector.extract %slice3A_3589[0] : i32 from vector<1xi32>
      %multiple_of3A_3591 = tpu.assume_multiple %squeeze3A_3590, 128 : i32
      %dma_start3A_3592 = arith.constant 1 : i32
      %dma_start3A_3593 = arith.constant 8 : i32
      %dma_start3A_3594 = arith.constant 0 : i32
      %dma_start3A_3595 = arith.constant 0 : i32
      %dma_start3A_3596 = arith.constant 0 : i32
      %dma_start3A_3597 = tpu.memref_slice %arg6[%dma_start3A_3592, %dma_start3A_3593, %dma_start3A_3594, %dma_start3A_3595, %dma_start3A_3596] : memref<2x16x2x8x128xf32, #tpu.memory_space<vmem>> -> memref<1x1x2x8x128xf32, #tpu.memory_space<vmem>>
      %dma_start3A_3598 = tpu.memref_squeeze %dma_start3A_3597 : memref<1x1x2x8x128xf32, #tpu.memory_space<vmem>> -> memref<2x8x128xf32, #tpu.memory_space<vmem>>
      %dma_start3A_3599 = arith.constant 0 : i32
      %dma_start3A_3600 = arith.constant 0 : i32
      %dma_start3A_3601 = tpu.memref_slice %arg2[%dma_start3A_3599, %dma_start3A_3600, %multiple_of3A_3591] : memref<2x8x1000000xf32, #tpu.memory_space<hbm>> -> memref<2x8x128xf32, #tpu.memory_space<hbm>>
      %dma_start3A_3602 = arith.constant 0 : i32
      %dma_start3A_3603 = arith.constant 0 : i32
      %dma_start3A_3604 = arith.constant 0 : i32
      %dma_start3A_3605 = tpu.memref_slice %arg6[%dma_start3A_3592, %dma_start3A_3593, %dma_start3A_3602, %dma_start3A_3603, %dma_start3A_3604] : memref<2x16x2x8x128xf32, #tpu.memory_space<vmem>> -> memref<1x1x2x8x128xf32, #tpu.memory_space<vmem>>
      %dma_start3A_3606 = tpu.memref_squeeze %dma_start3A_3605 : memref<1x1x2x8x128xf32, #tpu.memory_space<vmem>> -> memref<2x8x128xf32, #tpu.memory_space<vmem>>
      %dma_start3A_3607 = arith.constant 0 : i32
      %dma_start3A_3608 = arith.constant 0 : i32
      %dma_start3A_3609 = tpu.memref_slice %arg2[%dma_start3A_3607, %dma_start3A_3608, %multiple_of3A_3591] : memref<2x8x1000000xf32, #tpu.memory_space<hbm>> -> memref<2x8x128xf32, #tpu.memory_space<hbm>>
      tpu.enqueue_dma source(%dma_start3A_3609 : memref<2x8x128xf32, #tpu.memory_space<hbm>>) target(%dma_start3A_3606 : memref<2x8x128xf32, #tpu.memory_space<vmem>>) target_semaphore(%arg9 : memref<!tpu.dma_semaphore, #tpu.memory_space<semaphore_mem>>)
      %slice3A_3610 = vector.extract_strided_slice %mul3A_3420 {offsets = [9], sizes = [1], strides = [1]} : vector<16xi32> to vector<1xi32>
      %squeeze3A_3611 = vector.extract %slice3A_3610[0] : i32 from vector<1xi32>
      %multiple_of3A_3612 = tpu.assume_multiple %squeeze3A_3611, 128 : i32
      %dma_start3A_3613 = arith.constant 1 : i32
      %dma_start3A_3614 = arith.constant 9 : i32
      %dma_start3A_3615 = arith.constant 0 : i32
      %dma_start3A_3616 = arith.constant 0 : i32
      %dma_start3A_3617 = arith.constant 0 : i32
      %dma_start3A_3618 = tpu.memref_slice %arg6[%dma_start3A_3613, %dma_start3A_3614, %dma_start3A_3615, %dma_start3A_3616, %dma_start3A_3617] : memref<2x16x2x8x128xf32, #tpu.memory_space<vmem>> -> memref<1x1x2x8x128xf32, #tpu.memory_space<vmem>>
      %dma_start3A_3619 = tpu.memref_squeeze %dma_start3A_3618 : memref<1x1x2x8x128xf32, #tpu.memory_space<vmem>> -> memref<2x8x128xf32, #tpu.memory_space<vmem>>
      %dma_start3A_3620 = arith.constant 0 : i32
      %dma_start3A_3621 = arith.constant 0 : i32
      %dma_start3A_3622 = tpu.memref_slice %arg2[%dma_start3A_3620, %dma_start3A_3621, %multiple_of3A_3612] : memref<2x8x1000000xf32, #tpu.memory_space<hbm>> -> memref<2x8x128xf32, #tpu.memory_space<hbm>>
      %dma_start3A_3623 = arith.constant 0 : i32
      %dma_start3A_3624 = arith.constant 0 : i32
      %dma_start3A_3625 = arith.constant 0 : i32
      %dma_start3A_3626 = tpu.memref_slice %arg6[%dma_start3A_3613, %dma_start3A_3614, %dma_start3A_3623, %dma_start3A_3624, %dma_start3A_3625] : memref<2x16x2x8x128xf32, #tpu.memory_space<vmem>> -> memref<1x1x2x8x128xf32, #tpu.memory_space<vmem>>
      %dma_start3A_3627 = tpu.memref_squeeze %dma_start3A_3626 : memref<1x1x2x8x128xf32, #tpu.memory_space<vmem>> -> memref<2x8x128xf32, #tpu.memory_space<vmem>>
      %dma_start3A_3628 = arith.constant 0 : i32
      %dma_start3A_3629 = arith.constant 0 : i32
      %dma_start3A_3630 = tpu.memref_slice %arg2[%dma_start3A_3628, %dma_start3A_3629, %multiple_of3A_3612] : memref<2x8x1000000xf32, #tpu.memory_space<hbm>> -> memref<2x8x128xf32, #tpu.memory_space<hbm>>
      tpu.enqueue_dma source(%dma_start3A_3630 : memref<2x8x128xf32, #tpu.memory_space<hbm>>) target(%dma_start3A_3627 : memref<2x8x128xf32, #tpu.memory_space<vmem>>) target_semaphore(%arg9 : memref<!tpu.dma_semaphore, #tpu.memory_space<semaphore_mem>>)
      %slice3A_3631 = vector.extract_strided_slice %mul3A_3420 {offsets = [10], sizes = [1], strides = [1]} : vector<16xi32> to vector<1xi32>
      %squeeze3A_3632 = vector.extract %slice3A_3631[0] : i32 from vector<1xi32>
      %multiple_of3A_3633 = tpu.assume_multiple %squeeze3A_3632, 128 : i32
      %dma_start3A_3634 = arith.constant 1 : i32
      %dma_start3A_3635 = arith.constant 10 : i32
      %dma_start3A_3636 = arith.constant 0 : i32
      %dma_start3A_3637 = arith.constant 0 : i32
      %dma_start3A_3638 = arith.constant 0 : i32
      %dma_start3A_3639 = tpu.memref_slice %arg6[%dma_start3A_3634, %dma_start3A_3635, %dma_start3A_3636, %dma_start3A_3637, %dma_start3A_3638] : memref<2x16x2x8x128xf32, #tpu.memory_space<vmem>> -> memref<1x1x2x8x128xf32, #tpu.memory_space<vmem>>
      %dma_start3A_3640 = tpu.memref_squeeze %dma_start3A_3639 : memref<1x1x2x8x128xf32, #tpu.memory_space<vmem>> -> memref<2x8x128xf32, #tpu.memory_space<vmem>>
      %dma_start3A_3641 = arith.constant 0 : i32
      %dma_start3A_3642 = arith.constant 0 : i32
      %dma_start3A_3643 = tpu.memref_slice %arg2[%dma_start3A_3641, %dma_start3A_3642, %multiple_of3A_3633] : memref<2x8x1000000xf32, #tpu.memory_space<hbm>> -> memref<2x8x128xf32, #tpu.memory_space<hbm>>
      %dma_start3A_3644 = arith.constant 0 : i32
      %dma_start3A_3645 = arith.constant 0 : i32
      %dma_start3A_3646 = arith.constant 0 : i32
      %dma_start3A_3647 = tpu.memref_slice %arg6[%dma_start3A_3634, %dma_start3A_3635, %dma_start3A_3644, %dma_start3A_3645, %dma_start3A_3646] : memref<2x16x2x8x128xf32, #tpu.memory_space<vmem>> -> memref<1x1x2x8x128xf32, #tpu.memory_space<vmem>>
      %dma_start3A_3648 = tpu.memref_squeeze %dma_start3A_3647 : memref<1x1x2x8x128xf32, #tpu.memory_space<vmem>> -> memref<2x8x128xf32, #tpu.memory_space<vmem>>
      %dma_start3A_3649 = arith.constant 0 : i32
      %dma_start3A_3650 = arith.constant 0 : i32
      %dma_start3A_3651 = tpu.memref_slice %arg2[%dma_start3A_3649, %dma_start3A_3650, %multiple_of3A_3633] : memref<2x8x1000000xf32, #tpu.memory_space<hbm>> -> memref<2x8x128xf32, #tpu.memory_space<hbm>>
      tpu.enqueue_dma source(%dma_start3A_3651 : memref<2x8x128xf32, #tpu.memory_space<hbm>>) target(%dma_start3A_3648 : memref<2x8x128xf32, #tpu.memory_space<vmem>>) target_semaphore(%arg9 : memref<!tpu.dma_semaphore, #tpu.memory_space<semaphore_mem>>)
      %slice3A_3652 = vector.extract_strided_slice %mul3A_3420 {offsets = [11], sizes = [1], strides = [1]} : vector<16xi32> to vector<1xi32>
      %squeeze3A_3653 = vector.extract %slice3A_3652[0] : i32 from vector<1xi32>
      %multiple_of3A_3654 = tpu.assume_multiple %squeeze3A_3653, 128 : i32
      %dma_start3A_3655 = arith.constant 1 : i32
      %dma_start3A_3656 = arith.constant 11 : i32
      %dma_start3A_3657 = arith.constant 0 : i32
      %dma_start3A_3658 = arith.constant 0 : i32
      %dma_start3A_3659 = arith.constant 0 : i32
      %dma_start3A_3660 = tpu.memref_slice %arg6[%dma_start3A_3655, %dma_start3A_3656, %dma_start3A_3657, %dma_start3A_3658, %dma_start3A_3659] : memref<2x16x2x8x128xf32, #tpu.memory_space<vmem>> -> memref<1x1x2x8x128xf32, #tpu.memory_space<vmem>>
      %dma_start3A_3661 = tpu.memref_squeeze %dma_start3A_3660 : memref<1x1x2x8x128xf32, #tpu.memory_space<vmem>> -> memref<2x8x128xf32, #tpu.memory_space<vmem>>
      %dma_start3A_3662 = arith.constant 0 : i32
      %dma_start3A_3663 = arith.constant 0 : i32
      %dma_start3A_3664 = tpu.memref_slice %arg2[%dma_start3A_3662, %dma_start3A_3663, %multiple_of3A_3654] : memref<2x8x1000000xf32, #tpu.memory_space<hbm>> -> memref<2x8x128xf32, #tpu.memory_space<hbm>>
      %dma_start3A_3665 = arith.constant 0 : i32
      %dma_start3A_3666 = arith.constant 0 : i32
      %dma_start3A_3667 = arith.constant 0 : i32
      %dma_start3A_3668 = tpu.memref_slice %arg6[%dma_start3A_3655, %dma_start3A_3656, %dma_start3A_3665, %dma_start3A_3666, %dma_start3A_3667] : memref<2x16x2x8x128xf32, #tpu.memory_space<vmem>> -> memref<1x1x2x8x128xf32, #tpu.memory_space<vmem>>
      %dma_start3A_3669 = tpu.memref_squeeze %dma_start3A_3668 : memref<1x1x2x8x128xf32, #tpu.memory_space<vmem>> -> memref<2x8x128xf32, #tpu.memory_space<vmem>>
      %dma_start3A_3670 = arith.constant 0 : i32
      %dma_start3A_3671 = arith.constant 0 : i32
      %dma_start3A_3672 = tpu.memref_slice %arg2[%dma_start3A_3670, %dma_start3A_3671, %multiple_of3A_3654] : memref<2x8x1000000xf32, #tpu.memory_space<hbm>> -> memref<2x8x128xf32, #tpu.memory_space<hbm>>
      tpu.enqueue_dma source(%dma_start3A_3672 : memref<2x8x128xf32, #tpu.memory_space<hbm>>) target(%dma_start3A_3669 : memref<2x8x128xf32, #tpu.memory_space<vmem>>) target_semaphore(%arg9 : memref<!tpu.dma_semaphore, #tpu.memory_space<semaphore_mem>>)
      %slice3A_3673 = vector.extract_strided_slice %mul3A_3420 {offsets = [12], sizes = [1], strides = [1]} : vector<16xi32> to vector<1xi32>
      %squeeze3A_3674 = vector.extract %slice3A_3673[0] : i32 from vector<1xi32>
      %multiple_of3A_3675 = tpu.assume_multiple %squeeze3A_3674, 128 : i32
      %dma_start3A_3676 = arith.constant 1 : i32
      %dma_start3A_3677 = arith.constant 12 : i32
      %dma_start3A_3678 = arith.constant 0 : i32
      %dma_start3A_3679 = arith.constant 0 : i32
      %dma_start3A_3680 = arith.constant 0 : i32
      %dma_start3A_3681 = tpu.memref_slice %arg6[%dma_start3A_3676, %dma_start3A_3677, %dma_start3A_3678, %dma_start3A_3679, %dma_start3A_3680] : memref<2x16x2x8x128xf32, #tpu.memory_space<vmem>> -> memref<1x1x2x8x128xf32, #tpu.memory_space<vmem>>
      %dma_start3A_3682 = tpu.memref_squeeze %dma_start3A_3681 : memref<1x1x2x8x128xf32, #tpu.memory_space<vmem>> -> memref<2x8x128xf32, #tpu.memory_space<vmem>>
      %dma_start3A_3683 = arith.constant 0 : i32
      %dma_start3A_3684 = arith.constant 0 : i32
      %dma_start3A_3685 = tpu.memref_slice %arg2[%dma_start3A_3683, %dma_start3A_3684, %multiple_of3A_3675] : memref<2x8x1000000xf32, #tpu.memory_space<hbm>> -> memref<2x8x128xf32, #tpu.memory_space<hbm>>
      %dma_start3A_3686 = arith.constant 0 : i32
      %dma_start3A_3687 = arith.constant 0 : i32
      %dma_start3A_3688 = arith.constant 0 : i32
      %dma_start3A_3689 = tpu.memref_slice %arg6[%dma_start3A_3676, %dma_start3A_3677, %dma_start3A_3686, %dma_start3A_3687, %dma_start3A_3688] : memref<2x16x2x8x128xf32, #tpu.memory_space<vmem>> -> memref<1x1x2x8x128xf32, #tpu.memory_space<vmem>>
      %dma_start3A_3690 = tpu.memref_squeeze %dma_start3A_3689 : memref<1x1x2x8x128xf32, #tpu.memory_space<vmem>> -> memref<2x8x128xf32, #tpu.memory_space<vmem>>
      %dma_start3A_3691 = arith.constant 0 : i32
      %dma_start3A_3692 = arith.constant 0 : i32
      %dma_start3A_3693 = tpu.memref_slice %arg2[%dma_start3A_3691, %dma_start3A_3692, %multiple_of3A_3675] : memref<2x8x1000000xf32, #tpu.memory_space<hbm>> -> memref<2x8x128xf32, #tpu.memory_space<hbm>>
      tpu.enqueue_dma source(%dma_start3A_3693 : memref<2x8x128xf32, #tpu.memory_space<hbm>>) target(%dma_start3A_3690 : memref<2x8x128xf32, #tpu.memory_space<vmem>>) target_semaphore(%arg9 : memref<!tpu.dma_semaphore, #tpu.memory_space<semaphore_mem>>)
      %slice3A_3694 = vector.extract_strided_slice %mul3A_3420 {offsets = [13], sizes = [1], strides = [1]} : vector<16xi32> to vector<1xi32>
      %squeeze3A_3695 = vector.extract %slice3A_3694[0] : i32 from vector<1xi32>
      %multiple_of3A_3696 = tpu.assume_multiple %squeeze3A_3695, 128 : i32
      %dma_start3A_3697 = arith.constant 1 : i32
      %dma_start3A_3698 = arith.constant 13 : i32
      %dma_start3A_3699 = arith.constant 0 : i32
      %dma_start3A_3700 = arith.constant 0 : i32
      %dma_start3A_3701 = arith.constant 0 : i32
      %dma_start3A_3702 = tpu.memref_slice %arg6[%dma_start3A_3697, %dma_start3A_3698, %dma_start3A_3699, %dma_start3A_3700, %dma_start3A_3701] : memref<2x16x2x8x128xf32, #tpu.memory_space<vmem>> -> memref<1x1x2x8x128xf32, #tpu.memory_space<vmem>>
      %dma_start3A_3703 = tpu.memref_squeeze %dma_start3A_3702 : memref<1x1x2x8x128xf32, #tpu.memory_space<vmem>> -> memref<2x8x128xf32, #tpu.memory_space<vmem>>
      %dma_start3A_3704 = arith.constant 0 : i32
      %dma_start3A_3705 = arith.constant 0 : i32
      %dma_start3A_3706 = tpu.memref_slice %arg2[%dma_start3A_3704, %dma_start3A_3705, %multiple_of3A_3696] : memref<2x8x1000000xf32, #tpu.memory_space<hbm>> -> memref<2x8x128xf32, #tpu.memory_space<hbm>>
      %dma_start3A_3707 = arith.constant 0 : i32
      %dma_start3A_3708 = arith.constant 0 : i32
      %dma_start3A_3709 = arith.constant 0 : i32
      %dma_start3A_3710 = tpu.memref_slice %arg6[%dma_start3A_3697, %dma_start3A_3698, %dma_start3A_3707, %dma_start3A_3708, %dma_start3A_3709] : memref<2x16x2x8x128xf32, #tpu.memory_space<vmem>> -> memref<1x1x2x8x128xf32, #tpu.memory_space<vmem>>
      %dma_start3A_3711 = tpu.memref_squeeze %dma_start3A_3710 : memref<1x1x2x8x128xf32, #tpu.memory_space<vmem>> -> memref<2x8x128xf32, #tpu.memory_space<vmem>>
      %dma_start3A_3712 = arith.constant 0 : i32
      %dma_start3A_3713 = arith.constant 0 : i32
      %dma_start3A_3714 = tpu.memref_slice %arg2[%dma_start3A_3712, %dma_start3A_3713, %multiple_of3A_3696] : memref<2x8x1000000xf32, #tpu.memory_space<hbm>> -> memref<2x8x128xf32, #tpu.memory_space<hbm>>
      tpu.enqueue_dma source(%dma_start3A_3714 : memref<2x8x128xf32, #tpu.memory_space<hbm>>) target(%dma_start3A_3711 : memref<2x8x128xf32, #tpu.memory_space<vmem>>) target_semaphore(%arg9 : memref<!tpu.dma_semaphore, #tpu.memory_space<semaphore_mem>>)
      %slice3A_3715 = vector.extract_strided_slice %mul3A_3420 {offsets = [14], sizes = [1], strides = [1]} : vector<16xi32> to vector<1xi32>
      %squeeze3A_3716 = vector.extract %slice3A_3715[0] : i32 from vector<1xi32>
      %multiple_of3A_3717 = tpu.assume_multiple %squeeze3A_3716, 128 : i32
      %dma_start3A_3718 = arith.constant 1 : i32
      %dma_start3A_3719 = arith.constant 14 : i32
      %dma_start3A_3720 = arith.constant 0 : i32
      %dma_start3A_3721 = arith.constant 0 : i32
      %dma_start3A_3722 = arith.constant 0 : i32
      %dma_start3A_3723 = tpu.memref_slice %arg6[%dma_start3A_3718, %dma_start3A_3719, %dma_start3A_3720, %dma_start3A_3721, %dma_start3A_3722] : memref<2x16x2x8x128xf32, #tpu.memory_space<vmem>> -> memref<1x1x2x8x128xf32, #tpu.memory_space<vmem>>
      %dma_start3A_3724 = tpu.memref_squeeze %dma_start3A_3723 : memref<1x1x2x8x128xf32, #tpu.memory_space<vmem>> -> memref<2x8x128xf32, #tpu.memory_space<vmem>>
      %dma_start3A_3725 = arith.constant 0 : i32
      %dma_start3A_3726 = arith.constant 0 : i32
      %dma_start3A_3727 = tpu.memref_slice %arg2[%dma_start3A_3725, %dma_start3A_3726, %multiple_of3A_3717] : memref<2x8x1000000xf32, #tpu.memory_space<hbm>> -> memref<2x8x128xf32, #tpu.memory_space<hbm>>
      %dma_start3A_3728 = arith.constant 0 : i32
      %dma_start3A_3729 = arith.constant 0 : i32
      %dma_start3A_3730 = arith.constant 0 : i32
      %dma_start3A_3731 = tpu.memref_slice %arg6[%dma_start3A_3718, %dma_start3A_3719, %dma_start3A_3728, %dma_start3A_3729, %dma_start3A_3730] : memref<2x16x2x8x128xf32, #tpu.memory_space<vmem>> -> memref<1x1x2x8x128xf32, #tpu.memory_space<vmem>>
      %dma_start3A_3732 = tpu.memref_squeeze %dma_start3A_3731 : memref<1x1x2x8x128xf32, #tpu.memory_space<vmem>> -> memref<2x8x128xf32, #tpu.memory_space<vmem>>
      %dma_start3A_3733 = arith.constant 0 : i32
      %dma_start3A_3734 = arith.constant 0 : i32
      %dma_start3A_3735 = tpu.memref_slice %arg2[%dma_start3A_3733, %dma_start3A_3734, %multiple_of3A_3717] : memref<2x8x1000000xf32, #tpu.memory_space<hbm>> -> memref<2x8x128xf32, #tpu.memory_space<hbm>>
      tpu.enqueue_dma source(%dma_start3A_3735 : memref<2x8x128xf32, #tpu.memory_space<hbm>>) target(%dma_start3A_3732 : memref<2x8x128xf32, #tpu.memory_space<vmem>>) target_semaphore(%arg9 : memref<!tpu.dma_semaphore, #tpu.memory_space<semaphore_mem>>)
      %slice3A_3736 = vector.extract_strided_slice %mul3A_3420 {offsets = [15], sizes = [1], strides = [1]} : vector<16xi32> to vector<1xi32>
      %squeeze3A_3737 = vector.extract %slice3A_3736[0] : i32 from vector<1xi32>
      %multiple_of3A_3738 = tpu.assume_multiple %squeeze3A_3737, 128 : i32
      %dma_start3A_3739 = arith.constant 1 : i32
      %dma_start3A_3740 = arith.constant 15 : i32
      %dma_start3A_3741 = arith.constant 0 : i32
      %dma_start3A_3742 = arith.constant 0 : i32
      %dma_start3A_3743 = arith.constant 0 : i32
      %dma_start3A_3744 = tpu.memref_slice %arg6[%dma_start3A_3739, %dma_start3A_3740, %dma_start3A_3741, %dma_start3A_3742, %dma_start3A_3743] : memref<2x16x2x8x128xf32, #tpu.memory_space<vmem>> -> memref<1x1x2x8x128xf32, #tpu.memory_space<vmem>>
      %dma_start3A_3745 = tpu.memref_squeeze %dma_start3A_3744 : memref<1x1x2x8x128xf32, #tpu.memory_space<vmem>> -> memref<2x8x128xf32, #tpu.memory_space<vmem>>
      %dma_start3A_3746 = arith.constant 0 : i32
      %dma_start3A_3747 = arith.constant 0 : i32
      %dma_start3A_3748 = tpu.memref_slice %arg2[%dma_start3A_3746, %dma_start3A_3747, %multiple_of3A_3738] : memref<2x8x1000000xf32, #tpu.memory_space<hbm>> -> memref<2x8x128xf32, #tpu.memory_space<hbm>>
      %dma_start3A_3749 = arith.constant 0 : i32
      %dma_start3A_3750 = arith.constant 0 : i32
      %dma_start3A_3751 = arith.constant 0 : i32
      %dma_start3A_3752 = tpu.memref_slice %arg6[%dma_start3A_3739, %dma_start3A_3740, %dma_start3A_3749, %dma_start3A_3750, %dma_start3A_3751] : memref<2x16x2x8x128xf32, #tpu.memory_space<vmem>> -> memref<1x1x2x8x128xf32, #tpu.memory_space<vmem>>
      %dma_start3A_3753 = tpu.memref_squeeze %dma_start3A_3752 : memref<1x1x2x8x128xf32, #tpu.memory_space<vmem>> -> memref<2x8x128xf32, #tpu.memory_space<vmem>>
      %dma_start3A_3754 = arith.constant 0 : i32
      %dma_start3A_3755 = arith.constant 0 : i32
      %dma_start3A_3756 = tpu.memref_slice %arg2[%dma_start3A_3754, %dma_start3A_3755, %multiple_of3A_3738] : memref<2x8x1000000xf32, #tpu.memory_space<hbm>> -> memref<2x8x128xf32, #tpu.memory_space<hbm>>
      tpu.enqueue_dma source(%dma_start3A_3756 : memref<2x8x128xf32, #tpu.memory_space<hbm>>) target(%dma_start3A_3753 : memref<2x8x128xf32, #tpu.memory_space<vmem>>) target_semaphore(%arg9 : memref<!tpu.dma_semaphore, #tpu.memory_space<semaphore_mem>>)
    }
    %scan3A_701 = arith.constant 15 : i32
    %mul3A_702 = arith.constant 30 : i32
    %mul3A_703 = arith.constant 16 : i32
    %mul3A_704 = arith.muli %mul3A_702, %mul3A_703 : i32
    %multiple_of3A_705 = tpu.assume_multiple %mul3A_704, 16 : i32
    %get3A_706 = arith.index_cast %multiple_of3A_705 : i32 to index
    %get3A_707 = tpu.vector_load %arg5[%get3A_706] {strides = array<i32>} : memref<512xi32, #tpu.memory_space<vmem>>, vector<16xi32>,
    %and3A_708 = arith.constant 127 : i32
    %and3A_709 = vector.broadcast %and3A_708 : i32 to vector<16xi32>
    %and3A_710 = arith.andi %get3A_707, %and3A_709 : vector<16xi32>
    %dma_wait3A = arith.constant 0 : i32
    %dma_wait3A_711 = arith.constant 0 : i32
    %dma_wait3A_712 = arith.constant 0 : i32
    %dma_wait3A_713 = arith.constant 0 : i32
    %dma_wait3A_714 = arith.constant 0 : i32
    %dma_wait3A_715 = tpu.memref_slice %arg6[%dma_wait3A, %dma_wait3A_711, %dma_wait3A_712, %dma_wait3A_713, %dma_wait3A_714] : memref<2x16x2x8x128xf32, #tpu.memory_space<vmem>> -> memref<1x1x2x8x128xf32, #tpu.memory_space<vmem>>
    %dma_wait3A_716 = tpu.memref_squeeze %dma_wait3A_715 : memref<1x1x2x8x128xf32, #tpu.memory_space<vmem>> -> memref<2x8x128xf32, #tpu.memory_space<vmem>>
    %dma_wait3A_717 = arith.constant 0 : i32
    %dma_wait3A_718 = arith.constant 0 : i32
    %dma_wait3A_719 = arith.constant 0 : i32
    %dma_wait3A_720 = tpu.memref_slice %arg2[%dma_wait3A_717, %dma_wait3A_718, %dma_wait3A_719] : memref<2x8x1000000xf32, #tpu.memory_space<hbm>> -> memref<2x8x128xf32, #tpu.memory_space<hbm>>
    %dma_wait3A_721 = arith.constant 0 : i32
    %dma_wait3A_722 = arith.constant 0 : i32
    %dma_wait3A_723 = arith.constant 0 : i32
    %dma_wait3A_724 = tpu.memref_slice %arg6[%dma_wait3A, %dma_wait3A_711, %dma_wait3A_721, %dma_wait3A_722, %dma_wait3A_723] : memref<2x16x2x8x128xf32, #tpu.memory_space<vmem>> -> memref<1x1x2x8x128xf32, #tpu.memory_space<vmem>>
    %dma_wait3A_725 = tpu.memref_squeeze %dma_wait3A_724 : memref<1x1x2x8x128xf32, #tpu.memory_space<vmem>> -> memref<2x8x128xf32, #tpu.memory_space<vmem>>
    %dma_wait3A_726 = arith.constant 0 : i32
    %dma_wait3A_727 = arith.constant 0 : i32
    %dma_wait3A_728 = arith.constant 0 : i32
    %dma_wait3A_729 = tpu.memref_slice %arg2[%dma_wait3A_726, %dma_wait3A_727, %dma_wait3A_728] : memref<2x8x1000000xf32, #tpu.memory_space<hbm>> -> memref<2x8x128xf32, #tpu.memory_space<hbm>>
    tpu.wait_dma2 semaphore(%arg8 : memref<!tpu.dma_semaphore, #tpu.memory_space<semaphore_mem>>) src(%dma_wait3A_729 : memref<2x8x128xf32, #tpu.memory_space<hbm>>) dst(%dma_wait3A_725 : memref<2x8x128xf32, #tpu.memory_space<vmem>>)
    %dma_wait3A_730 = arith.constant 0 : i32
    %dma_wait3A_731 = arith.constant 1 : i32
    %dma_wait3A_732 = arith.constant 0 : i32
    %dma_wait3A_733 = arith.constant 0 : i32
    %dma_wait3A_734 = arith.constant 0 : i32
    %dma_wait3A_735 = tpu.memref_slice %arg6[%dma_wait3A_730, %dma_wait3A_731, %dma_wait3A_732, %dma_wait3A_733, %dma_wait3A_734] : memref<2x16x2x8x128xf32, #tpu.memory_space<vmem>> -> memref<1x1x2x8x128xf32, #tpu.memory_space<vmem>>
    %dma_wait3A_736 = tpu.memref_squeeze %dma_wait3A_735 : memref<1x1x2x8x128xf32, #tpu.memory_space<vmem>> -> memref<2x8x128xf32, #tpu.memory_space<vmem>>
    %dma_wait3A_737 = arith.constant 0 : i32
    %dma_wait3A_738 = arith.constant 0 : i32
    %dma_wait3A_739 = arith.constant 0 : i32
    %dma_wait3A_740 = tpu.memref_slice %arg2[%dma_wait3A_737, %dma_wait3A_738, %dma_wait3A_739] : memref<2x8x1000000xf32, #tpu.memory_space<hbm>> -> memref<2x8x128xf32, #tpu.memory_space<hbm>>
    %dma_wait3A_741 = arith.constant 0 : i32
    %dma_wait3A_742 = arith.constant 0 : i32
    %dma_wait3A_743 = arith.constant 0 : i32
    %dma_wait3A_744 = tpu.memref_slice %arg6[%dma_wait3A_730, %dma_wait3A_731, %dma_wait3A_741, %dma_wait3A_742, %dma_wait3A_743] : memref<2x16x2x8x128xf32, #tpu.memory_space<vmem>> -> memref<1x1x2x8x128xf32, #tpu.memory_space<vmem>>
    %dma_wait3A_745 = tpu.memref_squeeze %dma_wait3A_744 : memref<1x1x2x8x128xf32, #tpu.memory_space<vmem>> -> memref<2x8x128xf32, #tpu.memory_space<vmem>>
    %dma_wait3A_746 = arith.constant 0 : i32
    %dma_wait3A_747 = arith.constant 0 : i32
    %dma_wait3A_748 = arith.constant 0 : i32
    %dma_wait3A_749 = tpu.memref_slice %arg2[%dma_wait3A_746, %dma_wait3A_747, %dma_wait3A_748] : memref<2x8x1000000xf32, #tpu.memory_space<hbm>> -> memref<2x8x128xf32, #tpu.memory_space<hbm>>
    tpu.wait_dma2 semaphore(%arg8 : memref<!tpu.dma_semaphore, #tpu.memory_space<semaphore_mem>>) src(%dma_wait3A_749 : memref<2x8x128xf32, #tpu.memory_space<hbm>>) dst(%dma_wait3A_745 : memref<2x8x128xf32, #tpu.memory_space<vmem>>)
    %dma_wait3A_750 = arith.constant 0 : i32
    %dma_wait3A_751 = arith.constant 2 : i32
    %dma_wait3A_752 = arith.constant 0 : i32
    %dma_wait3A_753 = arith.constant 0 : i32
    %dma_wait3A_754 = arith.constant 0 : i32
    %dma_wait3A_755 = tpu.memref_slice %arg6[%dma_wait3A_750, %dma_wait3A_751, %dma_wait3A_752, %dma_wait3A_753, %dma_wait3A_754] : memref<2x16x2x8x128xf32, #tpu.memory_space<vmem>> -> memref<1x1x2x8x128xf32, #tpu.memory_space<vmem>>
    %dma_wait3A_756 = tpu.memref_squeeze %dma_wait3A_755 : memref<1x1x2x8x128xf32, #tpu.memory_space<vmem>> -> memref<2x8x128xf32, #tpu.memory_space<vmem>>
    %dma_wait3A_757 = arith.constant 0 : i32
    %dma_wait3A_758 = arith.constant 0 : i32
    %dma_wait3A_759 = arith.constant 0 : i32
    %dma_wait3A_760 = tpu.memref_slice %arg2[%dma_wait3A_757, %dma_wait3A_758, %dma_wait3A_759] : memref<2x8x1000000xf32, #tpu.memory_space<hbm>> -> memref<2x8x128xf32, #tpu.memory_space<hbm>>
    %dma_wait3A_761 = arith.constant 0 : i32
    %dma_wait3A_762 = arith.constant 0 : i32
    %dma_wait3A_763 = arith.constant 0 : i32
    %dma_wait3A_764 = tpu.memref_slice %arg6[%dma_wait3A_750, %dma_wait3A_751, %dma_wait3A_761, %dma_wait3A_762, %dma_wait3A_763] : memref<2x16x2x8x128xf32, #tpu.memory_space<vmem>> -> memref<1x1x2x8x128xf32, #tpu.memory_space<vmem>>
    %dma_wait3A_765 = tpu.memref_squeeze %dma_wait3A_764 : memref<1x1x2x8x128xf32, #tpu.memory_space<vmem>> -> memref<2x8x128xf32, #tpu.memory_space<vmem>>
    %dma_wait3A_766 = arith.constant 0 : i32
    %dma_wait3A_767 = arith.constant 0 : i32
    %dma_wait3A_768 = arith.constant 0 : i32
    %dma_wait3A_769 = tpu.memref_slice %arg2[%dma_wait3A_766, %dma_wait3A_767, %dma_wait3A_768] : memref<2x8x1000000xf32, #tpu.memory_space<hbm>> -> memref<2x8x128xf32, #tpu.memory_space<hbm>>
    tpu.wait_dma2 semaphore(%arg8 : memref<!tpu.dma_semaphore, #tpu.memory_space<semaphore_mem>>) src(%dma_wait3A_769 : memref<2x8x128xf32, #tpu.memory_space<hbm>>) dst(%dma_wait3A_765 : memref<2x8x128xf32, #tpu.memory_space<vmem>>)
    %dma_wait3A_770 = arith.constant 0 : i32
    %dma_wait3A_771 = arith.constant 3 : i32
    %dma_wait3A_772 = arith.constant 0 : i32
    %dma_wait3A_773 = arith.constant 0 : i32
    %dma_wait3A_774 = arith.constant 0 : i32
    %dma_wait3A_775 = tpu.memref_slice %arg6[%dma_wait3A_770, %dma_wait3A_771, %dma_wait3A_772, %dma_wait3A_773, %dma_wait3A_774] : memref<2x16x2x8x128xf32, #tpu.memory_space<vmem>> -> memref<1x1x2x8x128xf32, #tpu.memory_space<vmem>>
    %dma_wait3A_776 = tpu.memref_squeeze %dma_wait3A_775 : memref<1x1x2x8x128xf32, #tpu.memory_space<vmem>> -> memref<2x8x128xf32, #tpu.memory_space<vmem>>
    %dma_wait3A_777 = arith.constant 0 : i32
    %dma_wait3A_778 = arith.constant 0 : i32
    %dma_wait3A_779 = arith.constant 0 : i32
    %dma_wait3A_780 = tpu.memref_slice %arg2[%dma_wait3A_777, %dma_wait3A_778, %dma_wait3A_779] : memref<2x8x1000000xf32, #tpu.memory_space<hbm>> -> memref<2x8x128xf32, #tpu.memory_space<hbm>>
    %dma_wait3A_781 = arith.constant 0 : i32
    %dma_wait3A_782 = arith.constant 0 : i32
    %dma_wait3A_783 = arith.constant 0 : i32
    %dma_wait3A_784 = tpu.memref_slice %arg6[%dma_wait3A_770, %dma_wait3A_771, %dma_wait3A_781, %dma_wait3A_782, %dma_wait3A_783] : memref<2x16x2x8x128xf32, #tpu.memory_space<vmem>> -> memref<1x1x2x8x128xf32, #tpu.memory_space<vmem>>
    %dma_wait3A_785 = tpu.memref_squeeze %dma_wait3A_784 : memref<1x1x2x8x128xf32, #tpu.memory_space<vmem>> -> memref<2x8x128xf32, #tpu.memory_space<vmem>>
    %dma_wait3A_786 = arith.constant 0 : i32
    %dma_wait3A_787 = arith.constant 0 : i32
    %dma_wait3A_788 = arith.constant 0 : i32
    %dma_wait3A_789 = tpu.memref_slice %arg2[%dma_wait3A_786, %dma_wait3A_787, %dma_wait3A_788] : memref<2x8x1000000xf32, #tpu.memory_space<hbm>> -> memref<2x8x128xf32, #tpu.memory_space<hbm>>
    tpu.wait_dma2 semaphore(%arg8 : memref<!tpu.dma_semaphore, #tpu.memory_space<semaphore_mem>>) src(%dma_wait3A_789 : memref<2x8x128xf32, #tpu.memory_space<hbm>>) dst(%dma_wait3A_785 : memref<2x8x128xf32, #tpu.memory_space<vmem>>)
    %dma_wait3A_790 = arith.constant 0 : i32
    %dma_wait3A_791 = arith.constant 4 : i32
    %dma_wait3A_792 = arith.constant 0 : i32
    %dma_wait3A_793 = arith.constant 0 : i32
    %dma_wait3A_794 = arith.constant 0 : i32
    %dma_wait3A_795 = tpu.memref_slice %arg6[%dma_wait3A_790, %dma_wait3A_791, %dma_wait3A_792, %dma_wait3A_793, %dma_wait3A_794] : memref<2x16x2x8x128xf32, #tpu.memory_space<vmem>> -> memref<1x1x2x8x128xf32, #tpu.memory_space<vmem>>
    %dma_wait3A_796 = tpu.memref_squeeze %dma_wait3A_795 : memref<1x1x2x8x128xf32, #tpu.memory_space<vmem>> -> memref<2x8x128xf32, #tpu.memory_space<vmem>>
    %dma_wait3A_797 = arith.constant 0 : i32
    %dma_wait3A_798 = arith.constant 0 : i32
    %dma_wait3A_799 = arith.constant 0 : i32
    %dma_wait3A_800 = tpu.memref_slice %arg2[%dma_wait3A_797, %dma_wait3A_798, %dma_wait3A_799] : memref<2x8x1000000xf32, #tpu.memory_space<hbm>> -> memref<2x8x128xf32, #tpu.memory_space<hbm>>
    %dma_wait3A_801 = arith.constant 0 : i32
    %dma_wait3A_802 = arith.constant 0 : i32
    %dma_wait3A_803 = arith.constant 0 : i32
    %dma_wait3A_804 = tpu.memref_slice %arg6[%dma_wait3A_790, %dma_wait3A_791, %dma_wait3A_801, %dma_wait3A_802, %dma_wait3A_803] : memref<2x16x2x8x128xf32, #tpu.memory_space<vmem>> -> memref<1x1x2x8x128xf32, #tpu.memory_space<vmem>>
    %dma_wait3A_805 = tpu.memref_squeeze %dma_wait3A_804 : memref<1x1x2x8x128xf32, #tpu.memory_space<vmem>> -> memref<2x8x128xf32, #tpu.memory_space<vmem>>
    %dma_wait3A_806 = arith.constant 0 : i32
    %dma_wait3A_807 = arith.constant 0 : i32
    %dma_wait3A_808 = arith.constant 0 : i32
    %dma_wait3A_809 = tpu.memref_slice %arg2[%dma_wait3A_806, %dma_wait3A_807, %dma_wait3A_808] : memref<2x8x1000000xf32, #tpu.memory_space<hbm>> -> memref<2x8x128xf32, #tpu.memory_space<hbm>>
    tpu.wait_dma2 semaphore(%arg8 : memref<!tpu.dma_semaphore, #tpu.memory_space<semaphore_mem>>) src(%dma_wait3A_809 : memref<2x8x128xf32, #tpu.memory_space<hbm>>) dst(%dma_wait3A_805 : memref<2x8x128xf32, #tpu.memory_space<vmem>>)
    %dma_wait3A_810 = arith.constant 0 : i32
    %dma_wait3A_811 = arith.constant 5 : i32
    %dma_wait3A_812 = arith.constant 0 : i32
    %dma_wait3A_813 = arith.constant 0 : i32
    %dma_wait3A_814 = arith.constant 0 : i32
    %dma_wait3A_815 = tpu.memref_slice %arg6[%dma_wait3A_810, %dma_wait3A_811, %dma_wait3A_812, %dma_wait3A_813, %dma_wait3A_814] : memref<2x16x2x8x128xf32, #tpu.memory_space<vmem>> -> memref<1x1x2x8x128xf32, #tpu.memory_space<vmem>>
    %dma_wait3A_816 = tpu.memref_squeeze %dma_wait3A_815 : memref<1x1x2x8x128xf32, #tpu.memory_space<vmem>> -> memref<2x8x128xf32, #tpu.memory_space<vmem>>
    %dma_wait3A_817 = arith.constant 0 : i32
    %dma_wait3A_818 = arith.constant 0 : i32
    %dma_wait3A_819 = arith.constant 0 : i32
    %dma_wait3A_820 = tpu.memref_slice %arg2[%dma_wait3A_817, %dma_wait3A_818, %dma_wait3A_819] : memref<2x8x1000000xf32, #tpu.memory_space<hbm>> -> memref<2x8x128xf32, #tpu.memory_space<hbm>>
    %dma_wait3A_821 = arith.constant 0 : i32
    %dma_wait3A_822 = arith.constant 0 : i32
    %dma_wait3A_823 = arith.constant 0 : i32
    %dma_wait3A_824 = tpu.memref_slice %arg6[%dma_wait3A_810, %dma_wait3A_811, %dma_wait3A_821, %dma_wait3A_822, %dma_wait3A_823] : memref<2x16x2x8x128xf32, #tpu.memory_space<vmem>> -> memref<1x1x2x8x128xf32, #tpu.memory_space<vmem>>
    %dma_wait3A_825 = tpu.memref_squeeze %dma_wait3A_824 : memref<1x1x2x8x128xf32, #tpu.memory_space<vmem>> -> memref<2x8x128xf32, #tpu.memory_space<vmem>>
    %dma_wait3A_826 = arith.constant 0 : i32
    %dma_wait3A_827 = arith.constant 0 : i32
    %dma_wait3A_828 = arith.constant 0 : i32
    %dma_wait3A_829 = tpu.memref_slice %arg2[%dma_wait3A_826, %dma_wait3A_827, %dma_wait3A_828] : memref<2x8x1000000xf32, #tpu.memory_space<hbm>> -> memref<2x8x128xf32, #tpu.memory_space<hbm>>
    tpu.wait_dma2 semaphore(%arg8 : memref<!tpu.dma_semaphore, #tpu.memory_space<semaphore_mem>>) src(%dma_wait3A_829 : memref<2x8x128xf32, #tpu.memory_space<hbm>>) dst(%dma_wait3A_825 : memref<2x8x128xf32, #tpu.memory_space<vmem>>)
    %dma_wait3A_830 = arith.constant 0 : i32
    %dma_wait3A_831 = arith.constant 6 : i32
    %dma_wait3A_832 = arith.constant 0 : i32
    %dma_wait3A_833 = arith.constant 0 : i32
    %dma_wait3A_834 = arith.constant 0 : i32
    %dma_wait3A_835 = tpu.memref_slice %arg6[%dma_wait3A_830, %dma_wait3A_831, %dma_wait3A_832, %dma_wait3A_833, %dma_wait3A_834] : memref<2x16x2x8x128xf32, #tpu.memory_space<vmem>> -> memref<1x1x2x8x128xf32, #tpu.memory_space<vmem>>
    %dma_wait3A_836 = tpu.memref_squeeze %dma_wait3A_835 : memref<1x1x2x8x128xf32, #tpu.memory_space<vmem>> -> memref<2x8x128xf32, #tpu.memory_space<vmem>>
    %dma_wait3A_837 = arith.constant 0 : i32
    %dma_wait3A_838 = arith.constant 0 : i32
    %dma_wait3A_839 = arith.constant 0 : i32
    %dma_wait3A_840 = tpu.memref_slice %arg2[%dma_wait3A_837, %dma_wait3A_838, %dma_wait3A_839] : memref<2x8x1000000xf32, #tpu.memory_space<hbm>> -> memref<2x8x128xf32, #tpu.memory_space<hbm>>
    %dma_wait3A_841 = arith.constant 0 : i32
    %dma_wait3A_842 = arith.constant 0 : i32
    %dma_wait3A_843 = arith.constant 0 : i32
    %dma_wait3A_844 = tpu.memref_slice %arg6[%dma_wait3A_830, %dma_wait3A_831, %dma_wait3A_841, %dma_wait3A_842, %dma_wait3A_843] : memref<2x16x2x8x128xf32, #tpu.memory_space<vmem>> -> memref<1x1x2x8x128xf32, #tpu.memory_space<vmem>>
    %dma_wait3A_845 = tpu.memref_squeeze %dma_wait3A_844 : memref<1x1x2x8x128xf32, #tpu.memory_space<vmem>> -> memref<2x8x128xf32, #tpu.memory_space<vmem>>
    %dma_wait3A_846 = arith.constant 0 : i32
    %dma_wait3A_847 = arith.constant 0 : i32
    %dma_wait3A_848 = arith.constant 0 : i32
    %dma_wait3A_849 = tpu.memref_slice %arg2[%dma_wait3A_846, %dma_wait3A_847, %dma_wait3A_848] : memref<2x8x1000000xf32, #tpu.memory_space<hbm>> -> memref<2x8x128xf32, #tpu.memory_space<hbm>>
    tpu.wait_dma2 semaphore(%arg8 : memref<!tpu.dma_semaphore, #tpu.memory_space<semaphore_mem>>) src(%dma_wait3A_849 : memref<2x8x128xf32, #tpu.memory_space<hbm>>) dst(%dma_wait3A_845 : memref<2x8x128xf32, #tpu.memory_space<vmem>>)
    %dma_wait3A_850 = arith.constant 0 : i32
    %dma_wait3A_851 = arith.constant 7 : i32
    %dma_wait3A_852 = arith.constant 0 : i32
    %dma_wait3A_853 = arith.constant 0 : i32
    %dma_wait3A_854 = arith.constant 0 : i32
    %dma_wait3A_855 = tpu.memref_slice %arg6[%dma_wait3A_850, %dma_wait3A_851, %dma_wait3A_852, %dma_wait3A_853, %dma_wait3A_854] : memref<2x16x2x8x128xf32, #tpu.memory_space<vmem>> -> memref<1x1x2x8x128xf32, #tpu.memory_space<vmem>>
    %dma_wait3A_856 = tpu.memref_squeeze %dma_wait3A_855 : memref<1x1x2x8x128xf32, #tpu.memory_space<vmem>> -> memref<2x8x128xf32, #tpu.memory_space<vmem>>
    %dma_wait3A_857 = arith.constant 0 : i32
    %dma_wait3A_858 = arith.constant 0 : i32
    %dma_wait3A_859 = arith.constant 0 : i32
    %dma_wait3A_860 = tpu.memref_slice %arg2[%dma_wait3A_857, %dma_wait3A_858, %dma_wait3A_859] : memref<2x8x1000000xf32, #tpu.memory_space<hbm>> -> memref<2x8x128xf32, #tpu.memory_space<hbm>>
    %dma_wait3A_861 = arith.constant 0 : i32
    %dma_wait3A_862 = arith.constant 0 : i32
    %dma_wait3A_863 = arith.constant 0 : i32
    %dma_wait3A_864 = tpu.memref_slice %arg6[%dma_wait3A_850, %dma_wait3A_851, %dma_wait3A_861, %dma_wait3A_862, %dma_wait3A_863] : memref<2x16x2x8x128xf32, #tpu.memory_space<vmem>> -> memref<1x1x2x8x128xf32, #tpu.memory_space<vmem>>
    %dma_wait3A_865 = tpu.memref_squeeze %dma_wait3A_864 : memref<1x1x2x8x128xf32, #tpu.memory_space<vmem>> -> memref<2x8x128xf32, #tpu.memory_space<vmem>>
    %dma_wait3A_866 = arith.constant 0 : i32
    %dma_wait3A_867 = arith.constant 0 : i32
    %dma_wait3A_868 = arith.constant 0 : i32
    %dma_wait3A_869 = tpu.memref_slice %arg2[%dma_wait3A_866, %dma_wait3A_867, %dma_wait3A_868] : memref<2x8x1000000xf32, #tpu.memory_space<hbm>> -> memref<2x8x128xf32, #tpu.memory_space<hbm>>
    tpu.wait_dma2 semaphore(%arg8 : memref<!tpu.dma_semaphore, #tpu.memory_space<semaphore_mem>>) src(%dma_wait3A_869 : memref<2x8x128xf32, #tpu.memory_space<hbm>>) dst(%dma_wait3A_865 : memref<2x8x128xf32, #tpu.memory_space<vmem>>)
    %dma_wait3A_870 = arith.constant 0 : i32
    %dma_wait3A_871 = arith.constant 8 : i32
    %dma_wait3A_872 = arith.constant 0 : i32
    %dma_wait3A_873 = arith.constant 0 : i32
    %dma_wait3A_874 = arith.constant 0 : i32
    %dma_wait3A_875 = tpu.memref_slice %arg6[%dma_wait3A_870, %dma_wait3A_871, %dma_wait3A_872, %dma_wait3A_873, %dma_wait3A_874] : memref<2x16x2x8x128xf32, #tpu.memory_space<vmem>> -> memref<1x1x2x8x128xf32, #tpu.memory_space<vmem>>
    %dma_wait3A_876 = tpu.memref_squeeze %dma_wait3A_875 : memref<1x1x2x8x128xf32, #tpu.memory_space<vmem>> -> memref<2x8x128xf32, #tpu.memory_space<vmem>>
    %dma_wait3A_877 = arith.constant 0 : i32
    %dma_wait3A_878 = arith.constant 0 : i32
    %dma_wait3A_879 = arith.constant 0 : i32
    %dma_wait3A_880 = tpu.memref_slice %arg2[%dma_wait3A_877, %dma_wait3A_878, %dma_wait3A_879] : memref<2x8x1000000xf32, #tpu.memory_space<hbm>> -> memref<2x8x128xf32, #tpu.memory_space<hbm>>
    %dma_wait3A_881 = arith.constant 0 : i32
    %dma_wait3A_882 = arith.constant 0 : i32
    %dma_wait3A_883 = arith.constant 0 : i32
    %dma_wait3A_884 = tpu.memref_slice %arg6[%dma_wait3A_870, %dma_wait3A_871, %dma_wait3A_881, %dma_wait3A_882, %dma_wait3A_883] : memref<2x16x2x8x128xf32, #tpu.memory_space<vmem>> -> memref<1x1x2x8x128xf32, #tpu.memory_space<vmem>>
    %dma_wait3A_885 = tpu.memref_squeeze %dma_wait3A_884 : memref<1x1x2x8x128xf32, #tpu.memory_space<vmem>> -> memref<2x8x128xf32, #tpu.memory_space<vmem>>
    %dma_wait3A_886 = arith.constant 0 : i32
    %dma_wait3A_887 = arith.constant 0 : i32
    %dma_wait3A_888 = arith.constant 0 : i32
    %dma_wait3A_889 = tpu.memref_slice %arg2[%dma_wait3A_886, %dma_wait3A_887, %dma_wait3A_888] : memref<2x8x1000000xf32, #tpu.memory_space<hbm>> -> memref<2x8x128xf32, #tpu.memory_space<hbm>>
    tpu.wait_dma2 semaphore(%arg8 : memref<!tpu.dma_semaphore, #tpu.memory_space<semaphore_mem>>) src(%dma_wait3A_889 : memref<2x8x128xf32, #tpu.memory_space<hbm>>) dst(%dma_wait3A_885 : memref<2x8x128xf32, #tpu.memory_space<vmem>>)
    %dma_wait3A_890 = arith.constant 0 : i32
    %dma_wait3A_891 = arith.constant 9 : i32
    %dma_wait3A_892 = arith.constant 0 : i32
    %dma_wait3A_893 = arith.constant 0 : i32
    %dma_wait3A_894 = arith.constant 0 : i32
    %dma_wait3A_895 = tpu.memref_slice %arg6[%dma_wait3A_890, %dma_wait3A_891, %dma_wait3A_892, %dma_wait3A_893, %dma_wait3A_894] : memref<2x16x2x8x128xf32, #tpu.memory_space<vmem>> -> memref<1x1x2x8x128xf32, #tpu.memory_space<vmem>>
    %dma_wait3A_896 = tpu.memref_squeeze %dma_wait3A_895 : memref<1x1x2x8x128xf32, #tpu.memory_space<vmem>> -> memref<2x8x128xf32, #tpu.memory_space<vmem>>
    %dma_wait3A_897 = arith.constant 0 : i32
    %dma_wait3A_898 = arith.constant 0 : i32
    %dma_wait3A_899 = arith.constant 0 : i32
    %dma_wait3A_900 = tpu.memref_slice %arg2[%dma_wait3A_897, %dma_wait3A_898, %dma_wait3A_899] : memref<2x8x1000000xf32, #tpu.memory_space<hbm>> -> memref<2x8x128xf32, #tpu.memory_space<hbm>>
    %dma_wait3A_901 = arith.constant 0 : i32
    %dma_wait3A_902 = arith.constant 0 : i32
    %dma_wait3A_903 = arith.constant 0 : i32
    %dma_wait3A_904 = tpu.memref_slice %arg6[%dma_wait3A_890, %dma_wait3A_891, %dma_wait3A_901, %dma_wait3A_902, %dma_wait3A_903] : memref<2x16x2x8x128xf32, #tpu.memory_space<vmem>> -> memref<1x1x2x8x128xf32, #tpu.memory_space<vmem>>
    %dma_wait3A_905 = tpu.memref_squeeze %dma_wait3A_904 : memref<1x1x2x8x128xf32, #tpu.memory_space<vmem>> -> memref<2x8x128xf32, #tpu.memory_space<vmem>>
    %dma_wait3A_906 = arith.constant 0 : i32
    %dma_wait3A_907 = arith.constant 0 : i32
    %dma_wait3A_908 = arith.constant 0 : i32
    %dma_wait3A_909 = tpu.memref_slice %arg2[%dma_wait3A_906, %dma_wait3A_907, %dma_wait3A_908] : memref<2x8x1000000xf32, #tpu.memory_space<hbm>> -> memref<2x8x128xf32, #tpu.memory_space<hbm>>
    tpu.wait_dma2 semaphore(%arg8 : memref<!tpu.dma_semaphore, #tpu.memory_space<semaphore_mem>>) src(%dma_wait3A_909 : memref<2x8x128xf32, #tpu.memory_space<hbm>>) dst(%dma_wait3A_905 : memref<2x8x128xf32, #tpu.memory_space<vmem>>)
    %dma_wait3A_910 = arith.constant 0 : i32
    %dma_wait3A_911 = arith.constant 10 : i32
    %dma_wait3A_912 = arith.constant 0 : i32
    %dma_wait3A_913 = arith.constant 0 : i32
    %dma_wait3A_914 = arith.constant 0 : i32
    %dma_wait3A_915 = tpu.memref_slice %arg6[%dma_wait3A_910, %dma_wait3A_911, %dma_wait3A_912, %dma_wait3A_913, %dma_wait3A_914] : memref<2x16x2x8x128xf32, #tpu.memory_space<vmem>> -> memref<1x1x2x8x128xf32, #tpu.memory_space<vmem>>
    %dma_wait3A_916 = tpu.memref_squeeze %dma_wait3A_915 : memref<1x1x2x8x128xf32, #tpu.memory_space<vmem>> -> memref<2x8x128xf32, #tpu.memory_space<vmem>>
    %dma_wait3A_917 = arith.constant 0 : i32
    %dma_wait3A_918 = arith.constant 0 : i32
    %dma_wait3A_919 = arith.constant 0 : i32
    %dma_wait3A_920 = tpu.memref_slice %arg2[%dma_wait3A_917, %dma_wait3A_918, %dma_wait3A_919] : memref<2x8x1000000xf32, #tpu.memory_space<hbm>> -> memref<2x8x128xf32, #tpu.memory_space<hbm>>
    %dma_wait3A_921 = arith.constant 0 : i32
    %dma_wait3A_922 = arith.constant 0 : i32
    %dma_wait3A_923 = arith.constant 0 : i32
    %dma_wait3A_924 = tpu.memref_slice %arg6[%dma_wait3A_910, %dma_wait3A_911, %dma_wait3A_921, %dma_wait3A_922, %dma_wait3A_923] : memref<2x16x2x8x128xf32, #tpu.memory_space<vmem>> -> memref<1x1x2x8x128xf32, #tpu.memory_space<vmem>>
    %dma_wait3A_925 = tpu.memref_squeeze %dma_wait3A_924 : memref<1x1x2x8x128xf32, #tpu.memory_space<vmem>> -> memref<2x8x128xf32, #tpu.memory_space<vmem>>
    %dma_wait3A_926 = arith.constant 0 : i32
    %dma_wait3A_927 = arith.constant 0 : i32
    %dma_wait3A_928 = arith.constant 0 : i32
    %dma_wait3A_929 = tpu.memref_slice %arg2[%dma_wait3A_926, %dma_wait3A_927, %dma_wait3A_928] : memref<2x8x1000000xf32, #tpu.memory_space<hbm>> -> memref<2x8x128xf32, #tpu.memory_space<hbm>>
    tpu.wait_dma2 semaphore(%arg8 : memref<!tpu.dma_semaphore, #tpu.memory_space<semaphore_mem>>) src(%dma_wait3A_929 : memref<2x8x128xf32, #tpu.memory_space<hbm>>) dst(%dma_wait3A_925 : memref<2x8x128xf32, #tpu.memory_space<vmem>>)
    %dma_wait3A_930 = arith.constant 0 : i32
    %dma_wait3A_931 = arith.constant 11 : i32
    %dma_wait3A_932 = arith.constant 0 : i32
    %dma_wait3A_933 = arith.constant 0 : i32
    %dma_wait3A_934 = arith.constant 0 : i32
    %dma_wait3A_935 = tpu.memref_slice %arg6[%dma_wait3A_930, %dma_wait3A_931, %dma_wait3A_932, %dma_wait3A_933, %dma_wait3A_934] : memref<2x16x2x8x128xf32, #tpu.memory_space<vmem>> -> memref<1x1x2x8x128xf32, #tpu.memory_space<vmem>>
    %dma_wait3A_936 = tpu.memref_squeeze %dma_wait3A_935 : memref<1x1x2x8x128xf32, #tpu.memory_space<vmem>> -> memref<2x8x128xf32, #tpu.memory_space<vmem>>
    %dma_wait3A_937 = arith.constant 0 : i32
    %dma_wait3A_938 = arith.constant 0 : i32
    %dma_wait3A_939 = arith.constant 0 : i32
    %dma_wait3A_940 = tpu.memref_slice %arg2[%dma_wait3A_937, %dma_wait3A_938, %dma_wait3A_939] : memref<2x8x1000000xf32, #tpu.memory_space<hbm>> -> memref<2x8x128xf32, #tpu.memory_space<hbm>>
    %dma_wait3A_941 = arith.constant 0 : i32
    %dma_wait3A_942 = arith.constant 0 : i32
    %dma_wait3A_943 = arith.constant 0 : i32
    %dma_wait3A_944 = tpu.memref_slice %arg6[%dma_wait3A_930, %dma_wait3A_931, %dma_wait3A_941, %dma_wait3A_942, %dma_wait3A_943] : memref<2x16x2x8x128xf32, #tpu.memory_space<vmem>> -> memref<1x1x2x8x128xf32, #tpu.memory_space<vmem>>
    %dma_wait3A_945 = tpu.memref_squeeze %dma_wait3A_944 : memref<1x1x2x8x128xf32, #tpu.memory_space<vmem>> -> memref<2x8x128xf32, #tpu.memory_space<vmem>>
    %dma_wait3A_946 = arith.constant 0 : i32
    %dma_wait3A_947 = arith.constant 0 : i32
    %dma_wait3A_948 = arith.constant 0 : i32
    %dma_wait3A_949 = tpu.memref_slice %arg2[%dma_wait3A_946, %dma_wait3A_947, %dma_wait3A_948] : memref<2x8x1000000xf32, #tpu.memory_space<hbm>> -> memref<2x8x128xf32, #tpu.memory_space<hbm>>
    tpu.wait_dma2 semaphore(%arg8 : memref<!tpu.dma_semaphore, #tpu.memory_space<semaphore_mem>>) src(%dma_wait3A_949 : memref<2x8x128xf32, #tpu.memory_space<hbm>>) dst(%dma_wait3A_945 : memref<2x8x128xf32, #tpu.memory_space<vmem>>)
    %dma_wait3A_950 = arith.constant 0 : i32
    %dma_wait3A_951 = arith.constant 12 : i32
    %dma_wait3A_952 = arith.constant 0 : i32
    %dma_wait3A_953 = arith.constant 0 : i32
    %dma_wait3A_954 = arith.constant 0 : i32
    %dma_wait3A_955 = tpu.memref_slice %arg6[%dma_wait3A_950, %dma_wait3A_951, %dma_wait3A_952, %dma_wait3A_953, %dma_wait3A_954] : memref<2x16x2x8x128xf32, #tpu.memory_space<vmem>> -> memref<1x1x2x8x128xf32, #tpu.memory_space<vmem>>
    %dma_wait3A_956 = tpu.memref_squeeze %dma_wait3A_955 : memref<1x1x2x8x128xf32, #tpu.memory_space<vmem>> -> memref<2x8x128xf32, #tpu.memory_space<vmem>>
    %dma_wait3A_957 = arith.constant 0 : i32
    %dma_wait3A_958 = arith.constant 0 : i32
    %dma_wait3A_959 = arith.constant 0 : i32
    %dma_wait3A_960 = tpu.memref_slice %arg2[%dma_wait3A_957, %dma_wait3A_958, %dma_wait3A_959] : memref<2x8x1000000xf32, #tpu.memory_space<hbm>> -> memref<2x8x128xf32, #tpu.memory_space<hbm>>
    %dma_wait3A_961 = arith.constant 0 : i32
    %dma_wait3A_962 = arith.constant 0 : i32
    %dma_wait3A_963 = arith.constant 0 : i32
    %dma_wait3A_964 = tpu.memref_slice %arg6[%dma_wait3A_950, %dma_wait3A_951, %dma_wait3A_961, %dma_wait3A_962, %dma_wait3A_963] : memref<2x16x2x8x128xf32, #tpu.memory_space<vmem>> -> memref<1x1x2x8x128xf32, #tpu.memory_space<vmem>>
    %dma_wait3A_965 = tpu.memref_squeeze %dma_wait3A_964 : memref<1x1x2x8x128xf32, #tpu.memory_space<vmem>> -> memref<2x8x128xf32, #tpu.memory_space<vmem>>
    %dma_wait3A_966 = arith.constant 0 : i32
    %dma_wait3A_967 = arith.constant 0 : i32
    %dma_wait3A_968 = arith.constant 0 : i32
    %dma_wait3A_969 = tpu.memref_slice %arg2[%dma_wait3A_966, %dma_wait3A_967, %dma_wait3A_968] : memref<2x8x1000000xf32, #tpu.memory_space<hbm>> -> memref<2x8x128xf32, #tpu.memory_space<hbm>>
    tpu.wait_dma2 semaphore(%arg8 : memref<!tpu.dma_semaphore, #tpu.memory_space<semaphore_mem>>) src(%dma_wait3A_969 : memref<2x8x128xf32, #tpu.memory_space<hbm>>) dst(%dma_wait3A_965 : memref<2x8x128xf32, #tpu.memory_space<vmem>>)
    %dma_wait3A_970 = arith.constant 0 : i32
    %dma_wait3A_971 = arith.constant 13 : i32
    %dma_wait3A_972 = arith.constant 0 : i32
    %dma_wait3A_973 = arith.constant 0 : i32
    %dma_wait3A_974 = arith.constant 0 : i32
    %dma_wait3A_975 = tpu.memref_slice %arg6[%dma_wait3A_970, %dma_wait3A_971, %dma_wait3A_972, %dma_wait3A_973, %dma_wait3A_974] : memref<2x16x2x8x128xf32, #tpu.memory_space<vmem>> -> memref<1x1x2x8x128xf32, #tpu.memory_space<vmem>>
    %dma_wait3A_976 = tpu.memref_squeeze %dma_wait3A_975 : memref<1x1x2x8x128xf32, #tpu.memory_space<vmem>> -> memref<2x8x128xf32, #tpu.memory_space<vmem>>
    %dma_wait3A_977 = arith.constant 0 : i32
    %dma_wait3A_978 = arith.constant 0 : i32
    %dma_wait3A_979 = arith.constant 0 : i32
    %dma_wait3A_980 = tpu.memref_slice %arg2[%dma_wait3A_977, %dma_wait3A_978, %dma_wait3A_979] : memref<2x8x1000000xf32, #tpu.memory_space<hbm>> -> memref<2x8x128xf32, #tpu.memory_space<hbm>>
    %dma_wait3A_981 = arith.constant 0 : i32
    %dma_wait3A_982 = arith.constant 0 : i32
    %dma_wait3A_983 = arith.constant 0 : i32
    %dma_wait3A_984 = tpu.memref_slice %arg6[%dma_wait3A_970, %dma_wait3A_971, %dma_wait3A_981, %dma_wait3A_982, %dma_wait3A_983] : memref<2x16x2x8x128xf32, #tpu.memory_space<vmem>> -> memref<1x1x2x8x128xf32, #tpu.memory_space<vmem>>
    %dma_wait3A_985 = tpu.memref_squeeze %dma_wait3A_984 : memref<1x1x2x8x128xf32, #tpu.memory_space<vmem>> -> memref<2x8x128xf32, #tpu.memory_space<vmem>>
    %dma_wait3A_986 = arith.constant 0 : i32
    %dma_wait3A_987 = arith.constant 0 : i32
    %dma_wait3A_988 = arith.constant 0 : i32
    %dma_wait3A_989 = tpu.memref_slice %arg2[%dma_wait3A_986, %dma_wait3A_987, %dma_wait3A_988] : memref<2x8x1000000xf32, #tpu.memory_space<hbm>> -> memref<2x8x128xf32, #tpu.memory_space<hbm>>
    tpu.wait_dma2 semaphore(%arg8 : memref<!tpu.dma_semaphore, #tpu.memory_space<semaphore_mem>>) src(%dma_wait3A_989 : memref<2x8x128xf32, #tpu.memory_space<hbm>>) dst(%dma_wait3A_985 : memref<2x8x128xf32, #tpu.memory_space<vmem>>)
    %dma_wait3A_990 = arith.constant 0 : i32
    %dma_wait3A_991 = arith.constant 14 : i32
    %dma_wait3A_992 = arith.constant 0 : i32
    %dma_wait3A_993 = arith.constant 0 : i32
    %dma_wait3A_994 = arith.constant 0 : i32
    %dma_wait3A_995 = tpu.memref_slice %arg6[%dma_wait3A_990, %dma_wait3A_991, %dma_wait3A_992, %dma_wait3A_993, %dma_wait3A_994] : memref<2x16x2x8x128xf32, #tpu.memory_space<vmem>> -> memref<1x1x2x8x128xf32, #tpu.memory_space<vmem>>
    %dma_wait3A_996 = tpu.memref_squeeze %dma_wait3A_995 : memref<1x1x2x8x128xf32, #tpu.memory_space<vmem>> -> memref<2x8x128xf32, #tpu.memory_space<vmem>>
    %dma_wait3A_997 = arith.constant 0 : i32
    %dma_wait3A_998 = arith.constant 0 : i32
    %dma_wait3A_999 = arith.constant 0 : i32
    %dma_wait3A_1000 = tpu.memref_slice %arg2[%dma_wait3A_997, %dma_wait3A_998, %dma_wait3A_999] : memref<2x8x1000000xf32, #tpu.memory_space<hbm>> -> memref<2x8x128xf32, #tpu.memory_space<hbm>>
    %dma_wait3A_1001 = arith.constant 0 : i32
    %dma_wait3A_1002 = arith.constant 0 : i32
    %dma_wait3A_1003 = arith.constant 0 : i32
    %dma_wait3A_1004 = tpu.memref_slice %arg6[%dma_wait3A_990, %dma_wait3A_991, %dma_wait3A_1001, %dma_wait3A_1002, %dma_wait3A_1003] : memref<2x16x2x8x128xf32, #tpu.memory_space<vmem>> -> memref<1x1x2x8x128xf32, #tpu.memory_space<vmem>>
    %dma_wait3A_1005 = tpu.memref_squeeze %dma_wait3A_1004 : memref<1x1x2x8x128xf32, #tpu.memory_space<vmem>> -> memref<2x8x128xf32, #tpu.memory_space<vmem>>
    %dma_wait3A_1006 = arith.constant 0 : i32
    %dma_wait3A_1007 = arith.constant 0 : i32
    %dma_wait3A_1008 = arith.constant 0 : i32
    %dma_wait3A_1009 = tpu.memref_slice %arg2[%dma_wait3A_1006, %dma_wait3A_1007, %dma_wait3A_1008] : memref<2x8x1000000xf32, #tpu.memory_space<hbm>> -> memref<2x8x128xf32, #tpu.memory_space<hbm>>
    tpu.wait_dma2 semaphore(%arg8 : memref<!tpu.dma_semaphore, #tpu.memory_space<semaphore_mem>>) src(%dma_wait3A_1009 : memref<2x8x128xf32, #tpu.memory_space<hbm>>) dst(%dma_wait3A_1005 : memref<2x8x128xf32, #tpu.memory_space<vmem>>)
    %dma_wait3A_1010 = arith.constant 0 : i32
    %dma_wait3A_1011 = arith.constant 15 : i32
    %dma_wait3A_1012 = arith.constant 0 : i32
    %dma_wait3A_1013 = arith.constant 0 : i32
    %dma_wait3A_1014 = arith.constant 0 : i32
    %dma_wait3A_1015 = tpu.memref_slice %arg6[%dma_wait3A_1010, %dma_wait3A_1011, %dma_wait3A_1012, %dma_wait3A_1013, %dma_wait3A_1014] : memref<2x16x2x8x128xf32, #tpu.memory_space<vmem>> -> memref<1x1x2x8x128xf32, #tpu.memory_space<vmem>>
    %dma_wait3A_1016 = tpu.memref_squeeze %dma_wait3A_1015 : memref<1x1x2x8x128xf32, #tpu.memory_space<vmem>> -> memref<2x8x128xf32, #tpu.memory_space<vmem>>
    %dma_wait3A_1017 = arith.constant 0 : i32
    %dma_wait3A_1018 = arith.constant 0 : i32
    %dma_wait3A_1019 = arith.constant 0 : i32
    %dma_wait3A_1020 = tpu.memref_slice %arg2[%dma_wait3A_1017, %dma_wait3A_1018, %dma_wait3A_1019] : memref<2x8x1000000xf32, #tpu.memory_space<hbm>> -> memref<2x8x128xf32, #tpu.memory_space<hbm>>
    %dma_wait3A_1021 = arith.constant 0 : i32
    %dma_wait3A_1022 = arith.constant 0 : i32
    %dma_wait3A_1023 = arith.constant 0 : i32
    %dma_wait3A_1024 = tpu.memref_slice %arg6[%dma_wait3A_1010, %dma_wait3A_1011, %dma_wait3A_1021, %dma_wait3A_1022, %dma_wait3A_1023] : memref<2x16x2x8x128xf32, #tpu.memory_space<vmem>> -> memref<1x1x2x8x128xf32, #tpu.memory_space<vmem>>
    %dma_wait3A_1025 = tpu.memref_squeeze %dma_wait3A_1024 : memref<1x1x2x8x128xf32, #tpu.memory_space<vmem>> -> memref<2x8x128xf32, #tpu.memory_space<vmem>>
    %dma_wait3A_1026 = arith.constant 0 : i32
    %dma_wait3A_1027 = arith.constant 0 : i32
    %dma_wait3A_1028 = arith.constant 0 : i32
    %dma_wait3A_1029 = tpu.memref_slice %arg2[%dma_wait3A_1026, %dma_wait3A_1027, %dma_wait3A_1028] : memref<2x8x1000000xf32, #tpu.memory_space<hbm>> -> memref<2x8x128xf32, #tpu.memory_space<hbm>>
    tpu.wait_dma2 semaphore(%arg8 : memref<!tpu.dma_semaphore, #tpu.memory_space<semaphore_mem>>) src(%dma_wait3A_1029 : memref<2x8x128xf32, #tpu.memory_space<hbm>>) dst(%dma_wait3A_1025 : memref<2x8x128xf32, #tpu.memory_space<vmem>>)
    %mul3A_1030 = arith.constant 30 : i32
    %mul3A_1031 = arith.constant 16 : i32
    %mul3A_1032 = arith.muli %mul3A_1030, %mul3A_1031 : i32
    %multiple_of3A_1033 = tpu.assume_multiple %mul3A_1032, 16 : i32
    %broadcast_in_dim3A = arith.constant 0 : i32
    %broadcast_in_dim3A_1034 = vector.broadcast %broadcast_in_dim3A : i32 to vector<16xi32>
    %broadcast_in_dim3A_1035 = arith.constant 0 : i32
    %broadcast_in_dim3A_1036 = vector.broadcast %broadcast_in_dim3A_1035 : i32 to vector<16xi32>
    %gather3A = arith.constant 0 : i32
    %gather3A_1037 = arith.constant 0 : i32
    %gather3A_1038 = arith.constant 0 : i32
    %gather3A_1039 = arith.constant 0 : i32
    %gather3A_1040 = arith.constant 0 : i32
    %gather3A_1041 = tpu.memref_slice %arg6[%gather3A, %gather3A_1037, %gather3A_1038, %gather3A_1039, %gather3A_1040] : memref<2x16x2x8x128xf32, #tpu.memory_space<vmem>> -> memref<1x16x2x8x128xf32, #tpu.memory_space<vmem>>
    %gather3A_1042 = tpu.memref_squeeze %gather3A_1041 : memref<1x16x2x8x128xf32, #tpu.memory_space<vmem>> -> memref<16x2x8x128xf32, #tpu.memory_space<vmem>>
    %gather3A_1043 = tpu.vector_load_idx %gather3A_1042[%iota3A, %broadcast_in_dim3A_1034, %broadcast_in_dim3A_1036, %and3A_710] : memref<16x2x8x128xf32, #tpu.memory_space<vmem>>[vector<16xi32>, vector<16xi32>, vector<16xi32>, vector<16xi32>], vector<16xf32>,
    %swap3A = arith.constant 0 : i32
    %swap3A_1044 = arith.index_cast %swap3A : i32 to index
    %swap3A_1045 = arith.index_cast %multiple_of3A_1033 : i32 to index
    %swap3A_1046 = tpu.vector_load %arg7[%swap3A_1044, %swap3A_1045] {strides = array<i32>} : memref<16x512xf32, #tpu.memory_space<vmem>>, vector<16xf32>,
    tpu.vector_store %arg7[%swap3A_1044, %swap3A_1045], %gather3A_1043 {strides = array<i32>} : memref<16x512xf32, #tpu.memory_space<vmem>>, vector<16xf32>,
    %broadcast_in_dim3A_1047 = arith.constant 0 : i32
    %broadcast_in_dim3A_1048 = vector.broadcast %broadcast_in_dim3A_1047 : i32 to vector<16xi32>
    %broadcast_in_dim3A_1049 = arith.constant 1 : i32
    %broadcast_in_dim3A_1050 = vector.broadcast %broadcast_in_dim3A_1049 : i32 to vector<16xi32>
    %gather3A_1051 = arith.constant 0 : i32
    %gather3A_1052 = arith.constant 0 : i32
    %gather3A_1053 = arith.constant 0 : i32
    %gather3A_1054 = arith.constant 0 : i32
    %gather3A_1055 = arith.constant 0 : i32
    %gather3A_1056 = tpu.memref_slice %arg6[%gather3A_1051, %gather3A_1052, %gather3A_1053, %gather3A_1054, %gather3A_1055] : memref<2x16x2x8x128xf32, #tpu.memory_space<vmem>> -> memref<1x16x2x8x128xf32, #tpu.memory_space<vmem>>
    %gather3A_1057 = tpu.memref_squeeze %gather3A_1056 : memref<1x16x2x8x128xf32, #tpu.memory_space<vmem>> -> memref<16x2x8x128xf32, #tpu.memory_space<vmem>>
    %gather3A_1058 = tpu.vector_load_idx %gather3A_1057[%iota3A, %broadcast_in_dim3A_1048, %broadcast_in_dim3A_1050, %and3A_710] : memref<16x2x8x128xf32, #tpu.memory_space<vmem>>[vector<16xi32>, vector<16xi32>, vector<16xi32>, vector<16xi32>], vector<16xf32>,
    %swap3A_1059 = arith.constant 1 : i32
    %swap3A_1060 = arith.index_cast %swap3A_1059 : i32 to index
    %swap3A_1061 = arith.index_cast %multiple_of3A_1033 : i32 to index
    %swap3A_1062 = tpu.vector_load %arg7[%swap3A_1060, %swap3A_1061] {strides = array<i32>} : memref<16x512xf32, #tpu.memory_space<vmem>>, vector<16xf32>,
    tpu.vector_store %arg7[%swap3A_1060, %swap3A_1061], %gather3A_1058 {strides = array<i32>} : memref<16x512xf32, #tpu.memory_space<vmem>>, vector<16xf32>,
    %broadcast_in_dim3A_1063 = arith.constant 0 : i32
    %broadcast_in_dim3A_1064 = vector.broadcast %broadcast_in_dim3A_1063 : i32 to vector<16xi32>
    %broadcast_in_dim3A_1065 = arith.constant 2 : i32
    %broadcast_in_dim3A_1066 = vector.broadcast %broadcast_in_dim3A_1065 : i32 to vector<16xi32>
    %gather3A_1067 = arith.constant 0 : i32
    %gather3A_1068 = arith.constant 0 : i32
    %gather3A_1069 = arith.constant 0 : i32
    %gather3A_1070 = arith.constant 0 : i32
    %gather3A_1071 = arith.constant 0 : i32
    %gather3A_1072 = tpu.memref_slice %arg6[%gather3A_1067, %gather3A_1068, %gather3A_1069, %gather3A_1070, %gather3A_1071] : memref<2x16x2x8x128xf32, #tpu.memory_space<vmem>> -> memref<1x16x2x8x128xf32, #tpu.memory_space<vmem>>
    %gather3A_1073 = tpu.memref_squeeze %gather3A_1072 : memref<1x16x2x8x128xf32, #tpu.memory_space<vmem>> -> memref<16x2x8x128xf32, #tpu.memory_space<vmem>>
    %gather3A_1074 = tpu.vector_load_idx %gather3A_1073[%iota3A, %broadcast_in_dim3A_1064, %broadcast_in_dim3A_1066, %and3A_710] : memref<16x2x8x128xf32, #tpu.memory_space<vmem>>[vector<16xi32>, vector<16xi32>, vector<16xi32>, vector<16xi32>], vector<16xf32>,
    %swap3A_1075 = arith.constant 2 : i32
    %swap3A_1076 = arith.index_cast %swap3A_1075 : i32 to index
    %swap3A_1077 = arith.index_cast %multiple_of3A_1033 : i32 to index
    %swap3A_1078 = tpu.vector_load %arg7[%swap3A_1076, %swap3A_1077] {strides = array<i32>} : memref<16x512xf32, #tpu.memory_space<vmem>>, vector<16xf32>,
    tpu.vector_store %arg7[%swap3A_1076, %swap3A_1077], %gather3A_1074 {strides = array<i32>} : memref<16x512xf32, #tpu.memory_space<vmem>>, vector<16xf32>,
    %broadcast_in_dim3A_1079 = arith.constant 0 : i32
    %broadcast_in_dim3A_1080 = vector.broadcast %broadcast_in_dim3A_1079 : i32 to vector<16xi32>
    %broadcast_in_dim3A_1081 = arith.constant 3 : i32
    %broadcast_in_dim3A_1082 = vector.broadcast %broadcast_in_dim3A_1081 : i32 to vector<16xi32>
    %gather3A_1083 = arith.constant 0 : i32
    %gather3A_1084 = arith.constant 0 : i32
    %gather3A_1085 = arith.constant 0 : i32
    %gather3A_1086 = arith.constant 0 : i32
    %gather3A_1087 = arith.constant 0 : i32
    %gather3A_1088 = tpu.memref_slice %arg6[%gather3A_1083, %gather3A_1084, %gather3A_1085, %gather3A_1086, %gather3A_1087] : memref<2x16x2x8x128xf32, #tpu.memory_space<vmem>> -> memref<1x16x2x8x128xf32, #tpu.memory_space<vmem>>
    %gather3A_1089 = tpu.memref_squeeze %gather3A_1088 : memref<1x16x2x8x128xf32, #tpu.memory_space<vmem>> -> memref<16x2x8x128xf32, #tpu.memory_space<vmem>>
    %gather3A_1090 = tpu.vector_load_idx %gather3A_1089[%iota3A, %broadcast_in_dim3A_1080, %broadcast_in_dim3A_1082, %and3A_710] : memref<16x2x8x128xf32, #tpu.memory_space<vmem>>[vector<16xi32>, vector<16xi32>, vector<16xi32>, vector<16xi32>], vector<16xf32>,
    %swap3A_1091 = arith.constant 3 : i32
    %swap3A_1092 = arith.index_cast %swap3A_1091 : i32 to index
    %swap3A_1093 = arith.index_cast %multiple_of3A_1033 : i32 to index
    %swap3A_1094 = tpu.vector_load %arg7[%swap3A_1092, %swap3A_1093] {strides = array<i32>} : memref<16x512xf32, #tpu.memory_space<vmem>>, vector<16xf32>,
    tpu.vector_store %arg7[%swap3A_1092, %swap3A_1093], %gather3A_1090 {strides = array<i32>} : memref<16x512xf32, #tpu.memory_space<vmem>>, vector<16xf32>,
    %broadcast_in_dim3A_1095 = arith.constant 0 : i32
    %broadcast_in_dim3A_1096 = vector.broadcast %broadcast_in_dim3A_1095 : i32 to vector<16xi32>
    %broadcast_in_dim3A_1097 = arith.constant 4 : i32
    %broadcast_in_dim3A_1098 = vector.broadcast %broadcast_in_dim3A_1097 : i32 to vector<16xi32>
    %gather3A_1099 = arith.constant 0 : i32
    %gather3A_1100 = arith.constant 0 : i32
    %gather3A_1101 = arith.constant 0 : i32
    %gather3A_1102 = arith.constant 0 : i32
    %gather3A_1103 = arith.constant 0 : i32
    %gather3A_1104 = tpu.memref_slice %arg6[%gather3A_1099, %gather3A_1100, %gather3A_1101, %gather3A_1102, %gather3A_1103] : memref<2x16x2x8x128xf32, #tpu.memory_space<vmem>> -> memref<1x16x2x8x128xf32, #tpu.memory_space<vmem>>
    %gather3A_1105 = tpu.memref_squeeze %gather3A_1104 : memref<1x16x2x8x128xf32, #tpu.memory_space<vmem>> -> memref<16x2x8x128xf32, #tpu.memory_space<vmem>>
    %gather3A_1106 = tpu.vector_load_idx %gather3A_1105[%iota3A, %broadcast_in_dim3A_1096, %broadcast_in_dim3A_1098, %and3A_710] : memref<16x2x8x128xf32, #tpu.memory_space<vmem>>[vector<16xi32>, vector<16xi32>, vector<16xi32>, vector<16xi32>], vector<16xf32>,
    %swap3A_1107 = arith.constant 4 : i32
    %swap3A_1108 = arith.index_cast %swap3A_1107 : i32 to index
    %swap3A_1109 = arith.index_cast %multiple_of3A_1033 : i32 to index
    %swap3A_1110 = tpu.vector_load %arg7[%swap3A_1108, %swap3A_1109] {strides = array<i32>} : memref<16x512xf32, #tpu.memory_space<vmem>>, vector<16xf32>,
    tpu.vector_store %arg7[%swap3A_1108, %swap3A_1109], %gather3A_1106 {strides = array<i32>} : memref<16x512xf32, #tpu.memory_space<vmem>>, vector<16xf32>,
    %broadcast_in_dim3A_1111 = arith.constant 0 : i32
    %broadcast_in_dim3A_1112 = vector.broadcast %broadcast_in_dim3A_1111 : i32 to vector<16xi32>
    %broadcast_in_dim3A_1113 = arith.constant 5 : i32
    %broadcast_in_dim3A_1114 = vector.broadcast %broadcast_in_dim3A_1113 : i32 to vector<16xi32>
    %gather3A_1115 = arith.constant 0 : i32
    %gather3A_1116 = arith.constant 0 : i32
    %gather3A_1117 = arith.constant 0 : i32
    %gather3A_1118 = arith.constant 0 : i32
    %gather3A_1119 = arith.constant 0 : i32
    %gather3A_1120 = tpu.memref_slice %arg6[%gather3A_1115, %gather3A_1116, %gather3A_1117, %gather3A_1118, %gather3A_1119] : memref<2x16x2x8x128xf32, #tpu.memory_space<vmem>> -> memref<1x16x2x8x128xf32, #tpu.memory_space<vmem>>
    %gather3A_1121 = tpu.memref_squeeze %gather3A_1120 : memref<1x16x2x8x128xf32, #tpu.memory_space<vmem>> -> memref<16x2x8x128xf32, #tpu.memory_space<vmem>>
    %gather3A_1122 = tpu.vector_load_idx %gather3A_1121[%iota3A, %broadcast_in_dim3A_1112, %broadcast_in_dim3A_1114, %and3A_710] : memref<16x2x8x128xf32, #tpu.memory_space<vmem>>[vector<16xi32>, vector<16xi32>, vector<16xi32>, vector<16xi32>], vector<16xf32>,
    %swap3A_1123 = arith.constant 5 : i32
    %swap3A_1124 = arith.index_cast %swap3A_1123 : i32 to index
    %swap3A_1125 = arith.index_cast %multiple_of3A_1033 : i32 to index
    %swap3A_1126 = tpu.vector_load %arg7[%swap3A_1124, %swap3A_1125] {strides = array<i32>} : memref<16x512xf32, #tpu.memory_space<vmem>>, vector<16xf32>,
    tpu.vector_store %arg7[%swap3A_1124, %swap3A_1125], %gather3A_1122 {strides = array<i32>} : memref<16x512xf32, #tpu.memory_space<vmem>>, vector<16xf32>,
    %broadcast_in_dim3A_1127 = arith.constant 0 : i32
    %broadcast_in_dim3A_1128 = vector.broadcast %broadcast_in_dim3A_1127 : i32 to vector<16xi32>
    %broadcast_in_dim3A_1129 = arith.constant 6 : i32
    %broadcast_in_dim3A_1130 = vector.broadcast %broadcast_in_dim3A_1129 : i32 to vector<16xi32>
    %gather3A_1131 = arith.constant 0 : i32
    %gather3A_1132 = arith.constant 0 : i32
    %gather3A_1133 = arith.constant 0 : i32
    %gather3A_1134 = arith.constant 0 : i32
    %gather3A_1135 = arith.constant 0 : i32
    %gather3A_1136 = tpu.memref_slice %arg6[%gather3A_1131, %gather3A_1132, %gather3A_1133, %gather3A_1134, %gather3A_1135] : memref<2x16x2x8x128xf32, #tpu.memory_space<vmem>> -> memref<1x16x2x8x128xf32, #tpu.memory_space<vmem>>
    %gather3A_1137 = tpu.memref_squeeze %gather3A_1136 : memref<1x16x2x8x128xf32, #tpu.memory_space<vmem>> -> memref<16x2x8x128xf32, #tpu.memory_space<vmem>>
    %gather3A_1138 = tpu.vector_load_idx %gather3A_1137[%iota3A, %broadcast_in_dim3A_1128, %broadcast_in_dim3A_1130, %and3A_710] : memref<16x2x8x128xf32, #tpu.memory_space<vmem>>[vector<16xi32>, vector<16xi32>, vector<16xi32>, vector<16xi32>], vector<16xf32>,
    %swap3A_1139 = arith.constant 6 : i32
    %swap3A_1140 = arith.index_cast %swap3A_1139 : i32 to index
    %swap3A_1141 = arith.index_cast %multiple_of3A_1033 : i32 to index
    %swap3A_1142 = tpu.vector_load %arg7[%swap3A_1140, %swap3A_1141] {strides = array<i32>} : memref<16x512xf32, #tpu.memory_space<vmem>>, vector<16xf32>,
    tpu.vector_store %arg7[%swap3A_1140, %swap3A_1141], %gather3A_1138 {strides = array<i32>} : memref<16x512xf32, #tpu.memory_space<vmem>>, vector<16xf32>,
    %broadcast_in_dim3A_1143 = arith.constant 0 : i32
    %broadcast_in_dim3A_1144 = vector.broadcast %broadcast_in_dim3A_1143 : i32 to vector<16xi32>
    %broadcast_in_dim3A_1145 = arith.constant 7 : i32
    %broadcast_in_dim3A_1146 = vector.broadcast %broadcast_in_dim3A_1145 : i32 to vector<16xi32>
    %gather3A_1147 = arith.constant 0 : i32
    %gather3A_1148 = arith.constant 0 : i32
    %gather3A_1149 = arith.constant 0 : i32
    %gather3A_1150 = arith.constant 0 : i32
    %gather3A_1151 = arith.constant 0 : i32
    %gather3A_1152 = tpu.memref_slice %arg6[%gather3A_1147, %gather3A_1148, %gather3A_1149, %gather3A_1150, %gather3A_1151] : memref<2x16x2x8x128xf32, #tpu.memory_space<vmem>> -> memref<1x16x2x8x128xf32, #tpu.memory_space<vmem>>
    %gather3A_1153 = tpu.memref_squeeze %gather3A_1152 : memref<1x16x2x8x128xf32, #tpu.memory_space<vmem>> -> memref<16x2x8x128xf32, #tpu.memory_space<vmem>>
    %gather3A_1154 = tpu.vector_load_idx %gather3A_1153[%iota3A, %broadcast_in_dim3A_1144, %broadcast_in_dim3A_1146, %and3A_710] : memref<16x2x8x128xf32, #tpu.memory_space<vmem>>[vector<16xi32>, vector<16xi32>, vector<16xi32>, vector<16xi32>], vector<16xf32>,
    %swap3A_1155 = arith.constant 7 : i32
    %swap3A_1156 = arith.index_cast %swap3A_1155 : i32 to index
    %swap3A_1157 = arith.index_cast %multiple_of3A_1033 : i32 to index
    %swap3A_1158 = tpu.vector_load %arg7[%swap3A_1156, %swap3A_1157] {strides = array<i32>} : memref<16x512xf32, #tpu.memory_space<vmem>>, vector<16xf32>,
    tpu.vector_store %arg7[%swap3A_1156, %swap3A_1157], %gather3A_1154 {strides = array<i32>} : memref<16x512xf32, #tpu.memory_space<vmem>>, vector<16xf32>,
    %broadcast_in_dim3A_1159 = arith.constant 1 : i32
    %broadcast_in_dim3A_1160 = vector.broadcast %broadcast_in_dim3A_1159 : i32 to vector<16xi32>
    %broadcast_in_dim3A_1161 = arith.constant 0 : i32
    %broadcast_in_dim3A_1162 = vector.broadcast %broadcast_in_dim3A_1161 : i32 to vector<16xi32>
    %gather3A_1163 = arith.constant 0 : i32
    %gather3A_1164 = arith.constant 0 : i32
    %gather3A_1165 = arith.constant 0 : i32
    %gather3A_1166 = arith.constant 0 : i32
    %gather3A_1167 = arith.constant 0 : i32
    %gather3A_1168 = tpu.memref_slice %arg6[%gather3A_1163, %gather3A_1164, %gather3A_1165, %gather3A_1166, %gather3A_1167] : memref<2x16x2x8x128xf32, #tpu.memory_space<vmem>> -> memref<1x16x2x8x128xf32, #tpu.memory_space<vmem>>
    %gather3A_1169 = tpu.memref_squeeze %gather3A_1168 : memref<1x16x2x8x128xf32, #tpu.memory_space<vmem>> -> memref<16x2x8x128xf32, #tpu.memory_space<vmem>>
    %gather3A_1170 = tpu.vector_load_idx %gather3A_1169[%iota3A, %broadcast_in_dim3A_1160, %broadcast_in_dim3A_1162, %and3A_710] : memref<16x2x8x128xf32, #tpu.memory_space<vmem>>[vector<16xi32>, vector<16xi32>, vector<16xi32>, vector<16xi32>], vector<16xf32>,
    %swap3A_1171 = arith.constant 8 : i32
    %swap3A_1172 = arith.index_cast %swap3A_1171 : i32 to index
    %swap3A_1173 = arith.index_cast %multiple_of3A_1033 : i32 to index
    %swap3A_1174 = tpu.vector_load %arg7[%swap3A_1172, %swap3A_1173] {strides = array<i32>} : memref<16x512xf32, #tpu.memory_space<vmem>>, vector<16xf32>,
    tpu.vector_store %arg7[%swap3A_1172, %swap3A_1173], %gather3A_1170 {strides = array<i32>} : memref<16x512xf32, #tpu.memory_space<vmem>>, vector<16xf32>,
    %broadcast_in_dim3A_1175 = arith.constant 1 : i32
    %broadcast_in_dim3A_1176 = vector.broadcast %broadcast_in_dim3A_1175 : i32 to vector<16xi32>
    %broadcast_in_dim3A_1177 = arith.constant 1 : i32
    %broadcast_in_dim3A_1178 = vector.broadcast %broadcast_in_dim3A_1177 : i32 to vector<16xi32>
    %gather3A_1179 = arith.constant 0 : i32
    %gather3A_1180 = arith.constant 0 : i32
    %gather3A_1181 = arith.constant 0 : i32
    %gather3A_1182 = arith.constant 0 : i32
    %gather3A_1183 = arith.constant 0 : i32
    %gather3A_1184 = tpu.memref_slice %arg6[%gather3A_1179, %gather3A_1180, %gather3A_1181, %gather3A_1182, %gather3A_1183] : memref<2x16x2x8x128xf32, #tpu.memory_space<vmem>> -> memref<1x16x2x8x128xf32, #tpu.memory_space<vmem>>
    %gather3A_1185 = tpu.memref_squeeze %gather3A_1184 : memref<1x16x2x8x128xf32, #tpu.memory_space<vmem>> -> memref<16x2x8x128xf32, #tpu.memory_space<vmem>>
    %gather3A_1186 = tpu.vector_load_idx %gather3A_1185[%iota3A, %broadcast_in_dim3A_1176, %broadcast_in_dim3A_1178, %and3A_710] : memref<16x2x8x128xf32, #tpu.memory_space<vmem>>[vector<16xi32>, vector<16xi32>, vector<16xi32>, vector<16xi32>], vector<16xf32>,
    %swap3A_1187 = arith.constant 9 : i32
    %swap3A_1188 = arith.index_cast %swap3A_1187 : i32 to index
    %swap3A_1189 = arith.index_cast %multiple_of3A_1033 : i32 to index
    %swap3A_1190 = tpu.vector_load %arg7[%swap3A_1188, %swap3A_1189] {strides = array<i32>} : memref<16x512xf32, #tpu.memory_space<vmem>>, vector<16xf32>,
    tpu.vector_store %arg7[%swap3A_1188, %swap3A_1189], %gather3A_1186 {strides = array<i32>} : memref<16x512xf32, #tpu.memory_space<vmem>>, vector<16xf32>,
    %broadcast_in_dim3A_1191 = arith.constant 1 : i32
    %broadcast_in_dim3A_1192 = vector.broadcast %broadcast_in_dim3A_1191 : i32 to vector<16xi32>
    %broadcast_in_dim3A_1193 = arith.constant 2 : i32
    %broadcast_in_dim3A_1194 = vector.broadcast %broadcast_in_dim3A_1193 : i32 to vector<16xi32>
    %gather3A_1195 = arith.constant 0 : i32
    %gather3A_1196 = arith.constant 0 : i32
    %gather3A_1197 = arith.constant 0 : i32
    %gather3A_1198 = arith.constant 0 : i32
    %gather3A_1199 = arith.constant 0 : i32
    %gather3A_1200 = tpu.memref_slice %arg6[%gather3A_1195, %gather3A_1196, %gather3A_1197, %gather3A_1198, %gather3A_1199] : memref<2x16x2x8x128xf32, #tpu.memory_space<vmem>> -> memref<1x16x2x8x128xf32, #tpu.memory_space<vmem>>
    %gather3A_1201 = tpu.memref_squeeze %gather3A_1200 : memref<1x16x2x8x128xf32, #tpu.memory_space<vmem>> -> memref<16x2x8x128xf32, #tpu.memory_space<vmem>>
    %gather3A_1202 = tpu.vector_load_idx %gather3A_1201[%iota3A, %broadcast_in_dim3A_1192, %broadcast_in_dim3A_1194, %and3A_710] : memref<16x2x8x128xf32, #tpu.memory_space<vmem>>[vector<16xi32>, vector<16xi32>, vector<16xi32>, vector<16xi32>], vector<16xf32>,
    %swap3A_1203 = arith.constant 10 : i32
    %swap3A_1204 = arith.index_cast %swap3A_1203 : i32 to index
    %swap3A_1205 = arith.index_cast %multiple_of3A_1033 : i32 to index
    %swap3A_1206 = tpu.vector_load %arg7[%swap3A_1204, %swap3A_1205] {strides = array<i32>} : memref<16x512xf32, #tpu.memory_space<vmem>>, vector<16xf32>,
    tpu.vector_store %arg7[%swap3A_1204, %swap3A_1205], %gather3A_1202 {strides = array<i32>} : memref<16x512xf32, #tpu.memory_space<vmem>>, vector<16xf32>,
    %broadcast_in_dim3A_1207 = arith.constant 1 : i32
    %broadcast_in_dim3A_1208 = vector.broadcast %broadcast_in_dim3A_1207 : i32 to vector<16xi32>
    %broadcast_in_dim3A_1209 = arith.constant 3 : i32
    %broadcast_in_dim3A_1210 = vector.broadcast %broadcast_in_dim3A_1209 : i32 to vector<16xi32>
    %gather3A_1211 = arith.constant 0 : i32
    %gather3A_1212 = arith.constant 0 : i32
    %gather3A_1213 = arith.constant 0 : i32
    %gather3A_1214 = arith.constant 0 : i32
    %gather3A_1215 = arith.constant 0 : i32
    %gather3A_1216 = tpu.memref_slice %arg6[%gather3A_1211, %gather3A_1212, %gather3A_1213, %gather3A_1214, %gather3A_1215] : memref<2x16x2x8x128xf32, #tpu.memory_space<vmem>> -> memref<1x16x2x8x128xf32, #tpu.memory_space<vmem>>
    %gather3A_1217 = tpu.memref_squeeze %gather3A_1216 : memref<1x16x2x8x128xf32, #tpu.memory_space<vmem>> -> memref<16x2x8x128xf32, #tpu.memory_space<vmem>>
    %gather3A_1218 = tpu.vector_load_idx %gather3A_1217[%iota3A, %broadcast_in_dim3A_1208, %broadcast_in_dim3A_1210, %and3A_710] : memref<16x2x8x128xf32, #tpu.memory_space<vmem>>[vector<16xi32>, vector<16xi32>, vector<16xi32>, vector<16xi32>], vector<16xf32>,
    %swap3A_1219 = arith.constant 11 : i32
    %swap3A_1220 = arith.index_cast %swap3A_1219 : i32 to index
    %swap3A_1221 = arith.index_cast %multiple_of3A_1033 : i32 to index
    %swap3A_1222 = tpu.vector_load %arg7[%swap3A_1220, %swap3A_1221] {strides = array<i32>} : memref<16x512xf32, #tpu.memory_space<vmem>>, vector<16xf32>,
    tpu.vector_store %arg7[%swap3A_1220, %swap3A_1221], %gather3A_1218 {strides = array<i32>} : memref<16x512xf32, #tpu.memory_space<vmem>>, vector<16xf32>,
    %broadcast_in_dim3A_1223 = arith.constant 1 : i32
    %broadcast_in_dim3A_1224 = vector.broadcast %broadcast_in_dim3A_1223 : i32 to vector<16xi32>
    %broadcast_in_dim3A_1225 = arith.constant 4 : i32
    %broadcast_in_dim3A_1226 = vector.broadcast %broadcast_in_dim3A_1225 : i32 to vector<16xi32>
    %gather3A_1227 = arith.constant 0 : i32
    %gather3A_1228 = arith.constant 0 : i32
    %gather3A_1229 = arith.constant 0 : i32
    %gather3A_1230 = arith.constant 0 : i32
    %gather3A_1231 = arith.constant 0 : i32
    %gather3A_1232 = tpu.memref_slice %arg6[%gather3A_1227, %gather3A_1228, %gather3A_1229, %gather3A_1230, %gather3A_1231] : memref<2x16x2x8x128xf32, #tpu.memory_space<vmem>> -> memref<1x16x2x8x128xf32, #tpu.memory_space<vmem>>
    %gather3A_1233 = tpu.memref_squeeze %gather3A_1232 : memref<1x16x2x8x128xf32, #tpu.memory_space<vmem>> -> memref<16x2x8x128xf32, #tpu.memory_space<vmem>>
    %gather3A_1234 = tpu.vector_load_idx %gather3A_1233[%iota3A, %broadcast_in_dim3A_1224, %broadcast_in_dim3A_1226, %and3A_710] : memref<16x2x8x128xf32, #tpu.memory_space<vmem>>[vector<16xi32>, vector<16xi32>, vector<16xi32>, vector<16xi32>], vector<16xf32>,
    %swap3A_1235 = arith.constant 12 : i32
    %swap3A_1236 = arith.index_cast %swap3A_1235 : i32 to index
    %swap3A_1237 = arith.index_cast %multiple_of3A_1033 : i32 to index
    %swap3A_1238 = tpu.vector_load %arg7[%swap3A_1236, %swap3A_1237] {strides = array<i32>} : memref<16x512xf32, #tpu.memory_space<vmem>>, vector<16xf32>,
    tpu.vector_store %arg7[%swap3A_1236, %swap3A_1237], %gather3A_1234 {strides = array<i32>} : memref<16x512xf32, #tpu.memory_space<vmem>>, vector<16xf32>,
    %broadcast_in_dim3A_1239 = arith.constant 1 : i32
    %broadcast_in_dim3A_1240 = vector.broadcast %broadcast_in_dim3A_1239 : i32 to vector<16xi32>
    %broadcast_in_dim3A_1241 = arith.constant 5 : i32
    %broadcast_in_dim3A_1242 = vector.broadcast %broadcast_in_dim3A_1241 : i32 to vector<16xi32>
    %gather3A_1243 = arith.constant 0 : i32
    %gather3A_1244 = arith.constant 0 : i32
    %gather3A_1245 = arith.constant 0 : i32
    %gather3A_1246 = arith.constant 0 : i32
    %gather3A_1247 = arith.constant 0 : i32
    %gather3A_1248 = tpu.memref_slice %arg6[%gather3A_1243, %gather3A_1244, %gather3A_1245, %gather3A_1246, %gather3A_1247] : memref<2x16x2x8x128xf32, #tpu.memory_space<vmem>> -> memref<1x16x2x8x128xf32, #tpu.memory_space<vmem>>
    %gather3A_1249 = tpu.memref_squeeze %gather3A_1248 : memref<1x16x2x8x128xf32, #tpu.memory_space<vmem>> -> memref<16x2x8x128xf32, #tpu.memory_space<vmem>>
    %gather3A_1250 = tpu.vector_load_idx %gather3A_1249[%iota3A, %broadcast_in_dim3A_1240, %broadcast_in_dim3A_1242, %and3A_710] : memref<16x2x8x128xf32, #tpu.memory_space<vmem>>[vector<16xi32>, vector<16xi32>, vector<16xi32>, vector<16xi32>], vector<16xf32>,
    %swap3A_1251 = arith.constant 13 : i32
    %swap3A_1252 = arith.index_cast %swap3A_1251 : i32 to index
    %swap3A_1253 = arith.index_cast %multiple_of3A_1033 : i32 to index
    %swap3A_1254 = tpu.vector_load %arg7[%swap3A_1252, %swap3A_1253] {strides = array<i32>} : memref<16x512xf32, #tpu.memory_space<vmem>>, vector<16xf32>,
    tpu.vector_store %arg7[%swap3A_1252, %swap3A_1253], %gather3A_1250 {strides = array<i32>} : memref<16x512xf32, #tpu.memory_space<vmem>>, vector<16xf32>,
    %broadcast_in_dim3A_1255 = arith.constant 1 : i32
    %broadcast_in_dim3A_1256 = vector.broadcast %broadcast_in_dim3A_1255 : i32 to vector<16xi32>
    %broadcast_in_dim3A_1257 = arith.constant 6 : i32
    %broadcast_in_dim3A_1258 = vector.broadcast %broadcast_in_dim3A_1257 : i32 to vector<16xi32>
    %gather3A_1259 = arith.constant 0 : i32
    %gather3A_1260 = arith.constant 0 : i32
    %gather3A_1261 = arith.constant 0 : i32
    %gather3A_1262 = arith.constant 0 : i32
    %gather3A_1263 = arith.constant 0 : i32
    %gather3A_1264 = tpu.memref_slice %arg6[%gather3A_1259, %gather3A_1260, %gather3A_1261, %gather3A_1262, %gather3A_1263] : memref<2x16x2x8x128xf32, #tpu.memory_space<vmem>> -> memref<1x16x2x8x128xf32, #tpu.memory_space<vmem>>
    %gather3A_1265 = tpu.memref_squeeze %gather3A_1264 : memref<1x16x2x8x128xf32, #tpu.memory_space<vmem>> -> memref<16x2x8x128xf32, #tpu.memory_space<vmem>>
    %gather3A_1266 = tpu.vector_load_idx %gather3A_1265[%iota3A, %broadcast_in_dim3A_1256, %broadcast_in_dim3A_1258, %and3A_710] : memref<16x2x8x128xf32, #tpu.memory_space<vmem>>[vector<16xi32>, vector<16xi32>, vector<16xi32>, vector<16xi32>], vector<16xf32>,
    %swap3A_1267 = arith.constant 14 : i32
    %swap3A_1268 = arith.index_cast %swap3A_1267 : i32 to index
    %swap3A_1269 = arith.index_cast %multiple_of3A_1033 : i32 to index
    %swap3A_1270 = tpu.vector_load %arg7[%swap3A_1268, %swap3A_1269] {strides = array<i32>} : memref<16x512xf32, #tpu.memory_space<vmem>>, vector<16xf32>,
    tpu.vector_store %arg7[%swap3A_1268, %swap3A_1269], %gather3A_1266 {strides = array<i32>} : memref<16x512xf32, #tpu.memory_space<vmem>>, vector<16xf32>,
    %broadcast_in_dim3A_1271 = arith.constant 1 : i32
    %broadcast_in_dim3A_1272 = vector.broadcast %broadcast_in_dim3A_1271 : i32 to vector<16xi32>
    %broadcast_in_dim3A_1273 = arith.constant 7 : i32
    %broadcast_in_dim3A_1274 = vector.broadcast %broadcast_in_dim3A_1273 : i32 to vector<16xi32>
    %gather3A_1275 = arith.constant 0 : i32
    %gather3A_1276 = arith.constant 0 : i32
    %gather3A_1277 = arith.constant 0 : i32
    %gather3A_1278 = arith.constant 0 : i32
    %gather3A_1279 = arith.constant 0 : i32
    %gather3A_1280 = tpu.memref_slice %arg6[%gather3A_1275, %gather3A_1276, %gather3A_1277, %gather3A_1278, %gather3A_1279] : memref<2x16x2x8x128xf32, #tpu.memory_space<vmem>> -> memref<1x16x2x8x128xf32, #tpu.memory_space<vmem>>
    %gather3A_1281 = tpu.memref_squeeze %gather3A_1280 : memref<1x16x2x8x128xf32, #tpu.memory_space<vmem>> -> memref<16x2x8x128xf32, #tpu.memory_space<vmem>>
    %gather3A_1282 = tpu.vector_load_idx %gather3A_1281[%iota3A, %broadcast_in_dim3A_1272, %broadcast_in_dim3A_1274, %and3A_710] : memref<16x2x8x128xf32, #tpu.memory_space<vmem>>[vector<16xi32>, vector<16xi32>, vector<16xi32>, vector<16xi32>], vector<16xf32>,
    %swap3A_1283 = arith.constant 15 : i32
    %swap3A_1284 = arith.index_cast %swap3A_1283 : i32 to index
    %swap3A_1285 = arith.index_cast %multiple_of3A_1033 : i32 to index
    %swap3A_1286 = tpu.vector_load %arg7[%swap3A_1284, %swap3A_1285] {strides = array<i32>} : memref<16x512xf32, #tpu.memory_space<vmem>>, vector<16xf32>,
    tpu.vector_store %arg7[%swap3A_1284, %swap3A_1285], %gather3A_1282 {strides = array<i32>} : memref<16x512xf32, #tpu.memory_space<vmem>>, vector<16xf32>,
    %mul3A_1287 = arith.constant 31 : i32
    %mul3A_1288 = arith.constant 16 : i32
    %mul3A_1289 = arith.muli %mul3A_1287, %mul3A_1288 : i32
    %multiple_of3A_1290 = tpu.assume_multiple %mul3A_1289, 16 : i32
    %get3A_1291 = arith.index_cast %multiple_of3A_1290 : i32 to index
    %get3A_1292 = tpu.vector_load %arg5[%get3A_1291] {strides = array<i32>} : memref<512xi32, #tpu.memory_space<vmem>>, vector<16xi32>,
    %and3A_1293 = arith.constant 127 : i32
    %and3A_1294 = vector.broadcast %and3A_1293 : i32 to vector<16xi32>
    %and3A_1295 = arith.andi %get3A_1292, %and3A_1294 : vector<16xi32>
    %dma_wait3A_1296 = arith.constant 1 : i32
    %dma_wait3A_1297 = arith.constant 0 : i32
    %dma_wait3A_1298 = arith.constant 0 : i32
    %dma_wait3A_1299 = arith.constant 0 : i32
    %dma_wait3A_1300 = arith.constant 0 : i32
    %dma_wait3A_1301 = tpu.memref_slice %arg6[%dma_wait3A_1296, %dma_wait3A_1297, %dma_wait3A_1298, %dma_wait3A_1299, %dma_wait3A_1300] : memref<2x16x2x8x128xf32, #tpu.memory_space<vmem>> -> memref<1x1x2x8x128xf32, #tpu.memory_space<vmem>>
    %dma_wait3A_1302 = tpu.memref_squeeze %dma_wait3A_1301 : memref<1x1x2x8x128xf32, #tpu.memory_space<vmem>> -> memref<2x8x128xf32, #tpu.memory_space<vmem>>
    %dma_wait3A_1303 = arith.constant 0 : i32
    %dma_wait3A_1304 = arith.constant 0 : i32
    %dma_wait3A_1305 = arith.constant 0 : i32
    %dma_wait3A_1306 = tpu.memref_slice %arg2[%dma_wait3A_1303, %dma_wait3A_1304, %dma_wait3A_1305] : memref<2x8x1000000xf32, #tpu.memory_space<hbm>> -> memref<2x8x128xf32, #tpu.memory_space<hbm>>
    %dma_wait3A_1307 = arith.constant 0 : i32
    %dma_wait3A_1308 = arith.constant 0 : i32
    %dma_wait3A_1309 = arith.constant 0 : i32
    %dma_wait3A_1310 = tpu.memref_slice %arg6[%dma_wait3A_1296, %dma_wait3A_1297, %dma_wait3A_1307, %dma_wait3A_1308, %dma_wait3A_1309] : memref<2x16x2x8x128xf32, #tpu.memory_space<vmem>> -> memref<1x1x2x8x128xf32, #tpu.memory_space<vmem>>
    %dma_wait3A_1311 = tpu.memref_squeeze %dma_wait3A_1310 : memref<1x1x2x8x128xf32, #tpu.memory_space<vmem>> -> memref<2x8x128xf32, #tpu.memory_space<vmem>>
    %dma_wait3A_1312 = arith.constant 0 : i32
    %dma_wait3A_1313 = arith.constant 0 : i32
    %dma_wait3A_1314 = arith.constant 0 : i32
    %dma_wait3A_1315 = tpu.memref_slice %arg2[%dma_wait3A_1312, %dma_wait3A_1313, %dma_wait3A_1314] : memref<2x8x1000000xf32, #tpu.memory_space<hbm>> -> memref<2x8x128xf32, #tpu.memory_space<hbm>>
    tpu.wait_dma2 semaphore(%arg9 : memref<!tpu.dma_semaphore, #tpu.memory_space<semaphore_mem>>) src(%dma_wait3A_1315 : memref<2x8x128xf32, #tpu.memory_space<hbm>>) dst(%dma_wait3A_1311 : memref<2x8x128xf32, #tpu.memory_space<vmem>>)
    %dma_wait3A_1316 = arith.constant 1 : i32
    %dma_wait3A_1317 = arith.constant 1 : i32
    %dma_wait3A_1318 = arith.constant 0 : i32
    %dma_wait3A_1319 = arith.constant 0 : i32
    %dma_wait3A_1320 = arith.constant 0 : i32
    %dma_wait3A_1321 = tpu.memref_slice %arg6[%dma_wait3A_1316, %dma_wait3A_1317, %dma_wait3A_1318, %dma_wait3A_1319, %dma_wait3A_1320] : memref<2x16x2x8x128xf32, #tpu.memory_space<vmem>> -> memref<1x1x2x8x128xf32, #tpu.memory_space<vmem>>
    %dma_wait3A_1322 = tpu.memref_squeeze %dma_wait3A_1321 : memref<1x1x2x8x128xf32, #tpu.memory_space<vmem>> -> memref<2x8x128xf32, #tpu.memory_space<vmem>>
    %dma_wait3A_1323 = arith.constant 0 : i32
    %dma_wait3A_1324 = arith.constant 0 : i32
    %dma_wait3A_1325 = arith.constant 0 : i32
    %dma_wait3A_1326 = tpu.memref_slice %arg2[%dma_wait3A_1323, %dma_wait3A_1324, %dma_wait3A_1325] : memref<2x8x1000000xf32, #tpu.memory_space<hbm>> -> memref<2x8x128xf32, #tpu.memory_space<hbm>>
    %dma_wait3A_1327 = arith.constant 0 : i32
    %dma_wait3A_1328 = arith.constant 0 : i32
    %dma_wait3A_1329 = arith.constant 0 : i32
    %dma_wait3A_1330 = tpu.memref_slice %arg6[%dma_wait3A_1316, %dma_wait3A_1317, %dma_wait3A_1327, %dma_wait3A_1328, %dma_wait3A_1329] : memref<2x16x2x8x128xf32, #tpu.memory_space<vmem>> -> memref<1x1x2x8x128xf32, #tpu.memory_space<vmem>>
    %dma_wait3A_1331 = tpu.memref_squeeze %dma_wait3A_1330 : memref<1x1x2x8x128xf32, #tpu.memory_space<vmem>> -> memref<2x8x128xf32, #tpu.memory_space<vmem>>
    %dma_wait3A_1332 = arith.constant 0 : i32
    %dma_wait3A_1333 = arith.constant 0 : i32
    %dma_wait3A_1334 = arith.constant 0 : i32
    %dma_wait3A_1335 = tpu.memref_slice %arg2[%dma_wait3A_1332, %dma_wait3A_1333, %dma_wait3A_1334] : memref<2x8x1000000xf32, #tpu.memory_space<hbm>> -> memref<2x8x128xf32, #tpu.memory_space<hbm>>
    tpu.wait_dma2 semaphore(%arg9 : memref<!tpu.dma_semaphore, #tpu.memory_space<semaphore_mem>>) src(%dma_wait3A_1335 : memref<2x8x128xf32, #tpu.memory_space<hbm>>) dst(%dma_wait3A_1331 : memref<2x8x128xf32, #tpu.memory_space<vmem>>)
    %dma_wait3A_1336 = arith.constant 1 : i32
    %dma_wait3A_1337 = arith.constant 2 : i32
    %dma_wait3A_1338 = arith.constant 0 : i32
    %dma_wait3A_1339 = arith.constant 0 : i32
    %dma_wait3A_1340 = arith.constant 0 : i32
    %dma_wait3A_1341 = tpu.memref_slice %arg6[%dma_wait3A_1336, %dma_wait3A_1337, %dma_wait3A_1338, %dma_wait3A_1339, %dma_wait3A_1340] : memref<2x16x2x8x128xf32, #tpu.memory_space<vmem>> -> memref<1x1x2x8x128xf32, #tpu.memory_space<vmem>>
    %dma_wait3A_1342 = tpu.memref_squeeze %dma_wait3A_1341 : memref<1x1x2x8x128xf32, #tpu.memory_space<vmem>> -> memref<2x8x128xf32, #tpu.memory_space<vmem>>
    %dma_wait3A_1343 = arith.constant 0 : i32
    %dma_wait3A_1344 = arith.constant 0 : i32
    %dma_wait3A_1345 = arith.constant 0 : i32
    %dma_wait3A_1346 = tpu.memref_slice %arg2[%dma_wait3A_1343, %dma_wait3A_1344, %dma_wait3A_1345] : memref<2x8x1000000xf32, #tpu.memory_space<hbm>> -> memref<2x8x128xf32, #tpu.memory_space<hbm>>
    %dma_wait3A_1347 = arith.constant 0 : i32
    %dma_wait3A_1348 = arith.constant 0 : i32
    %dma_wait3A_1349 = arith.constant 0 : i32
    %dma_wait3A_1350 = tpu.memref_slice %arg6[%dma_wait3A_1336, %dma_wait3A_1337, %dma_wait3A_1347, %dma_wait3A_1348, %dma_wait3A_1349] : memref<2x16x2x8x128xf32, #tpu.memory_space<vmem>> -> memref<1x1x2x8x128xf32, #tpu.memory_space<vmem>>
    %dma_wait3A_1351 = tpu.memref_squeeze %dma_wait3A_1350 : memref<1x1x2x8x128xf32, #tpu.memory_space<vmem>> -> memref<2x8x128xf32, #tpu.memory_space<vmem>>
    %dma_wait3A_1352 = arith.constant 0 : i32
    %dma_wait3A_1353 = arith.constant 0 : i32
    %dma_wait3A_1354 = arith.constant 0 : i32
    %dma_wait3A_1355 = tpu.memref_slice %arg2[%dma_wait3A_1352, %dma_wait3A_1353, %dma_wait3A_1354] : memref<2x8x1000000xf32, #tpu.memory_space<hbm>> -> memref<2x8x128xf32, #tpu.memory_space<hbm>>
    tpu.wait_dma2 semaphore(%arg9 : memref<!tpu.dma_semaphore, #tpu.memory_space<semaphore_mem>>) src(%dma_wait3A_1355 : memref<2x8x128xf32, #tpu.memory_space<hbm>>) dst(%dma_wait3A_1351 : memref<2x8x128xf32, #tpu.memory_space<vmem>>)
    %dma_wait3A_1356 = arith.constant 1 : i32
    %dma_wait3A_1357 = arith.constant 3 : i32
    %dma_wait3A_1358 = arith.constant 0 : i32
    %dma_wait3A_1359 = arith.constant 0 : i32
    %dma_wait3A_1360 = arith.constant 0 : i32
    %dma_wait3A_1361 = tpu.memref_slice %arg6[%dma_wait3A_1356, %dma_wait3A_1357, %dma_wait3A_1358, %dma_wait3A_1359, %dma_wait3A_1360] : memref<2x16x2x8x128xf32, #tpu.memory_space<vmem>> -> memref<1x1x2x8x128xf32, #tpu.memory_space<vmem>>
    %dma_wait3A_1362 = tpu.memref_squeeze %dma_wait3A_1361 : memref<1x1x2x8x128xf32, #tpu.memory_space<vmem>> -> memref<2x8x128xf32, #tpu.memory_space<vmem>>
    %dma_wait3A_1363 = arith.constant 0 : i32
    %dma_wait3A_1364 = arith.constant 0 : i32
    %dma_wait3A_1365 = arith.constant 0 : i32
    %dma_wait3A_1366 = tpu.memref_slice %arg2[%dma_wait3A_1363, %dma_wait3A_1364, %dma_wait3A_1365] : memref<2x8x1000000xf32, #tpu.memory_space<hbm>> -> memref<2x8x128xf32, #tpu.memory_space<hbm>>
    %dma_wait3A_1367 = arith.constant 0 : i32
    %dma_wait3A_1368 = arith.constant 0 : i32
    %dma_wait3A_1369 = arith.constant 0 : i32
    %dma_wait3A_1370 = tpu.memref_slice %arg6[%dma_wait3A_1356, %dma_wait3A_1357, %dma_wait3A_1367, %dma_wait3A_1368, %dma_wait3A_1369] : memref<2x16x2x8x128xf32, #tpu.memory_space<vmem>> -> memref<1x1x2x8x128xf32, #tpu.memory_space<vmem>>
    %dma_wait3A_1371 = tpu.memref_squeeze %dma_wait3A_1370 : memref<1x1x2x8x128xf32, #tpu.memory_space<vmem>> -> memref<2x8x128xf32, #tpu.memory_space<vmem>>
    %dma_wait3A_1372 = arith.constant 0 : i32
    %dma_wait3A_1373 = arith.constant 0 : i32
    %dma_wait3A_1374 = arith.constant 0 : i32
    %dma_wait3A_1375 = tpu.memref_slice %arg2[%dma_wait3A_1372, %dma_wait3A_1373, %dma_wait3A_1374] : memref<2x8x1000000xf32, #tpu.memory_space<hbm>> -> memref<2x8x128xf32, #tpu.memory_space<hbm>>
    tpu.wait_dma2 semaphore(%arg9 : memref<!tpu.dma_semaphore, #tpu.memory_space<semaphore_mem>>) src(%dma_wait3A_1375 : memref<2x8x128xf32, #tpu.memory_space<hbm>>) dst(%dma_wait3A_1371 : memref<2x8x128xf32, #tpu.memory_space<vmem>>)
    %dma_wait3A_1376 = arith.constant 1 : i32
    %dma_wait3A_1377 = arith.constant 4 : i32
    %dma_wait3A_1378 = arith.constant 0 : i32
    %dma_wait3A_1379 = arith.constant 0 : i32
    %dma_wait3A_1380 = arith.constant 0 : i32
    %dma_wait3A_1381 = tpu.memref_slice %arg6[%dma_wait3A_1376, %dma_wait3A_1377, %dma_wait3A_1378, %dma_wait3A_1379, %dma_wait3A_1380] : memref<2x16x2x8x128xf32, #tpu.memory_space<vmem>> -> memref<1x1x2x8x128xf32, #tpu.memory_space<vmem>>
    %dma_wait3A_1382 = tpu.memref_squeeze %dma_wait3A_1381 : memref<1x1x2x8x128xf32, #tpu.memory_space<vmem>> -> memref<2x8x128xf32, #tpu.memory_space<vmem>>
    %dma_wait3A_1383 = arith.constant 0 : i32
    %dma_wait3A_1384 = arith.constant 0 : i32
    %dma_wait3A_1385 = arith.constant 0 : i32
    %dma_wait3A_1386 = tpu.memref_slice %arg2[%dma_wait3A_1383, %dma_wait3A_1384, %dma_wait3A_1385] : memref<2x8x1000000xf32, #tpu.memory_space<hbm>> -> memref<2x8x128xf32, #tpu.memory_space<hbm>>
    %dma_wait3A_1387 = arith.constant 0 : i32
    %dma_wait3A_1388 = arith.constant 0 : i32
    %dma_wait3A_1389 = arith.constant 0 : i32
    %dma_wait3A_1390 = tpu.memref_slice %arg6[%dma_wait3A_1376, %dma_wait3A_1377, %dma_wait3A_1387, %dma_wait3A_1388, %dma_wait3A_1389] : memref<2x16x2x8x128xf32, #tpu.memory_space<vmem>> -> memref<1x1x2x8x128xf32, #tpu.memory_space<vmem>>
    %dma_wait3A_1391 = tpu.memref_squeeze %dma_wait3A_1390 : memref<1x1x2x8x128xf32, #tpu.memory_space<vmem>> -> memref<2x8x128xf32, #tpu.memory_space<vmem>>
    %dma_wait3A_1392 = arith.constant 0 : i32
    %dma_wait3A_1393 = arith.constant 0 : i32
    %dma_wait3A_1394 = arith.constant 0 : i32
    %dma_wait3A_1395 = tpu.memref_slice %arg2[%dma_wait3A_1392, %dma_wait3A_1393, %dma_wait3A_1394] : memref<2x8x1000000xf32, #tpu.memory_space<hbm>> -> memref<2x8x128xf32, #tpu.memory_space<hbm>>
    tpu.wait_dma2 semaphore(%arg9 : memref<!tpu.dma_semaphore, #tpu.memory_space<semaphore_mem>>) src(%dma_wait3A_1395 : memref<2x8x128xf32, #tpu.memory_space<hbm>>) dst(%dma_wait3A_1391 : memref<2x8x128xf32, #tpu.memory_space<vmem>>)
    %dma_wait3A_1396 = arith.constant 1 : i32
    %dma_wait3A_1397 = arith.constant 5 : i32
    %dma_wait3A_1398 = arith.constant 0 : i32
    %dma_wait3A_1399 = arith.constant 0 : i32
    %dma_wait3A_1400 = arith.constant 0 : i32
    %dma_wait3A_1401 = tpu.memref_slice %arg6[%dma_wait3A_1396, %dma_wait3A_1397, %dma_wait3A_1398, %dma_wait3A_1399, %dma_wait3A_1400] : memref<2x16x2x8x128xf32, #tpu.memory_space<vmem>> -> memref<1x1x2x8x128xf32, #tpu.memory_space<vmem>>
    %dma_wait3A_1402 = tpu.memref_squeeze %dma_wait3A_1401 : memref<1x1x2x8x128xf32, #tpu.memory_space<vmem>> -> memref<2x8x128xf32, #tpu.memory_space<vmem>>
    %dma_wait3A_1403 = arith.constant 0 : i32
    %dma_wait3A_1404 = arith.constant 0 : i32
    %dma_wait3A_1405 = arith.constant 0 : i32
    %dma_wait3A_1406 = tpu.memref_slice %arg2[%dma_wait3A_1403, %dma_wait3A_1404, %dma_wait3A_1405] : memref<2x8x1000000xf32, #tpu.memory_space<hbm>> -> memref<2x8x128xf32, #tpu.memory_space<hbm>>
    %dma_wait3A_1407 = arith.constant 0 : i32
    %dma_wait3A_1408 = arith.constant 0 : i32
    %dma_wait3A_1409 = arith.constant 0 : i32
    %dma_wait3A_1410 = tpu.memref_slice %arg6[%dma_wait3A_1396, %dma_wait3A_1397, %dma_wait3A_1407, %dma_wait3A_1408, %dma_wait3A_1409] : memref<2x16x2x8x128xf32, #tpu.memory_space<vmem>> -> memref<1x1x2x8x128xf32, #tpu.memory_space<vmem>>
    %dma_wait3A_1411 = tpu.memref_squeeze %dma_wait3A_1410 : memref<1x1x2x8x128xf32, #tpu.memory_space<vmem>> -> memref<2x8x128xf32, #tpu.memory_space<vmem>>
    %dma_wait3A_1412 = arith.constant 0 : i32
    %dma_wait3A_1413 = arith.constant 0 : i32
    %dma_wait3A_1414 = arith.constant 0 : i32
    %dma_wait3A_1415 = tpu.memref_slice %arg2[%dma_wait3A_1412, %dma_wait3A_1413, %dma_wait3A_1414] : memref<2x8x1000000xf32, #tpu.memory_space<hbm>> -> memref<2x8x128xf32, #tpu.memory_space<hbm>>
    tpu.wait_dma2 semaphore(%arg9 : memref<!tpu.dma_semaphore, #tpu.memory_space<semaphore_mem>>) src(%dma_wait3A_1415 : memref<2x8x128xf32, #tpu.memory_space<hbm>>) dst(%dma_wait3A_1411 : memref<2x8x128xf32, #tpu.memory_space<vmem>>)
    %dma_wait3A_1416 = arith.constant 1 : i32
    %dma_wait3A_1417 = arith.constant 6 : i32
    %dma_wait3A_1418 = arith.constant 0 : i32
    %dma_wait3A_1419 = arith.constant 0 : i32
    %dma_wait3A_1420 = arith.constant 0 : i32
    %dma_wait3A_1421 = tpu.memref_slice %arg6[%dma_wait3A_1416, %dma_wait3A_1417, %dma_wait3A_1418, %dma_wait3A_1419, %dma_wait3A_1420] : memref<2x16x2x8x128xf32, #tpu.memory_space<vmem>> -> memref<1x1x2x8x128xf32, #tpu.memory_space<vmem>>
    %dma_wait3A_1422 = tpu.memref_squeeze %dma_wait3A_1421 : memref<1x1x2x8x128xf32, #tpu.memory_space<vmem>> -> memref<2x8x128xf32, #tpu.memory_space<vmem>>
    %dma_wait3A_1423 = arith.constant 0 : i32
    %dma_wait3A_1424 = arith.constant 0 : i32
    %dma_wait3A_1425 = arith.constant 0 : i32
    %dma_wait3A_1426 = tpu.memref_slice %arg2[%dma_wait3A_1423, %dma_wait3A_1424, %dma_wait3A_1425] : memref<2x8x1000000xf32, #tpu.memory_space<hbm>> -> memref<2x8x128xf32, #tpu.memory_space<hbm>>
    %dma_wait3A_1427 = arith.constant 0 : i32
    %dma_wait3A_1428 = arith.constant 0 : i32
    %dma_wait3A_1429 = arith.constant 0 : i32
    %dma_wait3A_1430 = tpu.memref_slice %arg6[%dma_wait3A_1416, %dma_wait3A_1417, %dma_wait3A_1427, %dma_wait3A_1428, %dma_wait3A_1429] : memref<2x16x2x8x128xf32, #tpu.memory_space<vmem>> -> memref<1x1x2x8x128xf32, #tpu.memory_space<vmem>>
    %dma_wait3A_1431 = tpu.memref_squeeze %dma_wait3A_1430 : memref<1x1x2x8x128xf32, #tpu.memory_space<vmem>> -> memref<2x8x128xf32, #tpu.memory_space<vmem>>
    %dma_wait3A_1432 = arith.constant 0 : i32
    %dma_wait3A_1433 = arith.constant 0 : i32
    %dma_wait3A_1434 = arith.constant 0 : i32
    %dma_wait3A_1435 = tpu.memref_slice %arg2[%dma_wait3A_1432, %dma_wait3A_1433, %dma_wait3A_1434] : memref<2x8x1000000xf32, #tpu.memory_space<hbm>> -> memref<2x8x128xf32, #tpu.memory_space<hbm>>
    tpu.wait_dma2 semaphore(%arg9 : memref<!tpu.dma_semaphore, #tpu.memory_space<semaphore_mem>>) src(%dma_wait3A_1435 : memref<2x8x128xf32, #tpu.memory_space<hbm>>) dst(%dma_wait3A_1431 : memref<2x8x128xf32, #tpu.memory_space<vmem>>)
    %dma_wait3A_1436 = arith.constant 1 : i32
    %dma_wait3A_1437 = arith.constant 7 : i32
    %dma_wait3A_1438 = arith.constant 0 : i32
    %dma_wait3A_1439 = arith.constant 0 : i32
    %dma_wait3A_1440 = arith.constant 0 : i32
    %dma_wait3A_1441 = tpu.memref_slice %arg6[%dma_wait3A_1436, %dma_wait3A_1437, %dma_wait3A_1438, %dma_wait3A_1439, %dma_wait3A_1440] : memref<2x16x2x8x128xf32, #tpu.memory_space<vmem>> -> memref<1x1x2x8x128xf32, #tpu.memory_space<vmem>>
    %dma_wait3A_1442 = tpu.memref_squeeze %dma_wait3A_1441 : memref<1x1x2x8x128xf32, #tpu.memory_space<vmem>> -> memref<2x8x128xf32, #tpu.memory_space<vmem>>
    %dma_wait3A_1443 = arith.constant 0 : i32
    %dma_wait3A_1444 = arith.constant 0 : i32
    %dma_wait3A_1445 = arith.constant 0 : i32
    %dma_wait3A_1446 = tpu.memref_slice %arg2[%dma_wait3A_1443, %dma_wait3A_1444, %dma_wait3A_1445] : memref<2x8x1000000xf32, #tpu.memory_space<hbm>> -> memref<2x8x128xf32, #tpu.memory_space<hbm>>
    %dma_wait3A_1447 = arith.constant 0 : i32
    %dma_wait3A_1448 = arith.constant 0 : i32
    %dma_wait3A_1449 = arith.constant 0 : i32
    %dma_wait3A_1450 = tpu.memref_slice %arg6[%dma_wait3A_1436, %dma_wait3A_1437, %dma_wait3A_1447, %dma_wait3A_1448, %dma_wait3A_1449] : memref<2x16x2x8x128xf32, #tpu.memory_space<vmem>> -> memref<1x1x2x8x128xf32, #tpu.memory_space<vmem>>
    %dma_wait3A_1451 = tpu.memref_squeeze %dma_wait3A_1450 : memref<1x1x2x8x128xf32, #tpu.memory_space<vmem>> -> memref<2x8x128xf32, #tpu.memory_space<vmem>>
    %dma_wait3A_1452 = arith.constant 0 : i32
    %dma_wait3A_1453 = arith.constant 0 : i32
    %dma_wait3A_1454 = arith.constant 0 : i32
    %dma_wait3A_1455 = tpu.memref_slice %arg2[%dma_wait3A_1452, %dma_wait3A_1453, %dma_wait3A_1454] : memref<2x8x1000000xf32, #tpu.memory_space<hbm>> -> memref<2x8x128xf32, #tpu.memory_space<hbm>>
    tpu.wait_dma2 semaphore(%arg9 : memref<!tpu.dma_semaphore, #tpu.memory_space<semaphore_mem>>) src(%dma_wait3A_1455 : memref<2x8x128xf32, #tpu.memory_space<hbm>>) dst(%dma_wait3A_1451 : memref<2x8x128xf32, #tpu.memory_space<vmem>>)
    %dma_wait3A_1456 = arith.constant 1 : i32
    %dma_wait3A_1457 = arith.constant 8 : i32
    %dma_wait3A_1458 = arith.constant 0 : i32
    %dma_wait3A_1459 = arith.constant 0 : i32
    %dma_wait3A_1460 = arith.constant 0 : i32
    %dma_wait3A_1461 = tpu.memref_slice %arg6[%dma_wait3A_1456, %dma_wait3A_1457, %dma_wait3A_1458, %dma_wait3A_1459, %dma_wait3A_1460] : memref<2x16x2x8x128xf32, #tpu.memory_space<vmem>> -> memref<1x1x2x8x128xf32, #tpu.memory_space<vmem>>
    %dma_wait3A_1462 = tpu.memref_squeeze %dma_wait3A_1461 : memref<1x1x2x8x128xf32, #tpu.memory_space<vmem>> -> memref<2x8x128xf32, #tpu.memory_space<vmem>>
    %dma_wait3A_1463 = arith.constant 0 : i32
    %dma_wait3A_1464 = arith.constant 0 : i32
    %dma_wait3A_1465 = arith.constant 0 : i32
    %dma_wait3A_1466 = tpu.memref_slice %arg2[%dma_wait3A_1463, %dma_wait3A_1464, %dma_wait3A_1465] : memref<2x8x1000000xf32, #tpu.memory_space<hbm>> -> memref<2x8x128xf32, #tpu.memory_space<hbm>>
    %dma_wait3A_1467 = arith.constant 0 : i32
    %dma_wait3A_1468 = arith.constant 0 : i32
    %dma_wait3A_1469 = arith.constant 0 : i32
    %dma_wait3A_1470 = tpu.memref_slice %arg6[%dma_wait3A_1456, %dma_wait3A_1457, %dma_wait3A_1467, %dma_wait3A_1468, %dma_wait3A_1469] : memref<2x16x2x8x128xf32, #tpu.memory_space<vmem>> -> memref<1x1x2x8x128xf32, #tpu.memory_space<vmem>>
    %dma_wait3A_1471 = tpu.memref_squeeze %dma_wait3A_1470 : memref<1x1x2x8x128xf32, #tpu.memory_space<vmem>> -> memref<2x8x128xf32, #tpu.memory_space<vmem>>
    %dma_wait3A_1472 = arith.constant 0 : i32
    %dma_wait3A_1473 = arith.constant 0 : i32
    %dma_wait3A_1474 = arith.constant 0 : i32
    %dma_wait3A_1475 = tpu.memref_slice %arg2[%dma_wait3A_1472, %dma_wait3A_1473, %dma_wait3A_1474] : memref<2x8x1000000xf32, #tpu.memory_space<hbm>> -> memref<2x8x128xf32, #tpu.memory_space<hbm>>
    tpu.wait_dma2 semaphore(%arg9 : memref<!tpu.dma_semaphore, #tpu.memory_space<semaphore_mem>>) src(%dma_wait3A_1475 : memref<2x8x128xf32, #tpu.memory_space<hbm>>) dst(%dma_wait3A_1471 : memref<2x8x128xf32, #tpu.memory_space<vmem>>)
    %dma_wait3A_1476 = arith.constant 1 : i32
    %dma_wait3A_1477 = arith.constant 9 : i32
    %dma_wait3A_1478 = arith.constant 0 : i32
    %dma_wait3A_1479 = arith.constant 0 : i32
    %dma_wait3A_1480 = arith.constant 0 : i32
    %dma_wait3A_1481 = tpu.memref_slice %arg6[%dma_wait3A_1476, %dma_wait3A_1477, %dma_wait3A_1478, %dma_wait3A_1479, %dma_wait3A_1480] : memref<2x16x2x8x128xf32, #tpu.memory_space<vmem>> -> memref<1x1x2x8x128xf32, #tpu.memory_space<vmem>>
    %dma_wait3A_1482 = tpu.memref_squeeze %dma_wait3A_1481 : memref<1x1x2x8x128xf32, #tpu.memory_space<vmem>> -> memref<2x8x128xf32, #tpu.memory_space<vmem>>
    %dma_wait3A_1483 = arith.constant 0 : i32
    %dma_wait3A_1484 = arith.constant 0 : i32
    %dma_wait3A_1485 = arith.constant 0 : i32
    %dma_wait3A_1486 = tpu.memref_slice %arg2[%dma_wait3A_1483, %dma_wait3A_1484, %dma_wait3A_1485] : memref<2x8x1000000xf32, #tpu.memory_space<hbm>> -> memref<2x8x128xf32, #tpu.memory_space<hbm>>
    %dma_wait3A_1487 = arith.constant 0 : i32
    %dma_wait3A_1488 = arith.constant 0 : i32
    %dma_wait3A_1489 = arith.constant 0 : i32
    %dma_wait3A_1490 = tpu.memref_slice %arg6[%dma_wait3A_1476, %dma_wait3A_1477, %dma_wait3A_1487, %dma_wait3A_1488, %dma_wait3A_1489] : memref<2x16x2x8x128xf32, #tpu.memory_space<vmem>> -> memref<1x1x2x8x128xf32, #tpu.memory_space<vmem>>
    %dma_wait3A_1491 = tpu.memref_squeeze %dma_wait3A_1490 : memref<1x1x2x8x128xf32, #tpu.memory_space<vmem>> -> memref<2x8x128xf32, #tpu.memory_space<vmem>>
    %dma_wait3A_1492 = arith.constant 0 : i32
    %dma_wait3A_1493 = arith.constant 0 : i32
    %dma_wait3A_1494 = arith.constant 0 : i32
    %dma_wait3A_1495 = tpu.memref_slice %arg2[%dma_wait3A_1492, %dma_wait3A_1493, %dma_wait3A_1494] : memref<2x8x1000000xf32, #tpu.memory_space<hbm>> -> memref<2x8x128xf32, #tpu.memory_space<hbm>>
    tpu.wait_dma2 semaphore(%arg9 : memref<!tpu.dma_semaphore, #tpu.memory_space<semaphore_mem>>) src(%dma_wait3A_1495 : memref<2x8x128xf32, #tpu.memory_space<hbm>>) dst(%dma_wait3A_1491 : memref<2x8x128xf32, #tpu.memory_space<vmem>>)
    %dma_wait3A_1496 = arith.constant 1 : i32
    %dma_wait3A_1497 = arith.constant 10 : i32
    %dma_wait3A_1498 = arith.constant 0 : i32
    %dma_wait3A_1499 = arith.constant 0 : i32
    %dma_wait3A_1500 = arith.constant 0 : i32
    %dma_wait3A_1501 = tpu.memref_slice %arg6[%dma_wait3A_1496, %dma_wait3A_1497, %dma_wait3A_1498, %dma_wait3A_1499, %dma_wait3A_1500] : memref<2x16x2x8x128xf32, #tpu.memory_space<vmem>> -> memref<1x1x2x8x128xf32, #tpu.memory_space<vmem>>
    %dma_wait3A_1502 = tpu.memref_squeeze %dma_wait3A_1501 : memref<1x1x2x8x128xf32, #tpu.memory_space<vmem>> -> memref<2x8x128xf32, #tpu.memory_space<vmem>>
    %dma_wait3A_1503 = arith.constant 0 : i32
    %dma_wait3A_1504 = arith.constant 0 : i32
    %dma_wait3A_1505 = arith.constant 0 : i32
    %dma_wait3A_1506 = tpu.memref_slice %arg2[%dma_wait3A_1503, %dma_wait3A_1504, %dma_wait3A_1505] : memref<2x8x1000000xf32, #tpu.memory_space<hbm>> -> memref<2x8x128xf32, #tpu.memory_space<hbm>>
    %dma_wait3A_1507 = arith.constant 0 : i32
    %dma_wait3A_1508 = arith.constant 0 : i32
    %dma_wait3A_1509 = arith.constant 0 : i32
    %dma_wait3A_1510 = tpu.memref_slice %arg6[%dma_wait3A_1496, %dma_wait3A_1497, %dma_wait3A_1507, %dma_wait3A_1508, %dma_wait3A_1509] : memref<2x16x2x8x128xf32, #tpu.memory_space<vmem>> -> memref<1x1x2x8x128xf32, #tpu.memory_space<vmem>>
    %dma_wait3A_1511 = tpu.memref_squeeze %dma_wait3A_1510 : memref<1x1x2x8x128xf32, #tpu.memory_space<vmem>> -> memref<2x8x128xf32, #tpu.memory_space<vmem>>
    %dma_wait3A_1512 = arith.constant 0 : i32
    %dma_wait3A_1513 = arith.constant 0 : i32
    %dma_wait3A_1514 = arith.constant 0 : i32
    %dma_wait3A_1515 = tpu.memref_slice %arg2[%dma_wait3A_1512, %dma_wait3A_1513, %dma_wait3A_1514] : memref<2x8x1000000xf32, #tpu.memory_space<hbm>> -> memref<2x8x128xf32, #tpu.memory_space<hbm>>
    tpu.wait_dma2 semaphore(%arg9 : memref<!tpu.dma_semaphore, #tpu.memory_space<semaphore_mem>>) src(%dma_wait3A_1515 : memref<2x8x128xf32, #tpu.memory_space<hbm>>) dst(%dma_wait3A_1511 : memref<2x8x128xf32, #tpu.memory_space<vmem>>)
    %dma_wait3A_1516 = arith.constant 1 : i32
    %dma_wait3A_1517 = arith.constant 11 : i32
    %dma_wait3A_1518 = arith.constant 0 : i32
    %dma_wait3A_1519 = arith.constant 0 : i32
    %dma_wait3A_1520 = arith.constant 0 : i32
    %dma_wait3A_1521 = tpu.memref_slice %arg6[%dma_wait3A_1516, %dma_wait3A_1517, %dma_wait3A_1518, %dma_wait3A_1519, %dma_wait3A_1520] : memref<2x16x2x8x128xf32, #tpu.memory_space<vmem>> -> memref<1x1x2x8x128xf32, #tpu.memory_space<vmem>>
    %dma_wait3A_1522 = tpu.memref_squeeze %dma_wait3A_1521 : memref<1x1x2x8x128xf32, #tpu.memory_space<vmem>> -> memref<2x8x128xf32, #tpu.memory_space<vmem>>
    %dma_wait3A_1523 = arith.constant 0 : i32
    %dma_wait3A_1524 = arith.constant 0 : i32
    %dma_wait3A_1525 = arith.constant 0 : i32
    %dma_wait3A_1526 = tpu.memref_slice %arg2[%dma_wait3A_1523, %dma_wait3A_1524, %dma_wait3A_1525] : memref<2x8x1000000xf32, #tpu.memory_space<hbm>> -> memref<2x8x128xf32, #tpu.memory_space<hbm>>
    %dma_wait3A_1527 = arith.constant 0 : i32
    %dma_wait3A_1528 = arith.constant 0 : i32
    %dma_wait3A_1529 = arith.constant 0 : i32
    %dma_wait3A_1530 = tpu.memref_slice %arg6[%dma_wait3A_1516, %dma_wait3A_1517, %dma_wait3A_1527, %dma_wait3A_1528, %dma_wait3A_1529] : memref<2x16x2x8x128xf32, #tpu.memory_space<vmem>> -> memref<1x1x2x8x128xf32, #tpu.memory_space<vmem>>
    %dma_wait3A_1531 = tpu.memref_squeeze %dma_wait3A_1530 : memref<1x1x2x8x128xf32, #tpu.memory_space<vmem>> -> memref<2x8x128xf32, #tpu.memory_space<vmem>>
    %dma_wait3A_1532 = arith.constant 0 : i32
    %dma_wait3A_1533 = arith.constant 0 : i32
    %dma_wait3A_1534 = arith.constant 0 : i32
    %dma_wait3A_1535 = tpu.memref_slice %arg2[%dma_wait3A_1532, %dma_wait3A_1533, %dma_wait3A_1534] : memref<2x8x1000000xf32, #tpu.memory_space<hbm>> -> memref<2x8x128xf32, #tpu.memory_space<hbm>>
    tpu.wait_dma2 semaphore(%arg9 : memref<!tpu.dma_semaphore, #tpu.memory_space<semaphore_mem>>) src(%dma_wait3A_1535 : memref<2x8x128xf32, #tpu.memory_space<hbm>>) dst(%dma_wait3A_1531 : memref<2x8x128xf32, #tpu.memory_space<vmem>>)
    %dma_wait3A_1536 = arith.constant 1 : i32
    %dma_wait3A_1537 = arith.constant 12 : i32
    %dma_wait3A_1538 = arith.constant 0 : i32
    %dma_wait3A_1539 = arith.constant 0 : i32
    %dma_wait3A_1540 = arith.constant 0 : i32
    %dma_wait3A_1541 = tpu.memref_slice %arg6[%dma_wait3A_1536, %dma_wait3A_1537, %dma_wait3A_1538, %dma_wait3A_1539, %dma_wait3A_1540] : memref<2x16x2x8x128xf32, #tpu.memory_space<vmem>> -> memref<1x1x2x8x128xf32, #tpu.memory_space<vmem>>
    %dma_wait3A_1542 = tpu.memref_squeeze %dma_wait3A_1541 : memref<1x1x2x8x128xf32, #tpu.memory_space<vmem>> -> memref<2x8x128xf32, #tpu.memory_space<vmem>>
    %dma_wait3A_1543 = arith.constant 0 : i32
    %dma_wait3A_1544 = arith.constant 0 : i32
    %dma_wait3A_1545 = arith.constant 0 : i32
    %dma_wait3A_1546 = tpu.memref_slice %arg2[%dma_wait3A_1543, %dma_wait3A_1544, %dma_wait3A_1545] : memref<2x8x1000000xf32, #tpu.memory_space<hbm>> -> memref<2x8x128xf32, #tpu.memory_space<hbm>>
    %dma_wait3A_1547 = arith.constant 0 : i32
    %dma_wait3A_1548 = arith.constant 0 : i32
    %dma_wait3A_1549 = arith.constant 0 : i32
    %dma_wait3A_1550 = tpu.memref_slice %arg6[%dma_wait3A_1536, %dma_wait3A_1537, %dma_wait3A_1547, %dma_wait3A_1548, %dma_wait3A_1549] : memref<2x16x2x8x128xf32, #tpu.memory_space<vmem>> -> memref<1x1x2x8x128xf32, #tpu.memory_space<vmem>>
    %dma_wait3A_1551 = tpu.memref_squeeze %dma_wait3A_1550 : memref<1x1x2x8x128xf32, #tpu.memory_space<vmem>> -> memref<2x8x128xf32, #tpu.memory_space<vmem>>
    %dma_wait3A_1552 = arith.constant 0 : i32
    %dma_wait3A_1553 = arith.constant 0 : i32
    %dma_wait3A_1554 = arith.constant 0 : i32
    %dma_wait3A_1555 = tpu.memref_slice %arg2[%dma_wait3A_1552, %dma_wait3A_1553, %dma_wait3A_1554] : memref<2x8x1000000xf32, #tpu.memory_space<hbm>> -> memref<2x8x128xf32, #tpu.memory_space<hbm>>
    tpu.wait_dma2 semaphore(%arg9 : memref<!tpu.dma_semaphore, #tpu.memory_space<semaphore_mem>>) src(%dma_wait3A_1555 : memref<2x8x128xf32, #tpu.memory_space<hbm>>) dst(%dma_wait3A_1551 : memref<2x8x128xf32, #tpu.memory_space<vmem>>)
    %dma_wait3A_1556 = arith.constant 1 : i32
    %dma_wait3A_1557 = arith.constant 13 : i32
    %dma_wait3A_1558 = arith.constant 0 : i32
    %dma_wait3A_1559 = arith.constant 0 : i32
    %dma_wait3A_1560 = arith.constant 0 : i32
    %dma_wait3A_1561 = tpu.memref_slice %arg6[%dma_wait3A_1556, %dma_wait3A_1557, %dma_wait3A_1558, %dma_wait3A_1559, %dma_wait3A_1560] : memref<2x16x2x8x128xf32, #tpu.memory_space<vmem>> -> memref<1x1x2x8x128xf32, #tpu.memory_space<vmem>>
    %dma_wait3A_1562 = tpu.memref_squeeze %dma_wait3A_1561 : memref<1x1x2x8x128xf32, #tpu.memory_space<vmem>> -> memref<2x8x128xf32, #tpu.memory_space<vmem>>
    %dma_wait3A_1563 = arith.constant 0 : i32
    %dma_wait3A_1564 = arith.constant 0 : i32
    %dma_wait3A_1565 = arith.constant 0 : i32
    %dma_wait3A_1566 = tpu.memref_slice %arg2[%dma_wait3A_1563, %dma_wait3A_1564, %dma_wait3A_1565] : memref<2x8x1000000xf32, #tpu.memory_space<hbm>> -> memref<2x8x128xf32, #tpu.memory_space<hbm>>
    %dma_wait3A_1567 = arith.constant 0 : i32
    %dma_wait3A_1568 = arith.constant 0 : i32
    %dma_wait3A_1569 = arith.constant 0 : i32
    %dma_wait3A_1570 = tpu.memref_slice %arg6[%dma_wait3A_1556, %dma_wait3A_1557, %dma_wait3A_1567, %dma_wait3A_1568, %dma_wait3A_1569] : memref<2x16x2x8x128xf32, #tpu.memory_space<vmem>> -> memref<1x1x2x8x128xf32, #tpu.memory_space<vmem>>
    %dma_wait3A_1571 = tpu.memref_squeeze %dma_wait3A_1570 : memref<1x1x2x8x128xf32, #tpu.memory_space<vmem>> -> memref<2x8x128xf32, #tpu.memory_space<vmem>>
    %dma_wait3A_1572 = arith.constant 0 : i32
    %dma_wait3A_1573 = arith.constant 0 : i32
    %dma_wait3A_1574 = arith.constant 0 : i32
    %dma_wait3A_1575 = tpu.memref_slice %arg2[%dma_wait3A_1572, %dma_wait3A_1573, %dma_wait3A_1574] : memref<2x8x1000000xf32, #tpu.memory_space<hbm>> -> memref<2x8x128xf32, #tpu.memory_space<hbm>>
    tpu.wait_dma2 semaphore(%arg9 : memref<!tpu.dma_semaphore, #tpu.memory_space<semaphore_mem>>) src(%dma_wait3A_1575 : memref<2x8x128xf32, #tpu.memory_space<hbm>>) dst(%dma_wait3A_1571 : memref<2x8x128xf32, #tpu.memory_space<vmem>>)
    %dma_wait3A_1576 = arith.constant 1 : i32
    %dma_wait3A_1577 = arith.constant 14 : i32
    %dma_wait3A_1578 = arith.constant 0 : i32
    %dma_wait3A_1579 = arith.constant 0 : i32
    %dma_wait3A_1580 = arith.constant 0 : i32
    %dma_wait3A_1581 = tpu.memref_slice %arg6[%dma_wait3A_1576, %dma_wait3A_1577, %dma_wait3A_1578, %dma_wait3A_1579, %dma_wait3A_1580] : memref<2x16x2x8x128xf32, #tpu.memory_space<vmem>> -> memref<1x1x2x8x128xf32, #tpu.memory_space<vmem>>
    %dma_wait3A_1582 = tpu.memref_squeeze %dma_wait3A_1581 : memref<1x1x2x8x128xf32, #tpu.memory_space<vmem>> -> memref<2x8x128xf32, #tpu.memory_space<vmem>>
    %dma_wait3A_1583 = arith.constant 0 : i32
    %dma_wait3A_1584 = arith.constant 0 : i32
    %dma_wait3A_1585 = arith.constant 0 : i32
    %dma_wait3A_1586 = tpu.memref_slice %arg2[%dma_wait3A_1583, %dma_wait3A_1584, %dma_wait3A_1585] : memref<2x8x1000000xf32, #tpu.memory_space<hbm>> -> memref<2x8x128xf32, #tpu.memory_space<hbm>>
    %dma_wait3A_1587 = arith.constant 0 : i32
    %dma_wait3A_1588 = arith.constant 0 : i32
    %dma_wait3A_1589 = arith.constant 0 : i32
    %dma_wait3A_1590 = tpu.memref_slice %arg6[%dma_wait3A_1576, %dma_wait3A_1577, %dma_wait3A_1587, %dma_wait3A_1588, %dma_wait3A_1589] : memref<2x16x2x8x128xf32, #tpu.memory_space<vmem>> -> memref<1x1x2x8x128xf32, #tpu.memory_space<vmem>>
    %dma_wait3A_1591 = tpu.memref_squeeze %dma_wait3A_1590 : memref<1x1x2x8x128xf32, #tpu.memory_space<vmem>> -> memref<2x8x128xf32, #tpu.memory_space<vmem>>
    %dma_wait3A_1592 = arith.constant 0 : i32
    %dma_wait3A_1593 = arith.constant 0 : i32
    %dma_wait3A_1594 = arith.constant 0 : i32
    %dma_wait3A_1595 = tpu.memref_slice %arg2[%dma_wait3A_1592, %dma_wait3A_1593, %dma_wait3A_1594] : memref<2x8x1000000xf32, #tpu.memory_space<hbm>> -> memref<2x8x128xf32, #tpu.memory_space<hbm>>
    tpu.wait_dma2 semaphore(%arg9 : memref<!tpu.dma_semaphore, #tpu.memory_space<semaphore_mem>>) src(%dma_wait3A_1595 : memref<2x8x128xf32, #tpu.memory_space<hbm>>) dst(%dma_wait3A_1591 : memref<2x8x128xf32, #tpu.memory_space<vmem>>)
    %dma_wait3A_1596 = arith.constant 1 : i32
    %dma_wait3A_1597 = arith.constant 15 : i32
    %dma_wait3A_1598 = arith.constant 0 : i32
    %dma_wait3A_1599 = arith.constant 0 : i32
    %dma_wait3A_1600 = arith.constant 0 : i32
    %dma_wait3A_1601 = tpu.memref_slice %arg6[%dma_wait3A_1596, %dma_wait3A_1597, %dma_wait3A_1598, %dma_wait3A_1599, %dma_wait3A_1600] : memref<2x16x2x8x128xf32, #tpu.memory_space<vmem>> -> memref<1x1x2x8x128xf32, #tpu.memory_space<vmem>>
    %dma_wait3A_1602 = tpu.memref_squeeze %dma_wait3A_1601 : memref<1x1x2x8x128xf32, #tpu.memory_space<vmem>> -> memref<2x8x128xf32, #tpu.memory_space<vmem>>
    %dma_wait3A_1603 = arith.constant 0 : i32
    %dma_wait3A_1604 = arith.constant 0 : i32
    %dma_wait3A_1605 = arith.constant 0 : i32
    %dma_wait3A_1606 = tpu.memref_slice %arg2[%dma_wait3A_1603, %dma_wait3A_1604, %dma_wait3A_1605] : memref<2x8x1000000xf32, #tpu.memory_space<hbm>> -> memref<2x8x128xf32, #tpu.memory_space<hbm>>
    %dma_wait3A_1607 = arith.constant 0 : i32
    %dma_wait3A_1608 = arith.constant 0 : i32
    %dma_wait3A_1609 = arith.constant 0 : i32
    %dma_wait3A_1610 = tpu.memref_slice %arg6[%dma_wait3A_1596, %dma_wait3A_1597, %dma_wait3A_1607, %dma_wait3A_1608, %dma_wait3A_1609] : memref<2x16x2x8x128xf32, #tpu.memory_space<vmem>> -> memref<1x1x2x8x128xf32, #tpu.memory_space<vmem>>
    %dma_wait3A_1611 = tpu.memref_squeeze %dma_wait3A_1610 : memref<1x1x2x8x128xf32, #tpu.memory_space<vmem>> -> memref<2x8x128xf32, #tpu.memory_space<vmem>>
    %dma_wait3A_1612 = arith.constant 0 : i32
    %dma_wait3A_1613 = arith.constant 0 : i32
    %dma_wait3A_1614 = arith.constant 0 : i32
    %dma_wait3A_1615 = tpu.memref_slice %arg2[%dma_wait3A_1612, %dma_wait3A_1613, %dma_wait3A_1614] : memref<2x8x1000000xf32, #tpu.memory_space<hbm>> -> memref<2x8x128xf32, #tpu.memory_space<hbm>>
    tpu.wait_dma2 semaphore(%arg9 : memref<!tpu.dma_semaphore, #tpu.memory_space<semaphore_mem>>) src(%dma_wait3A_1615 : memref<2x8x128xf32, #tpu.memory_space<hbm>>) dst(%dma_wait3A_1611 : memref<2x8x128xf32, #tpu.memory_space<vmem>>)
    %mul3A_1616 = arith.constant 31 : i32
    %mul3A_1617 = arith.constant 16 : i32
    %mul3A_1618 = arith.muli %mul3A_1616, %mul3A_1617 : i32
    %multiple_of3A_1619 = tpu.assume_multiple %mul3A_1618, 16 : i32
    %broadcast_in_dim3A_1620 = arith.constant 0 : i32
    %broadcast_in_dim3A_1621 = vector.broadcast %broadcast_in_dim3A_1620 : i32 to vector<16xi32>
    %broadcast_in_dim3A_1622 = arith.constant 0 : i32
    %broadcast_in_dim3A_1623 = vector.broadcast %broadcast_in_dim3A_1622 : i32 to vector<16xi32>
    %gather3A_1624 = arith.constant 1 : i32
    %gather3A_1625 = arith.constant 0 : i32
    %gather3A_1626 = arith.constant 0 : i32
    %gather3A_1627 = arith.constant 0 : i32
    %gather3A_1628 = arith.constant 0 : i32
    %gather3A_1629 = tpu.memref_slice %arg6[%gather3A_1624, %gather3A_1625, %gather3A_1626, %gather3A_1627, %gather3A_1628] : memref<2x16x2x8x128xf32, #tpu.memory_space<vmem>> -> memref<1x16x2x8x128xf32, #tpu.memory_space<vmem>>
    %gather3A_1630 = tpu.memref_squeeze %gather3A_1629 : memref<1x16x2x8x128xf32, #tpu.memory_space<vmem>> -> memref<16x2x8x128xf32, #tpu.memory_space<vmem>>
    %gather3A_1631 = tpu.vector_load_idx %gather3A_1630[%iota3A, %broadcast_in_dim3A_1621, %broadcast_in_dim3A_1623, %and3A_1295] : memref<16x2x8x128xf32, #tpu.memory_space<vmem>>[vector<16xi32>, vector<16xi32>, vector<16xi32>, vector<16xi32>], vector<16xf32>,
    %swap3A_1632 = arith.constant 0 : i32
    %swap3A_1633 = arith.index_cast %swap3A_1632 : i32 to index
    %swap3A_1634 = arith.index_cast %multiple_of3A_1619 : i32 to index
    %swap3A_1635 = tpu.vector_load %arg7[%swap3A_1633, %swap3A_1634] {strides = array<i32>} : memref<16x512xf32, #tpu.memory_space<vmem>>, vector<16xf32>,
    tpu.vector_store %arg7[%swap3A_1633, %swap3A_1634], %gather3A_1631 {strides = array<i32>} : memref<16x512xf32, #tpu.memory_space<vmem>>, vector<16xf32>,
    %broadcast_in_dim3A_1636 = arith.constant 0 : i32
    %broadcast_in_dim3A_1637 = vector.broadcast %broadcast_in_dim3A_1636 : i32 to vector<16xi32>
    %broadcast_in_dim3A_1638 = arith.constant 1 : i32
    %broadcast_in_dim3A_1639 = vector.broadcast %broadcast_in_dim3A_1638 : i32 to vector<16xi32>
    %gather3A_1640 = arith.constant 1 : i32
    %gather3A_1641 = arith.constant 0 : i32
    %gather3A_1642 = arith.constant 0 : i32
    %gather3A_1643 = arith.constant 0 : i32
    %gather3A_1644 = arith.constant 0 : i32
    %gather3A_1645 = tpu.memref_slice %arg6[%gather3A_1640, %gather3A_1641, %gather3A_1642, %gather3A_1643, %gather3A_1644] : memref<2x16x2x8x128xf32, #tpu.memory_space<vmem>> -> memref<1x16x2x8x128xf32, #tpu.memory_space<vmem>>
    %gather3A_1646 = tpu.memref_squeeze %gather3A_1645 : memref<1x16x2x8x128xf32, #tpu.memory_space<vmem>> -> memref<16x2x8x128xf32, #tpu.memory_space<vmem>>
    %gather3A_1647 = tpu.vector_load_idx %gather3A_1646[%iota3A, %broadcast_in_dim3A_1637, %broadcast_in_dim3A_1639, %and3A_1295] : memref<16x2x8x128xf32, #tpu.memory_space<vmem>>[vector<16xi32>, vector<16xi32>, vector<16xi32>, vector<16xi32>], vector<16xf32>,
    %swap3A_1648 = arith.constant 1 : i32
    %swap3A_1649 = arith.index_cast %swap3A_1648 : i32 to index
    %swap3A_1650 = arith.index_cast %multiple_of3A_1619 : i32 to index
    %swap3A_1651 = tpu.vector_load %arg7[%swap3A_1649, %swap3A_1650] {strides = array<i32>} : memref<16x512xf32, #tpu.memory_space<vmem>>, vector<16xf32>,
    tpu.vector_store %arg7[%swap3A_1649, %swap3A_1650], %gather3A_1647 {strides = array<i32>} : memref<16x512xf32, #tpu.memory_space<vmem>>, vector<16xf32>,
    %broadcast_in_dim3A_1652 = arith.constant 0 : i32
    %broadcast_in_dim3A_1653 = vector.broadcast %broadcast_in_dim3A_1652 : i32 to vector<16xi32>
    %broadcast_in_dim3A_1654 = arith.constant 2 : i32
    %broadcast_in_dim3A_1655 = vector.broadcast %broadcast_in_dim3A_1654 : i32 to vector<16xi32>
    %gather3A_1656 = arith.constant 1 : i32
    %gather3A_1657 = arith.constant 0 : i32
    %gather3A_1658 = arith.constant 0 : i32
    %gather3A_1659 = arith.constant 0 : i32
    %gather3A_1660 = arith.constant 0 : i32
    %gather3A_1661 = tpu.memref_slice %arg6[%gather3A_1656, %gather3A_1657, %gather3A_1658, %gather3A_1659, %gather3A_1660] : memref<2x16x2x8x128xf32, #tpu.memory_space<vmem>> -> memref<1x16x2x8x128xf32, #tpu.memory_space<vmem>>
    %gather3A_1662 = tpu.memref_squeeze %gather3A_1661 : memref<1x16x2x8x128xf32, #tpu.memory_space<vmem>> -> memref<16x2x8x128xf32, #tpu.memory_space<vmem>>
    %gather3A_1663 = tpu.vector_load_idx %gather3A_1662[%iota3A, %broadcast_in_dim3A_1653, %broadcast_in_dim3A_1655, %and3A_1295] : memref<16x2x8x128xf32, #tpu.memory_space<vmem>>[vector<16xi32>, vector<16xi32>, vector<16xi32>, vector<16xi32>], vector<16xf32>,
    %swap3A_1664 = arith.constant 2 : i32
    %swap3A_1665 = arith.index_cast %swap3A_1664 : i32 to index
    %swap3A_1666 = arith.index_cast %multiple_of3A_1619 : i32 to index
    %swap3A_1667 = tpu.vector_load %arg7[%swap3A_1665, %swap3A_1666] {strides = array<i32>} : memref<16x512xf32, #tpu.memory_space<vmem>>, vector<16xf32>,
    tpu.vector_store %arg7[%swap3A_1665, %swap3A_1666], %gather3A_1663 {strides = array<i32>} : memref<16x512xf32, #tpu.memory_space<vmem>>, vector<16xf32>,
    %broadcast_in_dim3A_1668 = arith.constant 0 : i32
    %broadcast_in_dim3A_1669 = vector.broadcast %broadcast_in_dim3A_1668 : i32 to vector<16xi32>
    %broadcast_in_dim3A_1670 = arith.constant 3 : i32
    %broadcast_in_dim3A_1671 = vector.broadcast %broadcast_in_dim3A_1670 : i32 to vector<16xi32>
    %gather3A_1672 = arith.constant 1 : i32
    %gather3A_1673 = arith.constant 0 : i32
    %gather3A_1674 = arith.constant 0 : i32
    %gather3A_1675 = arith.constant 0 : i32
    %gather3A_1676 = arith.constant 0 : i32
    %gather3A_1677 = tpu.memref_slice %arg6[%gather3A_1672, %gather3A_1673, %gather3A_1674, %gather3A_1675, %gather3A_1676] : memref<2x16x2x8x128xf32, #tpu.memory_space<vmem>> -> memref<1x16x2x8x128xf32, #tpu.memory_space<vmem>>
    %gather3A_1678 = tpu.memref_squeeze %gather3A_1677 : memref<1x16x2x8x128xf32, #tpu.memory_space<vmem>> -> memref<16x2x8x128xf32, #tpu.memory_space<vmem>>
    %gather3A_1679 = tpu.vector_load_idx %gather3A_1678[%iota3A, %broadcast_in_dim3A_1669, %broadcast_in_dim3A_1671, %and3A_1295] : memref<16x2x8x128xf32, #tpu.memory_space<vmem>>[vector<16xi32>, vector<16xi32>, vector<16xi32>, vector<16xi32>], vector<16xf32>,
    %swap3A_1680 = arith.constant 3 : i32
    %swap3A_1681 = arith.index_cast %swap3A_1680 : i32 to index
    %swap3A_1682 = arith.index_cast %multiple_of3A_1619 : i32 to index
    %swap3A_1683 = tpu.vector_load %arg7[%swap3A_1681, %swap3A_1682] {strides = array<i32>} : memref<16x512xf32, #tpu.memory_space<vmem>>, vector<16xf32>,
    tpu.vector_store %arg7[%swap3A_1681, %swap3A_1682], %gather3A_1679 {strides = array<i32>} : memref<16x512xf32, #tpu.memory_space<vmem>>, vector<16xf32>,
    %broadcast_in_dim3A_1684 = arith.constant 0 : i32
    %broadcast_in_dim3A_1685 = vector.broadcast %broadcast_in_dim3A_1684 : i32 to vector<16xi32>
    %broadcast_in_dim3A_1686 = arith.constant 4 : i32
    %broadcast_in_dim3A_1687 = vector.broadcast %broadcast_in_dim3A_1686 : i32 to vector<16xi32>
    %gather3A_1688 = arith.constant 1 : i32
    %gather3A_1689 = arith.constant 0 : i32
    %gather3A_1690 = arith.constant 0 : i32
    %gather3A_1691 = arith.constant 0 : i32
    %gather3A_1692 = arith.constant 0 : i32
    %gather3A_1693 = tpu.memref_slice %arg6[%gather3A_1688, %gather3A_1689, %gather3A_1690, %gather3A_1691, %gather3A_1692] : memref<2x16x2x8x128xf32, #tpu.memory_space<vmem>> -> memref<1x16x2x8x128xf32, #tpu.memory_space<vmem>>
    %gather3A_1694 = tpu.memref_squeeze %gather3A_1693 : memref<1x16x2x8x128xf32, #tpu.memory_space<vmem>> -> memref<16x2x8x128xf32, #tpu.memory_space<vmem>>
    %gather3A_1695 = tpu.vector_load_idx %gather3A_1694[%iota3A, %broadcast_in_dim3A_1685, %broadcast_in_dim3A_1687, %and3A_1295] : memref<16x2x8x128xf32, #tpu.memory_space<vmem>>[vector<16xi32>, vector<16xi32>, vector<16xi32>, vector<16xi32>], vector<16xf32>,
    %swap3A_1696 = arith.constant 4 : i32
    %swap3A_1697 = arith.index_cast %swap3A_1696 : i32 to index
    %swap3A_1698 = arith.index_cast %multiple_of3A_1619 : i32 to index
    %swap3A_1699 = tpu.vector_load %arg7[%swap3A_1697, %swap3A_1698] {strides = array<i32>} : memref<16x512xf32, #tpu.memory_space<vmem>>, vector<16xf32>,
    tpu.vector_store %arg7[%swap3A_1697, %swap3A_1698], %gather3A_1695 {strides = array<i32>} : memref<16x512xf32, #tpu.memory_space<vmem>>, vector<16xf32>,
    %broadcast_in_dim3A_1700 = arith.constant 0 : i32
    %broadcast_in_dim3A_1701 = vector.broadcast %broadcast_in_dim3A_1700 : i32 to vector<16xi32>
    %broadcast_in_dim3A_1702 = arith.constant 5 : i32
    %broadcast_in_dim3A_1703 = vector.broadcast %broadcast_in_dim3A_1702 : i32 to vector<16xi32>
    %gather3A_1704 = arith.constant 1 : i32
    %gather3A_1705 = arith.constant 0 : i32
    %gather3A_1706 = arith.constant 0 : i32
    %gather3A_1707 = arith.constant 0 : i32
    %gather3A_1708 = arith.constant 0 : i32
    %gather3A_1709 = tpu.memref_slice %arg6[%gather3A_1704, %gather3A_1705, %gather3A_1706, %gather3A_1707, %gather3A_1708] : memref<2x16x2x8x128xf32, #tpu.memory_space<vmem>> -> memref<1x16x2x8x128xf32, #tpu.memory_space<vmem>>
    %gather3A_1710 = tpu.memref_squeeze %gather3A_1709 : memref<1x16x2x8x128xf32, #tpu.memory_space<vmem>> -> memref<16x2x8x128xf32, #tpu.memory_space<vmem>>
    %gather3A_1711 = tpu.vector_load_idx %gather3A_1710[%iota3A, %broadcast_in_dim3A_1701, %broadcast_in_dim3A_1703, %and3A_1295] : memref<16x2x8x128xf32, #tpu.memory_space<vmem>>[vector<16xi32>, vector<16xi32>, vector<16xi32>, vector<16xi32>], vector<16xf32>,
    %swap3A_1712 = arith.constant 5 : i32
    %swap3A_1713 = arith.index_cast %swap3A_1712 : i32 to index
    %swap3A_1714 = arith.index_cast %multiple_of3A_1619 : i32 to index
    %swap3A_1715 = tpu.vector_load %arg7[%swap3A_1713, %swap3A_1714] {strides = array<i32>} : memref<16x512xf32, #tpu.memory_space<vmem>>, vector<16xf32>,
    tpu.vector_store %arg7[%swap3A_1713, %swap3A_1714], %gather3A_1711 {strides = array<i32>} : memref<16x512xf32, #tpu.memory_space<vmem>>, vector<16xf32>,
    %broadcast_in_dim3A_1716 = arith.constant 0 : i32
    %broadcast_in_dim3A_1717 = vector.broadcast %broadcast_in_dim3A_1716 : i32 to vector<16xi32>
    %broadcast_in_dim3A_1718 = arith.constant 6 : i32
    %broadcast_in_dim3A_1719 = vector.broadcast %broadcast_in_dim3A_1718 : i32 to vector<16xi32>
    %gather3A_1720 = arith.constant 1 : i32
    %gather3A_1721 = arith.constant 0 : i32
    %gather3A_1722 = arith.constant 0 : i32
    %gather3A_1723 = arith.constant 0 : i32
    %gather3A_1724 = arith.constant 0 : i32
    %gather3A_1725 = tpu.memref_slice %arg6[%gather3A_1720, %gather3A_1721, %gather3A_1722, %gather3A_1723, %gather3A_1724] : memref<2x16x2x8x128xf32, #tpu.memory_space<vmem>> -> memref<1x16x2x8x128xf32, #tpu.memory_space<vmem>>
    %gather3A_1726 = tpu.memref_squeeze %gather3A_1725 : memref<1x16x2x8x128xf32, #tpu.memory_space<vmem>> -> memref<16x2x8x128xf32, #tpu.memory_space<vmem>>
    %gather3A_1727 = tpu.vector_load_idx %gather3A_1726[%iota3A, %broadcast_in_dim3A_1717, %broadcast_in_dim3A_1719, %and3A_1295] : memref<16x2x8x128xf32, #tpu.memory_space<vmem>>[vector<16xi32>, vector<16xi32>, vector<16xi32>, vector<16xi32>], vector<16xf32>,
    %swap3A_1728 = arith.constant 6 : i32
    %swap3A_1729 = arith.index_cast %swap3A_1728 : i32 to index
    %swap3A_1730 = arith.index_cast %multiple_of3A_1619 : i32 to index
    %swap3A_1731 = tpu.vector_load %arg7[%swap3A_1729, %swap3A_1730] {strides = array<i32>} : memref<16x512xf32, #tpu.memory_space<vmem>>, vector<16xf32>,
    tpu.vector_store %arg7[%swap3A_1729, %swap3A_1730], %gather3A_1727 {strides = array<i32>} : memref<16x512xf32, #tpu.memory_space<vmem>>, vector<16xf32>,
    %broadcast_in_dim3A_1732 = arith.constant 0 : i32
    %broadcast_in_dim3A_1733 = vector.broadcast %broadcast_in_dim3A_1732 : i32 to vector<16xi32>
    %broadcast_in_dim3A_1734 = arith.constant 7 : i32
    %broadcast_in_dim3A_1735 = vector.broadcast %broadcast_in_dim3A_1734 : i32 to vector<16xi32>
    %gather3A_1736 = arith.constant 1 : i32
    %gather3A_1737 = arith.constant 0 : i32
    %gather3A_1738 = arith.constant 0 : i32
    %gather3A_1739 = arith.constant 0 : i32
    %gather3A_1740 = arith.constant 0 : i32
    %gather3A_1741 = tpu.memref_slice %arg6[%gather3A_1736, %gather3A_1737, %gather3A_1738, %gather3A_1739, %gather3A_1740] : memref<2x16x2x8x128xf32, #tpu.memory_space<vmem>> -> memref<1x16x2x8x128xf32, #tpu.memory_space<vmem>>
    %gather3A_1742 = tpu.memref_squeeze %gather3A_1741 : memref<1x16x2x8x128xf32, #tpu.memory_space<vmem>> -> memref<16x2x8x128xf32, #tpu.memory_space<vmem>>
    %gather3A_1743 = tpu.vector_load_idx %gather3A_1742[%iota3A, %broadcast_in_dim3A_1733, %broadcast_in_dim3A_1735, %and3A_1295] : memref<16x2x8x128xf32, #tpu.memory_space<vmem>>[vector<16xi32>, vector<16xi32>, vector<16xi32>, vector<16xi32>], vector<16xf32>,
    %swap3A_1744 = arith.constant 7 : i32
    %swap3A_1745 = arith.index_cast %swap3A_1744 : i32 to index
    %swap3A_1746 = arith.index_cast %multiple_of3A_1619 : i32 to index
    %swap3A_1747 = tpu.vector_load %arg7[%swap3A_1745, %swap3A_1746] {strides = array<i32>} : memref<16x512xf32, #tpu.memory_space<vmem>>, vector<16xf32>,
    tpu.vector_store %arg7[%swap3A_1745, %swap3A_1746], %gather3A_1743 {strides = array<i32>} : memref<16x512xf32, #tpu.memory_space<vmem>>, vector<16xf32>,
    %broadcast_in_dim3A_1748 = arith.constant 1 : i32
    %broadcast_in_dim3A_1749 = vector.broadcast %broadcast_in_dim3A_1748 : i32 to vector<16xi32>
    %broadcast_in_dim3A_1750 = arith.constant 0 : i32
    %broadcast_in_dim3A_1751 = vector.broadcast %broadcast_in_dim3A_1750 : i32 to vector<16xi32>
    %gather3A_1752 = arith.constant 1 : i32
    %gather3A_1753 = arith.constant 0 : i32
    %gather3A_1754 = arith.constant 0 : i32
    %gather3A_1755 = arith.constant 0 : i32
    %gather3A_1756 = arith.constant 0 : i32
    %gather3A_1757 = tpu.memref_slice %arg6[%gather3A_1752, %gather3A_1753, %gather3A_1754, %gather3A_1755, %gather3A_1756] : memref<2x16x2x8x128xf32, #tpu.memory_space<vmem>> -> memref<1x16x2x8x128xf32, #tpu.memory_space<vmem>>
    %gather3A_1758 = tpu.memref_squeeze %gather3A_1757 : memref<1x16x2x8x128xf32, #tpu.memory_space<vmem>> -> memref<16x2x8x128xf32, #tpu.memory_space<vmem>>
    %gather3A_1759 = tpu.vector_load_idx %gather3A_1758[%iota3A, %broadcast_in_dim3A_1749, %broadcast_in_dim3A_1751, %and3A_1295] : memref<16x2x8x128xf32, #tpu.memory_space<vmem>>[vector<16xi32>, vector<16xi32>, vector<16xi32>, vector<16xi32>], vector<16xf32>,
    %swap3A_1760 = arith.constant 8 : i32
    %swap3A_1761 = arith.index_cast %swap3A_1760 : i32 to index
    %swap3A_1762 = arith.index_cast %multiple_of3A_1619 : i32 to index
    %swap3A_1763 = tpu.vector_load %arg7[%swap3A_1761, %swap3A_1762] {strides = array<i32>} : memref<16x512xf32, #tpu.memory_space<vmem>>, vector<16xf32>,
    tpu.vector_store %arg7[%swap3A_1761, %swap3A_1762], %gather3A_1759 {strides = array<i32>} : memref<16x512xf32, #tpu.memory_space<vmem>>, vector<16xf32>,
    %broadcast_in_dim3A_1764 = arith.constant 1 : i32
    %broadcast_in_dim3A_1765 = vector.broadcast %broadcast_in_dim3A_1764 : i32 to vector<16xi32>
    %broadcast_in_dim3A_1766 = arith.constant 1 : i32
    %broadcast_in_dim3A_1767 = vector.broadcast %broadcast_in_dim3A_1766 : i32 to vector<16xi32>
    %gather3A_1768 = arith.constant 1 : i32
    %gather3A_1769 = arith.constant 0 : i32
    %gather3A_1770 = arith.constant 0 : i32
    %gather3A_1771 = arith.constant 0 : i32
    %gather3A_1772 = arith.constant 0 : i32
    %gather3A_1773 = tpu.memref_slice %arg6[%gather3A_1768, %gather3A_1769, %gather3A_1770, %gather3A_1771, %gather3A_1772] : memref<2x16x2x8x128xf32, #tpu.memory_space<vmem>> -> memref<1x16x2x8x128xf32, #tpu.memory_space<vmem>>
    %gather3A_1774 = tpu.memref_squeeze %gather3A_1773 : memref<1x16x2x8x128xf32, #tpu.memory_space<vmem>> -> memref<16x2x8x128xf32, #tpu.memory_space<vmem>>
    %gather3A_1775 = tpu.vector_load_idx %gather3A_1774[%iota3A, %broadcast_in_dim3A_1765, %broadcast_in_dim3A_1767, %and3A_1295] : memref<16x2x8x128xf32, #tpu.memory_space<vmem>>[vector<16xi32>, vector<16xi32>, vector<16xi32>, vector<16xi32>], vector<16xf32>,
    %swap3A_1776 = arith.constant 9 : i32
    %swap3A_1777 = arith.index_cast %swap3A_1776 : i32 to index
    %swap3A_1778 = arith.index_cast %multiple_of3A_1619 : i32 to index
    %swap3A_1779 = tpu.vector_load %arg7[%swap3A_1777, %swap3A_1778] {strides = array<i32>} : memref<16x512xf32, #tpu.memory_space<vmem>>, vector<16xf32>,
    tpu.vector_store %arg7[%swap3A_1777, %swap3A_1778], %gather3A_1775 {strides = array<i32>} : memref<16x512xf32, #tpu.memory_space<vmem>>, vector<16xf32>,
    %broadcast_in_dim3A_1780 = arith.constant 1 : i32
    %broadcast_in_dim3A_1781 = vector.broadcast %broadcast_in_dim3A_1780 : i32 to vector<16xi32>
    %broadcast_in_dim3A_1782 = arith.constant 2 : i32
    %broadcast_in_dim3A_1783 = vector.broadcast %broadcast_in_dim3A_1782 : i32 to vector<16xi32>
    %gather3A_1784 = arith.constant 1 : i32
    %gather3A_1785 = arith.constant 0 : i32
    %gather3A_1786 = arith.constant 0 : i32
    %gather3A_1787 = arith.constant 0 : i32
    %gather3A_1788 = arith.constant 0 : i32
    %gather3A_1789 = tpu.memref_slice %arg6[%gather3A_1784, %gather3A_1785, %gather3A_1786, %gather3A_1787, %gather3A_1788] : memref<2x16x2x8x128xf32, #tpu.memory_space<vmem>> -> memref<1x16x2x8x128xf32, #tpu.memory_space<vmem>>
    %gather3A_1790 = tpu.memref_squeeze %gather3A_1789 : memref<1x16x2x8x128xf32, #tpu.memory_space<vmem>> -> memref<16x2x8x128xf32, #tpu.memory_space<vmem>>
    %gather3A_1791 = tpu.vector_load_idx %gather3A_1790[%iota3A, %broadcast_in_dim3A_1781, %broadcast_in_dim3A_1783, %and3A_1295] : memref<16x2x8x128xf32, #tpu.memory_space<vmem>>[vector<16xi32>, vector<16xi32>, vector<16xi32>, vector<16xi32>], vector<16xf32>,
    %swap3A_1792 = arith.constant 10 : i32
    %swap3A_1793 = arith.index_cast %swap3A_1792 : i32 to index
    %swap3A_1794 = arith.index_cast %multiple_of3A_1619 : i32 to index
    %swap3A_1795 = tpu.vector_load %arg7[%swap3A_1793, %swap3A_1794] {strides = array<i32>} : memref<16x512xf32, #tpu.memory_space<vmem>>, vector<16xf32>,
    tpu.vector_store %arg7[%swap3A_1793, %swap3A_1794], %gather3A_1791 {strides = array<i32>} : memref<16x512xf32, #tpu.memory_space<vmem>>, vector<16xf32>,
    %broadcast_in_dim3A_1796 = arith.constant 1 : i32
    %broadcast_in_dim3A_1797 = vector.broadcast %broadcast_in_dim3A_1796 : i32 to vector<16xi32>
    %broadcast_in_dim3A_1798 = arith.constant 3 : i32
    %broadcast_in_dim3A_1799 = vector.broadcast %broadcast_in_dim3A_1798 : i32 to vector<16xi32>
    %gather3A_1800 = arith.constant 1 : i32
    %gather3A_1801 = arith.constant 0 : i32
    %gather3A_1802 = arith.constant 0 : i32
    %gather3A_1803 = arith.constant 0 : i32
    %gather3A_1804 = arith.constant 0 : i32
    %gather3A_1805 = tpu.memref_slice %arg6[%gather3A_1800, %gather3A_1801, %gather3A_1802, %gather3A_1803, %gather3A_1804] : memref<2x16x2x8x128xf32, #tpu.memory_space<vmem>> -> memref<1x16x2x8x128xf32, #tpu.memory_space<vmem>>
    %gather3A_1806 = tpu.memref_squeeze %gather3A_1805 : memref<1x16x2x8x128xf32, #tpu.memory_space<vmem>> -> memref<16x2x8x128xf32, #tpu.memory_space<vmem>>
    %gather3A_1807 = tpu.vector_load_idx %gather3A_1806[%iota3A, %broadcast_in_dim3A_1797, %broadcast_in_dim3A_1799, %and3A_1295] : memref<16x2x8x128xf32, #tpu.memory_space<vmem>>[vector<16xi32>, vector<16xi32>, vector<16xi32>, vector<16xi32>], vector<16xf32>,
    %swap3A_1808 = arith.constant 11 : i32
    %swap3A_1809 = arith.index_cast %swap3A_1808 : i32 to index
    %swap3A_1810 = arith.index_cast %multiple_of3A_1619 : i32 to index
    %swap3A_1811 = tpu.vector_load %arg7[%swap3A_1809, %swap3A_1810] {strides = array<i32>} : memref<16x512xf32, #tpu.memory_space<vmem>>, vector<16xf32>,
    tpu.vector_store %arg7[%swap3A_1809, %swap3A_1810], %gather3A_1807 {strides = array<i32>} : memref<16x512xf32, #tpu.memory_space<vmem>>, vector<16xf32>,
    %broadcast_in_dim3A_1812 = arith.constant 1 : i32
    %broadcast_in_dim3A_1813 = vector.broadcast %broadcast_in_dim3A_1812 : i32 to vector<16xi32>
    %broadcast_in_dim3A_1814 = arith.constant 4 : i32
    %broadcast_in_dim3A_1815 = vector.broadcast %broadcast_in_dim3A_1814 : i32 to vector<16xi32>
    %gather3A_1816 = arith.constant 1 : i32
    %gather3A_1817 = arith.constant 0 : i32
    %gather3A_1818 = arith.constant 0 : i32
    %gather3A_1819 = arith.constant 0 : i32
    %gather3A_1820 = arith.constant 0 : i32
    %gather3A_1821 = tpu.memref_slice %arg6[%gather3A_1816, %gather3A_1817, %gather3A_1818, %gather3A_1819, %gather3A_1820] : memref<2x16x2x8x128xf32, #tpu.memory_space<vmem>> -> memref<1x16x2x8x128xf32, #tpu.memory_space<vmem>>
    %gather3A_1822 = tpu.memref_squeeze %gather3A_1821 : memref<1x16x2x8x128xf32, #tpu.memory_space<vmem>> -> memref<16x2x8x128xf32, #tpu.memory_space<vmem>>
    %gather3A_1823 = tpu.vector_load_idx %gather3A_1822[%iota3A, %broadcast_in_dim3A_1813, %broadcast_in_dim3A_1815, %and3A_1295] : memref<16x2x8x128xf32, #tpu.memory_space<vmem>>[vector<16xi32>, vector<16xi32>, vector<16xi32>, vector<16xi32>], vector<16xf32>,
    %swap3A_1824 = arith.constant 12 : i32
    %swap3A_1825 = arith.index_cast %swap3A_1824 : i32 to index
    %swap3A_1826 = arith.index_cast %multiple_of3A_1619 : i32 to index
    %swap3A_1827 = tpu.vector_load %arg7[%swap3A_1825, %swap3A_1826] {strides = array<i32>} : memref<16x512xf32, #tpu.memory_space<vmem>>, vector<16xf32>,
    tpu.vector_store %arg7[%swap3A_1825, %swap3A_1826], %gather3A_1823 {strides = array<i32>} : memref<16x512xf32, #tpu.memory_space<vmem>>, vector<16xf32>,
    %broadcast_in_dim3A_1828 = arith.constant 1 : i32
    %broadcast_in_dim3A_1829 = vector.broadcast %broadcast_in_dim3A_1828 : i32 to vector<16xi32>
    %broadcast_in_dim3A_1830 = arith.constant 5 : i32
    %broadcast_in_dim3A_1831 = vector.broadcast %broadcast_in_dim3A_1830 : i32 to vector<16xi32>
    %gather3A_1832 = arith.constant 1 : i32
    %gather3A_1833 = arith.constant 0 : i32
    %gather3A_1834 = arith.constant 0 : i32
    %gather3A_1835 = arith.constant 0 : i32
    %gather3A_1836 = arith.constant 0 : i32
    %gather3A_1837 = tpu.memref_slice %arg6[%gather3A_1832, %gather3A_1833, %gather3A_1834, %gather3A_1835, %gather3A_1836] : memref<2x16x2x8x128xf32, #tpu.memory_space<vmem>> -> memref<1x16x2x8x128xf32, #tpu.memory_space<vmem>>
    %gather3A_1838 = tpu.memref_squeeze %gather3A_1837 : memref<1x16x2x8x128xf32, #tpu.memory_space<vmem>> -> memref<16x2x8x128xf32, #tpu.memory_space<vmem>>
    %gather3A_1839 = tpu.vector_load_idx %gather3A_1838[%iota3A, %broadcast_in_dim3A_1829, %broadcast_in_dim3A_1831, %and3A_1295] : memref<16x2x8x128xf32, #tpu.memory_space<vmem>>[vector<16xi32>, vector<16xi32>, vector<16xi32>, vector<16xi32>], vector<16xf32>,
    %swap3A_1840 = arith.constant 13 : i32
    %swap3A_1841 = arith.index_cast %swap3A_1840 : i32 to index
    %swap3A_1842 = arith.index_cast %multiple_of3A_1619 : i32 to index
    %swap3A_1843 = tpu.vector_load %arg7[%swap3A_1841, %swap3A_1842] {strides = array<i32>} : memref<16x512xf32, #tpu.memory_space<vmem>>, vector<16xf32>,
    tpu.vector_store %arg7[%swap3A_1841, %swap3A_1842], %gather3A_1839 {strides = array<i32>} : memref<16x512xf32, #tpu.memory_space<vmem>>, vector<16xf32>,
    %broadcast_in_dim3A_1844 = arith.constant 1 : i32
    %broadcast_in_dim3A_1845 = vector.broadcast %broadcast_in_dim3A_1844 : i32 to vector<16xi32>
    %broadcast_in_dim3A_1846 = arith.constant 6 : i32
    %broadcast_in_dim3A_1847 = vector.broadcast %broadcast_in_dim3A_1846 : i32 to vector<16xi32>
    %gather3A_1848 = arith.constant 1 : i32
    %gather3A_1849 = arith.constant 0 : i32
    %gather3A_1850 = arith.constant 0 : i32
    %gather3A_1851 = arith.constant 0 : i32
    %gather3A_1852 = arith.constant 0 : i32
    %gather3A_1853 = tpu.memref_slice %arg6[%gather3A_1848, %gather3A_1849, %gather3A_1850, %gather3A_1851, %gather3A_1852] : memref<2x16x2x8x128xf32, #tpu.memory_space<vmem>> -> memref<1x16x2x8x128xf32, #tpu.memory_space<vmem>>
    %gather3A_1854 = tpu.memref_squeeze %gather3A_1853 : memref<1x16x2x8x128xf32, #tpu.memory_space<vmem>> -> memref<16x2x8x128xf32, #tpu.memory_space<vmem>>
    %gather3A_1855 = tpu.vector_load_idx %gather3A_1854[%iota3A, %broadcast_in_dim3A_1845, %broadcast_in_dim3A_1847, %and3A_1295] : memref<16x2x8x128xf32, #tpu.memory_space<vmem>>[vector<16xi32>, vector<16xi32>, vector<16xi32>, vector<16xi32>], vector<16xf32>,
    %swap3A_1856 = arith.constant 14 : i32
    %swap3A_1857 = arith.index_cast %swap3A_1856 : i32 to index
    %swap3A_1858 = arith.index_cast %multiple_of3A_1619 : i32 to index
    %swap3A_1859 = tpu.vector_load %arg7[%swap3A_1857, %swap3A_1858] {strides = array<i32>} : memref<16x512xf32, #tpu.memory_space<vmem>>, vector<16xf32>,
    tpu.vector_store %arg7[%swap3A_1857, %swap3A_1858], %gather3A_1855 {strides = array<i32>} : memref<16x512xf32, #tpu.memory_space<vmem>>, vector<16xf32>,
    %broadcast_in_dim3A_1860 = arith.constant 1 : i32
    %broadcast_in_dim3A_1861 = vector.broadcast %broadcast_in_dim3A_1860 : i32 to vector<16xi32>
    %broadcast_in_dim3A_1862 = arith.constant 7 : i32
    %broadcast_in_dim3A_1863 = vector.broadcast %broadcast_in_dim3A_1862 : i32 to vector<16xi32>
    %gather3A_1864 = arith.constant 1 : i32
    %gather3A_1865 = arith.constant 0 : i32
    %gather3A_1866 = arith.constant 0 : i32
    %gather3A_1867 = arith.constant 0 : i32
    %gather3A_1868 = arith.constant 0 : i32
    %gather3A_1869 = tpu.memref_slice %arg6[%gather3A_1864, %gather3A_1865, %gather3A_1866, %gather3A_1867, %gather3A_1868] : memref<2x16x2x8x128xf32, #tpu.memory_space<vmem>> -> memref<1x16x2x8x128xf32, #tpu.memory_space<vmem>>
    %gather3A_1870 = tpu.memref_squeeze %gather3A_1869 : memref<1x16x2x8x128xf32, #tpu.memory_space<vmem>> -> memref<16x2x8x128xf32, #tpu.memory_space<vmem>>
    %gather3A_1871 = tpu.vector_load_idx %gather3A_1870[%iota3A, %broadcast_in_dim3A_1861, %broadcast_in_dim3A_1863, %and3A_1295] : memref<16x2x8x128xf32, #tpu.memory_space<vmem>>[vector<16xi32>, vector<16xi32>, vector<16xi32>, vector<16xi32>], vector<16xf32>,
    %swap3A_1872 = arith.constant 15 : i32
    %swap3A_1873 = arith.index_cast %swap3A_1872 : i32 to index
    %swap3A_1874 = arith.index_cast %multiple_of3A_1619 : i32 to index
    %swap3A_1875 = tpu.vector_load %arg7[%swap3A_1873, %swap3A_1874] {strides = array<i32>} : memref<16x512xf32, #tpu.memory_space<vmem>>, vector<16xf32>,
    tpu.vector_store %arg7[%swap3A_1873, %swap3A_1874], %gather3A_1871 {strides = array<i32>} : memref<16x512xf32, #tpu.memory_space<vmem>>, vector<16xf32>,
    "tpu.region"() ({
      %run_scoped3A = tpu.sem_alloc : memref<!tpu.dma_semaphore, #tpu.memory_space<semaphore_mem>>
      %dma_start3A_1876 = arith.constant 0 : i32
      %dma_start3A_1877 = tpu.memref_slice %arg4[%dma_start3A_1876, %mul3A_2] : memref<16x16384xf32, #tpu.memory_space<hbm>> -> memref<16x512xf32, #tpu.memory_space<hbm>>
      %dma_start3A_1878 = arith.constant 0 : i32
      %dma_start3A_1879 = tpu.memref_slice %arg4[%dma_start3A_1878, %mul3A_2] : memref<16x16384xf32, #tpu.memory_space<hbm>> -> memref<16x512xf32, #tpu.memory_space<hbm>>
      tpu.enqueue_dma source(%arg7 : memref<16x512xf32, #tpu.memory_space<vmem>>) target(%dma_start3A_1879 : memref<16x512xf32, #tpu.memory_space<hbm>>) target_semaphore(%run_scoped3A : memref<!tpu.dma_semaphore, #tpu.memory_space<semaphore_mem>>)
      %dma_wait3A_1880 = arith.constant 0 : i32
      %dma_wait3A_1881 = tpu.memref_slice %arg4[%dma_wait3A_1880, %mul3A_2] : memref<16x16384xf32, #tpu.memory_space<hbm>> -> memref<16x512xf32, #tpu.memory_space<hbm>>
      %dma_wait3A_1882 = arith.constant 0 : i32
      %dma_wait3A_1883 = tpu.memref_slice %arg4[%dma_wait3A_1882, %mul3A_2] : memref<16x16384xf32, #tpu.memory_space<hbm>> -> memref<16x512xf32, #tpu.memory_space<hbm>>
      tpu.wait_dma2 semaphore(%run_scoped3A : memref<!tpu.dma_semaphore, #tpu.memory_space<semaphore_mem>>) src(%arg7 : memref<16x512xf32, #tpu.memory_space<vmem>>) dst(%dma_wait3A_1883 : memref<16x512xf32, #tpu.memory_space<hbm>>)
      tpu.yield
    }) : () -> ()
    return
  }
}

</mosaic_0001>

<sc_bundles>
// kernel: kernel.3.cloned.1.call-start
scs
__scs_entry_jumppad:
0x0: {  	(pc) =	sbr.rel $0x88, $3  }
0x1: {  	(tag) =	ssettag $0x0;
	lr =	simm.s32 $0x1  }
0x2: {  	[smem:$0x3F9F] =	sst lr;
	_ =	strace $0xD0000000  }
0x3: {  	_ = 	snop  }
0x4: {  	_ = 	snop  }
0x5: {  	_ = 	snop  }
0x6: {  	_ = 	snop  }
0x7: {  	_ = 	snop  }
__scs_overlays_trampoline_lowered:
0x8: {  	[smem:$0x3FAE] =	sst s0  }
0x9: {  	[smem:$0x3FAF] =	sst s1  }
0xa: {  	[smem:$0x3FB0] =	sst s2  }
0xb: {  	[smem:$0x3FB1] =	sst s3  }
0xc: {  	[smem:$0x3FB2] =	sst s4  }
0xd: {  	[smem:$0x3FB3] =	sst s5  }
0xe: {  	[smem:$0x3FB4] =	sst s6  }
0xf: {  	[smem:$0x3FB5] =	sst s7  }
0x10: {  	[smem:$0x3FB6] =	sst s8  }
0x11: {  	[smem:$0x3FB7] =	sst s9;
	s0 =	simm.s32 @!p0 $0x0  }
0x12: {  	s1 =	sld [smem:$0x3F9D];
	s0 =	simm.s32 @p0 $0x1  }
0x13: {  	[smem:$0x3FB8] =	sst s0;
	s0 =	simm.s32 @!p1 $0x0  }
0x14: {  	s2 =	sld [smem:$0x3F9C];
	s0 =	simm.s32 @p1 $0x1  }
0x15: {  	[smem:$0x3FB9] =	sst s0;
	s0 =	simm.s32 @!p2 $0x0  }
0x16: {  	s3 =	sld [smem:$0x3FDB];
	s0 =	simm.s32 @p2 $0x1  }
0x17: {  	s4 =	simm.s32 $0x1BF5;
	[smem:$0x3FBB] =	sst s0  }
0x18: {  	s0 =	sld [smem:$0x3F9E];
	_ =	swait.ge [sflag:s4], $0x0  }
0x19: {  	s7 =	sld [smem:$0x3F9F]  }
0x1a: {  	s8 =	sadd.s32 $0xFFFFE003, lr  }
0x1b: {  	s9 =	sadd.s32 $0xFFFFFEF7, lr;
	s5 =	simm.s32 $0xFFFFFFFF;
	p2 =	slt.u32 s8, $0xFFFFF086  }
0x1c: {  	p1 =	slt.u32 s9, $0xF7A;
	s5 =	simm.s32 @!p2 $0x0  }
0x1d: {  	s5 =	simm.s32 @p1 $0x1;
	p0 =	seq.s32 s7, s2  }
0x1e: {  	s7 =	smul.u32 @!p0 $0xF7A, s2;
	p2 =	seq.s32 @!p0 s5, $0x0  }
0x1f: {  	s9 =	smul.u32 $0xF7A, s1;
	s8 =	simm.s32 @!p0 $0x1BF5;
	p2 =	por !p2, p0  }
0x20: {  	[sflag:s8] =	ssyncset.s32 @!p0 $0xFFFFF086;
	s6 =	sadd.s32 @!p0 s3, s7;
	s7 =	simm.s32 @!p0 $0x108  }
0x21: {  	s3 =	sadd.s32 s3, s9;
	s6 =	sadd.s32 @!p0 $0x88, s6;
	s7 =	simm.s32 @p2 $0x1082  }
0x22: {  	[simem:s7], [sflag:s8] =	dma.local @!p0 [hbm:s6], $0xF7A  }
0x23: {  	s9 =	sor.u32 $0xD0000000, s2;
	s6 =	simm.s32 $0x108;
	_ =	swait.ge @!p0 [sflag:s8], $0x0  }
0x24: {  	s3 =	sadd.s32 $0x88, s3;
	s6 =	simm.s32 @!p1 $0x1082;
	[sflag:s4] =	ssyncset.s32 $0xFFFFF086  }
0x25: {  	[simem:s6], [sflag:s4] =	dma.local [hbm:s3], $0xF7A  }
0x26: {  	[smem:$0x3F9F] =	sst s1;
	(tag) =	ssettag s2;
	_ =	strace s9  }
0x27: {  	s1 =	sld [smem:$0x3FAF]  }
0x28: {  	s2 =	sld [smem:$0x3FB0]  }
0x29: {  	s4 =	sld [smem:$0x3FB2]  }
0x2a: {  	p0 =	seq.s32 s5, $0x0;
	s5 =	sld [smem:$0x3FB3]  }
0x2b: {  	s6 =	sld [smem:$0x3FB4]  }
0x2c: {  	s7 =	sld [smem:$0x3FB5]  }
0x2d: {  	s3 =	simm.s32 $0x108;
	s8 =	sld [smem:$0x3FB6]  }
0x2e: {  	s3 =	simm.s32 @!p0 $0x1082;
	s9 =	sld [smem:$0x3FB7]  }
0x2f: {  	lr =	sadd.s32 s0, s3;
	s0 =	sld [smem:$0x3FAE]  }
0x30: {  	s3 =	sld [smem:$0x3FB1]  }
0x31: {  	[smem:$0x3FBA] =	sst s10  }
0x32: {  	s10 =	sld [smem:$0x3FB8];
	_ =	sdelay $0x3  }
0x33: {  	p0 =	seq.s32 s10, $0x1;
	s10 =	sld [smem:$0x3FBA];
	_ =	sdelay $0x3  }
0x34: {  	[smem:$0x3FBA] =	sst s10  }
0x35: {  	s10 =	sld [smem:$0x3FB9];
	_ =	sdelay $0x3  }
0x36: {  	p1 =	seq.s32 s10, $0x1;
	s10 =	sld [smem:$0x3FBA];
	_ =	sdelay $0x3  }
0x37: {  	[smem:$0x3FBA] =	sst s10  }
0x38: {  	s10 =	sld [smem:$0x3FBB]  }
0x39: {  	_ = 	snop;
	(pc) =	sbr.ind lr, $3  }
0x3a: {  	_ = 	snop  }
0x3b: {  	_ = 	snop  }
0x3c: {  	p2 =	seq.s32 s10, $0x1;
	s10 =	sld [smem:$0x3FBA]  }
0x3d: {  	_ =	shalt  }
0x3e: {  	_ =	shalt  }
0x3f: {  	_ =	shalt  }
0x40: {  	_ =	shalt  }
0x41: {  	_ =	shalt  }
0x42: {  	_ =	shalt  }
0x43: {  	_ =	shalt  }
0x44: {  	_ =	shalt  }
0x45: {  	_ =	shalt  }
0x46: {  	_ =	shalt  }
0x47: {  	_ =	shalt  }
0x48: {  	_ =	shalt  }
0x49: {  	_ =	shalt  }
0x4a: {  	_ =	shalt  }
0x4b: {  	_ =	shalt  }
0x4c: {  	_ =	shalt  }
0x4d: {  	_ =	shalt  }
0x4e: {  	_ =	shalt  }
0x4f: {  	_ =	shalt  }
0x50: {  	_ =	shalt  }
0x51: {  	_ =	shalt  }
0x52: {  	_ =	shalt  }
0x53: {  	_ =	shalt  }
0x54: {  	_ =	shalt  }
0x55: {  	_ =	shalt  }
0x56: {  	_ =	shalt  }
0x57: {  	_ =	shalt  }
0x58: {  	_ =	shalt  }
0x59: {  	_ =	shalt  }
0x5a: {  	_ =	shalt  }
0x5b: {  	_ =	shalt  }
0x5c: {  	_ =	shalt  }
0x5d: {  	_ =	shalt  }
0x5e: {  	_ =	shalt  }
0x5f: {  	_ =	shalt  }
0x60: {  	_ =	shalt  }
0x61: {  	_ =	shalt  }
0x62: {  	_ =	shalt  }
0x63: {  	_ =	shalt  }
0x64: {  	_ =	shalt  }
0x65: {  	_ =	shalt  }
0x66: {  	_ =	shalt  }
0x67: {  	_ =	shalt  }
0x68: {  	_ =	shalt  }
0x69: {  	_ =	shalt  }
0x6a: {  	_ =	shalt  }
0x6b: {  	_ =	shalt  }
0x6c: {  	_ =	shalt  }
0x6d: {  	_ =	shalt  }
0x6e: {  	_ =	shalt  }
0x6f: {  	_ =	shalt  }
0x70: {  	_ =	shalt  }
0x71: {  	_ =	shalt  }
0x72: {  	_ =	shalt  }
0x73: {  	_ =	shalt  }
0x74: {  	_ =	shalt  }
0x75: {  	_ =	shalt  }
0x76: {  	_ =	shalt  }
0x77: {  	_ =	shalt  }
0x78: {  	_ =	shalt  }
0x79: {  	_ =	shalt  }
0x7a: {  	_ =	shalt  }
0x7b: {  	_ =	shalt  }
0x7c: {  	_ =	shalt  }
0x7d: {  	_ =	shalt  }
0x7e: {  	_ =	shalt  }
0x7f: {  	_ =	shalt  }
0x80: {  	_ =	shalt  }
0x81: {  	_ =	shalt  }
0x82: {  	_ =	shalt  }
0x83: {  	_ =	shalt  }
0x84: {  	_ =	shalt  }
0x85: {  	_ =	shalt  }
0x86: {  	_ =	shalt  }
0x87: {  	_ =	shalt  }
.Lfunc_end0:
.L_simem_size_0:
called_computation_lowered:
.L_overlay_start_0:
0x88: {  	s2 =	sld [smem:$0x3FD9]  }
0x89: {  	s3 =	sld [smem:$0x3FFE];
	_ =	sdelay $0x1  }
0x8a: {  	s1 =	srdreg.scid  }
0x8b: {  	s0 =	sand.u32 $0x1, s1  }
0x8c: {  	s18 =	sshll.u32 s0, $0xA;
	s2 =	sadd.s32 s3, s2  }
0x8d: {  	s2 =	sadd.s32 s2, s18  }
0x8e: {  	[smem:$0x3FC6] =	sst s2  }
0x8f: {  	_ = 	snop  }
0x90: {  	s2 =	sld [smem:$0x3FC9]  }
0x91: {  	s19 =	sld [smem:$0x3FC8]  }
0x92: {  	s4 =	sld [smem:$0x3FD0];
	(tm) =	ssettm $0x1  }
0x93: {  	s5 =	sld [smem:$0x3FFB];
	_ =	sdelay $0x3  }
0x94: {  	_ =	strace s5  }
0x95: {  	s5 =	sld [smem:$0x3FFC];
	_ =	sdelay $0x3  }
0x96: {  	_ =	strace s5  }
0x97: {  	s5 =	sld [smem:$0x3FFD];
	_ =	sdelay $0x3  }
0x98: {  	_ =	strace s5  }
0x99: {  	_ =	strace $0x8FFFFFFF  }
0x9a: {  	s20 =	sld [smem:$0x3FDB];
	_ =	sdelay $0x1  }
0x9b: {  	s6 =	simm.s32 $_scs_section_size  }
0x9c: {  	s7 =	simm.s32 $_size__tile_overlayer_lowered;
	s8 =	simm.s32 $_tile_overlayer_lowered  }
0x9d: {  	s23 =	simm.s32 $0x1BFF;
	s22 =	sshll.u32 s8, $0x1;
	s5 =	sadd.s32 s6, s20  }
0x9e: {  	s9 =	simm.s32 $0x0;
	s21 =	sshll.u32 s7, $0x1;
	s7 =	sadd.s32 s22, s5  }
0x9f: {  	[timem:s9], [sflag:s23] =	dma.local [hbm:s7], s21  }
0xa0: {  	_ =	swait.ge [sflag:s23], s21  }
0xa1: {  	s6 =	ssub.s32 $0x0, s21;
	[sflag:s23] =	ssyncset.done $0x0  }
0xa2: {  	[sflag:s23] =	ssyncadd.s32 s6;
	_ =	sdelay $0x1  }
0xa3: {  	s24 =	simm.s32 $0x1B8B  }
0xa4: {  	_ =	swait.ge [sflag:s24], $0x1  }
0xa5: {  	[sflag:s24] =	ssyncset.done $0x0  }
0xa6: {  	s25 =	simm.s32 $0x1B8E;
	[sflag:s24] =	ssyncadd.s32 $0xFFFFFFFF  }
0xa7: {  	s26 =	simm.s32 $execute0_lowered;
	[smem:$0x3FD2] =	sst s25  }
0xa8: {  	s6 =	sshll.u32 s26, $0x1;
	_ =	strace $0x80000046;
	[dreg:$0x1] =	wrdreg $0xFFFFFFFF  }
0xa9: {  	s28 =	simm.s32 $_size_execute0_lowered;
	s5 =	sadd.s32 s5, s6;
	[dreg:$0x0] =	wrdreg $0x0  }
0xaa: {  	s6 =	sshll.u32 s28, $0x1;
	[dreg:$0x2] =	wrdreg s5  }
0xab: {  	[dreg:$0x3] =	wrdreg s6  }
0xac: {  	[dreg:$0x4] =	wrdreg $0xC0  }
0xad: {  	_ =	task [dreg:s9], $0x5FFFF  }
0xae: {  	[dreg:$0x1] =	wrdreg $0xFFFFFFFF  }
0xaf: {  	[dreg:$0x0] =	wrdreg $0x60  }
0xb0: {  	[dreg:$0x2] =	wrdreg s19  }
0xb1: {  	[dreg:$0x3] =	wrdreg s2  }
0xb2: {  	[dreg:$0x4] =	wrdreg s4  }
0xb3: {  	[dreg:$0x5] =	wrdreg $0x9  }
0xb4: {  	_ =	task.clear_ibuf [dreg:s9], $0x6FFFF;
	_ =	strace $0x90000046  }
0xb5: {  	s29 =	simm.s32 $0x9;
	_ =	strace $0x80000048  }
0xb6: {  	_ =	swait.ge [sflag:s29], $0x1  }
0xb7: {  	[sflag:s29] =	ssyncadd.s32 $0xFFFFFFFF  }
0xb8: {  	_ =	strace $0x90000048  }
0xb9: {  	_ =	sfence  }
0xba: {  	s30 =	sld [smem:$0x0];
	_ =	sdelay $0x2  }
0xbb: {  	s31 =	sshll.u32 s1, $0xD;
	s1 =	sshrl.u32 s1, $0x2  }
0xbc: {  	s3 =	sand.u32 $0x4000, s31;
	s1 =	sadd.s32 s1, s30  }
0xbd: {  	s0 =	sor.u32 s3, s0;
	s1 =	sshll.u32 s1, $0x11  }
0xbe: {  	s0 =	sor.u32 s1, s0  }
0xbf: {  	s0 =	sadd.s32 $0x8F2B, s0  }
0xc0: {  	[sflag:s0] =	ssyncadd.remote.s32 $0x1  }
0xc1: {  	_ =	sfence.sel $0xFFFF  }
0xc2: {  	[dreg:$0x0] =	wrdreg $0xFFFFFFFF;
	(pc) =	sbr.abs _section_cstart, $3  }
0xc3: {  	[dreg:$0x1] =	wrdreg $0xFFFFFFFF  }
0xc4: {  	_ =	task.clear_ibuf [dreg:s9], $0x2FFFF;
	_ =	strace $0x9FFFFFFF  }
0xc5: {  	(tm) =	ssettm $0x7FFFFFFF  }
tec
execute0_lowered:
.L_overlay_start_1:
0x0: {  	(tag) =	ssettag $0x1  }
0x1: {  	s17 =	rddreg [dreg:$0x0]  }
0x2: {  	s0 =	rddreg [dreg:$0x1]  }
0x3: {  	s2 =	rddreg [dreg:$0x2]  }
0x4: {  	s3 =	srdreg.scid;
	s4 =	stileid.u32;
	s6 =	simm.s32 $0x0  }
0x5: {  	s8 =	simm.s32 $0x400;
	s9 =	simm.s32 $0x7A1400;
	s10 =	simm.s32 $0x200  }
0x6: {  	s18 =	simm.s32 $0xA00;
	s7 =	simm.s32 $0x2200;
	s11 =	simm.s32 $0x2A00  }
0x7: {  	s12 =	simm.s32 $0x3200;
	s13 =	simm.s32 $0x3A00;
	s14 =	simm.s32 $0x4200  }
0x8: {  	s1 =	simm.s32 $0x4A00;
	s19 =	simm.s32 $0x5A00;
	s20 =	simm.s32 $0x6200  }
0x9: {  	s21 =	simm.s32 $0x6A00;
	s22 =	simm.s32 $0x7200;
	s28 =	simm.s32 $0x9A00  }
0xa: {  	s29 =	simm.s32 $0xA200;
	s30 =	simm.s32 $0xAA00;
	s31 =	simm.s32 $0xB200  }
0xb: {  	s15 =	simm.s32 $0x1;
	s16 =	simm.s32 $0x2;
	s3 =	sand.u32 $0x1, s3  }
0xc: {  	v0 =	vlaneseq.u32;
	s4 =	sshll.u32 s4, $0xA;
	[smem:$0x7FF] =	sst s6;
	s6 =	simm.s32 $0x1A00  }
0xd: {  	v0 =	vmul.u32 $0x800, v0;
	s5 =	sshll.u32 s3, $0x9;
	s3 =	ssub.s32 $0x2, s3;
	_ =	strace $0x80000047  }
0xe: {  	s4 =	sor.u32 s5, s4;
	s23 =	sshrl.u32 s3, $0x1;
	s5 =	simm.s32 $0x1200  }
0xf: {  	v1 =	vor.u32 $0x80, v0;
	v2 =	vor.u32 $0x100, v0;
	v3 =	vor.u32 $0x180, v0;
	s24 =	sshrl.u32 s4, $0x3;
	s3 =	ssub.s32 s3, s23;
	s25 =	sadd.s32 s2, s4  }
0x10: {  	v4 =	vor.u32 $0x200, v0;
	v5 =	vor.u32 $0x280, v0;
	v6 =	vor.u32 $0x300, v0;
	s4 =	simm.s32 $0x5200;
	s23 =	simm.s32 $0x7A00;
	s2 =	simm.s32 $0x0  }
0x11: {  	v7 =	vor.u32 $0x380, v0;
	v8 =	vor.u32 $0x400, v0;
	v9 =	vor.u32 $0x480, v0;
	s0 =	sadd.s32 s0, s24;
	[dreg:$0x5] =	wrdreg s25;
	s26 =	smax.u32 s3, $0x1  }
0x12: {  	v10 =	vor.u32 $0x500, v0;
	v11 =	vor.u32 $0x580, v0;
	v12 =	vor.u32 $0x600, v0;
	s3 =	simm.s32 $0x3;
	s24 =	simm.s32 $0x8A00;
	[dreg:$0x4] =	wrdreg s0  }
0x13: {  	v13 =	vor.u32 $0x680, v0;
	v14 =	vor.u32 $0x700, v0;
	v15 =	vor.u32 $0x780, v0;
	s25 =	simm.s32 $0x9200;
	[dreg:$0x6] =	wrdreg s26;
	s26 =	simm.s32 $0x8200  }
.LBB2_1:
0x14: {  	[dreg:$0x7] =	wrdreg s2  }
0x15: {  	s0 =	simm.s32 $0x0;
	s2 =	rddreg [dreg:$0x4]  }
0x16: {  	[tilespmem:s0], [sflag:$0x3] =	stream.linear.gather [hbm4b:s2+s0], $0x200, $0x38;
	[tilespmem:$0x12200] =	vst v63  }
0x17: {  	_ =	swait.ge [sflag:s3], $0x200  }
0x18: {  	[sflag:s3] =	ssyncset.done $0x0  }
0x19: {  	[sflag:s3] =	ssyncadd.s32 $0xFFFFFE00  }
0x1a: {  	v16 =	vld [tilespmem:$0x0];
	_ =	sdelay $0x4  }
0x1b: {  	v16 =	vand.u32 $0xFFFFFF80, v16  }
0x1c: {  	v16 =	vadd.s32 s17, v16  }
0x1d: {  	(v2sf) =	vpush v16, $0x0;
	_ =	sdelay $0x1  }
0x1e: {  	(v2sf) =	vpush v16, $0x1;
	_ =	sdelay $0x1  }
0x1f: {  	(v2sf) =	vpush v16, $0x2;
	_ =	sdelay $0x1  }
0x20: {  	(v2sf) =	vpush v16, $0x3;
	_ =	sdelay $0x1  }
0x21: {  	(v2sf) =	vpush v16, $0x4;
	_ =	sdelay $0x1  }
0x22: {  	(v2sf) =	vpush v16, $0x5;
	_ =	sdelay $0x1  }
0x23: {  	(v2sf) =	vpush v16, $0x6;
	_ =	sdelay $0x1  }
0x24: {  	(v2sf) =	vpush v16, $0x7  }
0x25: {  	s2 =	spop (v2sf)  }
0x26: {  	(v2sf) =	vpush v16, $0x8;
	[tilespmem:s10], [sflag:$0x1] =	stream.strided.gather [hbm4b:s2+s8], $0x800, s9, s8, $0x38;
	[tilespmem:$0x12200] =	vst v63  }
0x27: {  	s3 =	spop (v2sf)  }
0x28: {  	(v2sf) =	vpush v16, $0x9;
	[tilespmem:s18], [sflag:$0x1] =	stream.strided.gather [hbm4b:s3+s8], $0x800, s9, s8, $0x38;
	[tilespmem:$0x12200] =	vst v63  }
0x29: {  	s2 =	spop (v2sf)  }
0x2a: {  	(v2sf) =	vpush v16, $0xA;
	[tilespmem:s5], [sflag:$0x1] =	stream.strided.gather [hbm4b:s2+s8], $0x800, s9, s8, $0x38;
	[tilespmem:$0x12200] =	vst v63  }
0x2b: {  	s3 =	spop (v2sf)  }
0x2c: {  	(v2sf) =	vpush v16, $0xB;
	[tilespmem:s6], [sflag:$0x1] =	stream.strided.gather [hbm4b:s3+s8], $0x800, s9, s8, $0x38;
	[tilespmem:$0x12200] =	vst v63  }
0x2d: {  	s5 =	spop (v2sf)  }
0x2e: {  	(v2sf) =	vpush v16, $0xC;
	[tilespmem:s7], [sflag:$0x1] =	stream.strided.gather [hbm4b:s5+s8], $0x800, s9, s8, $0x38;
	[tilespmem:$0x12200] =	vst v63  }
0x2f: {  	s6 =	spop (v2sf)  }
0x30: {  	(v2sf) =	vpush v16, $0xD;
	[tilespmem:s11], [sflag:$0x1] =	stream.strided.gather [hbm4b:s6+s8], $0x800, s9, s8, $0x38;
	[tilespmem:$0x12200] =	vst v63  }
0x31: {  	s7 =	spop (v2sf)  }
0x32: {  	(v2sf) =	vpush v16, $0xE;
	[tilespmem:s12], [sflag:$0x1] =	stream.strided.gather [hbm4b:s7+s8], $0x800, s9, s8, $0x38;
	[tilespmem:$0x12200] =	vst v63  }
0x33: {  	s11 =	spop (v2sf)  }
0x34: {  	(v2sf) =	vpush v16, $0xF;
	[tilespmem:s13], [sflag:$0x1] =	stream.strided.gather [hbm4b:s11+s8], $0x800, s9, s8, $0x38;
	[tilespmem:$0x12200] =	vst v63  }
0x35: {  	s12 =	spop (v2sf)  }
0x36: {  	[tilespmem:s14], [sflag:$0x1] =	stream.strided.gather [hbm4b:s12+s8], $0x800, s9, s8, $0x38;
	[tilespmem:$0x12200] =	vst v63  }
0x37: {  	s13 =	spop (v2sf)  }
0x38: {  	[tilespmem:s1], [sflag:$0x1] =	stream.strided.gather [hbm4b:s13+s8], $0x800, s9, s8, $0x38;
	[tilespmem:$0x12200] =	vst v63  }
0x39: {  	s14 =	spop (v2sf)  }
0x3a: {  	[tilespmem:s4], [sflag:$0x1] =	stream.strided.gather [hbm4b:s14+s8], $0x800, s9, s8, $0x38;
	[tilespmem:$0x12200] =	vst v63  }
0x3b: {  	s18 =	spop (v2sf)  }
0x3c: {  	[tilespmem:s19], [sflag:$0x1] =	stream.strided.gather [hbm4b:s18+s8], $0x800, s9, s8, $0x38;
	[tilespmem:$0x12200] =	vst v63  }
0x3d: {  	s19 =	spop (v2sf)  }
0x3e: {  	[tilespmem:s20], [sflag:$0x1] =	stream.strided.gather [hbm4b:s19+s8], $0x800, s9, s8, $0x38;
	[tilespmem:$0x12200] =	vst v63  }
0x3f: {  	s20 =	spop (v2sf)  }
0x40: {  	[tilespmem:s21], [sflag:$0x1] =	stream.strided.gather [hbm4b:s20+s8], $0x800, s9, s8, $0x38;
	[tilespmem:$0x12200] =	vst v63  }
0x41: {  	s21 =	spop (v2sf)  }
0x42: {  	[tilespmem:s22], [sflag:$0x1] =	stream.strided.gather [hbm4b:s21+s8], $0x800, s9, s8, $0x38;
	[tilespmem:$0x12200] =	vst v63  }
0x43: {  	s1 =	spop (v2sf)  }
0x44: {  	[tilespmem:s23], [sflag:$0x1] =	stream.strided.gather [hbm4b:s1+s8], $0x800, s9, s8, $0x38;
	[tilespmem:$0x12200] =	vst v63  }
0x45: {  	v16 =	vld [tilespmem:$0x10];
	_ =	sdelay $0x4  }
0x46: {  	v16 =	vand.u32 $0xFFFFFF80, v16  }
0x47: {  	v16 =	vadd.s32 s17, v16  }
0x48: {  	(v2sf) =	vpush v16, $0x0;
	_ =	sdelay $0x1  }
0x49: {  	(v2sf) =	vpush v16, $0x1;
	_ =	sdelay $0x1  }
0x4a: {  	(v2sf) =	vpush v16, $0x2;
	_ =	sdelay $0x1  }
0x4b: {  	(v2sf) =	vpush v16, $0x3;
	_ =	sdelay $0x1  }
0x4c: {  	(v2sf) =	vpush v16, $0x4;
	_ =	sdelay $0x1  }
0x4d: {  	(v2sf) =	vpush v16, $0x5;
	_ =	sdelay $0x1  }
0x4e: {  	(v2sf) =	vpush v16, $0x6;
	_ =	sdelay $0x1  }
0x4f: {  	(v2sf) =	vpush v16, $0x7  }
0x50: {  	s2 =	spop (v2sf)  }
0x51: {  	(v2sf) =	vpush v16, $0x8;
	[tilespmem:s26], [sflag:$0x2] =	stream.strided.gather [hbm4b:s2+s8], $0x800, s9, s8, $0x38;
	[tilespmem:$0x12200] =	vst v63  }
0x52: {  	s3 =	spop (v2sf)  }
0x53: {  	(v2sf) =	vpush v16, $0x9;
	[tilespmem:s24], [sflag:$0x2] =	stream.strided.gather [hbm4b:s3+s8], $0x800, s9, s8, $0x38;
	[tilespmem:$0x12200] =	vst v63  }
0x54: {  	s4 =	spop (v2sf)  }
0x55: {  	(v2sf) =	vpush v16, $0xA;
	[tilespmem:s25], [sflag:$0x2] =	stream.strided.gather [hbm4b:s4+s8], $0x800, s9, s8, $0x38;
	[tilespmem:$0x12200] =	vst v63  }
0x56: {  	s5 =	spop (v2sf)  }
0x57: {  	(v2sf) =	vpush v16, $0xB;
	[tilespmem:s28], [sflag:$0x2] =	stream.strided.gather [hbm4b:s5+s8], $0x800, s9, s8, $0x38;
	[tilespmem:$0x12200] =	vst v63  }
0x58: {  	s6 =	spop (v2sf)  }
0x59: {  	(v2sf) =	vpush v16, $0xC;
	[tilespmem:s29], [sflag:$0x2] =	stream.strided.gather [hbm4b:s6+s8], $0x800, s9, s8, $0x38;
	[tilespmem:$0x12200] =	vst v63  }
0x5a: {  	s7 =	spop (v2sf)  }
0x5b: {  	(v2sf) =	vpush v16, $0xD;
	[tilespmem:s30], [sflag:$0x2] =	stream.strided.gather [hbm4b:s7+s8], $0x800, s9, s8, $0x38;
	[tilespmem:$0x12200] =	vst v63  }
0x5c: {  	s11 =	spop (v2sf)  }
0x5d: {  	(v2sf) =	vpush v16, $0xE;
	[tilespmem:s31], [sflag:$0x2] =	stream.strided.gather [hbm4b:s11+s8], $0x800, s9, s8, $0x38;
	[tilespmem:$0x12200] =	vst v63  }
0x5e: {  	s13 =	simm.s32 $0xBA00;
	s18 =	simm.s32 $0xC200;
	s12 =	spop (v2sf)  }
0x5f: {  	(v2sf) =	vpush v16, $0xF;
	[tilespmem:s13], [sflag:$0x2] =	stream.strided.gather [hbm4b:s12+s8], $0x800, s9, s8, $0x38;
	[tilespmem:$0x12200] =	vst v63  }
0x60: {  	s20 =	simm.s32 $0xCA00;
	s22 =	simm.s32 $0xD200;
	s14 =	spop (v2sf)  }
0x61: {  	[tilespmem:s18], [sflag:$0x2] =	stream.strided.gather [hbm4b:s14+s8], $0x800, s9, s8, $0x38;
	[tilespmem:$0x12200] =	vst v63  }
0x62: {  	s1 =	simm.s32 $0xEA00;
	s24 =	simm.s32 $0xDA00;
	s19 =	spop (v2sf)  }
0x63: {  	[tilespmem:s20], [sflag:$0x2] =	stream.strided.gather [hbm4b:s19+s8], $0x800, s9, s8, $0x38;
	[tilespmem:$0x12200] =	vst v63  }
0x64: {  	s4 =	smov.u32 s17;
	s17 =	simm.s32 $0x20;
	s21 =	spop (v2sf)  }
0x65: {  	[tilespmem:s22], [sflag:$0x2] =	stream.strided.gather [hbm4b:s21+s8], $0x800, s9, s8, $0x38;
	[tilespmem:$0x12200] =	vst v63  }
0x66: {  	s28 =	simm.s32 $0xE200;
	s5 =	simm.s32 $0xF200;
	s23 =	spop (v2sf)  }
0x67: {  	[tilespmem:s24], [sflag:$0x2] =	stream.strided.gather [hbm4b:s23+s8], $0x800, s9, s8, $0x38;
	[tilespmem:$0x12200] =	vst v63  }
0x68: {  	s7 =	simm.s32 $0x6200;
	s11 =	simm.s32 $0x6A00;
	s25 =	spop (v2sf)  }
0x69: {  	[tilespmem:s28], [sflag:$0x2] =	stream.strided.gather [hbm4b:s25+s8], $0x800, s9, s8, $0x38;
	[tilespmem:$0x12200] =	vst v63  }
0x6a: {  	s12 =	simm.s32 $0x7200;
	s13 =	simm.s32 $0x7A00;
	s29 =	spop (v2sf)  }
0x6b: {  	[tilespmem:s1], [sflag:$0x2] =	stream.strided.gather [hbm4b:s29+s8], $0x800, s9, s8, $0x38;
	[tilespmem:$0x12200] =	vst v63  }
0x6c: {  	s14 =	simm.s32 $0xFA00;
	s18 =	simm.s32 $0x0;
	s30 =	spop (v2sf)  }
0x6d: {  	[tilespmem:s5], [sflag:$0x2] =	stream.strided.gather [hbm4b:s30+s8], $0x800, s9, s8, $0x38;
	[tilespmem:$0x12200] =	vst v63  }
0x6e: {  	s19 =	simm.s32 $0x0;
	s20 =	simm.s32 $0x0;
	s31 =	spop (v2sf)  }
0x6f: {  	[tilespmem:s14], [sflag:$0x2] =	stream.strided.gather [hbm4b:s31+s8], $0x800, s9, s8, $0x38;
	[tilespmem:$0x12200] =	vst v63  }
.LBB2_2:
0x70: {  	v16 =	vld [tilespmem:s17+$0xFFFFFFE0];
	_ =	swait.ge [sflag:s15], $0x800  }
0x71: {  	[sflag:s15] =	ssyncset.done $0x0  }
0x72: {  	[sflag:s15] =	ssyncadd.s32 $0xFFFFF800  }
0x73: {  	_ =	swait.ge [sflag:s15], $0x800  }
0x74: {  	[sflag:s15] =	ssyncset.done $0x0  }
0x75: {  	[sflag:s15] =	ssyncadd.s32 $0xFFFFF800  }
0x76: {  	_ =	swait.ge [sflag:s15], $0x800  }
0x77: {  	[sflag:s15] =	ssyncset.done $0x0  }
0x78: {  	[sflag:s15] =	ssyncadd.s32 $0xFFFFF800  }
0x79: {  	_ =	swait.ge [sflag:s15], $0x800  }
0x7a: {  	[sflag:s15] =	ssyncset.done $0x0  }
0x7b: {  	[sflag:s15] =	ssyncadd.s32 $0xFFFFF800  }
0x7c: {  	_ =	swait.ge [sflag:s15], $0x800  }
0x7d: {  	[sflag:s15] =	ssyncset.done $0x0  }
0x7e: {  	[sflag:s15] =	ssyncadd.s32 $0xFFFFF800  }
0x7f: {  	_ =	swait.ge [sflag:s15], $0x800  }
0x80: {  	[sflag:s15] =	ssyncset.done $0x0  }
0x81: {  	[sflag:s15] =	ssyncadd.s32 $0xFFFFF800  }
0x82: {  	_ =	swait.ge [sflag:s15], $0x800  }
0x83: {  	[sflag:s15] =	ssyncset.done $0x0  }
0x84: {  	[sflag:s15] =	ssyncadd.s32 $0xFFFFF800  }
0x85: {  	_ =	swait.ge [sflag:s15], $0x800  }
0x86: {  	[sflag:s15] =	ssyncset.done $0x0  }
0x87: {  	[sflag:s15] =	ssyncadd.s32 $0xFFFFF800  }
0x88: {  	_ =	swait.ge [sflag:s15], $0x800  }
0x89: {  	[sflag:s15] =	ssyncset.done $0x0  }
0x8a: {  	[sflag:s15] =	ssyncadd.s32 $0xFFFFF800  }
0x8b: {  	_ =	swait.ge [sflag:s15], $0x800  }
0x8c: {  	[sflag:s15] =	ssyncset.done $0x0  }
0x8d: {  	[sflag:s15] =	ssyncadd.s32 $0xFFFFF800  }
0x8e: {  	_ =	swait.ge [sflag:s15], $0x800  }
0x8f: {  	[sflag:s15] =	ssyncset.done $0x0  }
0x90: {  	[sflag:s15] =	ssyncadd.s32 $0xFFFFF800  }
0x91: {  	_ =	swait.ge [sflag:s15], $0x800  }
0x92: {  	[sflag:s15] =	ssyncset.done $0x0  }
0x93: {  	[sflag:s15] =	ssyncadd.s32 $0xFFFFF800  }
0x94: {  	_ =	swait.ge [sflag:s15], $0x800  }
0x95: {  	[sflag:s15] =	ssyncset.done $0x0  }
0x96: {  	[sflag:s15] =	ssyncadd.s32 $0xFFFFF800  }
0x97: {  	_ =	swait.ge [sflag:s15], $0x800  }
0x98: {  	[sflag:s15] =	ssyncset.done $0x0  }
0x99: {  	[sflag:s15] =	ssyncadd.s32 $0xFFFFF800  }
0x9a: {  	v16 =	vand.u32 $0x7F, v16;
	_ =	swait.ge [sflag:s15], $0x800  }
0x9b: {  	v17 =	vor.u32 v0, v16;
	[sflag:s15] =	ssyncset.done $0x0  }
0x9c: {  	[sflag:s15] =	ssyncadd.s32 $0xFFFFF800  }
0x9d: {  	_ =	swait.ge [sflag:s15], $0x800  }
0x9e: {  	[sflag:s15] =	ssyncset.done $0x0  }
0x9f: {  	[sflag:s15] =	ssyncadd.s32 $0xFFFFF800  }
0xa0: {  	v17 =	vld.idx.msk [tilespmem:v17+s10+$0x0], $0xffff  }
0xa1: {  	v18 =	vor.u32 v1, v16  }
0xa2: {  	s0 =	sand.u32 $0xC00, s19  }
0xa3: {  	s2 =	sand.u32 $0x60, s20;
	s21 =	sor.u32 $0x10200, s0  }
0xa4: {  	s22 =	sor.u32 s2, s21  }
0xa5: {  	[tilespmem:s22+$0x0] =	vst v17  }
0xa6: {  	v17 =	vld.idx.msk [tilespmem:v18+s10+$0x0], $0xffff  }
0xa7: {  	v37 =	vor.u32 v2, v16;
	_ =	sdelay $0x3  }
0xa8: {  	[tilespmem:s22+$0x80] =	vst v17  }
0xa9: {  	v17 =	vld.idx.msk [tilespmem:v37+s10+$0x0], $0xffff  }
0xaa: {  	v38 =	vor.u32 v3, v16;
	_ =	sdelay $0x3  }
0xab: {  	[tilespmem:s22+$0x100] =	vst v17  }
0xac: {  	v17 =	vld.idx.msk [tilespmem:v38+s10+$0x0], $0xffff  }
0xad: {  	v39 =	vor.u32 v4, v16;
	_ =	sdelay $0x3  }
0xae: {  	[tilespmem:s22+$0x180] =	vst v17  }
0xaf: {  	v17 =	vld.idx.msk [tilespmem:v39+s10+$0x0], $0xffff  }
0xb0: {  	v40 =	vor.u32 v5, v16;
	_ =	sdelay $0x3  }
0xb1: {  	[tilespmem:s22+$0x200] =	vst v17  }
0xb2: {  	v17 =	vld.idx.msk [tilespmem:v40+s10+$0x0], $0xffff  }
0xb3: {  	v41 =	vor.u32 v6, v16;
	_ =	sdelay $0x3  }
0xb4: {  	[tilespmem:s22+$0x280] =	vst v17  }
0xb5: {  	v17 =	vld.idx.msk [tilespmem:v41+s10+$0x0], $0xffff  }
0xb6: {  	s25 =	sand.u32 $0x3, s18;
	v42 =	vor.u32 v7, v16  }
0xb7: {  	s22 =	sshll.u32 s25, $0x5  }
0xb8: {  	s22 =	sadd.s32 s22, s19  }
0xb9: {  	s23 =	sor.u32 $0x300, s22  }
0xba: {  	[tilespmem:s23+$0x10200] =	vst v17  }
0xbb: {  	v17 =	vld.idx.msk [tilespmem:v42+s10+$0x0], $0xffff  }
0xbc: {  	v43 =	vor.u32 v8, v16;
	_ =	sdelay $0x1  }
0xbd: {  	s3 =	sor.u32 s19, s20  }
0xbe: {  	s23 =	sor.u32 $0x380, s3  }
0xbf: {  	[tilespmem:s23+$0x10200] =	vst v17  }
0xc0: {  	v17 =	vld.idx.msk [tilespmem:v43+s10+$0x0], $0xffff  }
0xc1: {  	v44 =	vor.u32 v9, v16;
	_ =	sdelay $0x1  }
0xc2: {  	s23 =	sor.u32 $0x11200, s0  }
0xc3: {  	s24 =	sor.u32 s2, s23  }
0xc4: {  	[tilespmem:s24+$0x0] =	vst v17  }
0xc5: {  	v17 =	vld.idx.msk [tilespmem:v44+s10+$0x0], $0xffff  }
0xc6: {  	v45 =	vor.u32 v10, v16;
	_ =	sdelay $0x1  }
0xc7: {  	s24 =	sor.u32 $0x11280, s0  }
0xc8: {  	s25 =	sor.u32 s2, s24  }
0xc9: {  	[tilespmem:s25+$0x0] =	vst v17  }
0xca: {  	v17 =	vld.idx.msk [tilespmem:v45+s10+$0x0], $0xffff  }
0xcb: {  	v46 =	vor.u32 v11, v16;
	_ =	sdelay $0x1  }
0xcc: {  	s25 =	sor.u32 $0x11300, s0  }
0xcd: {  	s28 =	sor.u32 s2, s25  }
0xce: {  	[tilespmem:s28+$0x0] =	vst v17  }
0xcf: {  	v17 =	vld.idx.msk [tilespmem:v46+s10+$0x0], $0xffff  }
0xd0: {  	v47 =	vor.u32 v12, v16;
	_ =	sdelay $0x1  }
0xd1: {  	s28 =	sor.u32 $0x11380, s0  }
0xd2: {  	s29 =	sor.u32 s2, s28  }
0xd3: {  	[tilespmem:s29+$0x0] =	vst v17  }
0xd4: {  	v17 =	vld.idx.msk [tilespmem:v47+s10+$0x0], $0xffff  }
0xd5: {  	v48 =	vor.u32 v13, v16;
	_ =	sdelay $0x1  }
0xd6: {  	s29 =	sadd.s32 $0x11400, s0  }
0xd7: {  	s30 =	sor.u32 s2, s29  }
0xd8: {  	[tilespmem:s30+$0x0] =	vst v17  }
0xd9: {  	v17 =	vld.idx.msk [tilespmem:v48+s10+$0x0], $0xffff  }
0xda: {  	v49 =	vor.u32 v14, v16;
	_ =	sdelay $0x1  }
0xdb: {  	s30 =	sadd.s32 $0x11480, s0  }
0xdc: {  	s31 =	sor.u32 s2, s30  }
0xdd: {  	[tilespmem:s31+$0x0] =	vst v17  }
0xde: {  	v17 =	vld.idx.msk [tilespmem:v49+s10+$0x0], $0xffff  }
0xdf: {  	v16 =	vor.u32 v15, v16;
	_ =	sdelay $0x1  }
0xe0: {  	s31 =	sadd.s32 $0x11500, s0  }
0xe1: {  	s3 =	sor.u32 s2, s31  }
0xe2: {  	[tilespmem:s3+$0x0] =	vst v17  }
0xe3: {  	v16 =	vld.idx.msk [tilespmem:v16+s10+$0x0], $0xffff;
	_ =	sdelay $0x2  }
0xe4: {  	s0 =	sadd.s32 $0x11580, s0  }
0xe5: {  	s6 =	sor.u32 s2, s0  }
0xe6: {  	[tilespmem:s6+$0x0] =	vst v16  }
0xe7: {  	v16 =	vld [tilespmem:s17+$0x0];
	_ =	sdelay $0x4  }
0xe8: {  	v16 =	vand.u32 $0xFFFFFF80, v16  }
0xe9: {  	v16 =	vadd.s32 s4, v16  }
0xea: {  	(v2sf) =	vpush v16, $0x0;
	_ =	sdelay $0x1  }
0xeb: {  	(v2sf) =	vpush v16, $0x1;
	_ =	sdelay $0x1  }
0xec: {  	(v2sf) =	vpush v16, $0x2;
	_ =	sdelay $0x1  }
0xed: {  	(v2sf) =	vpush v16, $0x3;
	_ =	sdelay $0x1  }
0xee: {  	(v2sf) =	vpush v16, $0x4;
	_ =	sdelay $0x1  }
0xef: {  	(v2sf) =	vpush v16, $0x5;
	_ =	sdelay $0x1  }
0xf0: {  	(v2sf) =	vpush v16, $0x6;
	_ =	sdelay $0x1  }
0xf1: {  	(v2sf) =	vpush v16, $0x7  }
0xf2: {  	s6 =	spop (v2sf)  }
0xf3: {  	(v2sf) =	vpush v16, $0x8;
	[tilespmem:s10], [sflag:$0x1] =	stream.strided.gather [hbm4b:s6+s8], $0x800, s9, s8, $0x38;
	[tilespmem:$0x12200] =	vst v63  }
0xf4: {  	s3 =	spop (v2sf);
	s6 =	simm.s32 $0xA00  }
0xf5: {  	(v2sf) =	vpush v16, $0x9;
	[tilespmem:s6], [sflag:$0x1] =	stream.strided.gather [hbm4b:s3+s8], $0x800, s9, s8, $0x38;
	[tilespmem:$0x12200] =	vst v63  }
0xf6: {  	s3 =	spop (v2sf);
	s6 =	simm.s32 $0x1200  }
0xf7: {  	(v2sf) =	vpush v16, $0xA;
	[tilespmem:s6], [sflag:$0x1] =	stream.strided.gather [hbm4b:s3+s8], $0x800, s9, s8, $0x38;
	[tilespmem:$0x12200] =	vst v63  }
0xf8: {  	s3 =	spop (v2sf);
	s6 =	simm.s32 $0x1A00  }
0xf9: {  	(v2sf) =	vpush v16, $0xB;
	[tilespmem:s6], [sflag:$0x1] =	stream.strided.gather [hbm4b:s3+s8], $0x800, s9, s8, $0x38;
	[tilespmem:$0x12200] =	vst v63  }
0xfa: {  	s3 =	spop (v2sf);
	s6 =	simm.s32 $0x2200  }
0xfb: {  	(v2sf) =	vpush v16, $0xC;
	[tilespmem:s6], [sflag:$0x1] =	stream.strided.gather [hbm4b:s3+s8], $0x800, s9, s8, $0x38;
	[tilespmem:$0x12200] =	vst v63  }
0xfc: {  	s3 =	spop (v2sf);
	s6 =	simm.s32 $0x2A00  }
0xfd: {  	(v2sf) =	vpush v16, $0xD;
	[tilespmem:s6], [sflag:$0x1] =	stream.strided.gather [hbm4b:s3+s8], $0x800, s9, s8, $0x38;
	[tilespmem:$0x12200] =	vst v63  }
0xfe: {  	s3 =	spop (v2sf);
	s6 =	simm.s32 $0x3200  }
0xff: {  	(v2sf) =	vpush v16, $0xE;
	[tilespmem:s6], [sflag:$0x1] =	stream.strided.gather [hbm4b:s3+s8], $0x800, s9, s8, $0x38;
	[tilespmem:$0x12200] =	vst v63  }
0x100: {  	s3 =	spop (v2sf);
	s6 =	simm.s32 $0x3A00  }
0x101: {  	(v2sf) =	vpush v16, $0xF;
	[tilespmem:s6], [sflag:$0x1] =	stream.strided.gather [hbm4b:s3+s8], $0x800, s9, s8, $0x38;
	[tilespmem:$0x12200] =	vst v63  }
0x102: {  	s3 =	spop (v2sf);
	s6 =	simm.s32 $0x4200  }
0x103: {  	[tilespmem:s6], [sflag:$0x1] =	stream.strided.gather [hbm4b:s3+s8], $0x800, s9, s8, $0x38;
	[tilespmem:$0x12200] =	vst v63  }
0x104: {  	s3 =	spop (v2sf);
	s6 =	simm.s32 $0x4A00  }
0x105: {  	[tilespmem:s6], [sflag:$0x1] =	stream.strided.gather [hbm4b:s3+s8], $0x800, s9, s8, $0x38;
	[tilespmem:$0x12200] =	vst v63  }
0x106: {  	s3 =	spop (v2sf);
	s6 =	simm.s32 $0x5200  }
0x107: {  	[tilespmem:s6], [sflag:$0x1] =	stream.strided.gather [hbm4b:s3+s8], $0x800, s9, s8, $0x38;
	[tilespmem:$0x12200] =	vst v63  }
0x108: {  	s3 =	spop (v2sf);
	s6 =	simm.s32 $0x5A00  }
0x109: {  	[tilespmem:s6], [sflag:$0x1] =	stream.strided.gather [hbm4b:s3+s8], $0x800, s9, s8, $0x38;
	[tilespmem:$0x12200] =	vst v63  }
0x10a: {  	s6 =	spop (v2sf)  }
0x10b: {  	[tilespmem:s7], [sflag:$0x1] =	stream.strided.gather [hbm4b:s6+s8], $0x800, s9, s8, $0x38;
	[tilespmem:$0x12200] =	vst v63  }
0x10c: {  	s6 =	spop (v2sf)  }
0x10d: {  	[tilespmem:s11], [sflag:$0x1] =	stream.strided.gather [hbm4b:s6+s8], $0x800, s9, s8, $0x38;
	[tilespmem:$0x12200] =	vst v63  }
0x10e: {  	s6 =	spop (v2sf)  }
0x10f: {  	[tilespmem:s12], [sflag:$0x1] =	stream.strided.gather [hbm4b:s6+s8], $0x800, s9, s8, $0x38;
	[tilespmem:$0x12200] =	vst v63  }
0x110: {  	s6 =	spop (v2sf)  }
0x111: {  	[tilespmem:s13], [sflag:$0x1] =	stream.strided.gather [hbm4b:s6+s8], $0x800, s9, s8, $0x38;
	[tilespmem:$0x12200] =	vst v63  }
0x112: {  	s2 =	sor.u32 $0x10, s2;
	s6 =	sand.u32 $0x180, s20  }
0x113: {  	s3 =	sor.u32 s2, s6  }
0x114: {  	v16 =	vld [tilespmem:s3+$0x0];
	_ =	swait.ge [sflag:s16], $0x800  }
0x115: {  	[sflag:s16] =	ssyncset.done $0x0  }
0x116: {  	[sflag:s16] =	ssyncadd.s32 $0xFFFFF800  }
0x117: {  	_ =	swait.ge [sflag:s16], $0x800  }
0x118: {  	[sflag:s16] =	ssyncset.done $0x0  }
0x119: {  	[sflag:s16] =	ssyncadd.s32 $0xFFFFF800  }
0x11a: {  	_ =	swait.ge [sflag:s16], $0x800  }
0x11b: {  	[sflag:s16] =	ssyncset.done $0x0  }
0x11c: {  	[sflag:s16] =	ssyncadd.s32 $0xFFFFF800  }
0x11d: {  	_ =	swait.ge [sflag:s16], $0x800  }
0x11e: {  	[sflag:s16] =	ssyncset.done $0x0  }
0x11f: {  	[sflag:s16] =	ssyncadd.s32 $0xFFFFF800  }
0x120: {  	_ =	swait.ge [sflag:s16], $0x800  }
0x121: {  	[sflag:s16] =	ssyncset.done $0x0  }
0x122: {  	[sflag:s16] =	ssyncadd.s32 $0xFFFFF800  }
0x123: {  	_ =	swait.ge [sflag:s16], $0x800  }
0x124: {  	[sflag:s16] =	ssyncset.done $0x0  }
0x125: {  	[sflag:s16] =	ssyncadd.s32 $0xFFFFF800  }
0x126: {  	_ =	swait.ge [sflag:s16], $0x800  }
0x127: {  	[sflag:s16] =	ssyncset.done $0x0  }
0x128: {  	[sflag:s16] =	ssyncadd.s32 $0xFFFFF800  }
0x129: {  	_ =	swait.ge [sflag:s16], $0x800  }
0x12a: {  	[sflag:s16] =	ssyncset.done $0x0  }
0x12b: {  	[sflag:s16] =	ssyncadd.s32 $0xFFFFF800  }
0x12c: {  	_ =	swait.ge [sflag:s16], $0x800  }
0x12d: {  	[sflag:s16] =	ssyncset.done $0x0  }
0x12e: {  	[sflag:s16] =	ssyncadd.s32 $0xFFFFF800  }
0x12f: {  	_ =	swait.ge [sflag:s16], $0x800  }
0x130: {  	[sflag:s16] =	ssyncset.done $0x0  }
0x131: {  	[sflag:s16] =	ssyncadd.s32 $0xFFFFF800  }
0x132: {  	_ =	swait.ge [sflag:s16], $0x800  }
0x133: {  	[sflag:s16] =	ssyncset.done $0x0  }
0x134: {  	[sflag:s16] =	ssyncadd.s32 $0xFFFFF800  }
0x135: {  	_ =	swait.ge [sflag:s16], $0x800  }
0x136: {  	[sflag:s16] =	ssyncset.done $0x0  }
0x137: {  	[sflag:s16] =	ssyncadd.s32 $0xFFFFF800  }
0x138: {  	_ =	swait.ge [sflag:s16], $0x800  }
0x139: {  	[sflag:s16] =	ssyncset.done $0x0  }
0x13a: {  	[sflag:s16] =	ssyncadd.s32 $0xFFFFF800  }
0x13b: {  	_ =	swait.ge [sflag:s16], $0x800  }
0x13c: {  	[sflag:s16] =	ssyncset.done $0x0  }
0x13d: {  	[sflag:s16] =	ssyncadd.s32 $0xFFFFF800  }
0x13e: {  	v16 =	vand.u32 $0x7F, v16;
	_ =	swait.ge [sflag:s16], $0x800  }
0x13f: {  	v17 =	vor.u32 v0, v16;
	[sflag:s16] =	ssyncset.done $0x0  }
0x140: {  	[sflag:s16] =	ssyncadd.s32 $0xFFFFF800  }
0x141: {  	_ =	swait.ge [sflag:s16], $0x800  }
0x142: {  	[sflag:s16] =	ssyncset.done $0x0  }
0x143: {  	[sflag:s16] =	ssyncadd.s32 $0xFFFFF800  }
0x144: {  	v17 =	vld.idx.msk [tilespmem:v17+s26+$0x0], $0xffff  }
0x145: {  	v50 =	vor.u32 v1, v16;
	_ =	sdelay $0x2  }
0x146: {  	s21 =	sor.u32 s2, s21  }
0x147: {  	[tilespmem:s21+$0x0] =	vst v17  }
0x148: {  	v17 =	vld.idx.msk [tilespmem:v50+s26+$0x0], $0xffff  }
0x149: {  	v51 =	vor.u32 v2, v16;
	_ =	sdelay $0x3  }
0x14a: {  	[tilespmem:s21+$0x80] =	vst v17  }
0x14b: {  	v17 =	vld.idx.msk [tilespmem:v51+s26+$0x0], $0xffff  }
0x14c: {  	v52 =	vor.u32 v3, v16;
	_ =	sdelay $0x3  }
0x14d: {  	[tilespmem:s21+$0x100] =	vst v17  }
0x14e: {  	v17 =	vld.idx.msk [tilespmem:v52+s26+$0x0], $0xffff  }
0x14f: {  	v53 =	vor.u32 v4, v16;
	_ =	sdelay $0x3  }
0x150: {  	[tilespmem:s21+$0x180] =	vst v17  }
0x151: {  	v17 =	vld.idx.msk [tilespmem:v53+s26+$0x0], $0xffff  }
0x152: {  	v54 =	vor.u32 v5, v16;
	_ =	sdelay $0x3  }
0x153: {  	[tilespmem:s21+$0x200] =	vst v17  }
0x154: {  	v17 =	vld.idx.msk [tilespmem:v54+s26+$0x0], $0xffff  }
0x155: {  	v55 =	vor.u32 v6, v16;
	_ =	sdelay $0x3  }
0x156: {  	[tilespmem:s21+$0x280] =	vst v17  }
0x157: {  	v17 =	vld.idx.msk [tilespmem:v55+s26+$0x0], $0xffff  }
0x158: {  	v56 =	vor.u32 v7, v16;
	_ =	sdelay $0x1  }
0x159: {  	s22 =	sadd.s32 $0x10, s22  }
0x15a: {  	s6 =	sor.u32 $0x300, s22  }
0x15b: {  	[tilespmem:s6+$0x10200] =	vst v17  }
0x15c: {  	v17 =	vld.idx.msk [tilespmem:v56+s26+$0x0], $0xffff  }
0x15d: {  	v57 =	vor.u32 v8, v16;
	_ =	sdelay $0x2  }
0x15e: {  	s3 =	sor.u32 $0x380, s22  }
0x15f: {  	[tilespmem:s3+$0x10200] =	vst v17  }
0x160: {  	v17 =	vld.idx.msk [tilespmem:v57+s26+$0x0], $0xffff  }
0x161: {  	v58 =	vor.u32 v9, v16;
	_ =	sdelay $0x2  }
0x162: {  	s21 =	sor.u32 s2, s23  }
0x163: {  	[tilespmem:s21+$0x0] =	vst v17  }
0x164: {  	v17 =	vld.idx.msk [tilespmem:v58+s26+$0x0], $0xffff  }
0x165: {  	v59 =	vor.u32 v10, v16;
	_ =	sdelay $0x2  }
0x166: {  	s22 =	sor.u32 s2, s24  }
0x167: {  	[tilespmem:s22+$0x0] =	vst v17  }
0x168: {  	v17 =	vld.idx.msk [tilespmem:v59+s26+$0x0], $0xffff  }
0x169: {  	v60 =	vor.u32 v11, v16;
	_ =	sdelay $0x2  }
0x16a: {  	s23 =	sor.u32 s2, s25  }
0x16b: {  	[tilespmem:s23+$0x0] =	vst v17  }
0x16c: {  	v17 =	vld.idx.msk [tilespmem:v60+s26+$0x0], $0xffff  }
0x16d: {  	v61 =	vor.u32 v12, v16;
	_ =	sdelay $0x2  }
0x16e: {  	s6 =	sor.u32 s2, s28  }
0x16f: {  	[tilespmem:s6+$0x0] =	vst v17  }
0x170: {  	v17 =	vld.idx.msk [tilespmem:v61+s26+$0x0], $0xffff  }
0x171: {  	v62 =	vor.u32 v13, v16;
	_ =	sdelay $0x2  }
0x172: {  	s21 =	sor.u32 s2, s29  }
0x173: {  	[tilespmem:s21+$0x0] =	vst v17  }
0x174: {  	v17 =	vld.idx.msk [tilespmem:v62+s26+$0x0], $0xffff  }
0x175: {  	v63 =	vor.u32 v14, v16;
	_ =	sdelay $0x2  }
0x176: {  	s22 =	sor.u32 s2, s30  }
0x177: {  	[tilespmem:s22+$0x0] =	vst v17  }
0x178: {  	v17 =	vld.idx.msk [tilespmem:v63+s26+$0x0], $0xffff  }
0x179: {  	v16 =	vor.u32 v15, v16;
	_ =	sdelay $0x2  }
0x17a: {  	s23 =	sor.u32 s2, s31  }
0x17b: {  	[tilespmem:s23+$0x0] =	vst v17  }
0x17c: {  	v16 =	vld.idx.msk [tilespmem:v16+s26+$0x0], $0xffff;
	_ =	sdelay $0x3  }
0x17d: {  	s0 =	sor.u32 s2, s0  }
0x17e: {  	[tilespmem:s0+$0x0] =	vst v16  }
0x17f: {  	v16 =	vld [tilespmem:s17+$0x10];
	_ =	sdelay $0x4  }
0x180: {  	v16 =	vand.u32 $0xFFFFFF80, v16  }
0x181: {  	v16 =	vadd.s32 s4, v16  }
0x182: {  	(v2sf) =	vpush v16, $0x0;
	_ =	sdelay $0x1  }
0x183: {  	(v2sf) =	vpush v16, $0x1;
	_ =	sdelay $0x1  }
0x184: {  	(v2sf) =	vpush v16, $0x2;
	_ =	sdelay $0x1  }
0x185: {  	(v2sf) =	vpush v16, $0x3;
	_ =	sdelay $0x1  }
0x186: {  	(v2sf) =	vpush v16, $0x4;
	_ =	sdelay $0x1  }
0x187: {  	(v2sf) =	vpush v16, $0x5;
	_ =	sdelay $0x1  }
0x188: {  	(v2sf) =	vpush v16, $0x6;
	_ =	sdelay $0x1  }
0x189: {  	(v2sf) =	vpush v16, $0x7  }
0x18a: {  	s3 =	spop (v2sf)  }
0x18b: {  	(v2sf) =	vpush v16, $0x8;
	[tilespmem:s26], [sflag:$0x2] =	stream.strided.gather [hbm4b:s3+s8], $0x800, s9, s8, $0x38;
	[tilespmem:$0x12200] =	vst v63  }
0x18c: {  	s24 =	simm.s32 $0x8A00;
	s6 =	spop (v2sf)  }
0x18d: {  	(v2sf) =	vpush v16, $0x9;
	[tilespmem:s24], [sflag:$0x2] =	stream.strided.gather [hbm4b:s6+s8], $0x800, s9, s8, $0x38;
	[tilespmem:$0x12200] =	vst v63  }
0x18e: {  	s25 =	simm.s32 $0x9200;
	s21 =	spop (v2sf)  }
0x18f: {  	(v2sf) =	vpush v16, $0xA;
	[tilespmem:s25], [sflag:$0x2] =	stream.strided.gather [hbm4b:s21+s8], $0x800, s9, s8, $0x38;
	[tilespmem:$0x12200] =	vst v63  }
0x190: {  	s28 =	simm.s32 $0x9A00;
	s22 =	spop (v2sf)  }
0x191: {  	(v2sf) =	vpush v16, $0xB;
	[tilespmem:s28], [sflag:$0x2] =	stream.strided.gather [hbm4b:s22+s8], $0x800, s9, s8, $0x38;
	[tilespmem:$0x12200] =	vst v63  }
0x192: {  	s29 =	simm.s32 $0xA200;
	s23 =	spop (v2sf)  }
0x193: {  	(v2sf) =	vpush v16, $0xC;
	[tilespmem:s29], [sflag:$0x2] =	stream.strided.gather [hbm4b:s23+s8], $0x800, s9, s8, $0x38;
	[tilespmem:$0x12200] =	vst v63  }
0x194: {  	s30 =	simm.s32 $0xAA00;
	s2 =	spop (v2sf)  }
0x195: {  	(v2sf) =	vpush v16, $0xD;
	[tilespmem:s30], [sflag:$0x2] =	stream.strided.gather [hbm4b:s2+s8], $0x800, s9, s8, $0x38;
	[tilespmem:$0x12200] =	vst v63  }
0x196: {  	s31 =	simm.s32 $0xB200;
	s3 =	spop (v2sf)  }
0x197: {  	[tilespmem:s31], [sflag:$0x2] =	stream.strided.gather [hbm4b:s3+s8], $0x800, s9, s8, $0x38;
	[tilespmem:$0x12200] =	vst v63  }
0x198: {  	s21 =	simm.s32 $0xBA00;
	(v2sf) =	vpush v16, $0xE;
	s6 =	spop (v2sf)  }
0x199: {  	[tilespmem:s21], [sflag:$0x2] =	stream.strided.gather [hbm4b:s6+s8], $0x800, s9, s8, $0x38;
	[tilespmem:$0x12200] =	vst v63  }
0x19a: {  	(v2sf) =	vpush v16, $0xF;
	s23 =	simm.s32 $0xC200;
	s22 =	spop (v2sf)  }
0x19b: {  	[tilespmem:s23], [sflag:$0x2] =	stream.strided.gather [hbm4b:s22+s8], $0x800, s9, s8, $0x38;
	[tilespmem:$0x12200] =	vst v63  }
0x19c: {  	s3 =	simm.s32 $0xCA00;
	s2 =	spop (v2sf)  }
0x19d: {  	[tilespmem:s3], [sflag:$0x2] =	stream.strided.gather [hbm4b:s2+s8], $0x800, s9, s8, $0x38;
	[tilespmem:$0x12200] =	vst v63  }
0x19e: {  	s21 =	simm.s32 $0xD200;
	s6 =	spop (v2sf)  }
0x19f: {  	[tilespmem:s21], [sflag:$0x2] =	stream.strided.gather [hbm4b:s6+s8], $0x800, s9, s8, $0x38;
	[tilespmem:$0x12200] =	vst v63  }
0x1a0: {  	s23 =	simm.s32 $0xDA00;
	s22 =	spop (v2sf)  }
0x1a1: {  	[tilespmem:s23], [sflag:$0x2] =	stream.strided.gather [hbm4b:s22+s8], $0x800, s9, s8, $0x38;
	[tilespmem:$0x12200] =	vst v63  }
0x1a2: {  	s3 =	spop (v2sf);
	s6 =	simm.s32 $0xE200  }
0x1a3: {  	[tilespmem:s6], [sflag:$0x2] =	stream.strided.gather [hbm4b:s3+s8], $0x800, s9, s8, $0x38;
	[tilespmem:$0x12200] =	vst v63  }
0x1a4: {  	p0 =	sne.s32 s20, $0x1C0;
	s21 =	spop (v2sf)  }
0x1a5: {  	[tilespmem:s1], [sflag:$0x2] =	stream.strided.gather [hbm4b:s21+s8], $0x800, s9, s8, $0x38;
	[tilespmem:$0x12200] =	vst v63  }
.Ltmp0:
0x1a6: {  	_ = 	snop;
	(pc) =	sbr.rel @p0 .LBB2_2-.Ltmp0, $4  }
0x1a7: {  	s18 =	sadd.s32 $0x1, s18;
	s19 =	sadd.s32 $0x100, s19;
	s22 =	spop (v2sf)  }
0x1a8: {  	[tilespmem:s5], [sflag:$0x2] =	stream.strided.gather [hbm4b:s22+s8], $0x800, s9, s8, $0x38;
	[tilespmem:$0x12200] =	vst v63  }
0x1a9: {  	s20 =	sadd.s32 $0x20, s20;
	s17 =	sadd.s32 $0x20, s17;
	s23 =	spop (v2sf)  }
0x1aa: {  	[tilespmem:s14], [sflag:$0x2] =	stream.strided.gather [hbm4b:s23+s8], $0x800, s9, s8, $0x38;
	[tilespmem:$0x12200] =	vst v63  }
0x1ab: {  	v16 =	vld [tilespmem:$0x1E0];
	_ =	swait.ge [sflag:s15], $0x800  }
0x1ac: {  	[sflag:s15] =	ssyncset.done $0x0  }
0x1ad: {  	[sflag:s15] =	ssyncadd.s32 $0xFFFFF800  }
0x1ae: {  	_ =	swait.ge [sflag:s15], $0x800  }
0x1af: {  	[sflag:s15] =	ssyncset.done $0x0  }
0x1b0: {  	[sflag:s15] =	ssyncadd.s32 $0xFFFFF800  }
0x1b1: {  	_ =	swait.ge [sflag:s15], $0x800  }
0x1b2: {  	[sflag:s15] =	ssyncset.done $0x0  }
0x1b3: {  	[sflag:s15] =	ssyncadd.s32 $0xFFFFF800  }
0x1b4: {  	_ =	swait.ge [sflag:s15], $0x800  }
0x1b5: {  	[sflag:s15] =	ssyncset.done $0x0  }
0x1b6: {  	[sflag:s15] =	ssyncadd.s32 $0xFFFFF800  }
0x1b7: {  	_ =	swait.ge [sflag:s15], $0x800  }
0x1b8: {  	[sflag:s15] =	ssyncset.done $0x0  }
0x1b9: {  	[sflag:s15] =	ssyncadd.s32 $0xFFFFF800  }
0x1ba: {  	_ =	swait.ge [sflag:s15], $0x800  }
0x1bb: {  	[sflag:s15] =	ssyncset.done $0x0  }
0x1bc: {  	[sflag:s15] =	ssyncadd.s32 $0xFFFFF800  }
0x1bd: {  	_ =	swait.ge [sflag:s15], $0x800  }
0x1be: {  	[sflag:s15] =	ssyncset.done $0x0  }
0x1bf: {  	[sflag:s15] =	ssyncadd.s32 $0xFFFFF800  }
0x1c0: {  	_ =	swait.ge [sflag:s15], $0x800  }
0x1c1: {  	[sflag:s15] =	ssyncset.done $0x0  }
0x1c2: {  	[sflag:s15] =	ssyncadd.s32 $0xFFFFF800  }
0x1c3: {  	_ =	swait.ge [sflag:s15], $0x800  }
0x1c4: {  	[sflag:s15] =	ssyncset.done $0x0  }
0x1c5: {  	[sflag:s15] =	ssyncadd.s32 $0xFFFFF800  }
0x1c6: {  	_ =	swait.ge [sflag:s15], $0x800  }
0x1c7: {  	[sflag:s15] =	ssyncset.done $0x0  }
0x1c8: {  	[sflag:s15] =	ssyncadd.s32 $0xFFFFF800  }
0x1c9: {  	_ =	swait.ge [sflag:s15], $0x800  }
0x1ca: {  	[sflag:s15] =	ssyncset.done $0x0  }
0x1cb: {  	[sflag:s15] =	ssyncadd.s32 $0xFFFFF800  }
0x1cc: {  	_ =	swait.ge [sflag:s15], $0x800  }
0x1cd: {  	[sflag:s15] =	ssyncset.done $0x0  }
0x1ce: {  	[sflag:s15] =	ssyncadd.s32 $0xFFFFF800  }
0x1cf: {  	_ =	swait.ge [sflag:s15], $0x800  }
0x1d0: {  	[sflag:s15] =	ssyncset.done $0x0  }
0x1d1: {  	[sflag:s15] =	ssyncadd.s32 $0xFFFFF800  }
0x1d2: {  	_ =	swait.ge [sflag:s15], $0x800  }
0x1d3: {  	[sflag:s15] =	ssyncset.done $0x0  }
0x1d4: {  	[sflag:s15] =	ssyncadd.s32 $0xFFFFF800  }
0x1d5: {  	v16 =	vand.u32 $0x7F, v16;
	_ =	swait.ge [sflag:s15], $0x800  }
0x1d6: {  	v17 =	vor.u32 v0, v16;
	[sflag:s15] =	ssyncset.done $0x0  }
0x1d7: {  	[sflag:s15] =	ssyncadd.s32 $0xFFFFF800  }
0x1d8: {  	_ =	swait.ge [sflag:s15], $0x800  }
0x1d9: {  	[sflag:s15] =	ssyncset.done $0x0  }
0x1da: {  	[sflag:s15] =	ssyncadd.s32 $0xFFFFF800  }
0x1db: {  	v17 =	vld.idx.msk [tilespmem:v17+s10+$0x0], $0xffff  }
0x1dc: {  	v18 =	vor.u32 v1, v16;
	_ =	sdelay $0x3  }
0x1dd: {  	[tilespmem:$0x10E60] =	vst v17  }
0x1de: {  	v17 =	vld.idx.msk [tilespmem:v18+s10+$0x0], $0xffff  }
0x1df: {  	v37 =	vor.u32 v2, v16;
	_ =	sdelay $0x3  }
0x1e0: {  	[tilespmem:$0x10EE0] =	vst v17  }
0x1e1: {  	v17 =	vld.idx.msk [tilespmem:v37+s10+$0x0], $0xffff  }
0x1e2: {  	v38 =	vor.u32 v3, v16;
	_ =	sdelay $0x3  }
0x1e3: {  	[tilespmem:$0x10F60] =	vst v17  }
0x1e4: {  	v17 =	vld.idx.msk [tilespmem:v38+s10+$0x0], $0xffff  }
0x1e5: {  	v39 =	vor.u32 v4, v16;
	_ =	sdelay $0x3  }
0x1e6: {  	[tilespmem:$0x10FE0] =	vst v17  }
0x1e7: {  	v17 =	vld.idx.msk [tilespmem:v39+s10+$0x0], $0xffff  }
0x1e8: {  	v40 =	vor.u32 v5, v16;
	_ =	sdelay $0x3  }
0x1e9: {  	[tilespmem:$0x11060] =	vst v17  }
0x1ea: {  	v17 =	vld.idx.msk [tilespmem:v40+s10+$0x0], $0xffff  }
0x1eb: {  	v41 =	vor.u32 v6, v16;
	_ =	sdelay $0x3  }
0x1ec: {  	[tilespmem:$0x110E0] =	vst v17  }
0x1ed: {  	v17 =	vld.idx.msk [tilespmem:v41+s10+$0x0], $0xffff  }
0x1ee: {  	v42 =	vor.u32 v7, v16;
	_ =	sdelay $0x3  }
0x1ef: {  	[tilespmem:$0x11160] =	vst v17  }
0x1f0: {  	v17 =	vld.idx.msk [tilespmem:v42+s10+$0x0], $0xffff  }
0x1f1: {  	v43 =	vor.u32 v8, v16;
	_ =	sdelay $0x3  }
0x1f2: {  	[tilespmem:$0x111E0] =	vst v17  }
0x1f3: {  	v17 =	vld.idx.msk [tilespmem:v43+s10+$0x0], $0xffff  }
0x1f4: {  	v44 =	vor.u32 v9, v16;
	_ =	sdelay $0x3  }
0x1f5: {  	[tilespmem:$0x11E60] =	vst v17  }
0x1f6: {  	v17 =	vld.idx.msk [tilespmem:v44+s10+$0x0], $0xffff  }
0x1f7: {  	v45 =	vor.u32 v10, v16;
	_ =	sdelay $0x3  }
0x1f8: {  	[tilespmem:$0x11EE0] =	vst v17  }
0x1f9: {  	v17 =	vld.idx.msk [tilespmem:v45+s10+$0x0], $0xffff  }
0x1fa: {  	v46 =	vor.u32 v11, v16;
	_ =	sdelay $0x3  }
0x1fb: {  	[tilespmem:$0x11F60] =	vst v17  }
0x1fc: {  	v17 =	vld.idx.msk [tilespmem:v46+s10+$0x0], $0xffff  }
0x1fd: {  	v47 =	vor.u32 v12, v16;
	_ =	sdelay $0x3  }
0x1fe: {  	[tilespmem:$0x11FE0] =	vst v17  }
0x1ff: {  	v17 =	vld.idx.msk [tilespmem:v47+s10+$0x0], $0xffff  }
0x200: {  	v48 =	vor.u32 v13, v16;
	_ =	sdelay $0x3  }
0x201: {  	[tilespmem:$0x12060] =	vst v17  }
0x202: {  	v17 =	vld.idx.msk [tilespmem:v48+s10+$0x0], $0xffff  }
0x203: {  	v49 =	vor.u32 v14, v16;
	_ =	sdelay $0x3  }
0x204: {  	[tilespmem:$0x120E0] =	vst v17  }
0x205: {  	v17 =	vld.idx.msk [tilespmem:v49+s10+$0x0], $0xffff  }
0x206: {  	v16 =	vor.u32 v15, v16;
	_ =	sdelay $0x3  }
0x207: {  	[tilespmem:$0x12160] =	vst v17  }
0x208: {  	v16 =	vld.idx.msk [tilespmem:v16+s10+$0x0], $0xffff;
	_ =	sdelay $0x4  }
0x209: {  	[tilespmem:$0x121E0] =	vst v16  }
0x20a: {  	v16 =	vld [tilespmem:$0x1F0];
	_ =	swait.ge [sflag:s16], $0x800  }
0x20b: {  	[sflag:s16] =	ssyncset.done $0x0  }
0x20c: {  	[sflag:s16] =	ssyncadd.s32 $0xFFFFF800  }
0x20d: {  	_ =	swait.ge [sflag:s16], $0x800  }
0x20e: {  	[sflag:s16] =	ssyncset.done $0x0  }
0x20f: {  	[sflag:s16] =	ssyncadd.s32 $0xFFFFF800  }
0x210: {  	_ =	swait.ge [sflag:s16], $0x800  }
0x211: {  	[sflag:s16] =	ssyncset.done $0x0  }
0x212: {  	[sflag:s16] =	ssyncadd.s32 $0xFFFFF800  }
0x213: {  	_ =	swait.ge [sflag:s16], $0x800  }
0x214: {  	[sflag:s16] =	ssyncset.done $0x0  }
0x215: {  	[sflag:s16] =	ssyncadd.s32 $0xFFFFF800  }
0x216: {  	_ =	swait.ge [sflag:s16], $0x800  }
0x217: {  	[sflag:s16] =	ssyncset.done $0x0  }
0x218: {  	[sflag:s16] =	ssyncadd.s32 $0xFFFFF800  }
0x219: {  	_ =	swait.ge [sflag:s16], $0x800  }
0x21a: {  	[sflag:s16] =	ssyncset.done $0x0  }
0x21b: {  	[sflag:s16] =	ssyncadd.s32 $0xFFFFF800  }
0x21c: {  	_ =	swait.ge [sflag:s16], $0x800  }
0x21d: {  	[sflag:s16] =	ssyncset.done $0x0  }
0x21e: {  	[sflag:s16] =	ssyncadd.s32 $0xFFFFF800  }
0x21f: {  	_ =	swait.ge [sflag:s16], $0x800  }
0x220: {  	[sflag:s16] =	ssyncset.done $0x0  }
0x221: {  	[sflag:s16] =	ssyncadd.s32 $0xFFFFF800  }
0x222: {  	_ =	swait.ge [sflag:s16], $0x800  }
0x223: {  	[sflag:s16] =	ssyncset.done $0x0  }
0x224: {  	[sflag:s16] =	ssyncadd.s32 $0xFFFFF800  }
0x225: {  	_ =	swait.ge [sflag:s16], $0x800  }
0x226: {  	[sflag:s16] =	ssyncset.done $0x0  }
0x227: {  	[sflag:s16] =	ssyncadd.s32 $0xFFFFF800  }
0x228: {  	_ =	swait.ge [sflag:s16], $0x800  }
0x229: {  	[sflag:s16] =	ssyncset.done $0x0  }
0x22a: {  	[sflag:s16] =	ssyncadd.s32 $0xFFFFF800  }
0x22b: {  	_ =	swait.ge [sflag:s16], $0x800  }
0x22c: {  	[sflag:s16] =	ssyncset.done $0x0  }
0x22d: {  	[sflag:s16] =	ssyncadd.s32 $0xFFFFF800  }
0x22e: {  	_ =	swait.ge [sflag:s16], $0x800  }
0x22f: {  	[sflag:s16] =	ssyncset.done $0x0  }
0x230: {  	[sflag:s16] =	ssyncadd.s32 $0xFFFFF800  }
0x231: {  	_ =	swait.ge [sflag:s16], $0x800  }
0x232: {  	[sflag:s16] =	ssyncset.done $0x0  }
0x233: {  	[sflag:s16] =	ssyncadd.s32 $0xFFFFF800  }
0x234: {  	v16 =	vand.u32 $0x7F, v16;
	_ =	swait.ge [sflag:s16], $0x800  }
0x235: {  	v17 =	vor.u32 v0, v16;
	[sflag:s16] =	ssyncset.done $0x0  }
0x236: {  	[sflag:s16] =	ssyncadd.s32 $0xFFFFF800  }
0x237: {  	_ =	swait.ge [sflag:s16], $0x800  }
0x238: {  	[sflag:s16] =	ssyncset.done $0x0  }
0x239: {  	[sflag:s16] =	ssyncadd.s32 $0xFFFFF800  }
0x23a: {  	v17 =	vld.idx.msk [tilespmem:v17+s26+$0x0], $0xffff  }
0x23b: {  	v50 =	vor.u32 v1, v16;
	_ =	sdelay $0x3  }
0x23c: {  	[tilespmem:$0x10E70] =	vst v17  }
0x23d: {  	v17 =	vld.idx.msk [tilespmem:v50+s26+$0x0], $0xffff  }
0x23e: {  	v51 =	vor.u32 v2, v16;
	_ =	sdelay $0x3  }
0x23f: {  	[tilespmem:$0x10EF0] =	vst v17  }
0x240: {  	v17 =	vld.idx.msk [tilespmem:v51+s26+$0x0], $0xffff  }
0x241: {  	v52 =	vor.u32 v3, v16;
	_ =	sdelay $0x3  }
0x242: {  	[tilespmem:$0x10F70] =	vst v17  }
0x243: {  	v17 =	vld.idx.msk [tilespmem:v52+s26+$0x0], $0xffff  }
0x244: {  	v53 =	vor.u32 v4, v16;
	_ =	sdelay $0x3  }
0x245: {  	[tilespmem:$0x10FF0] =	vst v17  }
0x246: {  	v17 =	vld.idx.msk [tilespmem:v53+s26+$0x0], $0xffff  }
0x247: {  	v54 =	vor.u32 v5, v16;
	_ =	sdelay $0x3  }
0x248: {  	[tilespmem:$0x11070] =	vst v17  }
0x249: {  	v17 =	vld.idx.msk [tilespmem:v54+s26+$0x0], $0xffff  }
0x24a: {  	v55 =	vor.u32 v6, v16;
	_ =	sdelay $0x3  }
0x24b: {  	[tilespmem:$0x110F0] =	vst v17  }
0x24c: {  	v17 =	vld.idx.msk [tilespmem:v55+s26+$0x0], $0xffff  }
0x24d: {  	v56 =	vor.u32 v7, v16;
	_ =	sdelay $0x3  }
0x24e: {  	[tilespmem:$0x11170] =	vst v17  }
0x24f: {  	v17 =	vld.idx.msk [tilespmem:v56+s26+$0x0], $0xffff  }
0x250: {  	v57 =	vor.u32 v8, v16;
	_ =	sdelay $0x3  }
0x251: {  	[tilespmem:$0x111F0] =	vst v17  }
0x252: {  	v17 =	vld.idx.msk [tilespmem:v57+s26+$0x0], $0xffff  }
0x253: {  	v58 =	vor.u32 v9, v16;
	_ =	sdelay $0x3  }
0x254: {  	[tilespmem:$0x11E70] =	vst v17  }
0x255: {  	v17 =	vld.idx.msk [tilespmem:v58+s26+$0x0], $0xffff  }
0x256: {  	v59 =	vor.u32 v10, v16;
	_ =	sdelay $0x3  }
0x257: {  	[tilespmem:$0x11EF0] =	vst v17  }
0x258: {  	v17 =	vld.idx.msk [tilespmem:v59+s26+$0x0], $0xffff  }
0x259: {  	v60 =	vor.u32 v11, v16;
	_ =	sdelay $0x3  }
0x25a: {  	[tilespmem:$0x11F70] =	vst v17  }
0x25b: {  	v17 =	vld.idx.msk [tilespmem:v60+s26+$0x0], $0xffff  }
0x25c: {  	v61 =	vor.u32 v12, v16;
	_ =	sdelay $0x3  }
0x25d: {  	[tilespmem:$0x11FF0] =	vst v17  }
0x25e: {  	v17 =	vld.idx.msk [tilespmem:v61+s26+$0x0], $0xffff  }
0x25f: {  	v62 =	vor.u32 v13, v16;
	_ =	sdelay $0x3  }
0x260: {  	[tilespmem:$0x12070] =	vst v17  }
0x261: {  	v17 =	vld.idx.msk [tilespmem:v62+s26+$0x0], $0xffff  }
0x262: {  	v63 =	vor.u32 v14, v16;
	_ =	sdelay $0x3  }
0x263: {  	[tilespmem:$0x120F0] =	vst v17  }
0x264: {  	v17 =	vld.idx.msk [tilespmem:v63+s26+$0x0], $0xffff  }
0x265: {  	v16 =	vor.u32 v15, v16;
	_ =	sdelay $0x3  }
0x266: {  	[tilespmem:$0x12170] =	vst v17  }
0x267: {  	v16 =	vld.idx.msk [tilespmem:v16+s26+$0x0], $0xffff;
	_ =	sdelay $0x3  }
0x268: {  	s1 =	simm.s32 $0x1000  }
0x269: {  	s2 =	simm.s32 $0x20000;
	s3 =	simm.s32 $0x10200;
	s0 =	rddreg [dreg:$0x5];
	[tilespmem:$0x121F0] =	vst v16  }
0x26a: {  	[hbm4b:s0+s1] =	stream.strided.scatter [tilespmem:s3], [sflag:$0x3], $0x2000, s2, s1, $0x38;
	[tilespmem:$0x12200] =	vst v63  }
0x26b: {  	s3 =	simm.s32 $0x3  }
0x26c: {  	_ =	swait.ge [sflag:s3], $0x2000  }
0x26d: {  	s18 =	simm.s32 $0xA00;
	s22 =	rddreg [dreg:$0x7]  }
0x26e: {  	s5 =	simm.s32 $0x1200;
	s23 =	rddreg [dreg:$0x6];
	s2 =	sadd.s32 $0x1, s22  }
0x26f: {  	s6 =	simm.s32 $0x1A00;
	s7 =	simm.s32 $0x2200;
	p0 =	sne.s32 s2, s23  }
.Ltmp1:
0x270: {  	s11 =	simm.s32 $0x2A00;
	s12 =	simm.s32 $0x3200;
	(pc) =	sbr.rel @p0 .LBB2_1-.Ltmp1, $4  }
0x271: {  	s13 =	simm.s32 $0x3A00;
	s14 =	simm.s32 $0x4200;
	s17 =	smov.u32 s4  }
0x272: {  	s4 =	simm.s32 $0x5200;
	s19 =	simm.s32 $0x5A00;
	s20 =	simm.s32 $0x6200  }
0x273: {  	s21 =	simm.s32 $0x6A00;
	s1 =	simm.s32 $0x4A00;
	[sflag:s3] =	ssyncset.done $0x0  }
0x274: {  	[sflag:s3] =	ssyncadd.s32 $0xFFFFE000;
	s22 =	simm.s32 $0x7200;
	s23 =	simm.s32 $0x7A00  }
0x275: {  	_ =	sfence.sel $0x180000  }
0x276: {  	[bflag:$0x0] =	sbarrier.arrive $0xFFFF  }
0x277: {  	_ =	strace $0x90000047  }
0x278: {  	s0 =	stileid.u32;
	[bflag:$0x2] =	sbarrier.arrive $0xFFFF  }
0x279: {  	p0 =	sne.s32 s0, $0x0;
	s0 =	rddreg [dreg:$0x3]  }
0x27a: {  	s0 =	sadd.s32 @!p0 $0x100000, s0  }
0x27b: {  	[sflag:s0] =	ssyncadd.tile.s32 @!p0 $0x1;
	_ =	shalt  }
.Lfunc_end2:
_tile_overlayer_lowered:
.L_overlay_start_2:
0x27c: {  	(tag) =	ssettag $0x2  }
0x27d: {  	s0 =	rddreg [dreg:$0x0];
	s2 =	stileid.u32  }
0x27e: {  	s1 =	rddreg [dreg:$0x1];
	p0 =	sne.s32 s2, $0x0  }
0x27f: {  	s3 =	rddreg [dreg:$0x2];
	[bflag:$0x3] =	sbarrier.arrive $0xFFFF;
	s2 =	simm.s32 @!p0 $0x1C03  }
0x280: {  	[timem:s3], [sflag:s2] =	dma.local @!p0 [hbm:s0], s1  }
0x281: {  	s0 =	simm.s32 @!p0 $0x3  }
0x282: {  	_ =	swait.ge @!p0 [sflag:s0], s1  }
0x283: {  	s1 =	ssub.s32 @!p0 $0x0, s1;
	[sflag:s0] =	ssyncset.done @!p0 $0x0  }
0x284: {  	[sflag:s0] =	ssyncadd.s32 @!p0 s1  }
0x285: {  	[bflag:$0x3] =	sbarrier.arrive $0xFFFF  }
0x286: {  	_ =	shalt  }

</sc_bundles>
